<compile_context>
chip_gen: v7x
topology: tpu7x:2x2x1
jax: 0.10.2.dev20260603
libtpu: 0.0.44.dev20260713+nightly
codegen_flags: <defaults>
</compile_context>

<pallas_src>
import functools

import jax
import jax.numpy as jnp
from jax import lax
from jax.experimental import pallas as pl
from jax.experimental.pallas import tpu as pltpu
from jax.experimental.pallas import tpu_sc as plsc

N = 10000
E = 320000
D = 128
H = 128
G = 64

NC = 2
NS = 16
NW = NC * NS
EPW = E // NW
EK = 80
NCH = EPW // EK
ZW = 10
ZR = 40
ZCH = N // ZW // ZR


def _agg_body(h_hbm, zero_hbm, pk_hbm, out_hbm, pk_all, s0, d0, s1, d1, s2, d2,
              buf0, buf1, buf2, acc_sh, semi, sem0, sem1, sem2,
              ssem0, ssem1, ssem2):
    c = lax.axis_index("c")
    s = lax.axis_index("s")
    wid = s * NC + c

    pltpu.async_copy(pk_hbm.at[wid], pk_all, semi)

    @pl.when(s < ZW)
    def _init_acc():
        r0 = s * (N // ZW)
        nr = N // ZW

        @pl.when(c == 0)
        def _():
            pltpu.sync_copy(h_hbm.at[pl.ds(r0, nr)], acc_sh.at[pl.ds(r0, nr)])

        @pl.when(c == 1)
        def _():
            pltpu.sync_copy(zero_hbm.at[pl.ds(r0, nr)], acc_sh.at[pl.ds(r0, nr)])

    pltpu.make_async_copy(pk_hbm.at[wid], pk_all, semi).wait()

    def unpack(i, sbuf, dbuf):
        for v in range(EK // 16):
            p = pk_all[i, pl.ds(v * 16, 16)]
            sbuf[pl.ds(v * 16, 16)] = lax.shift_right_logical(p, 16)
            dbuf[pl.ds(v * 16, 16)] = lax.bitwise_and(p, 0xFFFF)

    sbufs = (s0, s1, s2)
    dbufs = (d0, d1, d2)
    bufs = (buf0, buf1, buf2)
    sems = (sem0, sem1, sem2)
    ssems = (ssem0, ssem1, ssem2)
    unpack(0, s0, d0)
    pltpu.async_copy(h_hbm.at[s0], buf0, sem0)
    unpack(1, s1, d1)
    pltpu.async_copy(h_hbm.at[s1], buf1, sem1)
    plsc.subcore_barrier()

    def body(j, carry):
        for k in range(3):
            i = 3 * j + k
            b2 = (k + 2) % 3

            @pl.when(i + 2 < NCH)
            def _next():
                @pl.when(i >= 1)
                def _drain():
                    pltpu.make_async_copy(
                        bufs[b2], acc_sh.at[dbufs[b2]], ssems[b2]).wait()

                unpack(i + 2, sbufs[b2], dbufs[b2])
                pltpu.async_copy(h_hbm.at[sbufs[b2]], bufs[b2], sems[b2])

            pltpu.make_async_copy(h_hbm.at[sbufs[k]], bufs[k], sems[k]).wait()
            pltpu.async_copy(bufs[k], acc_sh.at[dbufs[k]], ssems[k], add=True)
        return carry

    lax.fori_loop(0, NCH // 3, body, 0)
    for i in range(NCH - NCH % 3, NCH):
        k = i % 3
        pltpu.make_async_copy(h_hbm.at[sbufs[k]], bufs[k], sems[k]).wait()
        pltpu.async_copy(bufs[k], acc_sh.at[dbufs[k]], ssems[k], add=True)
    for i in range(NCH - 3, NCH):
        k = i % 3
        pltpu.make_async_copy(bufs[k], acc_sh.at[dbufs[k]], ssems[k]).wait()
    plsc.subcore_barrier()

    @pl.when(s < ZW)
    def _writeback():
        r0 = s * (N // ZW)
        nr = N // ZW
        pltpu.sync_copy(acc_sh.at[pl.ds(r0, nr)], out_hbm.at[c, pl.ds(r0, nr)])


@functools.lru_cache(maxsize=None)
def _build_agg():
    mesh = plsc.VectorSubcoreMesh(core_axis_name="c", subcore_axis_name="s")
    return pl.kernel(
        _agg_body,
        out_type=jax.ShapeDtypeStruct((NC, N, D), jnp.float32),
        mesh=mesh,
        scratch_types=[
            pltpu.VMEM((NCH, EK), jnp.int32),
            pltpu.VMEM((EK,), jnp.int32),
            pltpu.VMEM((EK,), jnp.int32),
            pltpu.VMEM((EK,), jnp.int32),
            pltpu.VMEM((EK,), jnp.int32),
            pltpu.VMEM((EK,), jnp.int32),
            pltpu.VMEM((EK,), jnp.int32),
            pltpu.VMEM((EK, D), jnp.float32),
            pltpu.VMEM((EK, D), jnp.float32),
            pltpu.VMEM((EK, D), jnp.float32),
            pltpu.VMEM_SHARED((N, D), jnp.float32),
            pltpu.SemaphoreType.DMA,
            pltpu.SemaphoreType.DMA,
            pltpu.SemaphoreType.DMA,
            pltpu.SemaphoreType.DMA,
            pltpu.SemaphoreType.DMA,
            pltpu.SemaphoreType.DMA,
            pltpu.SemaphoreType.DMA,
        ],
    )


_BR = 2000


def _mlp_body(a0_ref, a1_ref, w1_ref, b1_ref, w2_ref, b2_ref, o_ref):
    z = a0_ref[0] + a1_ref[0]
    y = jnp.dot(z, w1_ref[...], preferred_element_type=jnp.float32) + b1_ref[...]
    y = jnp.maximum(y, 0.0)
    o = jnp.dot(y, w2_ref[...], preferred_element_type=jnp.float32) + b2_ref[...]
    o_ref[...] = jnp.maximum(o, 0.0)


def _mlp(parts, w1, b1, w2, b2):
    grid = N // _BR
    return pl.pallas_call(
        _mlp_body,
        grid=(grid,),
        in_specs=[
            pl.BlockSpec((1, _BR, D), lambda i: (0, i, 0)),
            pl.BlockSpec((1, _BR, D), lambda i: (1, i, 0)),
            pl.BlockSpec((D, H), lambda i: (0, 0)),
            pl.BlockSpec((1, H), lambda i: (0, 0)),
            pl.BlockSpec((H, H), lambda i: (0, 0)),
            pl.BlockSpec((1, H), lambda i: (0, 0)),
        ],
        out_specs=pl.BlockSpec((_BR, H), lambda i: (i, 0)),
        out_shape=jax.ShapeDtypeStruct((N, H), jnp.float32),
    )(parts, parts, w1, b1, w2, b2)


def _mlp_pool_body(a0_ref, a1_ref, w1_ref, b1_ref, w2_ref, b2_ref,
                   batch_ref, o_ref, sums_ref, cnt_ref):
    i = pl.program_id(0)
    z = a0_ref[0] + a1_ref[0]
    y = jnp.dot(z, w1_ref[...], preferred_element_type=jnp.float32) + b1_ref[...]
    y = jnp.maximum(y, 0.0)
    o = jnp.dot(y, w2_ref[...], preferred_element_type=jnp.float32) + b2_ref[...]
    h3 = jnp.maximum(o, 0.0)

    seg = lax.broadcasted_iota(jnp.int32, (_BR, G), 1)
    m = (batch_ref[...] == seg).astype(jnp.float32)
    dn = (((0,), (0,)), ((), ()))
    psum = lax.dot_general(m, h3, dn, preferred_element_type=jnp.float32)
    pcnt = lax.dot_general(m, jnp.ones_like(h3), dn,
                           preferred_element_type=jnp.float32)

    @pl.when(i == 0)
    def _init():
        sums_ref[...] = jnp.zeros_like(sums_ref)
        cnt_ref[...] = jnp.zeros_like(cnt_ref)

    sums_ref[...] += psum
    cnt_ref[...] += pcnt

    @pl.when(i == pl.num_programs(0) - 1)
    def _fin():
        o_ref[...] = sums_ref[...] / jnp.maximum(cnt_ref[...], 1.0)


def _mlp_pool(parts, w1, b1, w2, b2, batch2d):
    grid = N // _BR
    return pl.pallas_call(
        _mlp_pool_body,
        grid=(grid,),
        in_specs=[
            pl.BlockSpec((1, _BR, D), lambda i: (0, i, 0)),
            pl.BlockSpec((1, _BR, D), lambda i: (1, i, 0)),
        ] + [
            pl.BlockSpec((D, H), lambda i: (0, 0)),
            pl.BlockSpec((1, H), lambda i: (0, 0)),
            pl.BlockSpec((H, H), lambda i: (0, 0)),
            pl.BlockSpec((1, H), lambda i: (0, 0)),
            pl.BlockSpec((_BR, 1), lambda i: (i, 0)),
        ],
        out_specs=pl.BlockSpec((G, H), lambda i: (0, 0)),
        out_shape=jax.ShapeDtypeStruct((G, H), jnp.float32),
        scratch_shapes=[
            pltpu.VMEM((G, H), jnp.float32),
            pltpu.VMEM((G, H), jnp.float32),
        ],
    )(parts, parts, w1, b1, w2, b2, batch2d)


def kernel(x, edge_index, batch, w1_0, b1_0, w2_0, b2_0, w1_1, b1_1, w2_1,
           b2_1, w1_2, b1_2, w2_2, b2_2):
    packed = ((edge_index[0] << 16) | edge_index[1]).reshape(NW, NCH, EK)
    batch2d = batch.reshape(N, 1)
    params = [(w1_0, b1_0, w2_0, b2_0), (w1_1, b1_1, w2_1, b2_1),
              (w1_2, b1_2, w2_2, b2_2)]
    agg = _build_agg()
    zeros = jnp.zeros((N, D), jnp.float32)
    h = x
    out = None
    for li, (w1, b1, w2, b2) in enumerate(params):
        parts = agg(h, zeros, packed)
        b1r = b1.reshape(1, H)
        b2r = b2.reshape(1, H)
        if li < 2:
            h = _mlp(parts, w1, b1r, w2, b2r)
        else:
            out = _mlp_pool(parts, w1, b1r, w2, b2r, batch2d)
    return out

# --- scband reference (transcript-rebuilt; emitter-appended) ---
"""Pipeline reference for scband-ginencoder-12635793785089 (READ-ONLY COPY).

The authoritative reference and input builder live on the scoring server;
editing this copy changes nothing except your own understanding.
"""

import jax, jax.numpy as jnp
import numpy as np

N, E, D, H, G = 10000, 320000, 128, 128, 64


def setup_inputs(seed: int = 0):
    key = jax.random.key(seed)
    ks = jax.random.split(key, 16)
    inp = {}
    inp["x"] = jax.random.normal(ks[0], (N, D), dtype=jnp.float32)
    inp["edge_index"] = jax.random.randint(ks[1], (2, E), 0, N, dtype=jnp.int32)
    inp["batch"] = jnp.sort(jax.random.randint(ks[2], (N,), 0, G, dtype=jnp.int32))
    dims = [D, H, H]
    for i in range(3):
        din = dims[i]
        inp[f"w1_{i}"] = jax.random.normal(ks[3 + 4 * i], (din, H), dtype=jnp.float32) * (1.0 / np.sqrt(din))
        inp[f"b1_{i}"] = jnp.zeros((H,), dtype=jnp.float32)
        inp[f"w2_{i}"] = jax.random.normal(ks[4 + 4 * i], (H, H), dtype=jnp.float32) * (1.0 / np.sqrt(H))
        inp[f"b2_{i}"] = jnp.zeros((H,), dtype=jnp.float32)
    return inp


def _gin_forward(x, edge_index, batch, params):
    # GINConv (eps=0, train_eps=False): h_i' = MLP((1+eps)*h_i + sum_{j->i} h_j)
    src = edge_index[0]
    dst = edge_index[1]
    n = x.shape[0]
    h = x
    for (w1, b1, w2, b2) in params:
        msgs = h[src]                                   # gather along edges
        agg = jax.ops.segment_sum(msgs, dst, num_segments=n)  # scatter-add at dst
        z = h + agg                                     # (1 + eps) * x + aggr, eps = 0
        z = jnp.maximum(jnp.dot(z, w1) + b1, 0.0)       # Linear -> ReLU
        z = jnp.dot(z, w2) + b2                         # Linear
        h = jnp.maximum(z, 0.0)                         # outer ReLU (self.act)
    # global_mean_pool over batch segment ids
    sums = jax.ops.segment_sum(h, batch, num_segments=G)
    counts = jax.ops.segment_sum(jnp.ones((n,), jnp.float32), batch, num_segments=G)
    return sums / jnp.clip(counts, 1.0)[:, None]


def reference(x, edge_index, batch, w1_0, b1_0, w2_0, b2_0, w1_1, b1_1, w2_1, b2_1, w1_2, b1_2, w2_2, b2_2):
    params = [(w1_0, b1_0, w2_0, b2_0), (w1_1, b1_1, w2_1, b2_1), (w1_2, b1_2, w2_2, b2_2)]
    return _gin_forward(x, edge_index, batch, params)

if __name__ == "__main__":
    import jax
    _d = setup_inputs()
    print(jax.jit(kernel)(*tuple(_d.values())))

</pallas_src>

<mosaic_0001>
#map = affine_map<(d0, d1) -> (0, 0)>
#map1 = affine_map<(d0, d1) -> (0, 0, 0)>
module attributes {stable_mosaic.version = 14 : i64} {
  func.func @_agg_body(%arg0: i32, %arg1: i32, %arg2: memref<10000x128xf32, #tpu.memory_space<hbm>>, %arg3: memref<10000x128xf32, #tpu.memory_space<hbm>>, %arg4: memref<32x125x80xi32, #tpu.memory_space<hbm>>, %arg5: memref<2x10000x128xf32, #tpu.memory_space<hbm>>, %arg6: memref<125x80xi32, #tpu.memory_space<vmem>>, %arg7: memref<80xi32, #tpu.memory_space<vmem>>, %arg8: memref<80xi32, #tpu.memory_space<vmem>>, %arg9: memref<80xi32, #tpu.memory_space<vmem>>, %arg10: memref<80xi32, #tpu.memory_space<vmem>>, %arg11: memref<80xi32, #tpu.memory_space<vmem>>, %arg12: memref<80xi32, #tpu.memory_space<vmem>>, %arg13: memref<80x128xf32, #tpu.memory_space<vmem>>, %arg14: memref<80x128xf32, #tpu.memory_space<vmem>>, %arg15: memref<80x128xf32, #tpu.memory_space<vmem>>, %arg16: memref<10000x128xf32, #tpu.memory_space<vmem_shared>>, %arg17: memref<!tpu.dma_semaphore, #tpu.memory_space<semaphore_mem>>, %arg18: memref<!tpu.dma_semaphore, #tpu.memory_space<semaphore_mem>>, %arg19: memref<!tpu.dma_semaphore, #tpu.memory_space<semaphore_mem>>, %arg20: memref<!tpu.dma_semaphore, #tpu.memory_space<semaphore_mem>>, %arg21: memref<!tpu.dma_semaphore, #tpu.memory_space<semaphore_mem>>, %arg22: memref<!tpu.dma_semaphore, #tpu.memory_space<semaphore_mem>>, %arg23: memref<!tpu.dma_semaphore, #tpu.memory_space<semaphore_mem>>) attributes {dimension_semantics = [#tpu.dimension_semantics<core_parallel>, #tpu.dimension_semantics<subcore_parallel>], iteration_bounds = array<i64: 2, 16>, scalar_prefetch = 0 : i64, scratch_operands = 18 : i64, tpu.core_type = #tpu.core_type<sc_vector_subcore>, window_params = [{transform_indices = #map}, {transform_indices = #map}, {transform_indices = #map1}, {transform_indices = #map1}]} {
    %mul3A = arith.constant 2 : i32
    %mul3A_0 = arith.muli %arg1, %mul3A : i32
    %add3A = arith.addi %mul3A_0, %arg0 : i32
    %dma_start3A = arith.constant 0 : i32
    %dma_start3A_1 = arith.constant 0 : i32
    %dma_start3A_2 = tpu.memref_slice %arg4[%add3A, %dma_start3A, %dma_start3A_1] : memref<32x125x80xi32, #tpu.memory_space<hbm>> -> memref<1x125x80xi32, #tpu.memory_space<hbm>>
    %dma_start3A_3 = tpu.memref_squeeze %dma_start3A_2 : memref<1x125x80xi32, #tpu.memory_space<hbm>> -> memref<125x80xi32, #tpu.memory_space<hbm>>
    %dma_start3A_4 = arith.constant 0 : i32
    %dma_start3A_5 = arith.constant 0 : i32
    %dma_start3A_6 = tpu.memref_slice %arg4[%add3A, %dma_start3A_4, %dma_start3A_5] : memref<32x125x80xi32, #tpu.memory_space<hbm>> -> memref<1x125x80xi32, #tpu.memory_space<hbm>>
    %dma_start3A_7 = tpu.memref_squeeze %dma_start3A_6 : memref<1x125x80xi32, #tpu.memory_space<hbm>> -> memref<125x80xi32, #tpu.memory_space<hbm>>
    tpu.enqueue_dma source(%dma_start3A_7 : memref<125x80xi32, #tpu.memory_space<hbm>>) target(%arg6 : memref<125x80xi32, #tpu.memory_space<vmem>>) target_semaphore(%arg17 : memref<!tpu.dma_semaphore, #tpu.memory_space<semaphore_mem>>)
    %lt3A = arith.constant 10 : i32
    %lt3A_8 = arith.cmpi slt, %arg1, %lt3A : i32
    %convert_element_type3A = arith.extui %lt3A_8 : i1 to i32
    %cond3A = arith.constant 0 : i32
    %cond3A_9 = arith.cmpi ne, %convert_element_type3A, %cond3A : i32
    scf.if %cond3A_9 {
      %mul3A_241 = arith.constant 1000 : i32
      %mul3A_242 = arith.muli %arg1, %mul3A_241 : i32
      %eq3A = arith.constant 0 : i32
      %eq3A_243 = arith.cmpi eq, %arg0, %eq3A : i32
      %convert_element_type3A_244 = arith.extui %eq3A_243 : i1 to i32
      %cond3A_245 = arith.constant 0 : i32
      %cond3A_246 = arith.cmpi ne, %convert_element_type3A_244, %cond3A_245 : i32
      scf.if %cond3A_246 {
        "tpu.region"() ({
          %run_scoped3A = tpu.sem_alloc : memref<!tpu.dma_semaphore, #tpu.memory_space<semaphore_mem>>
          %dma_start3A_252 = arith.constant 0 : i32
          %dma_start3A_253 = tpu.memref_slice %arg16[%mul3A_242, %dma_start3A_252] : memref<10000x128xf32, #tpu.memory_space<vmem_shared>> -> memref<1000x128xf32, #tpu.memory_space<vmem_shared>>
          %dma_start3A_254 = arith.constant 0 : i32
          %dma_start3A_255 = tpu.memref_slice %arg2[%mul3A_242, %dma_start3A_254] : memref<10000x128xf32, #tpu.memory_space<hbm>> -> memref<1000x128xf32, #tpu.memory_space<hbm>>
          tpu.enqueue_dma source(%dma_start3A_255 : memref<1000x128xf32, #tpu.memory_space<hbm>>) target(%dma_start3A_253 : memref<1000x128xf32, #tpu.memory_space<vmem_shared>>) target_semaphore(%run_scoped3A : memref<!tpu.dma_semaphore, #tpu.memory_space<semaphore_mem>>)
          %dma_wait3A_256 = arith.constant 0 : i32
          %dma_wait3A_257 = tpu.memref_slice %arg16[%mul3A_242, %dma_wait3A_256] : memref<10000x128xf32, #tpu.memory_space<vmem_shared>> -> memref<1000x128xf32, #tpu.memory_space<vmem_shared>>
          %dma_wait3A_258 = arith.constant 0 : i32
          %dma_wait3A_259 = tpu.memref_slice %arg2[%mul3A_242, %dma_wait3A_258] : memref<10000x128xf32, #tpu.memory_space<hbm>> -> memref<1000x128xf32, #tpu.memory_space<hbm>>
          tpu.wait_dma2 semaphore(%run_scoped3A : memref<!tpu.dma_semaphore, #tpu.memory_space<semaphore_mem>>) src(%dma_wait3A_259 : memref<1000x128xf32, #tpu.memory_space<hbm>>) dst(%dma_wait3A_257 : memref<1000x128xf32, #tpu.memory_space<vmem_shared>>)
          tpu.yield
        }) : () -> ()
      } else {
      }
      %eq3A_247 = arith.constant 1 : i32
      %eq3A_248 = arith.cmpi eq, %arg0, %eq3A_247 : i32
      %convert_element_type3A_249 = arith.extui %eq3A_248 : i1 to i32
      %cond3A_250 = arith.constant 0 : i32
      %cond3A_251 = arith.cmpi ne, %convert_element_type3A_249, %cond3A_250 : i32
      scf.if %cond3A_251 {
        "tpu.region"() ({
          %run_scoped3A = tpu.sem_alloc : memref<!tpu.dma_semaphore, #tpu.memory_space<semaphore_mem>>
          %dma_start3A_252 = arith.constant 0 : i32
          %dma_start3A_253 = tpu.memref_slice %arg16[%mul3A_242, %dma_start3A_252] : memref<10000x128xf32, #tpu.memory_space<vmem_shared>> -> memref<1000x128xf32, #tpu.memory_space<vmem_shared>>
          %dma_start3A_254 = arith.constant 0 : i32
          %dma_start3A_255 = tpu.memref_slice %arg3[%mul3A_242, %dma_start3A_254] : memref<10000x128xf32, #tpu.memory_space<hbm>> -> memref<1000x128xf32, #tpu.memory_space<hbm>>
          tpu.enqueue_dma source(%dma_start3A_255 : memref<1000x128xf32, #tpu.memory_space<hbm>>) target(%dma_start3A_253 : memref<1000x128xf32, #tpu.memory_space<vmem_shared>>) target_semaphore(%run_scoped3A : memref<!tpu.dma_semaphore, #tpu.memory_space<semaphore_mem>>)
          %dma_wait3A_256 = arith.constant 0 : i32
          %dma_wait3A_257 = tpu.memref_slice %arg16[%mul3A_242, %dma_wait3A_256] : memref<10000x128xf32, #tpu.memory_space<vmem_shared>> -> memref<1000x128xf32, #tpu.memory_space<vmem_shared>>
          %dma_wait3A_258 = arith.constant 0 : i32
          %dma_wait3A_259 = tpu.memref_slice %arg3[%mul3A_242, %dma_wait3A_258] : memref<10000x128xf32, #tpu.memory_space<hbm>> -> memref<1000x128xf32, #tpu.memory_space<hbm>>
          tpu.wait_dma2 semaphore(%run_scoped3A : memref<!tpu.dma_semaphore, #tpu.memory_space<semaphore_mem>>) src(%dma_wait3A_259 : memref<1000x128xf32, #tpu.memory_space<hbm>>) dst(%dma_wait3A_257 : memref<1000x128xf32, #tpu.memory_space<vmem_shared>>)
          tpu.yield
        }) : () -> ()
      } else {
      }
    } else {
    }
    %dma_wait3A = arith.constant 0 : i32
    %dma_wait3A_10 = arith.constant 0 : i32
    %dma_wait3A_11 = tpu.memref_slice %arg4[%add3A, %dma_wait3A, %dma_wait3A_10] : memref<32x125x80xi32, #tpu.memory_space<hbm>> -> memref<1x125x80xi32, #tpu.memory_space<hbm>>
    %dma_wait3A_12 = tpu.memref_squeeze %dma_wait3A_11 : memref<1x125x80xi32, #tpu.memory_space<hbm>> -> memref<125x80xi32, #tpu.memory_space<hbm>>
    %dma_wait3A_13 = arith.constant 0 : i32
    %dma_wait3A_14 = arith.constant 0 : i32
    %dma_wait3A_15 = tpu.memref_slice %arg4[%add3A, %dma_wait3A_13, %dma_wait3A_14] : memref<32x125x80xi32, #tpu.memory_space<hbm>> -> memref<1x125x80xi32, #tpu.memory_space<hbm>>
    %dma_wait3A_16 = tpu.memref_squeeze %dma_wait3A_15 : memref<1x125x80xi32, #tpu.memory_space<hbm>> -> memref<125x80xi32, #tpu.memory_space<hbm>>
    tpu.wait_dma2 semaphore(%arg17 : memref<!tpu.dma_semaphore, #tpu.memory_space<semaphore_mem>>) src(%dma_wait3A_16 : memref<125x80xi32, #tpu.memory_space<hbm>>) dst(%arg6 : memref<125x80xi32, #tpu.memory_space<vmem>>)
    %get3A = arith.constant 0 : i32
    %get3A_17 = arith.index_cast %get3A : i32 to index
    %get3A_18 = arith.constant 0 : index
    %get3A_19 = tpu.vector_load %arg6[%get3A_17, %get3A_18] {strides = array<i32>} : memref<125x80xi32, #tpu.memory_space<vmem>>, vector<1x16xi32>,
    %get3A_20 = vector.shape_cast %get3A_19 : vector<1x16xi32> to vector<16xi32>
    %shift_right_logical3A = arith.constant 16 : i32
    %shift_right_logical3A_21 = vector.broadcast %shift_right_logical3A : i32 to vector<16xi32>
    %shift_right_logical3A_22 = arith.shrui %get3A_20, %shift_right_logical3A_21 : vector<16xi32>
    %swap3A = arith.constant 0 : index
    %swap3A_23 = tpu.vector_load %arg7[%swap3A] {strides = array<i32>} : memref<80xi32, #tpu.memory_space<vmem>>, vector<16xi32>,
    %swap3A_24 = vector.shape_cast %swap3A_23 : vector<16xi32> to vector<16xi32>
    %swap3A_25 = vector.shape_cast %shift_right_logical3A_22 : vector<16xi32> to vector<16xi32>
    tpu.vector_store %arg7[%swap3A], %swap3A_25 {strides = array<i32>} : memref<80xi32, #tpu.memory_space<vmem>>, vector<16xi32>,
    %and3A = arith.constant 65535 : i32
    %and3A_26 = vector.broadcast %and3A : i32 to vector<16xi32>
    %and3A_27 = arith.andi %get3A_20, %and3A_26 : vector<16xi32>
    %swap3A_28 = arith.constant 0 : index
    %swap3A_29 = tpu.vector_load %arg8[%swap3A_28] {strides = array<i32>} : memref<80xi32, #tpu.memory_space<vmem>>, vector<16xi32>,
    %swap3A_30 = vector.shape_cast %swap3A_29 : vector<16xi32> to vector<16xi32>
    %swap3A_31 = vector.shape_cast %and3A_27 : vector<16xi32> to vector<16xi32>
    tpu.vector_store %arg8[%swap3A_28], %swap3A_31 {strides = array<i32>} : memref<80xi32, #tpu.memory_space<vmem>>, vector<16xi32>,
    %get3A_32 = arith.constant 0 : i32
    %get3A_33 = arith.index_cast %get3A_32 : i32 to index
    %get3A_34 = arith.constant 16 : index
    %get3A_35 = tpu.vector_load %arg6[%get3A_33, %get3A_34] {strides = array<i32>} : memref<125x80xi32, #tpu.memory_space<vmem>>, vector<1x16xi32>,
    %get3A_36 = vector.shape_cast %get3A_35 : vector<1x16xi32> to vector<16xi32>
    %shift_right_logical3A_37 = arith.constant 16 : i32
    %shift_right_logical3A_38 = vector.broadcast %shift_right_logical3A_37 : i32 to vector<16xi32>
    %shift_right_logical3A_39 = arith.shrui %get3A_36, %shift_right_logical3A_38 : vector<16xi32>
    %swap3A_40 = arith.constant 16 : index
    %swap3A_41 = tpu.vector_load %arg7[%swap3A_40] {strides = array<i32>} : memref<80xi32, #tpu.memory_space<vmem>>, vector<16xi32>,
    %swap3A_42 = vector.shape_cast %swap3A_41 : vector<16xi32> to vector<16xi32>
    %swap3A_43 = vector.shape_cast %shift_right_logical3A_39 : vector<16xi32> to vector<16xi32>
    tpu.vector_store %arg7[%swap3A_40], %swap3A_43 {strides = array<i32>} : memref<80xi32, #tpu.memory_space<vmem>>, vector<16xi32>,
    %and3A_44 = arith.constant 65535 : i32
    %and3A_45 = vector.broadcast %and3A_44 : i32 to vector<16xi32>
    %and3A_46 = arith.andi %get3A_36, %and3A_45 : vector<16xi32>
    %swap3A_47 = arith.constant 16 : index
    %swap3A_48 = tpu.vector_load %arg8[%swap3A_47] {strides = array<i32>} : memref<80xi32, #tpu.memory_space<vmem>>, vector<16xi32>,
    %swap3A_49 = vector.shape_cast %swap3A_48 : vector<16xi32> to vector<16xi32>
    %swap3A_50 = vector.shape_cast %and3A_46 : vector<16xi32> to vector<16xi32>
    tpu.vector_store %arg8[%swap3A_47], %swap3A_50 {strides = array<i32>} : memref<80xi32, #tpu.memory_space<vmem>>, vector<16xi32>,
    %get3A_51 = arith.constant 0 : i32
    %get3A_52 = arith.index_cast %get3A_51 : i32 to index
    %get3A_53 = arith.constant 32 : index
    %get3A_54 = tpu.vector_load %arg6[%get3A_52, %get3A_53] {strides = array<i32>} : memref<125x80xi32, #tpu.memory_space<vmem>>, vector<1x16xi32>,
    %get3A_55 = vector.shape_cast %get3A_54 : vector<1x16xi32> to vector<16xi32>
    %shift_right_logical3A_56 = arith.constant 16 : i32
    %shift_right_logical3A_57 = vector.broadcast %shift_right_logical3A_56 : i32 to vector<16xi32>
    %shift_right_logical3A_58 = arith.shrui %get3A_55, %shift_right_logical3A_57 : vector<16xi32>
    %swap3A_59 = arith.constant 32 : index
    %swap3A_60 = tpu.vector_load %arg7[%swap3A_59] {strides = array<i32>} : memref<80xi32, #tpu.memory_space<vmem>>, vector<16xi32>,
    %swap3A_61 = vector.shape_cast %swap3A_60 : vector<16xi32> to vector<16xi32>
    %swap3A_62 = vector.shape_cast %shift_right_logical3A_58 : vector<16xi32> to vector<16xi32>
    tpu.vector_store %arg7[%swap3A_59], %swap3A_62 {strides = array<i32>} : memref<80xi32, #tpu.memory_space<vmem>>, vector<16xi32>,
    %and3A_63 = arith.constant 65535 : i32
    %and3A_64 = vector.broadcast %and3A_63 : i32 to vector<16xi32>
    %and3A_65 = arith.andi %get3A_55, %and3A_64 : vector<16xi32>
    %swap3A_66 = arith.constant 32 : index
    %swap3A_67 = tpu.vector_load %arg8[%swap3A_66] {strides = array<i32>} : memref<80xi32, #tpu.memory_space<vmem>>, vector<16xi32>,
    %swap3A_68 = vector.shape_cast %swap3A_67 : vector<16xi32> to vector<16xi32>
    %swap3A_69 = vector.shape_cast %and3A_65 : vector<16xi32> to vector<16xi32>
    tpu.vector_store %arg8[%swap3A_66], %swap3A_69 {strides = array<i32>} : memref<80xi32, #tpu.memory_space<vmem>>, vector<16xi32>,
    %get3A_70 = arith.constant 0 : i32
    %get3A_71 = arith.index_cast %get3A_70 : i32 to index
    %get3A_72 = arith.constant 48 : index
    %get3A_73 = tpu.vector_load %arg6[%get3A_71, %get3A_72] {strides = array<i32>} : memref<125x80xi32, #tpu.memory_space<vmem>>, vector<1x16xi32>,
    %get3A_74 = vector.shape_cast %get3A_73 : vector<1x16xi32> to vector<16xi32>
    %shift_right_logical3A_75 = arith.constant 16 : i32
    %shift_right_logical3A_76 = vector.broadcast %shift_right_logical3A_75 : i32 to vector<16xi32>
    %shift_right_logical3A_77 = arith.shrui %get3A_74, %shift_right_logical3A_76 : vector<16xi32>
    %swap3A_78 = arith.constant 48 : index
    %swap3A_79 = tpu.vector_load %arg7[%swap3A_78] {strides = array<i32>} : memref<80xi32, #tpu.memory_space<vmem>>, vector<16xi32>,
    %swap3A_80 = vector.shape_cast %swap3A_79 : vector<16xi32> to vector<16xi32>
    %swap3A_81 = vector.shape_cast %shift_right_logical3A_77 : vector<16xi32> to vector<16xi32>
    tpu.vector_store %arg7[%swap3A_78], %swap3A_81 {strides = array<i32>} : memref<80xi32, #tpu.memory_space<vmem>>, vector<16xi32>,
    %and3A_82 = arith.constant 65535 : i32
    %and3A_83 = vector.broadcast %and3A_82 : i32 to vector<16xi32>
    %and3A_84 = arith.andi %get3A_74, %and3A_83 : vector<16xi32>
    %swap3A_85 = arith.constant 48 : index
    %swap3A_86 = tpu.vector_load %arg8[%swap3A_85] {strides = array<i32>} : memref<80xi32, #tpu.memory_space<vmem>>, vector<16xi32>,
    %swap3A_87 = vector.shape_cast %swap3A_86 : vector<16xi32> to vector<16xi32>
    %swap3A_88 = vector.shape_cast %and3A_84 : vector<16xi32> to vector<16xi32>
    tpu.vector_store %arg8[%swap3A_85], %swap3A_88 {strides = array<i32>} : memref<80xi32, #tpu.memory_space<vmem>>, vector<16xi32>,
    %get3A_89 = arith.constant 0 : i32
    %get3A_90 = arith.index_cast %get3A_89 : i32 to index
    %get3A_91 = arith.constant 64 : index
    %get3A_92 = tpu.vector_load %arg6[%get3A_90, %get3A_91] {strides = array<i32>} : memref<125x80xi32, #tpu.memory_space<vmem>>, vector<1x16xi32>,
    %get3A_93 = vector.shape_cast %get3A_92 : vector<1x16xi32> to vector<16xi32>
    %shift_right_logical3A_94 = arith.constant 16 : i32
    %shift_right_logical3A_95 = vector.broadcast %shift_right_logical3A_94 : i32 to vector<16xi32>
    %shift_right_logical3A_96 = arith.shrui %get3A_93, %shift_right_logical3A_95 : vector<16xi32>
    %swap3A_97 = arith.constant 64 : index
    %swap3A_98 = tpu.vector_load %arg7[%swap3A_97] {strides = array<i32>} : memref<80xi32, #tpu.memory_space<vmem>>, vector<16xi32>,
    %swap3A_99 = vector.shape_cast %swap3A_98 : vector<16xi32> to vector<16xi32>
    %swap3A_100 = vector.shape_cast %shift_right_logical3A_96 : vector<16xi32> to vector<16xi32>
    tpu.vector_store %arg7[%swap3A_97], %swap3A_100 {strides = array<i32>} : memref<80xi32, #tpu.memory_space<vmem>>, vector<16xi32>,
    %and3A_101 = arith.constant 65535 : i32
    %and3A_102 = vector.broadcast %and3A_101 : i32 to vector<16xi32>
    %and3A_103 = arith.andi %get3A_93, %and3A_102 : vector<16xi32>
    %swap3A_104 = arith.constant 64 : index
    %swap3A_105 = tpu.vector_load %arg8[%swap3A_104] {strides = array<i32>} : memref<80xi32, #tpu.memory_space<vmem>>, vector<16xi32>,
    %swap3A_106 = vector.shape_cast %swap3A_105 : vector<16xi32> to vector<16xi32>
    %swap3A_107 = vector.shape_cast %and3A_103 : vector<16xi32> to vector<16xi32>
    tpu.vector_store %arg8[%swap3A_104], %swap3A_107 {strides = array<i32>} : memref<80xi32, #tpu.memory_space<vmem>>, vector<16xi32>,
    %dma_start3A_108 = arith.constant 0 : i32
    %dma_start3A_109 = arith.constant 0 : i32
    %dma_start3A_110 = tpu.memref_slice %arg2[%dma_start3A_108, %dma_start3A_109] : memref<10000x128xf32, #tpu.memory_space<hbm>> -> memref<10000x128xf32, #tpu.memory_space<hbm>>
    tpu.enqueue_indirect_dma source(%dma_start3A_110 : memref<10000x128xf32, #tpu.memory_space<hbm>>) target(%arg13 : memref<80x128xf32, #tpu.memory_space<vmem>>) offsets(%arg7 : memref<80xi32, #tpu.memory_space<vmem>>) semaphore(%arg18 : memref<!tpu.dma_semaphore, #tpu.memory_space<semaphore_mem>>)
    %get3A_111 = arith.constant 1 : i32
    %get3A_112 = arith.index_cast %get3A_111 : i32 to index
    %get3A_113 = arith.constant 0 : index
    %get3A_114 = tpu.vector_load %arg6[%get3A_112, %get3A_113] {strides = array<i32>} : memref<125x80xi32, #tpu.memory_space<vmem>>, vector<1x16xi32>,
    %get3A_115 = vector.shape_cast %get3A_114 : vector<1x16xi32> to vector<16xi32>
    %shift_right_logical3A_116 = arith.constant 16 : i32
    %shift_right_logical3A_117 = vector.broadcast %shift_right_logical3A_116 : i32 to vector<16xi32>
    %shift_right_logical3A_118 = arith.shrui %get3A_115, %shift_right_logical3A_117 : vector<16xi32>
    %swap3A_119 = arith.constant 0 : index
    %swap3A_120 = tpu.vector_load %arg9[%swap3A_119] {strides = array<i32>} : memref<80xi32, #tpu.memory_space<vmem>>, vector<16xi32>,
    %swap3A_121 = vector.shape_cast %swap3A_120 : vector<16xi32> to vector<16xi32>
    %swap3A_122 = vector.shape_cast %shift_right_logical3A_118 : vector<16xi32> to vector<16xi32>
    tpu.vector_store %arg9[%swap3A_119], %swap3A_122 {strides = array<i32>} : memref<80xi32, #tpu.memory_space<vmem>>, vector<16xi32>,
    %and3A_123 = arith.constant 65535 : i32
    %and3A_124 = vector.broadcast %and3A_123 : i32 to vector<16xi32>
    %and3A_125 = arith.andi %get3A_115, %and3A_124 : vector<16xi32>
    %swap3A_126 = arith.constant 0 : index
    %swap3A_127 = tpu.vector_load %arg10[%swap3A_126] {strides = array<i32>} : memref<80xi32, #tpu.memory_space<vmem>>, vector<16xi32>,
    %swap3A_128 = vector.shape_cast %swap3A_127 : vector<16xi32> to vector<16xi32>
    %swap3A_129 = vector.shape_cast %and3A_125 : vector<16xi32> to vector<16xi32>
    tpu.vector_store %arg10[%swap3A_126], %swap3A_129 {strides = array<i32>} : memref<80xi32, #tpu.memory_space<vmem>>, vector<16xi32>,
    %get3A_130 = arith.constant 1 : i32
    %get3A_131 = arith.index_cast %get3A_130 : i32 to index
    %get3A_132 = arith.constant 16 : index
    %get3A_133 = tpu.vector_load %arg6[%get3A_131, %get3A_132] {strides = array<i32>} : memref<125x80xi32, #tpu.memory_space<vmem>>, vector<1x16xi32>,
    %get3A_134 = vector.shape_cast %get3A_133 : vector<1x16xi32> to vector<16xi32>
    %shift_right_logical3A_135 = arith.constant 16 : i32
    %shift_right_logical3A_136 = vector.broadcast %shift_right_logical3A_135 : i32 to vector<16xi32>
    %shift_right_logical3A_137 = arith.shrui %get3A_134, %shift_right_logical3A_136 : vector<16xi32>
    %swap3A_138 = arith.constant 16 : index
    %swap3A_139 = tpu.vector_load %arg9[%swap3A_138] {strides = array<i32>} : memref<80xi32, #tpu.memory_space<vmem>>, vector<16xi32>,
    %swap3A_140 = vector.shape_cast %swap3A_139 : vector<16xi32> to vector<16xi32>
    %swap3A_141 = vector.shape_cast %shift_right_logical3A_137 : vector<16xi32> to vector<16xi32>
    tpu.vector_store %arg9[%swap3A_138], %swap3A_141 {strides = array<i32>} : memref<80xi32, #tpu.memory_space<vmem>>, vector<16xi32>,
    %and3A_142 = arith.constant 65535 : i32
    %and3A_143 = vector.broadcast %and3A_142 : i32 to vector<16xi32>
    %and3A_144 = arith.andi %get3A_134, %and3A_143 : vector<16xi32>
    %swap3A_145 = arith.constant 16 : index
    %swap3A_146 = tpu.vector_load %arg10[%swap3A_145] {strides = array<i32>} : memref<80xi32, #tpu.memory_space<vmem>>, vector<16xi32>,
    %swap3A_147 = vector.shape_cast %swap3A_146 : vector<16xi32> to vector<16xi32>
    %swap3A_148 = vector.shape_cast %and3A_144 : vector<16xi32> to vector<16xi32>
    tpu.vector_store %arg10[%swap3A_145], %swap3A_148 {strides = array<i32>} : memref<80xi32, #tpu.memory_space<vmem>>, vector<16xi32>,
    %get3A_149 = arith.constant 1 : i32
    %get3A_150 = arith.index_cast %get3A_149 : i32 to index
    %get3A_151 = arith.constant 32 : index
    %get3A_152 = tpu.vector_load %arg6[%get3A_150, %get3A_151] {strides = array<i32>} : memref<125x80xi32, #tpu.memory_space<vmem>>, vector<1x16xi32>,
    %get3A_153 = vector.shape_cast %get3A_152 : vector<1x16xi32> to vector<16xi32>
    %shift_right_logical3A_154 = arith.constant 16 : i32
    %shift_right_logical3A_155 = vector.broadcast %shift_right_logical3A_154 : i32 to vector<16xi32>
    %shift_right_logical3A_156 = arith.shrui %get3A_153, %shift_right_logical3A_155 : vector<16xi32>
    %swap3A_157 = arith.constant 32 : index
    %swap3A_158 = tpu.vector_load %arg9[%swap3A_157] {strides = array<i32>} : memref<80xi32, #tpu.memory_space<vmem>>, vector<16xi32>,
    %swap3A_159 = vector.shape_cast %swap3A_158 : vector<16xi32> to vector<16xi32>
    %swap3A_160 = vector.shape_cast %shift_right_logical3A_156 : vector<16xi32> to vector<16xi32>
    tpu.vector_store %arg9[%swap3A_157], %swap3A_160 {strides = array<i32>} : memref<80xi32, #tpu.memory_space<vmem>>, vector<16xi32>,
    %and3A_161 = arith.constant 65535 : i32
    %and3A_162 = vector.broadcast %and3A_161 : i32 to vector<16xi32>
    %and3A_163 = arith.andi %get3A_153, %and3A_162 : vector<16xi32>
    %swap3A_164 = arith.constant 32 : index
    %swap3A_165 = tpu.vector_load %arg10[%swap3A_164] {strides = array<i32>} : memref<80xi32, #tpu.memory_space<vmem>>, vector<16xi32>,
    %swap3A_166 = vector.shape_cast %swap3A_165 : vector<16xi32> to vector<16xi32>
    %swap3A_167 = vector.shape_cast %and3A_163 : vector<16xi32> to vector<16xi32>
    tpu.vector_store %arg10[%swap3A_164], %swap3A_167 {strides = array<i32>} : memref<80xi32, #tpu.memory_space<vmem>>, vector<16xi32>,
    %get3A_168 = arith.constant 1 : i32
    %get3A_169 = arith.index_cast %get3A_168 : i32 to index
    %get3A_170 = arith.constant 48 : index
    %get3A_171 = tpu.vector_load %arg6[%get3A_169, %get3A_170] {strides = array<i32>} : memref<125x80xi32, #tpu.memory_space<vmem>>, vector<1x16xi32>,
    %get3A_172 = vector.shape_cast %get3A_171 : vector<1x16xi32> to vector<16xi32>
    %shift_right_logical3A_173 = arith.constant 16 : i32
    %shift_right_logical3A_174 = vector.broadcast %shift_right_logical3A_173 : i32 to vector<16xi32>
    %shift_right_logical3A_175 = arith.shrui %get3A_172, %shift_right_logical3A_174 : vector<16xi32>
    %swap3A_176 = arith.constant 48 : index
    %swap3A_177 = tpu.vector_load %arg9[%swap3A_176] {strides = array<i32>} : memref<80xi32, #tpu.memory_space<vmem>>, vector<16xi32>,
    %swap3A_178 = vector.shape_cast %swap3A_177 : vector<16xi32> to vector<16xi32>
    %swap3A_179 = vector.shape_cast %shift_right_logical3A_175 : vector<16xi32> to vector<16xi32>
    tpu.vector_store %arg9[%swap3A_176], %swap3A_179 {strides = array<i32>} : memref<80xi32, #tpu.memory_space<vmem>>, vector<16xi32>,
    %and3A_180 = arith.constant 65535 : i32
    %and3A_181 = vector.broadcast %and3A_180 : i32 to vector<16xi32>
    %and3A_182 = arith.andi %get3A_172, %and3A_181 : vector<16xi32>
    %swap3A_183 = arith.constant 48 : index
    %swap3A_184 = tpu.vector_load %arg10[%swap3A_183] {strides = array<i32>} : memref<80xi32, #tpu.memory_space<vmem>>, vector<16xi32>,
    %swap3A_185 = vector.shape_cast %swap3A_184 : vector<16xi32> to vector<16xi32>
    %swap3A_186 = vector.shape_cast %and3A_182 : vector<16xi32> to vector<16xi32>
    tpu.vector_store %arg10[%swap3A_183], %swap3A_186 {strides = array<i32>} : memref<80xi32, #tpu.memory_space<vmem>>, vector<16xi32>,
    %get3A_187 = arith.constant 1 : i32
    %get3A_188 = arith.index_cast %get3A_187 : i32 to index
    %get3A_189 = arith.constant 64 : index
    %get3A_190 = tpu.vector_load %arg6[%get3A_188, %get3A_189] {strides = array<i32>} : memref<125x80xi32, #tpu.memory_space<vmem>>, vector<1x16xi32>,
    %get3A_191 = vector.shape_cast %get3A_190 : vector<1x16xi32> to vector<16xi32>
    %shift_right_logical3A_192 = arith.constant 16 : i32
    %shift_right_logical3A_193 = vector.broadcast %shift_right_logical3A_192 : i32 to vector<16xi32>
    %shift_right_logical3A_194 = arith.shrui %get3A_191, %shift_right_logical3A_193 : vector<16xi32>
    %swap3A_195 = arith.constant 64 : index
    %swap3A_196 = tpu.vector_load %arg9[%swap3A_195] {strides = array<i32>} : memref<80xi32, #tpu.memory_space<vmem>>, vector<16xi32>,
    %swap3A_197 = vector.shape_cast %swap3A_196 : vector<16xi32> to vector<16xi32>
    %swap3A_198 = vector.shape_cast %shift_right_logical3A_194 : vector<16xi32> to vector<16xi32>
    tpu.vector_store %arg9[%swap3A_195], %swap3A_198 {strides = array<i32>} : memref<80xi32, #tpu.memory_space<vmem>>, vector<16xi32>,
    %and3A_199 = arith.constant 65535 : i32
    %and3A_200 = vector.broadcast %and3A_199 : i32 to vector<16xi32>
    %and3A_201 = arith.andi %get3A_191, %and3A_200 : vector<16xi32>
    %swap3A_202 = arith.constant 64 : index
    %swap3A_203 = tpu.vector_load %arg10[%swap3A_202] {strides = array<i32>} : memref<80xi32, #tpu.memory_space<vmem>>, vector<16xi32>,
    %swap3A_204 = vector.shape_cast %swap3A_203 : vector<16xi32> to vector<16xi32>
    %swap3A_205 = vector.shape_cast %and3A_201 : vector<16xi32> to vector<16xi32>
    tpu.vector_store %arg10[%swap3A_202], %swap3A_205 {strides = array<i32>} : memref<80xi32, #tpu.memory_space<vmem>>, vector<16xi32>,
    %dma_start3A_206 = arith.constant 0 : i32
    %dma_start3A_207 = arith.constant 0 : i32
    %dma_start3A_208 = tpu.memref_slice %arg2[%dma_start3A_206, %dma_start3A_207] : memref<10000x128xf32, #tpu.memory_space<hbm>> -> memref<10000x128xf32, #tpu.memory_space<hbm>>
    tpu.enqueue_indirect_dma source(%dma_start3A_208 : memref<10000x128xf32, #tpu.memory_space<hbm>>) target(%arg14 : memref<80x128xf32, #tpu.memory_space<vmem>>) offsets(%arg9 : memref<80xi32, #tpu.memory_space<vmem>>) semaphore(%arg19 : memref<!tpu.dma_semaphore, #tpu.memory_space<semaphore_mem>>)
    %barrier3A = arith.constant 0 : index
    tpu.barrier barrier_id(%barrier3A)
    %scan3A = arith.constant 0 : i32
    %scan3A_209 = arith.constant 0 : i32
    %scan3A_210 = arith.constant 41 : i32
    %scan3A_211 = arith.addi %scan3A_209, %scan3A_210 : i32
    %scan3A_212 = arith.constant 1 : i32
    scf.for %scan3A_241 = %scan3A_209 to %scan3A_211 step %scan3A_212  : i32 {
      %mul3A_242 = arith.constant 3 : i32
      %mul3A_243 = arith.muli %mul3A_242, %scan3A_241 : i32
      %add3A_244 = arith.constant 0 : i32
      %add3A_245 = arith.addi %mul3A_243, %add3A_244 : i32
      %add3A_246 = arith.constant 2 : i32
      %add3A_247 = arith.addi %add3A_245, %add3A_246 : i32
      %lt3A_248 = arith.constant 125 : i32
      %lt3A_249 = arith.cmpi slt, %add3A_247, %lt3A_248 : i32
      %convert_element_type3A_250 = arith.extui %lt3A_249 : i1 to i32
      %cond3A_251 = arith.constant 0 : i32
      %cond3A_252 = arith.cmpi ne, %convert_element_type3A_250, %cond3A_251 : i32
      scf.if %cond3A_252 {
        %ge3A = arith.constant 1 : i32
        %ge3A_293 = arith.cmpi sge, %add3A_245, %ge3A : i32
        %convert_element_type3A_294 = arith.extui %ge3A_293 : i1 to i32
        %cond3A_295 = arith.constant 0 : i32
        %cond3A_296 = arith.cmpi ne, %convert_element_type3A_294, %cond3A_295 : i32
        scf.if %cond3A_296 {
          %dma_wait3A_392 = arith.constant 0 : i32
          %dma_wait3A_393 = arith.constant 0 : i32
          %dma_wait3A_394 = tpu.memref_slice %arg16[%dma_wait3A_392, %dma_wait3A_393] : memref<10000x128xf32, #tpu.memory_space<vmem_shared>> -> memref<10000x128xf32, #tpu.memory_space<vmem_shared>>
          tpu.wait_indirect_dma semaphore(%arg23 : memref<!tpu.dma_semaphore, #tpu.memory_space<semaphore_mem>>) src(%arg15 : memref<80x128xf32, #tpu.memory_space<vmem>>) dst(%dma_wait3A_394 : memref<10000x128xf32, #tpu.memory_space<vmem_shared>>)
        } else {
        }
        %add3A_297 = arith.constant 2 : i32
        %add3A_298 = arith.addi %add3A_245, %add3A_297 : i32
        %get3A_299 = arith.index_cast %add3A_298 : i32 to index
        %get3A_300 = arith.constant 0 : index
        %get3A_301 = tpu.vector_load %arg6[%get3A_299, %get3A_300] {strides = array<i32>} : memref<125x80xi32, #tpu.memory_space<vmem>>, vector<1x16xi32>,
        %get3A_302 = vector.shape_cast %get3A_301 : vector<1x16xi32> to vector<16xi32>
        %shift_right_logical3A_303 = arith.constant 16 : i32
        %shift_right_logical3A_304 = vector.broadcast %shift_right_logical3A_303 : i32 to vector<16xi32>
        %shift_right_logical3A_305 = arith.shrui %get3A_302, %shift_right_logical3A_304 : vector<16xi32>
        %swap3A_306 = arith.constant 0 : index
        %swap3A_307 = tpu.vector_load %arg11[%swap3A_306] {strides = array<i32>} : memref<80xi32, #tpu.memory_space<vmem>>, vector<16xi32>,
        %swap3A_308 = vector.shape_cast %swap3A_307 : vector<16xi32> to vector<16xi32>
        %swap3A_309 = vector.shape_cast %shift_right_logical3A_305 : vector<16xi32> to vector<16xi32>
        tpu.vector_store %arg11[%swap3A_306], %swap3A_309 {strides = array<i32>} : memref<80xi32, #tpu.memory_space<vmem>>, vector<16xi32>,
        %and3A_310 = arith.constant 65535 : i32
        %and3A_311 = vector.broadcast %and3A_310 : i32 to vector<16xi32>
        %and3A_312 = arith.andi %get3A_302, %and3A_311 : vector<16xi32>
        %swap3A_313 = arith.constant 0 : index
        %swap3A_314 = tpu.vector_load %arg12[%swap3A_313] {strides = array<i32>} : memref<80xi32, #tpu.memory_space<vmem>>, vector<16xi32>,
        %swap3A_315 = vector.shape_cast %swap3A_314 : vector<16xi32> to vector<16xi32>
        %swap3A_316 = vector.shape_cast %and3A_312 : vector<16xi32> to vector<16xi32>
        tpu.vector_store %arg12[%swap3A_313], %swap3A_316 {strides = array<i32>} : memref<80xi32, #tpu.memory_space<vmem>>, vector<16xi32>,
        %get3A_317 = arith.index_cast %add3A_298 : i32 to index
        %get3A_318 = arith.constant 16 : index
        %get3A_319 = tpu.vector_load %arg6[%get3A_317, %get3A_318] {strides = array<i32>} : memref<125x80xi32, #tpu.memory_space<vmem>>, vector<1x16xi32>,
        %get3A_320 = vector.shape_cast %get3A_319 : vector<1x16xi32> to vector<16xi32>
        %shift_right_logical3A_321 = arith.constant 16 : i32
        %shift_right_logical3A_322 = vector.broadcast %shift_right_logical3A_321 : i32 to vector<16xi32>
        %shift_right_logical3A_323 = arith.shrui %get3A_320, %shift_right_logical3A_322 : vector<16xi32>
        %swap3A_324 = arith.constant 16 : index
        %swap3A_325 = tpu.vector_load %arg11[%swap3A_324] {strides = array<i32>} : memref<80xi32, #tpu.memory_space<vmem>>, vector<16xi32>,
        %swap3A_326 = vector.shape_cast %swap3A_325 : vector<16xi32> to vector<16xi32>
        %swap3A_327 = vector.shape_cast %shift_right_logical3A_323 : vector<16xi32> to vector<16xi32>
        tpu.vector_store %arg11[%swap3A_324], %swap3A_327 {strides = array<i32>} : memref<80xi32, #tpu.memory_space<vmem>>, vector<16xi32>,
        %and3A_328 = arith.constant 65535 : i32
        %and3A_329 = vector.broadcast %and3A_328 : i32 to vector<16xi32>
        %and3A_330 = arith.andi %get3A_320, %and3A_329 : vector<16xi32>
        %swap3A_331 = arith.constant 16 : index
        %swap3A_332 = tpu.vector_load %arg12[%swap3A_331] {strides = array<i32>} : memref<80xi32, #tpu.memory_space<vmem>>, vector<16xi32>,
        %swap3A_333 = vector.shape_cast %swap3A_332 : vector<16xi32> to vector<16xi32>
        %swap3A_334 = vector.shape_cast %and3A_330 : vector<16xi32> to vector<16xi32>
        tpu.vector_store %arg12[%swap3A_331], %swap3A_334 {strides = array<i32>} : memref<80xi32, #tpu.memory_space<vmem>>, vector<16xi32>,
        %get3A_335 = arith.index_cast %add3A_298 : i32 to index
        %get3A_336 = arith.constant 32 : index
        %get3A_337 = tpu.vector_load %arg6[%get3A_335, %get3A_336] {strides = array<i32>} : memref<125x80xi32, #tpu.memory_space<vmem>>, vector<1x16xi32>,
        %get3A_338 = vector.shape_cast %get3A_337 : vector<1x16xi32> to vector<16xi32>
        %shift_right_logical3A_339 = arith.constant 16 : i32
        %shift_right_logical3A_340 = vector.broadcast %shift_right_logical3A_339 : i32 to vector<16xi32>
        %shift_right_logical3A_341 = arith.shrui %get3A_338, %shift_right_logical3A_340 : vector<16xi32>
        %swap3A_342 = arith.constant 32 : index
        %swap3A_343 = tpu.vector_load %arg11[%swap3A_342] {strides = array<i32>} : memref<80xi32, #tpu.memory_space<vmem>>, vector<16xi32>,
        %swap3A_344 = vector.shape_cast %swap3A_343 : vector<16xi32> to vector<16xi32>
        %swap3A_345 = vector.shape_cast %shift_right_logical3A_341 : vector<16xi32> to vector<16xi32>
        tpu.vector_store %arg11[%swap3A_342], %swap3A_345 {strides = array<i32>} : memref<80xi32, #tpu.memory_space<vmem>>, vector<16xi32>,
        %and3A_346 = arith.constant 65535 : i32
        %and3A_347 = vector.broadcast %and3A_346 : i32 to vector<16xi32>
        %and3A_348 = arith.andi %get3A_338, %and3A_347 : vector<16xi32>
        %swap3A_349 = arith.constant 32 : index
        %swap3A_350 = tpu.vector_load %arg12[%swap3A_349] {strides = array<i32>} : memref<80xi32, #tpu.memory_space<vmem>>, vector<16xi32>,
        %swap3A_351 = vector.shape_cast %swap3A_350 : vector<16xi32> to vector<16xi32>
        %swap3A_352 = vector.shape_cast %and3A_348 : vector<16xi32> to vector<16xi32>
        tpu.vector_store %arg12[%swap3A_349], %swap3A_352 {strides = array<i32>} : memref<80xi32, #tpu.memory_space<vmem>>, vector<16xi32>,
        %get3A_353 = arith.index_cast %add3A_298 : i32 to index
        %get3A_354 = arith.constant 48 : index
        %get3A_355 = tpu.vector_load %arg6[%get3A_353, %get3A_354] {strides = array<i32>} : memref<125x80xi32, #tpu.memory_space<vmem>>, vector<1x16xi32>,
        %get3A_356 = vector.shape_cast %get3A_355 : vector<1x16xi32> to vector<16xi32>
        %shift_right_logical3A_357 = arith.constant 16 : i32
        %shift_right_logical3A_358 = vector.broadcast %shift_right_logical3A_357 : i32 to vector<16xi32>
        %shift_right_logical3A_359 = arith.shrui %get3A_356, %shift_right_logical3A_358 : vector<16xi32>
        %swap3A_360 = arith.constant 48 : index
        %swap3A_361 = tpu.vector_load %arg11[%swap3A_360] {strides = array<i32>} : memref<80xi32, #tpu.memory_space<vmem>>, vector<16xi32>,
        %swap3A_362 = vector.shape_cast %swap3A_361 : vector<16xi32> to vector<16xi32>
        %swap3A_363 = vector.shape_cast %shift_right_logical3A_359 : vector<16xi32> to vector<16xi32>
        tpu.vector_store %arg11[%swap3A_360], %swap3A_363 {strides = array<i32>} : memref<80xi32, #tpu.memory_space<vmem>>, vector<16xi32>,
        %and3A_364 = arith.constant 65535 : i32
        %and3A_365 = vector.broadcast %and3A_364 : i32 to vector<16xi32>
        %and3A_366 = arith.andi %get3A_356, %and3A_365 : vector<16xi32>
        %swap3A_367 = arith.constant 48 : index
        %swap3A_368 = tpu.vector_load %arg12[%swap3A_367] {strides = array<i32>} : memref<80xi32, #tpu.memory_space<vmem>>, vector<16xi32>,
        %swap3A_369 = vector.shape_cast %swap3A_368 : vector<16xi32> to vector<16xi32>
        %swap3A_370 = vector.shape_cast %and3A_366 : vector<16xi32> to vector<16xi32>
        tpu.vector_store %arg12[%swap3A_367], %swap3A_370 {strides = array<i32>} : memref<80xi32, #tpu.memory_space<vmem>>, vector<16xi32>,
        %get3A_371 = arith.index_cast %add3A_298 : i32 to index
        %get3A_372 = arith.constant 64 : index
        %get3A_373 = tpu.vector_load %arg6[%get3A_371, %get3A_372] {strides = array<i32>} : memref<125x80xi32, #tpu.memory_space<vmem>>, vector<1x16xi32>,
        %get3A_374 = vector.shape_cast %get3A_373 : vector<1x16xi32> to vector<16xi32>
        %shift_right_logical3A_375 = arith.constant 16 : i32
        %shift_right_logical3A_376 = vector.broadcast %shift_right_logical3A_375 : i32 to vector<16xi32>
        %shift_right_logical3A_377 = arith.shrui %get3A_374, %shift_right_logical3A_376 : vector<16xi32>
        %swap3A_378 = arith.constant 64 : index
        %swap3A_379 = tpu.vector_load %arg11[%swap3A_378] {strides = array<i32>} : memref<80xi32, #tpu.memory_space<vmem>>, vector<16xi32>,
        %swap3A_380 = vector.shape_cast %swap3A_379 : vector<16xi32> to vector<16xi32>
        %swap3A_381 = vector.shape_cast %shift_right_logical3A_377 : vector<16xi32> to vector<16xi32>
        tpu.vector_store %arg11[%swap3A_378], %swap3A_381 {strides = array<i32>} : memref<80xi32, #tpu.memory_space<vmem>>, vector<16xi32>,
        %and3A_382 = arith.constant 65535 : i32
        %and3A_383 = vector.broadcast %and3A_382 : i32 to vector<16xi32>
        %and3A_384 = arith.andi %get3A_374, %and3A_383 : vector<16xi32>
        %swap3A_385 = arith.constant 64 : index
        %swap3A_386 = tpu.vector_load %arg12[%swap3A_385] {strides = array<i32>} : memref<80xi32, #tpu.memory_space<vmem>>, vector<16xi32>,
        %swap3A_387 = vector.shape_cast %swap3A_386 : vector<16xi32> to vector<16xi32>
        %swap3A_388 = vector.shape_cast %and3A_384 : vector<16xi32> to vector<16xi32>
        tpu.vector_store %arg12[%swap3A_385], %swap3A_388 {strides = array<i32>} : memref<80xi32, #tpu.memory_space<vmem>>, vector<16xi32>,
        %dma_start3A_389 = arith.constant 0 : i32
        %dma_start3A_390 = arith.constant 0 : i32
        %dma_start3A_391 = tpu.memref_slice %arg2[%dma_start3A_389, %dma_start3A_390] : memref<10000x128xf32, #tpu.memory_space<hbm>> -> memref<10000x128xf32, #tpu.memory_space<hbm>>
        tpu.enqueue_indirect_dma source(%dma_start3A_391 : memref<10000x128xf32, #tpu.memory_space<hbm>>) target(%arg15 : memref<80x128xf32, #tpu.memory_space<vmem>>) offsets(%arg11 : memref<80xi32, #tpu.memory_space<vmem>>) semaphore(%arg20 : memref<!tpu.dma_semaphore, #tpu.memory_space<semaphore_mem>>)
      } else {
      }
      %dma_wait3A_253 = arith.constant 0 : i32
      %dma_wait3A_254 = arith.constant 0 : i32
      %dma_wait3A_255 = tpu.memref_slice %arg2[%dma_wait3A_253, %dma_wait3A_254] : memref<10000x128xf32, #tpu.memory_space<hbm>> -> memref<10000x128xf32, #tpu.memory_space<hbm>>
      tpu.wait_indirect_dma semaphore(%arg18 : memref<!tpu.dma_semaphore, #tpu.memory_space<semaphore_mem>>) src(%dma_wait3A_255 : memref<10000x128xf32, #tpu.memory_space<hbm>>) dst(%arg13 : memref<80x128xf32, #tpu.memory_space<vmem>>)
      %dma_start3A_256 = arith.constant 0 : i32
      %dma_start3A_257 = arith.constant 0 : i32
      %dma_start3A_258 = tpu.memref_slice %arg16[%dma_start3A_256, %dma_start3A_257] : memref<10000x128xf32, #tpu.memory_space<vmem_shared>> -> memref<10000x128xf32, #tpu.memory_space<vmem_shared>>
      tpu.enqueue_indirect_dma source(%arg13 : memref<80x128xf32, #tpu.memory_space<vmem>>) target(%dma_start3A_258 : memref<10000x128xf32, #tpu.memory_space<vmem_shared>>) offsets(%arg8 : memref<80xi32, #tpu.memory_space<vmem>>) semaphore(%arg21 : memref<!tpu.dma_semaphore, #tpu.memory_space<semaphore_mem>>) {add = true}
      %mul3A_259 = arith.constant 3 : i32
      %mul3A_260 = arith.muli %mul3A_259, %scan3A_241 : i32
      %add3A_261 = arith.constant 1 : i32
      %add3A_262 = arith.addi %mul3A_260, %add3A_261 : i32
      %add3A_263 = arith.constant 2 : i32
      %add3A_264 = arith.addi %add3A_262, %add3A_263 : i32
      %lt3A_265 = arith.constant 125 : i32
      %lt3A_266 = arith.cmpi slt, %add3A_264, %lt3A_265 : i32
      %convert_element_type3A_267 = arith.extui %lt3A_266 : i1 to i32
      %cond3A_268 = arith.constant 0 : i32
      %cond3A_269 = arith.cmpi ne, %convert_element_type3A_267, %cond3A_268 : i32
      scf.if %cond3A_269 {
        %ge3A = arith.constant 1 : i32
        %ge3A_293 = arith.cmpi sge, %add3A_262, %ge3A : i32
        %convert_element_type3A_294 = arith.extui %ge3A_293 : i1 to i32
        %cond3A_295 = arith.constant 0 : i32
        %cond3A_296 = arith.cmpi ne, %convert_element_type3A_294, %cond3A_295 : i32
        scf.if %cond3A_296 {
          %dma_wait3A_392 = arith.constant 0 : i32
          %dma_wait3A_393 = arith.constant 0 : i32
          %dma_wait3A_394 = tpu.memref_slice %arg16[%dma_wait3A_392, %dma_wait3A_393] : memref<10000x128xf32, #tpu.memory_space<vmem_shared>> -> memref<10000x128xf32, #tpu.memory_space<vmem_shared>>
          tpu.wait_indirect_dma semaphore(%arg21 : memref<!tpu.dma_semaphore, #tpu.memory_space<semaphore_mem>>) src(%arg13 : memref<80x128xf32, #tpu.memory_space<vmem>>) dst(%dma_wait3A_394 : memref<10000x128xf32, #tpu.memory_space<vmem_shared>>)
        } else {
        }
        %add3A_297 = arith.constant 2 : i32
        %add3A_298 = arith.addi %add3A_262, %add3A_297 : i32
        %get3A_299 = arith.index_cast %add3A_298 : i32 to index
        %get3A_300 = arith.constant 0 : index
        %get3A_301 = tpu.vector_load %arg6[%get3A_299, %get3A_300] {strides = array<i32>} : memref<125x80xi32, #tpu.memory_space<vmem>>, vector<1x16xi32>,
        %get3A_302 = vector.shape_cast %get3A_301 : vector<1x16xi32> to vector<16xi32>
        %shift_right_logical3A_303 = arith.constant 16 : i32
        %shift_right_logical3A_304 = vector.broadcast %shift_right_logical3A_303 : i32 to vector<16xi32>
        %shift_right_logical3A_305 = arith.shrui %get3A_302, %shift_right_logical3A_304 : vector<16xi32>
        %swap3A_306 = arith.constant 0 : index
        %swap3A_307 = tpu.vector_load %arg7[%swap3A_306] {strides = array<i32>} : memref<80xi32, #tpu.memory_space<vmem>>, vector<16xi32>,
        %swap3A_308 = vector.shape_cast %swap3A_307 : vector<16xi32> to vector<16xi32>
        %swap3A_309 = vector.shape_cast %shift_right_logical3A_305 : vector<16xi32> to vector<16xi32>
        tpu.vector_store %arg7[%swap3A_306], %swap3A_309 {strides = array<i32>} : memref<80xi32, #tpu.memory_space<vmem>>, vector<16xi32>,
        %and3A_310 = arith.constant 65535 : i32
        %and3A_311 = vector.broadcast %and3A_310 : i32 to vector<16xi32>
        %and3A_312 = arith.andi %get3A_302, %and3A_311 : vector<16xi32>
        %swap3A_313 = arith.constant 0 : index
        %swap3A_314 = tpu.vector_load %arg8[%swap3A_313] {strides = array<i32>} : memref<80xi32, #tpu.memory_space<vmem>>, vector<16xi32>,
        %swap3A_315 = vector.shape_cast %swap3A_314 : vector<16xi32> to vector<16xi32>
        %swap3A_316 = vector.shape_cast %and3A_312 : vector<16xi32> to vector<16xi32>
        tpu.vector_store %arg8[%swap3A_313], %swap3A_316 {strides = array<i32>} : memref<80xi32, #tpu.memory_space<vmem>>, vector<16xi32>,
        %get3A_317 = arith.index_cast %add3A_298 : i32 to index
        %get3A_318 = arith.constant 16 : index
        %get3A_319 = tpu.vector_load %arg6[%get3A_317, %get3A_318] {strides = array<i32>} : memref<125x80xi32, #tpu.memory_space<vmem>>, vector<1x16xi32>,
        %get3A_320 = vector.shape_cast %get3A_319 : vector<1x16xi32> to vector<16xi32>
        %shift_right_logical3A_321 = arith.constant 16 : i32
        %shift_right_logical3A_322 = vector.broadcast %shift_right_logical3A_321 : i32 to vector<16xi32>
        %shift_right_logical3A_323 = arith.shrui %get3A_320, %shift_right_logical3A_322 : vector<16xi32>
        %swap3A_324 = arith.constant 16 : index
        %swap3A_325 = tpu.vector_load %arg7[%swap3A_324] {strides = array<i32>} : memref<80xi32, #tpu.memory_space<vmem>>, vector<16xi32>,
        %swap3A_326 = vector.shape_cast %swap3A_325 : vector<16xi32> to vector<16xi32>
        %swap3A_327 = vector.shape_cast %shift_right_logical3A_323 : vector<16xi32> to vector<16xi32>
        tpu.vector_store %arg7[%swap3A_324], %swap3A_327 {strides = array<i32>} : memref<80xi32, #tpu.memory_space<vmem>>, vector<16xi32>,
        %and3A_328 = arith.constant 65535 : i32
        %and3A_329 = vector.broadcast %and3A_328 : i32 to vector<16xi32>
        %and3A_330 = arith.andi %get3A_320, %and3A_329 : vector<16xi32>
        %swap3A_331 = arith.constant 16 : index
        %swap3A_332 = tpu.vector_load %arg8[%swap3A_331] {strides = array<i32>} : memref<80xi32, #tpu.memory_space<vmem>>, vector<16xi32>,
        %swap3A_333 = vector.shape_cast %swap3A_332 : vector<16xi32> to vector<16xi32>
        %swap3A_334 = vector.shape_cast %and3A_330 : vector<16xi32> to vector<16xi32>
        tpu.vector_store %arg8[%swap3A_331], %swap3A_334 {strides = array<i32>} : memref<80xi32, #tpu.memory_space<vmem>>, vector<16xi32>,
        %get3A_335 = arith.index_cast %add3A_298 : i32 to index
        %get3A_336 = arith.constant 32 : index
        %get3A_337 = tpu.vector_load %arg6[%get3A_335, %get3A_336] {strides = array<i32>} : memref<125x80xi32, #tpu.memory_space<vmem>>, vector<1x16xi32>,
        %get3A_338 = vector.shape_cast %get3A_337 : vector<1x16xi32> to vector<16xi32>
        %shift_right_logical3A_339 = arith.constant 16 : i32
        %shift_right_logical3A_340 = vector.broadcast %shift_right_logical3A_339 : i32 to vector<16xi32>
        %shift_right_logical3A_341 = arith.shrui %get3A_338, %shift_right_logical3A_340 : vector<16xi32>
        %swap3A_342 = arith.constant 32 : index
        %swap3A_343 = tpu.vector_load %arg7[%swap3A_342] {strides = array<i32>} : memref<80xi32, #tpu.memory_space<vmem>>, vector<16xi32>,
        %swap3A_344 = vector.shape_cast %swap3A_343 : vector<16xi32> to vector<16xi32>
        %swap3A_345 = vector.shape_cast %shift_right_logical3A_341 : vector<16xi32> to vector<16xi32>
        tpu.vector_store %arg7[%swap3A_342], %swap3A_345 {strides = array<i32>} : memref<80xi32, #tpu.memory_space<vmem>>, vector<16xi32>,
        %and3A_346 = arith.constant 65535 : i32
        %and3A_347 = vector.broadcast %and3A_346 : i32 to vector<16xi32>
        %and3A_348 = arith.andi %get3A_338, %and3A_347 : vector<16xi32>
        %swap3A_349 = arith.constant 32 : index
        %swap3A_350 = tpu.vector_load %arg8[%swap3A_349] {strides = array<i32>} : memref<80xi32, #tpu.memory_space<vmem>>, vector<16xi32>,
        %swap3A_351 = vector.shape_cast %swap3A_350 : vector<16xi32> to vector<16xi32>
        %swap3A_352 = vector.shape_cast %and3A_348 : vector<16xi32> to vector<16xi32>
        tpu.vector_store %arg8[%swap3A_349], %swap3A_352 {strides = array<i32>} : memref<80xi32, #tpu.memory_space<vmem>>, vector<16xi32>,
        %get3A_353 = arith.index_cast %add3A_298 : i32 to index
        %get3A_354 = arith.constant 48 : index
        %get3A_355 = tpu.vector_load %arg6[%get3A_353, %get3A_354] {strides = array<i32>} : memref<125x80xi32, #tpu.memory_space<vmem>>, vector<1x16xi32>,
        %get3A_356 = vector.shape_cast %get3A_355 : vector<1x16xi32> to vector<16xi32>
        %shift_right_logical3A_357 = arith.constant 16 : i32
        %shift_right_logical3A_358 = vector.broadcast %shift_right_logical3A_357 : i32 to vector<16xi32>
        %shift_right_logical3A_359 = arith.shrui %get3A_356, %shift_right_logical3A_358 : vector<16xi32>
        %swap3A_360 = arith.constant 48 : index
        %swap3A_361 = tpu.vector_load %arg7[%swap3A_360] {strides = array<i32>} : memref<80xi32, #tpu.memory_space<vmem>>, vector<16xi32>,
        %swap3A_362 = vector.shape_cast %swap3A_361 : vector<16xi32> to vector<16xi32>
        %swap3A_363 = vector.shape_cast %shift_right_logical3A_359 : vector<16xi32> to vector<16xi32>
        tpu.vector_store %arg7[%swap3A_360], %swap3A_363 {strides = array<i32>} : memref<80xi32, #tpu.memory_space<vmem>>, vector<16xi32>,
        %and3A_364 = arith.constant 65535 : i32
        %and3A_365 = vector.broadcast %and3A_364 : i32 to vector<16xi32>
        %and3A_366 = arith.andi %get3A_356, %and3A_365 : vector<16xi32>
        %swap3A_367 = arith.constant 48 : index
        %swap3A_368 = tpu.vector_load %arg8[%swap3A_367] {strides = array<i32>} : memref<80xi32, #tpu.memory_space<vmem>>, vector<16xi32>,
        %swap3A_369 = vector.shape_cast %swap3A_368 : vector<16xi32> to vector<16xi32>
        %swap3A_370 = vector.shape_cast %and3A_366 : vector<16xi32> to vector<16xi32>
        tpu.vector_store %arg8[%swap3A_367], %swap3A_370 {strides = array<i32>} : memref<80xi32, #tpu.memory_space<vmem>>, vector<16xi32>,
        %get3A_371 = arith.index_cast %add3A_298 : i32 to index
        %get3A_372 = arith.constant 64 : index
        %get3A_373 = tpu.vector_load %arg6[%get3A_371, %get3A_372] {strides = array<i32>} : memref<125x80xi32, #tpu.memory_space<vmem>>, vector<1x16xi32>,
        %get3A_374 = vector.shape_cast %get3A_373 : vector<1x16xi32> to vector<16xi32>
        %shift_right_logical3A_375 = arith.constant 16 : i32
        %shift_right_logical3A_376 = vector.broadcast %shift_right_logical3A_375 : i32 to vector<16xi32>
        %shift_right_logical3A_377 = arith.shrui %get3A_374, %shift_right_logical3A_376 : vector<16xi32>
        %swap3A_378 = arith.constant 64 : index
        %swap3A_379 = tpu.vector_load %arg7[%swap3A_378] {strides = array<i32>} : memref<80xi32, #tpu.memory_space<vmem>>, vector<16xi32>,
        %swap3A_380 = vector.shape_cast %swap3A_379 : vector<16xi32> to vector<16xi32>
        %swap3A_381 = vector.shape_cast %shift_right_logical3A_377 : vector<16xi32> to vector<16xi32>
        tpu.vector_store %arg7[%swap3A_378], %swap3A_381 {strides = array<i32>} : memref<80xi32, #tpu.memory_space<vmem>>, vector<16xi32>,
        %and3A_382 = arith.constant 65535 : i32
        %and3A_383 = vector.broadcast %and3A_382 : i32 to vector<16xi32>
        %and3A_384 = arith.andi %get3A_374, %and3A_383 : vector<16xi32>
        %swap3A_385 = arith.constant 64 : index
        %swap3A_386 = tpu.vector_load %arg8[%swap3A_385] {strides = array<i32>} : memref<80xi32, #tpu.memory_space<vmem>>, vector<16xi32>,
        %swap3A_387 = vector.shape_cast %swap3A_386 : vector<16xi32> to vector<16xi32>
        %swap3A_388 = vector.shape_cast %and3A_384 : vector<16xi32> to vector<16xi32>
        tpu.vector_store %arg8[%swap3A_385], %swap3A_388 {strides = array<i32>} : memref<80xi32, #tpu.memory_space<vmem>>, vector<16xi32>,
        %dma_start3A_389 = arith.constant 0 : i32
        %dma_start3A_390 = arith.constant 0 : i32
        %dma_start3A_391 = tpu.memref_slice %arg2[%dma_start3A_389, %dma_start3A_390] : memref<10000x128xf32, #tpu.memory_space<hbm>> -> memref<10000x128xf32, #tpu.memory_space<hbm>>
        tpu.enqueue_indirect_dma source(%dma_start3A_391 : memref<10000x128xf32, #tpu.memory_space<hbm>>) target(%arg13 : memref<80x128xf32, #tpu.memory_space<vmem>>) offsets(%arg7 : memref<80xi32, #tpu.memory_space<vmem>>) semaphore(%arg18 : memref<!tpu.dma_semaphore, #tpu.memory_space<semaphore_mem>>)
      } else {
      }
      %dma_wait3A_270 = arith.constant 0 : i32
      %dma_wait3A_271 = arith.constant 0 : i32
      %dma_wait3A_272 = tpu.memref_slice %arg2[%dma_wait3A_270, %dma_wait3A_271] : memref<10000x128xf32, #tpu.memory_space<hbm>> -> memref<10000x128xf32, #tpu.memory_space<hbm>>
      tpu.wait_indirect_dma semaphore(%arg19 : memref<!tpu.dma_semaphore, #tpu.memory_space<semaphore_mem>>) src(%dma_wait3A_272 : memref<10000x128xf32, #tpu.memory_space<hbm>>) dst(%arg14 : memref<80x128xf32, #tpu.memory_space<vmem>>)
      %dma_start3A_273 = arith.constant 0 : i32
      %dma_start3A_274 = arith.constant 0 : i32
      %dma_start3A_275 = tpu.memref_slice %arg16[%dma_start3A_273, %dma_start3A_274] : memref<10000x128xf32, #tpu.memory_space<vmem_shared>> -> memref<10000x128xf32, #tpu.memory_space<vmem_shared>>
      tpu.enqueue_indirect_dma source(%arg14 : memref<80x128xf32, #tpu.memory_space<vmem>>) target(%dma_start3A_275 : memref<10000x128xf32, #tpu.memory_space<vmem_shared>>) offsets(%arg10 : memref<80xi32, #tpu.memory_space<vmem>>) semaphore(%arg22 : memref<!tpu.dma_semaphore, #tpu.memory_space<semaphore_mem>>) {add = true}
      %mul3A_276 = arith.constant 3 : i32
      %mul3A_277 = arith.muli %mul3A_276, %scan3A_241 : i32
      %add3A_278 = arith.constant 2 : i32
      %add3A_279 = arith.addi %mul3A_277, %add3A_278 : i32
      %add3A_280 = arith.constant 2 : i32
      %add3A_281 = arith.addi %add3A_279, %add3A_280 : i32
      %lt3A_282 = arith.constant 125 : i32
      %lt3A_283 = arith.cmpi slt, %add3A_281, %lt3A_282 : i32
      %convert_element_type3A_284 = arith.extui %lt3A_283 : i1 to i32
      %cond3A_285 = arith.constant 0 : i32
      %cond3A_286 = arith.cmpi ne, %convert_element_type3A_284, %cond3A_285 : i32
      scf.if %cond3A_286 {
        %ge3A = arith.constant 1 : i32
        %ge3A_293 = arith.cmpi sge, %add3A_279, %ge3A : i32
        %convert_element_type3A_294 = arith.extui %ge3A_293 : i1 to i32
        %cond3A_295 = arith.constant 0 : i32
        %cond3A_296 = arith.cmpi ne, %convert_element_type3A_294, %cond3A_295 : i32
        scf.if %cond3A_296 {
          %dma_wait3A_392 = arith.constant 0 : i32
          %dma_wait3A_393 = arith.constant 0 : i32
          %dma_wait3A_394 = tpu.memref_slice %arg16[%dma_wait3A_392, %dma_wait3A_393] : memref<10000x128xf32, #tpu.memory_space<vmem_shared>> -> memref<10000x128xf32, #tpu.memory_space<vmem_shared>>
          tpu.wait_indirect_dma semaphore(%arg22 : memref<!tpu.dma_semaphore, #tpu.memory_space<semaphore_mem>>) src(%arg14 : memref<80x128xf32, #tpu.memory_space<vmem>>) dst(%dma_wait3A_394 : memref<10000x128xf32, #tpu.memory_space<vmem_shared>>)
        } else {
        }
        %add3A_297 = arith.constant 2 : i32
        %add3A_298 = arith.addi %add3A_279, %add3A_297 : i32
        %get3A_299 = arith.index_cast %add3A_298 : i32 to index
        %get3A_300 = arith.constant 0 : index
        %get3A_301 = tpu.vector_load %arg6[%get3A_299, %get3A_300] {strides = array<i32>} : memref<125x80xi32, #tpu.memory_space<vmem>>, vector<1x16xi32>,
        %get3A_302 = vector.shape_cast %get3A_301 : vector<1x16xi32> to vector<16xi32>
        %shift_right_logical3A_303 = arith.constant 16 : i32
        %shift_right_logical3A_304 = vector.broadcast %shift_right_logical3A_303 : i32 to vector<16xi32>
        %shift_right_logical3A_305 = arith.shrui %get3A_302, %shift_right_logical3A_304 : vector<16xi32>
        %swap3A_306 = arith.constant 0 : index
        %swap3A_307 = tpu.vector_load %arg9[%swap3A_306] {strides = array<i32>} : memref<80xi32, #tpu.memory_space<vmem>>, vector<16xi32>,
        %swap3A_308 = vector.shape_cast %swap3A_307 : vector<16xi32> to vector<16xi32>
        %swap3A_309 = vector.shape_cast %shift_right_logical3A_305 : vector<16xi32> to vector<16xi32>
        tpu.vector_store %arg9[%swap3A_306], %swap3A_309 {strides = array<i32>} : memref<80xi32, #tpu.memory_space<vmem>>, vector<16xi32>,
        %and3A_310 = arith.constant 65535 : i32
        %and3A_311 = vector.broadcast %and3A_310 : i32 to vector<16xi32>
        %and3A_312 = arith.andi %get3A_302, %and3A_311 : vector<16xi32>
        %swap3A_313 = arith.constant 0 : index
        %swap3A_314 = tpu.vector_load %arg10[%swap3A_313] {strides = array<i32>} : memref<80xi32, #tpu.memory_space<vmem>>, vector<16xi32>,
        %swap3A_315 = vector.shape_cast %swap3A_314 : vector<16xi32> to vector<16xi32>
        %swap3A_316 = vector.shape_cast %and3A_312 : vector<16xi32> to vector<16xi32>
        tpu.vector_store %arg10[%swap3A_313], %swap3A_316 {strides = array<i32>} : memref<80xi32, #tpu.memory_space<vmem>>, vector<16xi32>,
        %get3A_317 = arith.index_cast %add3A_298 : i32 to index
        %get3A_318 = arith.constant 16 : index
        %get3A_319 = tpu.vector_load %arg6[%get3A_317, %get3A_318] {strides = array<i32>} : memref<125x80xi32, #tpu.memory_space<vmem>>, vector<1x16xi32>,
        %get3A_320 = vector.shape_cast %get3A_319 : vector<1x16xi32> to vector<16xi32>
        %shift_right_logical3A_321 = arith.constant 16 : i32
        %shift_right_logical3A_322 = vector.broadcast %shift_right_logical3A_321 : i32 to vector<16xi32>
        %shift_right_logical3A_323 = arith.shrui %get3A_320, %shift_right_logical3A_322 : vector<16xi32>
        %swap3A_324 = arith.constant 16 : index
        %swap3A_325 = tpu.vector_load %arg9[%swap3A_324] {strides = array<i32>} : memref<80xi32, #tpu.memory_space<vmem>>, vector<16xi32>,
        %swap3A_326 = vector.shape_cast %swap3A_325 : vector<16xi32> to vector<16xi32>
        %swap3A_327 = vector.shape_cast %shift_right_logical3A_323 : vector<16xi32> to vector<16xi32>
        tpu.vector_store %arg9[%swap3A_324], %swap3A_327 {strides = array<i32>} : memref<80xi32, #tpu.memory_space<vmem>>, vector<16xi32>,
        %and3A_328 = arith.constant 65535 : i32
        %and3A_329 = vector.broadcast %and3A_328 : i32 to vector<16xi32>
        %and3A_330 = arith.andi %get3A_320, %and3A_329 : vector<16xi32>
        %swap3A_331 = arith.constant 16 : index
        %swap3A_332 = tpu.vector_load %arg10[%swap3A_331] {strides = array<i32>} : memref<80xi32, #tpu.memory_space<vmem>>, vector<16xi32>,
        %swap3A_333 = vector.shape_cast %swap3A_332 : vector<16xi32> to vector<16xi32>
        %swap3A_334 = vector.shape_cast %and3A_330 : vector<16xi32> to vector<16xi32>
        tpu.vector_store %arg10[%swap3A_331], %swap3A_334 {strides = array<i32>} : memref<80xi32, #tpu.memory_space<vmem>>, vector<16xi32>,
        %get3A_335 = arith.index_cast %add3A_298 : i32 to index
        %get3A_336 = arith.constant 32 : index
        %get3A_337 = tpu.vector_load %arg6[%get3A_335, %get3A_336] {strides = array<i32>} : memref<125x80xi32, #tpu.memory_space<vmem>>, vector<1x16xi32>,
        %get3A_338 = vector.shape_cast %get3A_337 : vector<1x16xi32> to vector<16xi32>
        %shift_right_logical3A_339 = arith.constant 16 : i32
        %shift_right_logical3A_340 = vector.broadcast %shift_right_logical3A_339 : i32 to vector<16xi32>
        %shift_right_logical3A_341 = arith.shrui %get3A_338, %shift_right_logical3A_340 : vector<16xi32>
        %swap3A_342 = arith.constant 32 : index
        %swap3A_343 = tpu.vector_load %arg9[%swap3A_342] {strides = array<i32>} : memref<80xi32, #tpu.memory_space<vmem>>, vector<16xi32>,
        %swap3A_344 = vector.shape_cast %swap3A_343 : vector<16xi32> to vector<16xi32>
        %swap3A_345 = vector.shape_cast %shift_right_logical3A_341 : vector<16xi32> to vector<16xi32>
        tpu.vector_store %arg9[%swap3A_342], %swap3A_345 {strides = array<i32>} : memref<80xi32, #tpu.memory_space<vmem>>, vector<16xi32>,
        %and3A_346 = arith.constant 65535 : i32
        %and3A_347 = vector.broadcast %and3A_346 : i32 to vector<16xi32>
        %and3A_348 = arith.andi %get3A_338, %and3A_347 : vector<16xi32>
        %swap3A_349 = arith.constant 32 : index
        %swap3A_350 = tpu.vector_load %arg10[%swap3A_349] {strides = array<i32>} : memref<80xi32, #tpu.memory_space<vmem>>, vector<16xi32>,
        %swap3A_351 = vector.shape_cast %swap3A_350 : vector<16xi32> to vector<16xi32>
        %swap3A_352 = vector.shape_cast %and3A_348 : vector<16xi32> to vector<16xi32>
        tpu.vector_store %arg10[%swap3A_349], %swap3A_352 {strides = array<i32>} : memref<80xi32, #tpu.memory_space<vmem>>, vector<16xi32>,
        %get3A_353 = arith.index_cast %add3A_298 : i32 to index
        %get3A_354 = arith.constant 48 : index
        %get3A_355 = tpu.vector_load %arg6[%get3A_353, %get3A_354] {strides = array<i32>} : memref<125x80xi32, #tpu.memory_space<vmem>>, vector<1x16xi32>,
        %get3A_356 = vector.shape_cast %get3A_355 : vector<1x16xi32> to vector<16xi32>
        %shift_right_logical3A_357 = arith.constant 16 : i32
        %shift_right_logical3A_358 = vector.broadcast %shift_right_logical3A_357 : i32 to vector<16xi32>
        %shift_right_logical3A_359 = arith.shrui %get3A_356, %shift_right_logical3A_358 : vector<16xi32>
        %swap3A_360 = arith.constant 48 : index
        %swap3A_361 = tpu.vector_load %arg9[%swap3A_360] {strides = array<i32>} : memref<80xi32, #tpu.memory_space<vmem>>, vector<16xi32>,
        %swap3A_362 = vector.shape_cast %swap3A_361 : vector<16xi32> to vector<16xi32>
        %swap3A_363 = vector.shape_cast %shift_right_logical3A_359 : vector<16xi32> to vector<16xi32>
        tpu.vector_store %arg9[%swap3A_360], %swap3A_363 {strides = array<i32>} : memref<80xi32, #tpu.memory_space<vmem>>, vector<16xi32>,
        %and3A_364 = arith.constant 65535 : i32
        %and3A_365 = vector.broadcast %and3A_364 : i32 to vector<16xi32>
        %and3A_366 = arith.andi %get3A_356, %and3A_365 : vector<16xi32>
        %swap3A_367 = arith.constant 48 : index
        %swap3A_368 = tpu.vector_load %arg10[%swap3A_367] {strides = array<i32>} : memref<80xi32, #tpu.memory_space<vmem>>, vector<16xi32>,
        %swap3A_369 = vector.shape_cast %swap3A_368 : vector<16xi32> to vector<16xi32>
        %swap3A_370 = vector.shape_cast %and3A_366 : vector<16xi32> to vector<16xi32>
        tpu.vector_store %arg10[%swap3A_367], %swap3A_370 {strides = array<i32>} : memref<80xi32, #tpu.memory_space<vmem>>, vector<16xi32>,
        %get3A_371 = arith.index_cast %add3A_298 : i32 to index
        %get3A_372 = arith.constant 64 : index
        %get3A_373 = tpu.vector_load %arg6[%get3A_371, %get3A_372] {strides = array<i32>} : memref<125x80xi32, #tpu.memory_space<vmem>>, vector<1x16xi32>,
        %get3A_374 = vector.shape_cast %get3A_373 : vector<1x16xi32> to vector<16xi32>
        %shift_right_logical3A_375 = arith.constant 16 : i32
        %shift_right_logical3A_376 = vector.broadcast %shift_right_logical3A_375 : i32 to vector<16xi32>
        %shift_right_logical3A_377 = arith.shrui %get3A_374, %shift_right_logical3A_376 : vector<16xi32>
        %swap3A_378 = arith.constant 64 : index
        %swap3A_379 = tpu.vector_load %arg9[%swap3A_378] {strides = array<i32>} : memref<80xi32, #tpu.memory_space<vmem>>, vector<16xi32>,
        %swap3A_380 = vector.shape_cast %swap3A_379 : vector<16xi32> to vector<16xi32>
        %swap3A_381 = vector.shape_cast %shift_right_logical3A_377 : vector<16xi32> to vector<16xi32>
        tpu.vector_store %arg9[%swap3A_378], %swap3A_381 {strides = array<i32>} : memref<80xi32, #tpu.memory_space<vmem>>, vector<16xi32>,
        %and3A_382 = arith.constant 65535 : i32
        %and3A_383 = vector.broadcast %and3A_382 : i32 to vector<16xi32>
        %and3A_384 = arith.andi %get3A_374, %and3A_383 : vector<16xi32>
        %swap3A_385 = arith.constant 64 : index
        %swap3A_386 = tpu.vector_load %arg10[%swap3A_385] {strides = array<i32>} : memref<80xi32, #tpu.memory_space<vmem>>, vector<16xi32>,
        %swap3A_387 = vector.shape_cast %swap3A_386 : vector<16xi32> to vector<16xi32>
        %swap3A_388 = vector.shape_cast %and3A_384 : vector<16xi32> to vector<16xi32>
        tpu.vector_store %arg10[%swap3A_385], %swap3A_388 {strides = array<i32>} : memref<80xi32, #tpu.memory_space<vmem>>, vector<16xi32>,
        %dma_start3A_389 = arith.constant 0 : i32
        %dma_start3A_390 = arith.constant 0 : i32
        %dma_start3A_391 = tpu.memref_slice %arg2[%dma_start3A_389, %dma_start3A_390] : memref<10000x128xf32, #tpu.memory_space<hbm>> -> memref<10000x128xf32, #tpu.memory_space<hbm>>
        tpu.enqueue_indirect_dma source(%dma_start3A_391 : memref<10000x128xf32, #tpu.memory_space<hbm>>) target(%arg14 : memref<80x128xf32, #tpu.memory_space<vmem>>) offsets(%arg9 : memref<80xi32, #tpu.memory_space<vmem>>) semaphore(%arg19 : memref<!tpu.dma_semaphore, #tpu.memory_space<semaphore_mem>>)
      } else {
      }
      %dma_wait3A_287 = arith.constant 0 : i32
      %dma_wait3A_288 = arith.constant 0 : i32
      %dma_wait3A_289 = tpu.memref_slice %arg2[%dma_wait3A_287, %dma_wait3A_288] : memref<10000x128xf32, #tpu.memory_space<hbm>> -> memref<10000x128xf32, #tpu.memory_space<hbm>>
      tpu.wait_indirect_dma semaphore(%arg20 : memref<!tpu.dma_semaphore, #tpu.memory_space<semaphore_mem>>) src(%dma_wait3A_289 : memref<10000x128xf32, #tpu.memory_space<hbm>>) dst(%arg15 : memref<80x128xf32, #tpu.memory_space<vmem>>)
      %dma_start3A_290 = arith.constant 0 : i32
      %dma_start3A_291 = arith.constant 0 : i32
      %dma_start3A_292 = tpu.memref_slice %arg16[%dma_start3A_290, %dma_start3A_291] : memref<10000x128xf32, #tpu.memory_space<vmem_shared>> -> memref<10000x128xf32, #tpu.memory_space<vmem_shared>>
      tpu.enqueue_indirect_dma source(%arg15 : memref<80x128xf32, #tpu.memory_space<vmem>>) target(%dma_start3A_292 : memref<10000x128xf32, #tpu.memory_space<vmem_shared>>) offsets(%arg12 : memref<80xi32, #tpu.memory_space<vmem>>) semaphore(%arg23 : memref<!tpu.dma_semaphore, #tpu.memory_space<semaphore_mem>>) {add = true}
    }
    %scan3A_213 = arith.constant 41 : i32
    %dma_wait3A_214 = arith.constant 0 : i32
    %dma_wait3A_215 = arith.constant 0 : i32
    %dma_wait3A_216 = tpu.memref_slice %arg2[%dma_wait3A_214, %dma_wait3A_215] : memref<10000x128xf32, #tpu.memory_space<hbm>> -> memref<10000x128xf32, #tpu.memory_space<hbm>>
    tpu.wait_indirect_dma semaphore(%arg18 : memref<!tpu.dma_semaphore, #tpu.memory_space<semaphore_mem>>) src(%dma_wait3A_216 : memref<10000x128xf32, #tpu.memory_space<hbm>>) dst(%arg13 : memref<80x128xf32, #tpu.memory_space<vmem>>)
    %dma_start3A_217 = arith.constant 0 : i32
    %dma_start3A_218 = arith.constant 0 : i32
    %dma_start3A_219 = tpu.memref_slice %arg16[%dma_start3A_217, %dma_start3A_218] : memref<10000x128xf32, #tpu.memory_space<vmem_shared>> -> memref<10000x128xf32, #tpu.memory_space<vmem_shared>>
    tpu.enqueue_indirect_dma source(%arg13 : memref<80x128xf32, #tpu.memory_space<vmem>>) target(%dma_start3A_219 : memref<10000x128xf32, #tpu.memory_space<vmem_shared>>) offsets(%arg8 : memref<80xi32, #tpu.memory_space<vmem>>) semaphore(%arg21 : memref<!tpu.dma_semaphore, #tpu.memory_space<semaphore_mem>>) {add = true}
    %dma_wait3A_220 = arith.constant 0 : i32
    %dma_wait3A_221 = arith.constant 0 : i32
    %dma_wait3A_222 = tpu.memref_slice %arg2[%dma_wait3A_220, %dma_wait3A_221] : memref<10000x128xf32, #tpu.memory_space<hbm>> -> memref<10000x128xf32, #tpu.memory_space<hbm>>
    tpu.wait_indirect_dma semaphore(%arg19 : memref<!tpu.dma_semaphore, #tpu.memory_space<semaphore_mem>>) src(%dma_wait3A_222 : memref<10000x128xf32, #tpu.memory_space<hbm>>) dst(%arg14 : memref<80x128xf32, #tpu.memory_space<vmem>>)
    %dma_start3A_223 = arith.constant 0 : i32
    %dma_start3A_224 = arith.constant 0 : i32
    %dma_start3A_225 = tpu.memref_slice %arg16[%dma_start3A_223, %dma_start3A_224] : memref<10000x128xf32, #tpu.memory_space<vmem_shared>> -> memref<10000x128xf32, #tpu.memory_space<vmem_shared>>
    tpu.enqueue_indirect_dma source(%arg14 : memref<80x128xf32, #tpu.memory_space<vmem>>) target(%dma_start3A_225 : memref<10000x128xf32, #tpu.memory_space<vmem_shared>>) offsets(%arg10 : memref<80xi32, #tpu.memory_space<vmem>>) semaphore(%arg22 : memref<!tpu.dma_semaphore, #tpu.memory_space<semaphore_mem>>) {add = true}
    %dma_wait3A_226 = arith.constant 0 : i32
    %dma_wait3A_227 = arith.constant 0 : i32
    %dma_wait3A_228 = tpu.memref_slice %arg16[%dma_wait3A_226, %dma_wait3A_227] : memref<10000x128xf32, #tpu.memory_space<vmem_shared>> -> memref<10000x128xf32, #tpu.memory_space<vmem_shared>>
    tpu.wait_indirect_dma semaphore(%arg23 : memref<!tpu.dma_semaphore, #tpu.memory_space<semaphore_mem>>) src(%arg15 : memref<80x128xf32, #tpu.memory_space<vmem>>) dst(%dma_wait3A_228 : memref<10000x128xf32, #tpu.memory_space<vmem_shared>>)
    %dma_wait3A_229 = arith.constant 0 : i32
    %dma_wait3A_230 = arith.constant 0 : i32
    %dma_wait3A_231 = tpu.memref_slice %arg16[%dma_wait3A_229, %dma_wait3A_230] : memref<10000x128xf32, #tpu.memory_space<vmem_shared>> -> memref<10000x128xf32, #tpu.memory_space<vmem_shared>>
    tpu.wait_indirect_dma semaphore(%arg21 : memref<!tpu.dma_semaphore, #tpu.memory_space<semaphore_mem>>) src(%arg13 : memref<80x128xf32, #tpu.memory_space<vmem>>) dst(%dma_wait3A_231 : memref<10000x128xf32, #tpu.memory_space<vmem_shared>>)
    %dma_wait3A_232 = arith.constant 0 : i32
    %dma_wait3A_233 = arith.constant 0 : i32
    %dma_wait3A_234 = tpu.memref_slice %arg16[%dma_wait3A_232, %dma_wait3A_233] : memref<10000x128xf32, #tpu.memory_space<vmem_shared>> -> memref<10000x128xf32, #tpu.memory_space<vmem_shared>>
    tpu.wait_indirect_dma semaphore(%arg22 : memref<!tpu.dma_semaphore, #tpu.memory_space<semaphore_mem>>) src(%arg14 : memref<80x128xf32, #tpu.memory_space<vmem>>) dst(%dma_wait3A_234 : memref<10000x128xf32, #tpu.memory_space<vmem_shared>>)
    %barrier3A_235 = arith.constant 0 : index
    tpu.barrier barrier_id(%barrier3A_235)
    %lt3A_236 = arith.constant 10 : i32
    %lt3A_237 = arith.cmpi slt, %arg1, %lt3A_236 : i32
    %convert_element_type3A_238 = arith.extui %lt3A_237 : i1 to i32
    %cond3A_239 = arith.constant 0 : i32
    %cond3A_240 = arith.cmpi ne, %convert_element_type3A_238, %cond3A_239 : i32
    scf.if %cond3A_240 {
      %mul3A_241 = arith.constant 1000 : i32
      %mul3A_242 = arith.muli %arg1, %mul3A_241 : i32
      "tpu.region"() ({
        %run_scoped3A = tpu.sem_alloc : memref<!tpu.dma_semaphore, #tpu.memory_space<semaphore_mem>>
        %dma_start3A_243 = arith.constant 0 : i32
        %dma_start3A_244 = tpu.memref_slice %arg5[%arg0, %mul3A_242, %dma_start3A_243] : memref<2x10000x128xf32, #tpu.memory_space<hbm>> -> memref<1x1000x128xf32, #tpu.memory_space<hbm>>
        %dma_start3A_245 = tpu.memref_squeeze %dma_start3A_244 : memref<1x1000x128xf32, #tpu.memory_space<hbm>> -> memref<1000x128xf32, #tpu.memory_space<hbm>>
        %dma_start3A_246 = arith.constant 0 : i32
        %dma_start3A_247 = tpu.memref_slice %arg16[%mul3A_242, %dma_start3A_246] : memref<10000x128xf32, #tpu.memory_space<vmem_shared>> -> memref<1000x128xf32, #tpu.memory_space<vmem_shared>>
        tpu.enqueue_dma source(%dma_start3A_247 : memref<1000x128xf32, #tpu.memory_space<vmem_shared>>) target(%dma_start3A_245 : memref<1000x128xf32, #tpu.memory_space<hbm>>) target_semaphore(%run_scoped3A : memref<!tpu.dma_semaphore, #tpu.memory_space<semaphore_mem>>)
        %dma_wait3A_248 = arith.constant 0 : i32
        %dma_wait3A_249 = tpu.memref_slice %arg5[%arg0, %mul3A_242, %dma_wait3A_248] : memref<2x10000x128xf32, #tpu.memory_space<hbm>> -> memref<1x1000x128xf32, #tpu.memory_space<hbm>>
        %dma_wait3A_250 = tpu.memref_squeeze %dma_wait3A_249 : memref<1x1000x128xf32, #tpu.memory_space<hbm>> -> memref<1000x128xf32, #tpu.memory_space<hbm>>
        %dma_wait3A_251 = arith.constant 0 : i32
        %dma_wait3A_252 = tpu.memref_slice %arg16[%mul3A_242, %dma_wait3A_251] : memref<10000x128xf32, #tpu.memory_space<vmem_shared>> -> memref<1000x128xf32, #tpu.memory_space<vmem_shared>>
        tpu.wait_dma2 semaphore(%run_scoped3A : memref<!tpu.dma_semaphore, #tpu.memory_space<semaphore_mem>>) src(%dma_wait3A_252 : memref<1000x128xf32, #tpu.memory_space<vmem_shared>>) dst(%dma_wait3A_250 : memref<1000x128xf32, #tpu.memory_space<hbm>>)
        tpu.yield
      }) : () -> ()
    } else {
    }
    return
  }
}

#map = affine_map<(d0, d1) -> (0, 0)>
#map1 = affine_map<(d0, d1) -> (0, 0, 0)>
module attributes {stable_mosaic.version = 14 : i64} {
  func.func @_agg_body(%arg0: i32, %arg1: i32, %arg2: memref<10000x128xf32, #tpu.memory_space<hbm>>, %arg3: memref<10000x128xf32, #tpu.memory_space<hbm>>, %arg4: memref<32x125x80xi32, #tpu.memory_space<hbm>>, %arg5: memref<2x10000x128xf32, #tpu.memory_space<hbm>>, %arg6: memref<125x80xi32, #tpu.memory_space<vmem>>, %arg7: memref<80xi32, #tpu.memory_space<vmem>>, %arg8: memref<80xi32, #tpu.memory_space<vmem>>, %arg9: memref<80xi32, #tpu.memory_space<vmem>>, %arg10: memref<80xi32, #tpu.memory_space<vmem>>, %arg11: memref<80xi32, #tpu.memory_space<vmem>>, %arg12: memref<80xi32, #tpu.memory_space<vmem>>, %arg13: memref<80x128xf32, #tpu.memory_space<vmem>>, %arg14: memref<80x128xf32, #tpu.memory_space<vmem>>, %arg15: memref<80x128xf32, #tpu.memory_space<vmem>>, %arg16: memref<10000x128xf32, #tpu.memory_space<vmem_shared>>, %arg17: memref<!tpu.dma_semaphore, #tpu.memory_space<semaphore_mem>>, %arg18: memref<!tpu.dma_semaphore, #tpu.memory_space<semaphore_mem>>, %arg19: memref<!tpu.dma_semaphore, #tpu.memory_space<semaphore_mem>>, %arg20: memref<!tpu.dma_semaphore, #tpu.memory_space<semaphore_mem>>, %arg21: memref<!tpu.dma_semaphore, #tpu.memory_space<semaphore_mem>>, %arg22: memref<!tpu.dma_semaphore, #tpu.memory_space<semaphore_mem>>, %arg23: memref<!tpu.dma_semaphore, #tpu.memory_space<semaphore_mem>>) attributes {dimension_semantics = [#tpu.dimension_semantics<core_parallel>, #tpu.dimension_semantics<subcore_parallel>], iteration_bounds = array<i64: 2, 16>, scalar_prefetch = 0 : i64, scratch_operands = 18 : i64, tpu.core_type = #tpu.core_type<sc_vector_subcore>, window_params = [{transform_indices = #map}, {transform_indices = #map}, {transform_indices = #map1}, {transform_indices = #map1}]} {
    %mul3A = arith.constant 2 : i32
    %mul3A_0 = arith.muli %arg1, %mul3A : i32
    %add3A = arith.addi %mul3A_0, %arg0 : i32
    %dma_start3A = arith.constant 0 : i32
    %dma_start3A_1 = arith.constant 0 : i32
    %dma_start3A_2 = tpu.memref_slice %arg4[%add3A, %dma_start3A, %dma_start3A_1] : memref<32x125x80xi32, #tpu.memory_space<hbm>> -> memref<1x125x80xi32, #tpu.memory_space<hbm>>
    %dma_start3A_3 = tpu.memref_squeeze %dma_start3A_2 : memref<1x125x80xi32, #tpu.memory_space<hbm>> -> memref<125x80xi32, #tpu.memory_space<hbm>>
    %dma_start3A_4 = arith.constant 0 : i32
    %dma_start3A_5 = arith.constant 0 : i32
    %dma_start3A_6 = tpu.memref_slice %arg4[%add3A, %dma_start3A_4, %dma_start3A_5] : memref<32x125x80xi32, #tpu.memory_space<hbm>> -> memref<1x125x80xi32, #tpu.memory_space<hbm>>
    %dma_start3A_7 = tpu.memref_squeeze %dma_start3A_6 : memref<1x125x80xi32, #tpu.memory_space<hbm>> -> memref<125x80xi32, #tpu.memory_space<hbm>>
    tpu.enqueue_dma source(%dma_start3A_7 : memref<125x80xi32, #tpu.memory_space<hbm>>) target(%arg6 : memref<125x80xi32, #tpu.memory_space<vmem>>) target_semaphore(%arg17 : memref<!tpu.dma_semaphore, #tpu.memory_space<semaphore_mem>>)
    %lt3A = arith.constant 10 : i32
    %lt3A_8 = arith.cmpi slt, %arg1, %lt3A : i32
    %convert_element_type3A = arith.extui %lt3A_8 : i1 to i32
    %cond3A = arith.constant 0 : i32
    %cond3A_9 = arith.cmpi ne, %convert_element_type3A, %cond3A : i32
    scf.if %cond3A_9 {
      %mul3A_241 = arith.constant 1000 : i32
      %mul3A_242 = arith.muli %arg1, %mul3A_241 : i32
      %eq3A = arith.constant 0 : i32
      %eq3A_243 = arith.cmpi eq, %arg0, %eq3A : i32
      %convert_element_type3A_244 = arith.extui %eq3A_243 : i1 to i32
      %cond3A_245 = arith.constant 0 : i32
      %cond3A_246 = arith.cmpi ne, %convert_element_type3A_244, %cond3A_245 : i32
      scf.if %cond3A_246 {
        "tpu.region"() ({
          %run_scoped3A = tpu.sem_alloc : memref<!tpu.dma_semaphore, #tpu.memory_space<semaphore_mem>>
          %dma_start3A_252 = arith.constant 0 : i32
          %dma_start3A_253 = tpu.memref_slice %arg16[%mul3A_242, %dma_start3A_252] : memref<10000x128xf32, #tpu.memory_space<vmem_shared>> -> memref<1000x128xf32, #tpu.memory_space<vmem_shared>>
          %dma_start3A_254 = arith.constant 0 : i32
          %dma_start3A_255 = tpu.memref_slice %arg2[%mul3A_242, %dma_start3A_254] : memref<10000x128xf32, #tpu.memory_space<hbm>> -> memref<1000x128xf32, #tpu.memory_space<hbm>>
          tpu.enqueue_dma source(%dma_start3A_255 : memref<1000x128xf32, #tpu.memory_space<hbm>>) target(%dma_start3A_253 : memref<1000x128xf32, #tpu.memory_space<vmem_shared>>) target_semaphore(%run_scoped3A : memref<!tpu.dma_semaphore, #tpu.memory_space<semaphore_mem>>)
          %dma_wait3A_256 = arith.constant 0 : i32
          %dma_wait3A_257 = tpu.memref_slice %arg16[%mul3A_242, %dma_wait3A_256] : memref<10000x128xf32, #tpu.memory_space<vmem_shared>> -> memref<1000x128xf32, #tpu.memory_space<vmem_shared>>
          %dma_wait3A_258 = arith.constant 0 : i32
          %dma_wait3A_259 = tpu.memref_slice %arg2[%mul3A_242, %dma_wait3A_258] : memref<10000x128xf32, #tpu.memory_space<hbm>> -> memref<1000x128xf32, #tpu.memory_space<hbm>>
          tpu.wait_dma2 semaphore(%run_scoped3A : memref<!tpu.dma_semaphore, #tpu.memory_space<semaphore_mem>>) src(%dma_wait3A_259 : memref<1000x128xf32, #tpu.memory_space<hbm>>) dst(%dma_wait3A_257 : memref<1000x128xf32, #tpu.memory_space<vmem_shared>>)
          tpu.yield
        }) : () -> ()
      } else {
      }
      %eq3A_247 = arith.constant 1 : i32
      %eq3A_248 = arith.cmpi eq, %arg0, %eq3A_247 : i32
      %convert_element_type3A_249 = arith.extui %eq3A_248 : i1 to i32
      %cond3A_250 = arith.constant 0 : i32
      %cond3A_251 = arith.cmpi ne, %convert_element_type3A_249, %cond3A_250 : i32
      scf.if %cond3A_251 {
        "tpu.region"() ({
          %run_scoped3A = tpu.sem_alloc : memref<!tpu.dma_semaphore, #tpu.memory_space<semaphore_mem>>
          %dma_start3A_252 = arith.constant 0 : i32
          %dma_start3A_253 = tpu.memref_slice %arg16[%mul3A_242, %dma_start3A_252] : memref<10000x128xf32, #tpu.memory_space<vmem_shared>> -> memref<1000x128xf32, #tpu.memory_space<vmem_shared>>
          %dma_start3A_254 = arith.constant 0 : i32
          %dma_start3A_255 = tpu.memref_slice %arg3[%mul3A_242, %dma_start3A_254] : memref<10000x128xf32, #tpu.memory_space<hbm>> -> memref<1000x128xf32, #tpu.memory_space<hbm>>
          tpu.enqueue_dma source(%dma_start3A_255 : memref<1000x128xf32, #tpu.memory_space<hbm>>) target(%dma_start3A_253 : memref<1000x128xf32, #tpu.memory_space<vmem_shared>>) target_semaphore(%run_scoped3A : memref<!tpu.dma_semaphore, #tpu.memory_space<semaphore_mem>>)
          %dma_wait3A_256 = arith.constant 0 : i32
          %dma_wait3A_257 = tpu.memref_slice %arg16[%mul3A_242, %dma_wait3A_256] : memref<10000x128xf32, #tpu.memory_space<vmem_shared>> -> memref<1000x128xf32, #tpu.memory_space<vmem_shared>>
          %dma_wait3A_258 = arith.constant 0 : i32
          %dma_wait3A_259 = tpu.memref_slice %arg3[%mul3A_242, %dma_wait3A_258] : memref<10000x128xf32, #tpu.memory_space<hbm>> -> memref<1000x128xf32, #tpu.memory_space<hbm>>
          tpu.wait_dma2 semaphore(%run_scoped3A : memref<!tpu.dma_semaphore, #tpu.memory_space<semaphore_mem>>) src(%dma_wait3A_259 : memref<1000x128xf32, #tpu.memory_space<hbm>>) dst(%dma_wait3A_257 : memref<1000x128xf32, #tpu.memory_space<vmem_shared>>)
          tpu.yield
        }) : () -> ()
      } else {
      }
    } else {
    }
    %dma_wait3A = arith.constant 0 : i32
    %dma_wait3A_10 = arith.constant 0 : i32
    %dma_wait3A_11 = tpu.memref_slice %arg4[%add3A, %dma_wait3A, %dma_wait3A_10] : memref<32x125x80xi32, #tpu.memory_space<hbm>> -> memref<1x125x80xi32, #tpu.memory_space<hbm>>
    %dma_wait3A_12 = tpu.memref_squeeze %dma_wait3A_11 : memref<1x125x80xi32, #tpu.memory_space<hbm>> -> memref<125x80xi32, #tpu.memory_space<hbm>>
    %dma_wait3A_13 = arith.constant 0 : i32
    %dma_wait3A_14 = arith.constant 0 : i32
    %dma_wait3A_15 = tpu.memref_slice %arg4[%add3A, %dma_wait3A_13, %dma_wait3A_14] : memref<32x125x80xi32, #tpu.memory_space<hbm>> -> memref<1x125x80xi32, #tpu.memory_space<hbm>>
    %dma_wait3A_16 = tpu.memref_squeeze %dma_wait3A_15 : memref<1x125x80xi32, #tpu.memory_space<hbm>> -> memref<125x80xi32, #tpu.memory_space<hbm>>
    tpu.wait_dma2 semaphore(%arg17 : memref<!tpu.dma_semaphore, #tpu.memory_space<semaphore_mem>>) src(%dma_wait3A_16 : memref<125x80xi32, #tpu.memory_space<hbm>>) dst(%arg6 : memref<125x80xi32, #tpu.memory_space<vmem>>)
    %get3A = arith.constant 0 : i32
    %get3A_17 = arith.index_cast %get3A : i32 to index
    %get3A_18 = arith.constant 0 : index
    %get3A_19 = tpu.vector_load %arg6[%get3A_17, %get3A_18] {strides = array<i32>} : memref<125x80xi32, #tpu.memory_space<vmem>>, vector<1x16xi32>,
    %get3A_20 = vector.shape_cast %get3A_19 : vector<1x16xi32> to vector<16xi32>
    %shift_right_logical3A = arith.constant 16 : i32
    %shift_right_logical3A_21 = vector.broadcast %shift_right_logical3A : i32 to vector<16xi32>
    %shift_right_logical3A_22 = arith.shrui %get3A_20, %shift_right_logical3A_21 : vector<16xi32>
    %swap3A = arith.constant 0 : index
    %swap3A_23 = tpu.vector_load %arg7[%swap3A] {strides = array<i32>} : memref<80xi32, #tpu.memory_space<vmem>>, vector<16xi32>,
    %swap3A_24 = vector.shape_cast %swap3A_23 : vector<16xi32> to vector<16xi32>
    %swap3A_25 = vector.shape_cast %shift_right_logical3A_22 : vector<16xi32> to vector<16xi32>
    tpu.vector_store %arg7[%swap3A], %swap3A_25 {strides = array<i32>} : memref<80xi32, #tpu.memory_space<vmem>>, vector<16xi32>,
    %and3A = arith.constant 65535 : i32
    %and3A_26 = vector.broadcast %and3A : i32 to vector<16xi32>
    %and3A_27 = arith.andi %get3A_20, %and3A_26 : vector<16xi32>
    %swap3A_28 = arith.constant 0 : index
    %swap3A_29 = tpu.vector_load %arg8[%swap3A_28] {strides = array<i32>} : memref<80xi32, #tpu.memory_space<vmem>>, vector<16xi32>,
    %swap3A_30 = vector.shape_cast %swap3A_29 : vector<16xi32> to vector<16xi32>
    %swap3A_31 = vector.shape_cast %and3A_27 : vector<16xi32> to vector<16xi32>
    tpu.vector_store %arg8[%swap3A_28], %swap3A_31 {strides = array<i32>} : memref<80xi32, #tpu.memory_space<vmem>>, vector<16xi32>,
    %get3A_32 = arith.constant 0 : i32
    %get3A_33 = arith.index_cast %get3A_32 : i32 to index
    %get3A_34 = arith.constant 16 : index
    %get3A_35 = tpu.vector_load %arg6[%get3A_33, %get3A_34] {strides = array<i32>} : memref<125x80xi32, #tpu.memory_space<vmem>>, vector<1x16xi32>,
    %get3A_36 = vector.shape_cast %get3A_35 : vector<1x16xi32> to vector<16xi32>
    %shift_right_logical3A_37 = arith.constant 16 : i32
    %shift_right_logical3A_38 = vector.broadcast %shift_right_logical3A_37 : i32 to vector<16xi32>
    %shift_right_logical3A_39 = arith.shrui %get3A_36, %shift_right_logical3A_38 : vector<16xi32>
    %swap3A_40 = arith.constant 16 : index
    %swap3A_41 = tpu.vector_load %arg7[%swap3A_40] {strides = array<i32>} : memref<80xi32, #tpu.memory_space<vmem>>, vector<16xi32>,
    %swap3A_42 = vector.shape_cast %swap3A_41 : vector<16xi32> to vector<16xi32>
    %swap3A_43 = vector.shape_cast %shift_right_logical3A_39 : vector<16xi32> to vector<16xi32>
    tpu.vector_store %arg7[%swap3A_40], %swap3A_43 {strides = array<i32>} : memref<80xi32, #tpu.memory_space<vmem>>, vector<16xi32>,
    %and3A_44 = arith.constant 65535 : i32
    %and3A_45 = vector.broadcast %and3A_44 : i32 to vector<16xi32>
    %and3A_46 = arith.andi %get3A_36, %and3A_45 : vector<16xi32>
    %swap3A_47 = arith.constant 16 : index
    %swap3A_48 = tpu.vector_load %arg8[%swap3A_47] {strides = array<i32>} : memref<80xi32, #tpu.memory_space<vmem>>, vector<16xi32>,
    %swap3A_49 = vector.shape_cast %swap3A_48 : vector<16xi32> to vector<16xi32>
    %swap3A_50 = vector.shape_cast %and3A_46 : vector<16xi32> to vector<16xi32>
    tpu.vector_store %arg8[%swap3A_47], %swap3A_50 {strides = array<i32>} : memref<80xi32, #tpu.memory_space<vmem>>, vector<16xi32>,
    %get3A_51 = arith.constant 0 : i32
    %get3A_52 = arith.index_cast %get3A_51 : i32 to index
    %get3A_53 = arith.constant 32 : index
    %get3A_54 = tpu.vector_load %arg6[%get3A_52, %get3A_53] {strides = array<i32>} : memref<125x80xi32, #tpu.memory_space<vmem>>, vector<1x16xi32>,
    %get3A_55 = vector.shape_cast %get3A_54 : vector<1x16xi32> to vector<16xi32>
    %shift_right_logical3A_56 = arith.constant 16 : i32
    %shift_right_logical3A_57 = vector.broadcast %shift_right_logical3A_56 : i32 to vector<16xi32>
    %shift_right_logical3A_58 = arith.shrui %get3A_55, %shift_right_logical3A_57 : vector<16xi32>
    %swap3A_59 = arith.constant 32 : index
    %swap3A_60 = tpu.vector_load %arg7[%swap3A_59] {strides = array<i32>} : memref<80xi32, #tpu.memory_space<vmem>>, vector<16xi32>,
    %swap3A_61 = vector.shape_cast %swap3A_60 : vector<16xi32> to vector<16xi32>
    %swap3A_62 = vector.shape_cast %shift_right_logical3A_58 : vector<16xi32> to vector<16xi32>
    tpu.vector_store %arg7[%swap3A_59], %swap3A_62 {strides = array<i32>} : memref<80xi32, #tpu.memory_space<vmem>>, vector<16xi32>,
    %and3A_63 = arith.constant 65535 : i32
    %and3A_64 = vector.broadcast %and3A_63 : i32 to vector<16xi32>
    %and3A_65 = arith.andi %get3A_55, %and3A_64 : vector<16xi32>
    %swap3A_66 = arith.constant 32 : index
    %swap3A_67 = tpu.vector_load %arg8[%swap3A_66] {strides = array<i32>} : memref<80xi32, #tpu.memory_space<vmem>>, vector<16xi32>,
    %swap3A_68 = vector.shape_cast %swap3A_67 : vector<16xi32> to vector<16xi32>
    %swap3A_69 = vector.shape_cast %and3A_65 : vector<16xi32> to vector<16xi32>
    tpu.vector_store %arg8[%swap3A_66], %swap3A_69 {strides = array<i32>} : memref<80xi32, #tpu.memory_space<vmem>>, vector<16xi32>,
    %get3A_70 = arith.constant 0 : i32
    %get3A_71 = arith.index_cast %get3A_70 : i32 to index
    %get3A_72 = arith.constant 48 : index
    %get3A_73 = tpu.vector_load %arg6[%get3A_71, %get3A_72] {strides = array<i32>} : memref<125x80xi32, #tpu.memory_space<vmem>>, vector<1x16xi32>,
    %get3A_74 = vector.shape_cast %get3A_73 : vector<1x16xi32> to vector<16xi32>
    %shift_right_logical3A_75 = arith.constant 16 : i32
    %shift_right_logical3A_76 = vector.broadcast %shift_right_logical3A_75 : i32 to vector<16xi32>
    %shift_right_logical3A_77 = arith.shrui %get3A_74, %shift_right_logical3A_76 : vector<16xi32>
    %swap3A_78 = arith.constant 48 : index
    %swap3A_79 = tpu.vector_load %arg7[%swap3A_78] {strides = array<i32>} : memref<80xi32, #tpu.memory_space<vmem>>, vector<16xi32>,
    %swap3A_80 = vector.shape_cast %swap3A_79 : vector<16xi32> to vector<16xi32>
    %swap3A_81 = vector.shape_cast %shift_right_logical3A_77 : vector<16xi32> to vector<16xi32>
    tpu.vector_store %arg7[%swap3A_78], %swap3A_81 {strides = array<i32>} : memref<80xi32, #tpu.memory_space<vmem>>, vector<16xi32>,
    %and3A_82 = arith.constant 65535 : i32
    %and3A_83 = vector.broadcast %and3A_82 : i32 to vector<16xi32>
    %and3A_84 = arith.andi %get3A_74, %and3A_83 : vector<16xi32>
    %swap3A_85 = arith.constant 48 : index
    %swap3A_86 = tpu.vector_load %arg8[%swap3A_85] {strides = array<i32>} : memref<80xi32, #tpu.memory_space<vmem>>, vector<16xi32>,
    %swap3A_87 = vector.shape_cast %swap3A_86 : vector<16xi32> to vector<16xi32>
    %swap3A_88 = vector.shape_cast %and3A_84 : vector<16xi32> to vector<16xi32>
    tpu.vector_store %arg8[%swap3A_85], %swap3A_88 {strides = array<i32>} : memref<80xi32, #tpu.memory_space<vmem>>, vector<16xi32>,
    %get3A_89 = arith.constant 0 : i32
    %get3A_90 = arith.index_cast %get3A_89 : i32 to index
    %get3A_91 = arith.constant 64 : index
    %get3A_92 = tpu.vector_load %arg6[%get3A_90, %get3A_91] {strides = array<i32>} : memref<125x80xi32, #tpu.memory_space<vmem>>, vector<1x16xi32>,
    %get3A_93 = vector.shape_cast %get3A_92 : vector<1x16xi32> to vector<16xi32>
    %shift_right_logical3A_94 = arith.constant 16 : i32
    %shift_right_logical3A_95 = vector.broadcast %shift_right_logical3A_94 : i32 to vector<16xi32>
    %shift_right_logical3A_96 = arith.shrui %get3A_93, %shift_right_logical3A_95 : vector<16xi32>
    %swap3A_97 = arith.constant 64 : index
    %swap3A_98 = tpu.vector_load %arg7[%swap3A_97] {strides = array<i32>} : memref<80xi32, #tpu.memory_space<vmem>>, vector<16xi32>,
    %swap3A_99 = vector.shape_cast %swap3A_98 : vector<16xi32> to vector<16xi32>
    %swap3A_100 = vector.shape_cast %shift_right_logical3A_96 : vector<16xi32> to vector<16xi32>
    tpu.vector_store %arg7[%swap3A_97], %swap3A_100 {strides = array<i32>} : memref<80xi32, #tpu.memory_space<vmem>>, vector<16xi32>,
    %and3A_101 = arith.constant 65535 : i32
    %and3A_102 = vector.broadcast %and3A_101 : i32 to vector<16xi32>
    %and3A_103 = arith.andi %get3A_93, %and3A_102 : vector<16xi32>
    %swap3A_104 = arith.constant 64 : index
    %swap3A_105 = tpu.vector_load %arg8[%swap3A_104] {strides = array<i32>} : memref<80xi32, #tpu.memory_space<vmem>>, vector<16xi32>,
    %swap3A_106 = vector.shape_cast %swap3A_105 : vector<16xi32> to vector<16xi32>
    %swap3A_107 = vector.shape_cast %and3A_103 : vector<16xi32> to vector<16xi32>
    tpu.vector_store %arg8[%swap3A_104], %swap3A_107 {strides = array<i32>} : memref<80xi32, #tpu.memory_space<vmem>>, vector<16xi32>,
    %dma_start3A_108 = arith.constant 0 : i32
    %dma_start3A_109 = arith.constant 0 : i32
    %dma_start3A_110 = tpu.memref_slice %arg2[%dma_start3A_108, %dma_start3A_109] : memref<10000x128xf32, #tpu.memory_space<hbm>> -> memref<10000x128xf32, #tpu.memory_space<hbm>>
    tpu.enqueue_indirect_dma source(%dma_start3A_110 : memref<10000x128xf32, #tpu.memory_space<hbm>>) target(%arg13 : memref<80x128xf32, #tpu.memory_space<vmem>>) offsets(%arg7 : memref<80xi32, #tpu.memory_space<vmem>>) semaphore(%arg18 : memref<!tpu.dma_semaphore, #tpu.memory_space<semaphore_mem>>)
    %get3A_111 = arith.constant 1 : i32
    %get3A_112 = arith.index_cast %get3A_111 : i32 to index
    %get3A_113 = arith.constant 0 : index
    %get3A_114 = tpu.vector_load %arg6[%get3A_112, %get3A_113] {strides = array<i32>} : memref<125x80xi32, #tpu.memory_space<vmem>>, vector<1x16xi32>,
    %get3A_115 = vector.shape_cast %get3A_114 : vector<1x16xi32> to vector<16xi32>
    %shift_right_logical3A_116 = arith.constant 16 : i32
    %shift_right_logical3A_117 = vector.broadcast %shift_right_logical3A_116 : i32 to vector<16xi32>
    %shift_right_logical3A_118 = arith.shrui %get3A_115, %shift_right_logical3A_117 : vector<16xi32>
    %swap3A_119 = arith.constant 0 : index
    %swap3A_120 = tpu.vector_load %arg9[%swap3A_119] {strides = array<i32>} : memref<80xi32, #tpu.memory_space<vmem>>, vector<16xi32>,
    %swap3A_121 = vector.shape_cast %swap3A_120 : vector<16xi32> to vector<16xi32>
    %swap3A_122 = vector.shape_cast %shift_right_logical3A_118 : vector<16xi32> to vector<16xi32>
    tpu.vector_store %arg9[%swap3A_119], %swap3A_122 {strides = array<i32>} : memref<80xi32, #tpu.memory_space<vmem>>, vector<16xi32>,
    %and3A_123 = arith.constant 65535 : i32
    %and3A_124 = vector.broadcast %and3A_123 : i32 to vector<16xi32>
    %and3A_125 = arith.andi %get3A_115, %and3A_124 : vector<16xi32>
    %swap3A_126 = arith.constant 0 : index
    %swap3A_127 = tpu.vector_load %arg10[%swap3A_126] {strides = array<i32>} : memref<80xi32, #tpu.memory_space<vmem>>, vector<16xi32>,
    %swap3A_128 = vector.shape_cast %swap3A_127 : vector<16xi32> to vector<16xi32>
    %swap3A_129 = vector.shape_cast %and3A_125 : vector<16xi32> to vector<16xi32>
    tpu.vector_store %arg10[%swap3A_126], %swap3A_129 {strides = array<i32>} : memref<80xi32, #tpu.memory_space<vmem>>, vector<16xi32>,
    %get3A_130 = arith.constant 1 : i32
    %get3A_131 = arith.index_cast %get3A_130 : i32 to index
    %get3A_132 = arith.constant 16 : index
    %get3A_133 = tpu.vector_load %arg6[%get3A_131, %get3A_132] {strides = array<i32>} : memref<125x80xi32, #tpu.memory_space<vmem>>, vector<1x16xi32>,
    %get3A_134 = vector.shape_cast %get3A_133 : vector<1x16xi32> to vector<16xi32>
    %shift_right_logical3A_135 = arith.constant 16 : i32
    %shift_right_logical3A_136 = vector.broadcast %shift_right_logical3A_135 : i32 to vector<16xi32>
    %shift_right_logical3A_137 = arith.shrui %get3A_134, %shift_right_logical3A_136 : vector<16xi32>
    %swap3A_138 = arith.constant 16 : index
    %swap3A_139 = tpu.vector_load %arg9[%swap3A_138] {strides = array<i32>} : memref<80xi32, #tpu.memory_space<vmem>>, vector<16xi32>,
    %swap3A_140 = vector.shape_cast %swap3A_139 : vector<16xi32> to vector<16xi32>
    %swap3A_141 = vector.shape_cast %shift_right_logical3A_137 : vector<16xi32> to vector<16xi32>
    tpu.vector_store %arg9[%swap3A_138], %swap3A_141 {strides = array<i32>} : memref<80xi32, #tpu.memory_space<vmem>>, vector<16xi32>,
    %and3A_142 = arith.constant 65535 : i32
    %and3A_143 = vector.broadcast %and3A_142 : i32 to vector<16xi32>
    %and3A_144 = arith.andi %get3A_134, %and3A_143 : vector<16xi32>
    %swap3A_145 = arith.constant 16 : index
    %swap3A_146 = tpu.vector_load %arg10[%swap3A_145] {strides = array<i32>} : memref<80xi32, #tpu.memory_space<vmem>>, vector<16xi32>,
    %swap3A_147 = vector.shape_cast %swap3A_146 : vector<16xi32> to vector<16xi32>
    %swap3A_148 = vector.shape_cast %and3A_144 : vector<16xi32> to vector<16xi32>
    tpu.vector_store %arg10[%swap3A_145], %swap3A_148 {strides = array<i32>} : memref<80xi32, #tpu.memory_space<vmem>>, vector<16xi32>,
    %get3A_149 = arith.constant 1 : i32
    %get3A_150 = arith.index_cast %get3A_149 : i32 to index
    %get3A_151 = arith.constant 32 : index
    %get3A_152 = tpu.vector_load %arg6[%get3A_150, %get3A_151] {strides = array<i32>} : memref<125x80xi32, #tpu.memory_space<vmem>>, vector<1x16xi32>,
    %get3A_153 = vector.shape_cast %get3A_152 : vector<1x16xi32> to vector<16xi32>
    %shift_right_logical3A_154 = arith.constant 16 : i32
    %shift_right_logical3A_155 = vector.broadcast %shift_right_logical3A_154 : i32 to vector<16xi32>
    %shift_right_logical3A_156 = arith.shrui %get3A_153, %shift_right_logical3A_155 : vector<16xi32>
    %swap3A_157 = arith.constant 32 : index
    %swap3A_158 = tpu.vector_load %arg9[%swap3A_157] {strides = array<i32>} : memref<80xi32, #tpu.memory_space<vmem>>, vector<16xi32>,
    %swap3A_159 = vector.shape_cast %swap3A_158 : vector<16xi32> to vector<16xi32>
    %swap3A_160 = vector.shape_cast %shift_right_logical3A_156 : vector<16xi32> to vector<16xi32>
    tpu.vector_store %arg9[%swap3A_157], %swap3A_160 {strides = array<i32>} : memref<80xi32, #tpu.memory_space<vmem>>, vector<16xi32>,
    %and3A_161 = arith.constant 65535 : i32
    %and3A_162 = vector.broadcast %and3A_161 : i32 to vector<16xi32>
    %and3A_163 = arith.andi %get3A_153, %and3A_162 : vector<16xi32>
    %swap3A_164 = arith.constant 32 : index
    %swap3A_165 = tpu.vector_load %arg10[%swap3A_164] {strides = array<i32>} : memref<80xi32, #tpu.memory_space<vmem>>, vector<16xi32>,
    %swap3A_166 = vector.shape_cast %swap3A_165 : vector<16xi32> to vector<16xi32>
    %swap3A_167 = vector.shape_cast %and3A_163 : vector<16xi32> to vector<16xi32>
    tpu.vector_store %arg10[%swap3A_164], %swap3A_167 {strides = array<i32>} : memref<80xi32, #tpu.memory_space<vmem>>, vector<16xi32>,
    %get3A_168 = arith.constant 1 : i32
    %get3A_169 = arith.index_cast %get3A_168 : i32 to index
    %get3A_170 = arith.constant 48 : index
    %get3A_171 = tpu.vector_load %arg6[%get3A_169, %get3A_170] {strides = array<i32>} : memref<125x80xi32, #tpu.memory_space<vmem>>, vector<1x16xi32>,
    %get3A_172 = vector.shape_cast %get3A_171 : vector<1x16xi32> to vector<16xi32>
    %shift_right_logical3A_173 = arith.constant 16 : i32
    %shift_right_logical3A_174 = vector.broadcast %shift_right_logical3A_173 : i32 to vector<16xi32>
    %shift_right_logical3A_175 = arith.shrui %get3A_172, %shift_right_logical3A_174 : vector<16xi32>
    %swap3A_176 = arith.constant 48 : index
    %swap3A_177 = tpu.vector_load %arg9[%swap3A_176] {strides = array<i32>} : memref<80xi32, #tpu.memory_space<vmem>>, vector<16xi32>,
    %swap3A_178 = vector.shape_cast %swap3A_177 : vector<16xi32> to vector<16xi32>
    %swap3A_179 = vector.shape_cast %shift_right_logical3A_175 : vector<16xi32> to vector<16xi32>
    tpu.vector_store %arg9[%swap3A_176], %swap3A_179 {strides = array<i32>} : memref<80xi32, #tpu.memory_space<vmem>>, vector<16xi32>,
    %and3A_180 = arith.constant 65535 : i32
    %and3A_181 = vector.broadcast %and3A_180 : i32 to vector<16xi32>
    %and3A_182 = arith.andi %get3A_172, %and3A_181 : vector<16xi32>
    %swap3A_183 = arith.constant 48 : index
    %swap3A_184 = tpu.vector_load %arg10[%swap3A_183] {strides = array<i32>} : memref<80xi32, #tpu.memory_space<vmem>>, vector<16xi32>,
    %swap3A_185 = vector.shape_cast %swap3A_184 : vector<16xi32> to vector<16xi32>
    %swap3A_186 = vector.shape_cast %and3A_182 : vector<16xi32> to vector<16xi32>
    tpu.vector_store %arg10[%swap3A_183], %swap3A_186 {strides = array<i32>} : memref<80xi32, #tpu.memory_space<vmem>>, vector<16xi32>,
    %get3A_187 = arith.constant 1 : i32
    %get3A_188 = arith.index_cast %get3A_187 : i32 to index
    %get3A_189 = arith.constant 64 : index
    %get3A_190 = tpu.vector_load %arg6[%get3A_188, %get3A_189] {strides = array<i32>} : memref<125x80xi32, #tpu.memory_space<vmem>>, vector<1x16xi32>,
    %get3A_191 = vector.shape_cast %get3A_190 : vector<1x16xi32> to vector<16xi32>
    %shift_right_logical3A_192 = arith.constant 16 : i32
    %shift_right_logical3A_193 = vector.broadcast %shift_right_logical3A_192 : i32 to vector<16xi32>
    %shift_right_logical3A_194 = arith.shrui %get3A_191, %shift_right_logical3A_193 : vector<16xi32>
    %swap3A_195 = arith.constant 64 : index
    %swap3A_196 = tpu.vector_load %arg9[%swap3A_195] {strides = array<i32>} : memref<80xi32, #tpu.memory_space<vmem>>, vector<16xi32>,
    %swap3A_197 = vector.shape_cast %swap3A_196 : vector<16xi32> to vector<16xi32>
    %swap3A_198 = vector.shape_cast %shift_right_logical3A_194 : vector<16xi32> to vector<16xi32>
    tpu.vector_store %arg9[%swap3A_195], %swap3A_198 {strides = array<i32>} : memref<80xi32, #tpu.memory_space<vmem>>, vector<16xi32>,
    %and3A_199 = arith.constant 65535 : i32
    %and3A_200 = vector.broadcast %and3A_199 : i32 to vector<16xi32>
    %and3A_201 = arith.andi %get3A_191, %and3A_200 : vector<16xi32>
    %swap3A_202 = arith.constant 64 : index
    %swap3A_203 = tpu.vector_load %arg10[%swap3A_202] {strides = array<i32>} : memref<80xi32, #tpu.memory_space<vmem>>, vector<16xi32>,
    %swap3A_204 = vector.shape_cast %swap3A_203 : vector<16xi32> to vector<16xi32>
    %swap3A_205 = vector.shape_cast %and3A_201 : vector<16xi32> to vector<16xi32>
    tpu.vector_store %arg10[%swap3A_202], %swap3A_205 {strides = array<i32>} : memref<80xi32, #tpu.memory_space<vmem>>, vector<16xi32>,
    %dma_start3A_206 = arith.constant 0 : i32
    %dma_start3A_207 = arith.constant 0 : i32
    %dma_start3A_208 = tpu.memref_slice %arg2[%dma_start3A_206, %dma_start3A_207] : memref<10000x128xf32, #tpu.memory_space<hbm>> -> memref<10000x128xf32, #tpu.memory_space<hbm>>
    tpu.enqueue_indirect_dma source(%dma_start3A_208 : memref<10000x128xf32, #tpu.memory_space<hbm>>) target(%arg14 : memref<80x128xf32, #tpu.memory_space<vmem>>) offsets(%arg9 : memref<80xi32, #tpu.memory_space<vmem>>) semaphore(%arg19 : memref<!tpu.dma_semaphore, #tpu.memory_space<semaphore_mem>>)
    %barrier3A = arith.constant 0 : index
    tpu.barrier barrier_id(%barrier3A)
    %scan3A = arith.constant 0 : i32
    %scan3A_209 = arith.constant 0 : i32
    %scan3A_210 = arith.constant 41 : i32
    %scan3A_211 = arith.addi %scan3A_209, %scan3A_210 : i32
    %scan3A_212 = arith.constant 1 : i32
    scf.for %scan3A_241 = %scan3A_209 to %scan3A_211 step %scan3A_212  : i32 {
      %mul3A_242 = arith.constant 3 : i32
      %mul3A_243 = arith.muli %mul3A_242, %scan3A_241 : i32
      %add3A_244 = arith.constant 0 : i32
      %add3A_245 = arith.addi %mul3A_243, %add3A_244 : i32
      %add3A_246 = arith.constant 2 : i32
      %add3A_247 = arith.addi %add3A_245, %add3A_246 : i32
      %lt3A_248 = arith.constant 125 : i32
      %lt3A_249 = arith.cmpi slt, %add3A_247, %lt3A_248 : i32
      %convert_element_type3A_250 = arith.extui %lt3A_249 : i1 to i32
      %cond3A_251 = arith.constant 0 : i32
      %cond3A_252 = arith.cmpi ne, %convert_element_type3A_250, %cond3A_251 : i32
      scf.if %cond3A_252 {
        %ge3A = arith.constant 1 : i32
        %ge3A_293 = arith.cmpi sge, %add3A_245, %ge3A : i32
        %convert_element_type3A_294 = arith.extui %ge3A_293 : i1 to i32
        %cond3A_295 = arith.constant 0 : i32
        %cond3A_296 = arith.cmpi ne, %convert_element_type3A_294, %cond3A_295 : i32
        scf.if %cond3A_296 {
          %dma_wait3A_392 = arith.constant 0 : i32
          %dma_wait3A_393 = arith.constant 0 : i32
          %dma_wait3A_394 = tpu.memref_slice %arg16[%dma_wait3A_392, %dma_wait3A_393] : memref<10000x128xf32, #tpu.memory_space<vmem_shared>> -> memref<10000x128xf32, #tpu.memory_space<vmem_shared>>
          tpu.wait_indirect_dma semaphore(%arg23 : memref<!tpu.dma_semaphore, #tpu.memory_space<semaphore_mem>>) src(%arg15 : memref<80x128xf32, #tpu.memory_space<vmem>>) dst(%dma_wait3A_394 : memref<10000x128xf32, #tpu.memory_space<vmem_shared>>)
        } else {
        }
        %add3A_297 = arith.constant 2 : i32
        %add3A_298 = arith.addi %add3A_245, %add3A_297 : i32
        %get3A_299 = arith.index_cast %add3A_298 : i32 to index
        %get3A_300 = arith.constant 0 : index
        %get3A_301 = tpu.vector_load %arg6[%get3A_299, %get3A_300] {strides = array<i32>} : memref<125x80xi32, #tpu.memory_space<vmem>>, vector<1x16xi32>,
        %get3A_302 = vector.shape_cast %get3A_301 : vector<1x16xi32> to vector<16xi32>
        %shift_right_logical3A_303 = arith.constant 16 : i32
        %shift_right_logical3A_304 = vector.broadcast %shift_right_logical3A_303 : i32 to vector<16xi32>
        %shift_right_logical3A_305 = arith.shrui %get3A_302, %shift_right_logical3A_304 : vector<16xi32>
        %swap3A_306 = arith.constant 0 : index
        %swap3A_307 = tpu.vector_load %arg11[%swap3A_306] {strides = array<i32>} : memref<80xi32, #tpu.memory_space<vmem>>, vector<16xi32>,
        %swap3A_308 = vector.shape_cast %swap3A_307 : vector<16xi32> to vector<16xi32>
        %swap3A_309 = vector.shape_cast %shift_right_logical3A_305 : vector<16xi32> to vector<16xi32>
        tpu.vector_store %arg11[%swap3A_306], %swap3A_309 {strides = array<i32>} : memref<80xi32, #tpu.memory_space<vmem>>, vector<16xi32>,
        %and3A_310 = arith.constant 65535 : i32
        %and3A_311 = vector.broadcast %and3A_310 : i32 to vector<16xi32>
        %and3A_312 = arith.andi %get3A_302, %and3A_311 : vector<16xi32>
        %swap3A_313 = arith.constant 0 : index
        %swap3A_314 = tpu.vector_load %arg12[%swap3A_313] {strides = array<i32>} : memref<80xi32, #tpu.memory_space<vmem>>, vector<16xi32>,
        %swap3A_315 = vector.shape_cast %swap3A_314 : vector<16xi32> to vector<16xi32>
        %swap3A_316 = vector.shape_cast %and3A_312 : vector<16xi32> to vector<16xi32>
        tpu.vector_store %arg12[%swap3A_313], %swap3A_316 {strides = array<i32>} : memref<80xi32, #tpu.memory_space<vmem>>, vector<16xi32>,
        %get3A_317 = arith.index_cast %add3A_298 : i32 to index
        %get3A_318 = arith.constant 16 : index
        %get3A_319 = tpu.vector_load %arg6[%get3A_317, %get3A_318] {strides = array<i32>} : memref<125x80xi32, #tpu.memory_space<vmem>>, vector<1x16xi32>,
        %get3A_320 = vector.shape_cast %get3A_319 : vector<1x16xi32> to vector<16xi32>
        %shift_right_logical3A_321 = arith.constant 16 : i32
        %shift_right_logical3A_322 = vector.broadcast %shift_right_logical3A_321 : i32 to vector<16xi32>
        %shift_right_logical3A_323 = arith.shrui %get3A_320, %shift_right_logical3A_322 : vector<16xi32>
        %swap3A_324 = arith.constant 16 : index
        %swap3A_325 = tpu.vector_load %arg11[%swap3A_324] {strides = array<i32>} : memref<80xi32, #tpu.memory_space<vmem>>, vector<16xi32>,
        %swap3A_326 = vector.shape_cast %swap3A_325 : vector<16xi32> to vector<16xi32>
        %swap3A_327 = vector.shape_cast %shift_right_logical3A_323 : vector<16xi32> to vector<16xi32>
        tpu.vector_store %arg11[%swap3A_324], %swap3A_327 {strides = array<i32>} : memref<80xi32, #tpu.memory_space<vmem>>, vector<16xi32>,
        %and3A_328 = arith.constant 65535 : i32
        %and3A_329 = vector.broadcast %and3A_328 : i32 to vector<16xi32>
        %and3A_330 = arith.andi %get3A_320, %and3A_329 : vector<16xi32>
        %swap3A_331 = arith.constant 16 : index
        %swap3A_332 = tpu.vector_load %arg12[%swap3A_331] {strides = array<i32>} : memref<80xi32, #tpu.memory_space<vmem>>, vector<16xi32>,
        %swap3A_333 = vector.shape_cast %swap3A_332 : vector<16xi32> to vector<16xi32>
        %swap3A_334 = vector.shape_cast %and3A_330 : vector<16xi32> to vector<16xi32>
        tpu.vector_store %arg12[%swap3A_331], %swap3A_334 {strides = array<i32>} : memref<80xi32, #tpu.memory_space<vmem>>, vector<16xi32>,
        %get3A_335 = arith.index_cast %add3A_298 : i32 to index
        %get3A_336 = arith.constant 32 : index
        %get3A_337 = tpu.vector_load %arg6[%get3A_335, %get3A_336] {strides = array<i32>} : memref<125x80xi32, #tpu.memory_space<vmem>>, vector<1x16xi32>,
        %get3A_338 = vector.shape_cast %get3A_337 : vector<1x16xi32> to vector<16xi32>
        %shift_right_logical3A_339 = arith.constant 16 : i32
        %shift_right_logical3A_340 = vector.broadcast %shift_right_logical3A_339 : i32 to vector<16xi32>
        %shift_right_logical3A_341 = arith.shrui %get3A_338, %shift_right_logical3A_340 : vector<16xi32>
        %swap3A_342 = arith.constant 32 : index
        %swap3A_343 = tpu.vector_load %arg11[%swap3A_342] {strides = array<i32>} : memref<80xi32, #tpu.memory_space<vmem>>, vector<16xi32>,
        %swap3A_344 = vector.shape_cast %swap3A_343 : vector<16xi32> to vector<16xi32>
        %swap3A_345 = vector.shape_cast %shift_right_logical3A_341 : vector<16xi32> to vector<16xi32>
        tpu.vector_store %arg11[%swap3A_342], %swap3A_345 {strides = array<i32>} : memref<80xi32, #tpu.memory_space<vmem>>, vector<16xi32>,
        %and3A_346 = arith.constant 65535 : i32
        %and3A_347 = vector.broadcast %and3A_346 : i32 to vector<16xi32>
        %and3A_348 = arith.andi %get3A_338, %and3A_347 : vector<16xi32>
        %swap3A_349 = arith.constant 32 : index
        %swap3A_350 = tpu.vector_load %arg12[%swap3A_349] {strides = array<i32>} : memref<80xi32, #tpu.memory_space<vmem>>, vector<16xi32>,
        %swap3A_351 = vector.shape_cast %swap3A_350 : vector<16xi32> to vector<16xi32>
        %swap3A_352 = vector.shape_cast %and3A_348 : vector<16xi32> to vector<16xi32>
        tpu.vector_store %arg12[%swap3A_349], %swap3A_352 {strides = array<i32>} : memref<80xi32, #tpu.memory_space<vmem>>, vector<16xi32>,
        %get3A_353 = arith.index_cast %add3A_298 : i32 to index
        %get3A_354 = arith.constant 48 : index
        %get3A_355 = tpu.vector_load %arg6[%get3A_353, %get3A_354] {strides = array<i32>} : memref<125x80xi32, #tpu.memory_space<vmem>>, vector<1x16xi32>,
        %get3A_356 = vector.shape_cast %get3A_355 : vector<1x16xi32> to vector<16xi32>
        %shift_right_logical3A_357 = arith.constant 16 : i32
        %shift_right_logical3A_358 = vector.broadcast %shift_right_logical3A_357 : i32 to vector<16xi32>
        %shift_right_logical3A_359 = arith.shrui %get3A_356, %shift_right_logical3A_358 : vector<16xi32>
        %swap3A_360 = arith.constant 48 : index
        %swap3A_361 = tpu.vector_load %arg11[%swap3A_360] {strides = array<i32>} : memref<80xi32, #tpu.memory_space<vmem>>, vector<16xi32>,
        %swap3A_362 = vector.shape_cast %swap3A_361 : vector<16xi32> to vector<16xi32>
        %swap3A_363 = vector.shape_cast %shift_right_logical3A_359 : vector<16xi32> to vector<16xi32>
        tpu.vector_store %arg11[%swap3A_360], %swap3A_363 {strides = array<i32>} : memref<80xi32, #tpu.memory_space<vmem>>, vector<16xi32>,
        %and3A_364 = arith.constant 65535 : i32
        %and3A_365 = vector.broadcast %and3A_364 : i32 to vector<16xi32>
        %and3A_366 = arith.andi %get3A_356, %and3A_365 : vector<16xi32>
        %swap3A_367 = arith.constant 48 : index
        %swap3A_368 = tpu.vector_load %arg12[%swap3A_367] {strides = array<i32>} : memref<80xi32, #tpu.memory_space<vmem>>, vector<16xi32>,
        %swap3A_369 = vector.shape_cast %swap3A_368 : vector<16xi32> to vector<16xi32>
        %swap3A_370 = vector.shape_cast %and3A_366 : vector<16xi32> to vector<16xi32>
        tpu.vector_store %arg12[%swap3A_367], %swap3A_370 {strides = array<i32>} : memref<80xi32, #tpu.memory_space<vmem>>, vector<16xi32>,
        %get3A_371 = arith.index_cast %add3A_298 : i32 to index
        %get3A_372 = arith.constant 64 : index
        %get3A_373 = tpu.vector_load %arg6[%get3A_371, %get3A_372] {strides = array<i32>} : memref<125x80xi32, #tpu.memory_space<vmem>>, vector<1x16xi32>,
        %get3A_374 = vector.shape_cast %get3A_373 : vector<1x16xi32> to vector<16xi32>
        %shift_right_logical3A_375 = arith.constant 16 : i32
        %shift_right_logical3A_376 = vector.broadcast %shift_right_logical3A_375 : i32 to vector<16xi32>
        %shift_right_logical3A_377 = arith.shrui %get3A_374, %shift_right_logical3A_376 : vector<16xi32>
        %swap3A_378 = arith.constant 64 : index
        %swap3A_379 = tpu.vector_load %arg11[%swap3A_378] {strides = array<i32>} : memref<80xi32, #tpu.memory_space<vmem>>, vector<16xi32>,
        %swap3A_380 = vector.shape_cast %swap3A_379 : vector<16xi32> to vector<16xi32>
        %swap3A_381 = vector.shape_cast %shift_right_logical3A_377 : vector<16xi32> to vector<16xi32>
        tpu.vector_store %arg11[%swap3A_378], %swap3A_381 {strides = array<i32>} : memref<80xi32, #tpu.memory_space<vmem>>, vector<16xi32>,
        %and3A_382 = arith.constant 65535 : i32
        %and3A_383 = vector.broadcast %and3A_382 : i32 to vector<16xi32>
        %and3A_384 = arith.andi %get3A_374, %and3A_383 : vector<16xi32>
        %swap3A_385 = arith.constant 64 : index
        %swap3A_386 = tpu.vector_load %arg12[%swap3A_385] {strides = array<i32>} : memref<80xi32, #tpu.memory_space<vmem>>, vector<16xi32>,
        %swap3A_387 = vector.shape_cast %swap3A_386 : vector<16xi32> to vector<16xi32>
        %swap3A_388 = vector.shape_cast %and3A_384 : vector<16xi32> to vector<16xi32>
        tpu.vector_store %arg12[%swap3A_385], %swap3A_388 {strides = array<i32>} : memref<80xi32, #tpu.memory_space<vmem>>, vector<16xi32>,
        %dma_start3A_389 = arith.constant 0 : i32
        %dma_start3A_390 = arith.constant 0 : i32
        %dma_start3A_391 = tpu.memref_slice %arg2[%dma_start3A_389, %dma_start3A_390] : memref<10000x128xf32, #tpu.memory_space<hbm>> -> memref<10000x128xf32, #tpu.memory_space<hbm>>
        tpu.enqueue_indirect_dma source(%dma_start3A_391 : memref<10000x128xf32, #tpu.memory_space<hbm>>) target(%arg15 : memref<80x128xf32, #tpu.memory_space<vmem>>) offsets(%arg11 : memref<80xi32, #tpu.memory_space<vmem>>) semaphore(%arg20 : memref<!tpu.dma_semaphore, #tpu.memory_space<semaphore_mem>>)
      } else {
      }
      %dma_wait3A_253 = arith.constant 0 : i32
      %dma_wait3A_254 = arith.constant 0 : i32
      %dma_wait3A_255 = tpu.memref_slice %arg2[%dma_wait3A_253, %dma_wait3A_254] : memref<10000x128xf32, #tpu.memory_space<hbm>> -> memref<10000x128xf32, #tpu.memory_space<hbm>>
      tpu.wait_indirect_dma semaphore(%arg18 : memref<!tpu.dma_semaphore, #tpu.memory_space<semaphore_mem>>) src(%dma_wait3A_255 : memref<10000x128xf32, #tpu.memory_space<hbm>>) dst(%arg13 : memref<80x128xf32, #tpu.memory_space<vmem>>)
      %dma_start3A_256 = arith.constant 0 : i32
      %dma_start3A_257 = arith.constant 0 : i32
      %dma_start3A_258 = tpu.memref_slice %arg16[%dma_start3A_256, %dma_start3A_257] : memref<10000x128xf32, #tpu.memory_space<vmem_shared>> -> memref<10000x128xf32, #tpu.memory_space<vmem_shared>>
      tpu.enqueue_indirect_dma source(%arg13 : memref<80x128xf32, #tpu.memory_space<vmem>>) target(%dma_start3A_258 : memref<10000x128xf32, #tpu.memory_space<vmem_shared>>) offsets(%arg8 : memref<80xi32, #tpu.memory_space<vmem>>) semaphore(%arg21 : memref<!tpu.dma_semaphore, #tpu.memory_space<semaphore_mem>>) {add = true}
      %mul3A_259 = arith.constant 3 : i32
      %mul3A_260 = arith.muli %mul3A_259, %scan3A_241 : i32
      %add3A_261 = arith.constant 1 : i32
      %add3A_262 = arith.addi %mul3A_260, %add3A_261 : i32
      %add3A_263 = arith.constant 2 : i32
      %add3A_264 = arith.addi %add3A_262, %add3A_263 : i32
      %lt3A_265 = arith.constant 125 : i32
      %lt3A_266 = arith.cmpi slt, %add3A_264, %lt3A_265 : i32
      %convert_element_type3A_267 = arith.extui %lt3A_266 : i1 to i32
      %cond3A_268 = arith.constant 0 : i32
      %cond3A_269 = arith.cmpi ne, %convert_element_type3A_267, %cond3A_268 : i32
      scf.if %cond3A_269 {
        %ge3A = arith.constant 1 : i32
        %ge3A_293 = arith.cmpi sge, %add3A_262, %ge3A : i32
        %convert_element_type3A_294 = arith.extui %ge3A_293 : i1 to i32
        %cond3A_295 = arith.constant 0 : i32
        %cond3A_296 = arith.cmpi ne, %convert_element_type3A_294, %cond3A_295 : i32
        scf.if %cond3A_296 {
          %dma_wait3A_392 = arith.constant 0 : i32
          %dma_wait3A_393 = arith.constant 0 : i32
          %dma_wait3A_394 = tpu.memref_slice %arg16[%dma_wait3A_392, %dma_wait3A_393] : memref<10000x128xf32, #tpu.memory_space<vmem_shared>> -> memref<10000x128xf32, #tpu.memory_space<vmem_shared>>
          tpu.wait_indirect_dma semaphore(%arg21 : memref<!tpu.dma_semaphore, #tpu.memory_space<semaphore_mem>>) src(%arg13 : memref<80x128xf32, #tpu.memory_space<vmem>>) dst(%dma_wait3A_394 : memref<10000x128xf32, #tpu.memory_space<vmem_shared>>)
        } else {
        }
        %add3A_297 = arith.constant 2 : i32
        %add3A_298 = arith.addi %add3A_262, %add3A_297 : i32
        %get3A_299 = arith.index_cast %add3A_298 : i32 to index
        %get3A_300 = arith.constant 0 : index
        %get3A_301 = tpu.vector_load %arg6[%get3A_299, %get3A_300] {strides = array<i32>} : memref<125x80xi32, #tpu.memory_space<vmem>>, vector<1x16xi32>,
        %get3A_302 = vector.shape_cast %get3A_301 : vector<1x16xi32> to vector<16xi32>
        %shift_right_logical3A_303 = arith.constant 16 : i32
        %shift_right_logical3A_304 = vector.broadcast %shift_right_logical3A_303 : i32 to vector<16xi32>
        %shift_right_logical3A_305 = arith.shrui %get3A_302, %shift_right_logical3A_304 : vector<16xi32>
        %swap3A_306 = arith.constant 0 : index
        %swap3A_307 = tpu.vector_load %arg7[%swap3A_306] {strides = array<i32>} : memref<80xi32, #tpu.memory_space<vmem>>, vector<16xi32>,
        %swap3A_308 = vector.shape_cast %swap3A_307 : vector<16xi32> to vector<16xi32>
        %swap3A_309 = vector.shape_cast %shift_right_logical3A_305 : vector<16xi32> to vector<16xi32>
        tpu.vector_store %arg7[%swap3A_306], %swap3A_309 {strides = array<i32>} : memref<80xi32, #tpu.memory_space<vmem>>, vector<16xi32>,
        %and3A_310 = arith.constant 65535 : i32
        %and3A_311 = vector.broadcast %and3A_310 : i32 to vector<16xi32>
        %and3A_312 = arith.andi %get3A_302, %and3A_311 : vector<16xi32>
        %swap3A_313 = arith.constant 0 : index
        %swap3A_314 = tpu.vector_load %arg8[%swap3A_313] {strides = array<i32>} : memref<80xi32, #tpu.memory_space<vmem>>, vector<16xi32>,
        %swap3A_315 = vector.shape_cast %swap3A_314 : vector<16xi32> to vector<16xi32>
        %swap3A_316 = vector.shape_cast %and3A_312 : vector<16xi32> to vector<16xi32>
        tpu.vector_store %arg8[%swap3A_313], %swap3A_316 {strides = array<i32>} : memref<80xi32, #tpu.memory_space<vmem>>, vector<16xi32>,
        %get3A_317 = arith.index_cast %add3A_298 : i32 to index
        %get3A_318 = arith.constant 16 : index
        %get3A_319 = tpu.vector_load %arg6[%get3A_317, %get3A_318] {strides = array<i32>} : memref<125x80xi32, #tpu.memory_space<vmem>>, vector<1x16xi32>,
        %get3A_320 = vector.shape_cast %get3A_319 : vector<1x16xi32> to vector<16xi32>
        %shift_right_logical3A_321 = arith.constant 16 : i32
        %shift_right_logical3A_322 = vector.broadcast %shift_right_logical3A_321 : i32 to vector<16xi32>
        %shift_right_logical3A_323 = arith.shrui %get3A_320, %shift_right_logical3A_322 : vector<16xi32>
        %swap3A_324 = arith.constant 16 : index
        %swap3A_325 = tpu.vector_load %arg7[%swap3A_324] {strides = array<i32>} : memref<80xi32, #tpu.memory_space<vmem>>, vector<16xi32>,
        %swap3A_326 = vector.shape_cast %swap3A_325 : vector<16xi32> to vector<16xi32>
        %swap3A_327 = vector.shape_cast %shift_right_logical3A_323 : vector<16xi32> to vector<16xi32>
        tpu.vector_store %arg7[%swap3A_324], %swap3A_327 {strides = array<i32>} : memref<80xi32, #tpu.memory_space<vmem>>, vector<16xi32>,
        %and3A_328 = arith.constant 65535 : i32
        %and3A_329 = vector.broadcast %and3A_328 : i32 to vector<16xi32>
        %and3A_330 = arith.andi %get3A_320, %and3A_329 : vector<16xi32>
        %swap3A_331 = arith.constant 16 : index
        %swap3A_332 = tpu.vector_load %arg8[%swap3A_331] {strides = array<i32>} : memref<80xi32, #tpu.memory_space<vmem>>, vector<16xi32>,
        %swap3A_333 = vector.shape_cast %swap3A_332 : vector<16xi32> to vector<16xi32>
        %swap3A_334 = vector.shape_cast %and3A_330 : vector<16xi32> to vector<16xi32>
        tpu.vector_store %arg8[%swap3A_331], %swap3A_334 {strides = array<i32>} : memref<80xi32, #tpu.memory_space<vmem>>, vector<16xi32>,
        %get3A_335 = arith.index_cast %add3A_298 : i32 to index
        %get3A_336 = arith.constant 32 : index
        %get3A_337 = tpu.vector_load %arg6[%get3A_335, %get3A_336] {strides = array<i32>} : memref<125x80xi32, #tpu.memory_space<vmem>>, vector<1x16xi32>,
        %get3A_338 = vector.shape_cast %get3A_337 : vector<1x16xi32> to vector<16xi32>
        %shift_right_logical3A_339 = arith.constant 16 : i32
        %shift_right_logical3A_340 = vector.broadcast %shift_right_logical3A_339 : i32 to vector<16xi32>
        %shift_right_logical3A_341 = arith.shrui %get3A_338, %shift_right_logical3A_340 : vector<16xi32>
        %swap3A_342 = arith.constant 32 : index
        %swap3A_343 = tpu.vector_load %arg7[%swap3A_342] {strides = array<i32>} : memref<80xi32, #tpu.memory_space<vmem>>, vector<16xi32>,
        %swap3A_344 = vector.shape_cast %swap3A_343 : vector<16xi32> to vector<16xi32>
        %swap3A_345 = vector.shape_cast %shift_right_logical3A_341 : vector<16xi32> to vector<16xi32>
        tpu.vector_store %arg7[%swap3A_342], %swap3A_345 {strides = array<i32>} : memref<80xi32, #tpu.memory_space<vmem>>, vector<16xi32>,
        %and3A_346 = arith.constant 65535 : i32
        %and3A_347 = vector.broadcast %and3A_346 : i32 to vector<16xi32>
        %and3A_348 = arith.andi %get3A_338, %and3A_347 : vector<16xi32>
        %swap3A_349 = arith.constant 32 : index
        %swap3A_350 = tpu.vector_load %arg8[%swap3A_349] {strides = array<i32>} : memref<80xi32, #tpu.memory_space<vmem>>, vector<16xi32>,
        %swap3A_351 = vector.shape_cast %swap3A_350 : vector<16xi32> to vector<16xi32>
        %swap3A_352 = vector.shape_cast %and3A_348 : vector<16xi32> to vector<16xi32>
        tpu.vector_store %arg8[%swap3A_349], %swap3A_352 {strides = array<i32>} : memref<80xi32, #tpu.memory_space<vmem>>, vector<16xi32>,
        %get3A_353 = arith.index_cast %add3A_298 : i32 to index
        %get3A_354 = arith.constant 48 : index
        %get3A_355 = tpu.vector_load %arg6[%get3A_353, %get3A_354] {strides = array<i32>} : memref<125x80xi32, #tpu.memory_space<vmem>>, vector<1x16xi32>,
        %get3A_356 = vector.shape_cast %get3A_355 : vector<1x16xi32> to vector<16xi32>
        %shift_right_logical3A_357 = arith.constant 16 : i32
        %shift_right_logical3A_358 = vector.broadcast %shift_right_logical3A_357 : i32 to vector<16xi32>
        %shift_right_logical3A_359 = arith.shrui %get3A_356, %shift_right_logical3A_358 : vector<16xi32>
        %swap3A_360 = arith.constant 48 : index
        %swap3A_361 = tpu.vector_load %arg7[%swap3A_360] {strides = array<i32>} : memref<80xi32, #tpu.memory_space<vmem>>, vector<16xi32>,
        %swap3A_362 = vector.shape_cast %swap3A_361 : vector<16xi32> to vector<16xi32>
        %swap3A_363 = vector.shape_cast %shift_right_logical3A_359 : vector<16xi32> to vector<16xi32>
        tpu.vector_store %arg7[%swap3A_360], %swap3A_363 {strides = array<i32>} : memref<80xi32, #tpu.memory_space<vmem>>, vector<16xi32>,
        %and3A_364 = arith.constant 65535 : i32
        %and3A_365 = vector.broadcast %and3A_364 : i32 to vector<16xi32>
        %and3A_366 = arith.andi %get3A_356, %and3A_365 : vector<16xi32>
        %swap3A_367 = arith.constant 48 : index
        %swap3A_368 = tpu.vector_load %arg8[%swap3A_367] {strides = array<i32>} : memref<80xi32, #tpu.memory_space<vmem>>, vector<16xi32>,
        %swap3A_369 = vector.shape_cast %swap3A_368 : vector<16xi32> to vector<16xi32>
        %swap3A_370 = vector.shape_cast %and3A_366 : vector<16xi32> to vector<16xi32>
        tpu.vector_store %arg8[%swap3A_367], %swap3A_370 {strides = array<i32>} : memref<80xi32, #tpu.memory_space<vmem>>, vector<16xi32>,
        %get3A_371 = arith.index_cast %add3A_298 : i32 to index
        %get3A_372 = arith.constant 64 : index
        %get3A_373 = tpu.vector_load %arg6[%get3A_371, %get3A_372] {strides = array<i32>} : memref<125x80xi32, #tpu.memory_space<vmem>>, vector<1x16xi32>,
        %get3A_374 = vector.shape_cast %get3A_373 : vector<1x16xi32> to vector<16xi32>
        %shift_right_logical3A_375 = arith.constant 16 : i32
        %shift_right_logical3A_376 = vector.broadcast %shift_right_logical3A_375 : i32 to vector<16xi32>
        %shift_right_logical3A_377 = arith.shrui %get3A_374, %shift_right_logical3A_376 : vector<16xi32>
        %swap3A_378 = arith.constant 64 : index
        %swap3A_379 = tpu.vector_load %arg7[%swap3A_378] {strides = array<i32>} : memref<80xi32, #tpu.memory_space<vmem>>, vector<16xi32>,
        %swap3A_380 = vector.shape_cast %swap3A_379 : vector<16xi32> to vector<16xi32>
        %swap3A_381 = vector.shape_cast %shift_right_logical3A_377 : vector<16xi32> to vector<16xi32>
        tpu.vector_store %arg7[%swap3A_378], %swap3A_381 {strides = array<i32>} : memref<80xi32, #tpu.memory_space<vmem>>, vector<16xi32>,
        %and3A_382 = arith.constant 65535 : i32
        %and3A_383 = vector.broadcast %and3A_382 : i32 to vector<16xi32>
        %and3A_384 = arith.andi %get3A_374, %and3A_383 : vector<16xi32>
        %swap3A_385 = arith.constant 64 : index
        %swap3A_386 = tpu.vector_load %arg8[%swap3A_385] {strides = array<i32>} : memref<80xi32, #tpu.memory_space<vmem>>, vector<16xi32>,
        %swap3A_387 = vector.shape_cast %swap3A_386 : vector<16xi32> to vector<16xi32>
        %swap3A_388 = vector.shape_cast %and3A_384 : vector<16xi32> to vector<16xi32>
        tpu.vector_store %arg8[%swap3A_385], %swap3A_388 {strides = array<i32>} : memref<80xi32, #tpu.memory_space<vmem>>, vector<16xi32>,
        %dma_start3A_389 = arith.constant 0 : i32
        %dma_start3A_390 = arith.constant 0 : i32
        %dma_start3A_391 = tpu.memref_slice %arg2[%dma_start3A_389, %dma_start3A_390] : memref<10000x128xf32, #tpu.memory_space<hbm>> -> memref<10000x128xf32, #tpu.memory_space<hbm>>
        tpu.enqueue_indirect_dma source(%dma_start3A_391 : memref<10000x128xf32, #tpu.memory_space<hbm>>) target(%arg13 : memref<80x128xf32, #tpu.memory_space<vmem>>) offsets(%arg7 : memref<80xi32, #tpu.memory_space<vmem>>) semaphore(%arg18 : memref<!tpu.dma_semaphore, #tpu.memory_space<semaphore_mem>>)
      } else {
      }
      %dma_wait3A_270 = arith.constant 0 : i32
      %dma_wait3A_271 = arith.constant 0 : i32
      %dma_wait3A_272 = tpu.memref_slice %arg2[%dma_wait3A_270, %dma_wait3A_271] : memref<10000x128xf32, #tpu.memory_space<hbm>> -> memref<10000x128xf32, #tpu.memory_space<hbm>>
      tpu.wait_indirect_dma semaphore(%arg19 : memref<!tpu.dma_semaphore, #tpu.memory_space<semaphore_mem>>) src(%dma_wait3A_272 : memref<10000x128xf32, #tpu.memory_space<hbm>>) dst(%arg14 : memref<80x128xf32, #tpu.memory_space<vmem>>)
      %dma_start3A_273 = arith.constant 0 : i32
      %dma_start3A_274 = arith.constant 0 : i32
      %dma_start3A_275 = tpu.memref_slice %arg16[%dma_start3A_273, %dma_start3A_274] : memref<10000x128xf32, #tpu.memory_space<vmem_shared>> -> memref<10000x128xf32, #tpu.memory_space<vmem_shared>>
      tpu.enqueue_indirect_dma source(%arg14 : memref<80x128xf32, #tpu.memory_space<vmem>>) target(%dma_start3A_275 : memref<10000x128xf32, #tpu.memory_space<vmem_shared>>) offsets(%arg10 : memref<80xi32, #tpu.memory_space<vmem>>) semaphore(%arg22 : memref<!tpu.dma_semaphore, #tpu.memory_space<semaphore_mem>>) {add = true}
      %mul3A_276 = arith.constant 3 : i32
      %mul3A_277 = arith.muli %mul3A_276, %scan3A_241 : i32
      %add3A_278 = arith.constant 2 : i32
      %add3A_279 = arith.addi %mul3A_277, %add3A_278 : i32
      %add3A_280 = arith.constant 2 : i32
      %add3A_281 = arith.addi %add3A_279, %add3A_280 : i32
      %lt3A_282 = arith.constant 125 : i32
      %lt3A_283 = arith.cmpi slt, %add3A_281, %lt3A_282 : i32
      %convert_element_type3A_284 = arith.extui %lt3A_283 : i1 to i32
      %cond3A_285 = arith.constant 0 : i32
      %cond3A_286 = arith.cmpi ne, %convert_element_type3A_284, %cond3A_285 : i32
      scf.if %cond3A_286 {
        %ge3A = arith.constant 1 : i32
        %ge3A_293 = arith.cmpi sge, %add3A_279, %ge3A : i32
        %convert_element_type3A_294 = arith.extui %ge3A_293 : i1 to i32
        %cond3A_295 = arith.constant 0 : i32
        %cond3A_296 = arith.cmpi ne, %convert_element_type3A_294, %cond3A_295 : i32
        scf.if %cond3A_296 {
          %dma_wait3A_392 = arith.constant 0 : i32
          %dma_wait3A_393 = arith.constant 0 : i32
          %dma_wait3A_394 = tpu.memref_slice %arg16[%dma_wait3A_392, %dma_wait3A_393] : memref<10000x128xf32, #tpu.memory_space<vmem_shared>> -> memref<10000x128xf32, #tpu.memory_space<vmem_shared>>
          tpu.wait_indirect_dma semaphore(%arg22 : memref<!tpu.dma_semaphore, #tpu.memory_space<semaphore_mem>>) src(%arg14 : memref<80x128xf32, #tpu.memory_space<vmem>>) dst(%dma_wait3A_394 : memref<10000x128xf32, #tpu.memory_space<vmem_shared>>)
        } else {
        }
        %add3A_297 = arith.constant 2 : i32
        %add3A_298 = arith.addi %add3A_279, %add3A_297 : i32
        %get3A_299 = arith.index_cast %add3A_298 : i32 to index
        %get3A_300 = arith.constant 0 : index
        %get3A_301 = tpu.vector_load %arg6[%get3A_299, %get3A_300] {strides = array<i32>} : memref<125x80xi32, #tpu.memory_space<vmem>>, vector<1x16xi32>,
        %get3A_302 = vector.shape_cast %get3A_301 : vector<1x16xi32> to vector<16xi32>
        %shift_right_logical3A_303 = arith.constant 16 : i32
        %shift_right_logical3A_304 = vector.broadcast %shift_right_logical3A_303 : i32 to vector<16xi32>
        %shift_right_logical3A_305 = arith.shrui %get3A_302, %shift_right_logical3A_304 : vector<16xi32>
        %swap3A_306 = arith.constant 0 : index
        %swap3A_307 = tpu.vector_load %arg9[%swap3A_306] {strides = array<i32>} : memref<80xi32, #tpu.memory_space<vmem>>, vector<16xi32>,
        %swap3A_308 = vector.shape_cast %swap3A_307 : vector<16xi32> to vector<16xi32>
        %swap3A_309 = vector.shape_cast %shift_right_logical3A_305 : vector<16xi32> to vector<16xi32>
        tpu.vector_store %arg9[%swap3A_306], %swap3A_309 {strides = array<i32>} : memref<80xi32, #tpu.memory_space<vmem>>, vector<16xi32>,
        %and3A_310 = arith.constant 65535 : i32
        %and3A_311 = vector.broadcast %and3A_310 : i32 to vector<16xi32>
        %and3A_312 = arith.andi %get3A_302, %and3A_311 : vector<16xi32>
        %swap3A_313 = arith.constant 0 : index
        %swap3A_314 = tpu.vector_load %arg10[%swap3A_313] {strides = array<i32>} : memref<80xi32, #tpu.memory_space<vmem>>, vector<16xi32>,
        %swap3A_315 = vector.shape_cast %swap3A_314 : vector<16xi32> to vector<16xi32>
        %swap3A_316 = vector.shape_cast %and3A_312 : vector<16xi32> to vector<16xi32>
        tpu.vector_store %arg10[%swap3A_313], %swap3A_316 {strides = array<i32>} : memref<80xi32, #tpu.memory_space<vmem>>, vector<16xi32>,
        %get3A_317 = arith.index_cast %add3A_298 : i32 to index
        %get3A_318 = arith.constant 16 : index
        %get3A_319 = tpu.vector_load %arg6[%get3A_317, %get3A_318] {strides = array<i32>} : memref<125x80xi32, #tpu.memory_space<vmem>>, vector<1x16xi32>,
        %get3A_320 = vector.shape_cast %get3A_319 : vector<1x16xi32> to vector<16xi32>
        %shift_right_logical3A_321 = arith.constant 16 : i32
        %shift_right_logical3A_322 = vector.broadcast %shift_right_logical3A_321 : i32 to vector<16xi32>
        %shift_right_logical3A_323 = arith.shrui %get3A_320, %shift_right_logical3A_322 : vector<16xi32>
        %swap3A_324 = arith.constant 16 : index
        %swap3A_325 = tpu.vector_load %arg9[%swap3A_324] {strides = array<i32>} : memref<80xi32, #tpu.memory_space<vmem>>, vector<16xi32>,
        %swap3A_326 = vector.shape_cast %swap3A_325 : vector<16xi32> to vector<16xi32>
        %swap3A_327 = vector.shape_cast %shift_right_logical3A_323 : vector<16xi32> to vector<16xi32>
        tpu.vector_store %arg9[%swap3A_324], %swap3A_327 {strides = array<i32>} : memref<80xi32, #tpu.memory_space<vmem>>, vector<16xi32>,
        %and3A_328 = arith.constant 65535 : i32
        %and3A_329 = vector.broadcast %and3A_328 : i32 to vector<16xi32>
        %and3A_330 = arith.andi %get3A_320, %and3A_329 : vector<16xi32>
        %swap3A_331 = arith.constant 16 : index
        %swap3A_332 = tpu.vector_load %arg10[%swap3A_331] {strides = array<i32>} : memref<80xi32, #tpu.memory_space<vmem>>, vector<16xi32>,
        %swap3A_333 = vector.shape_cast %swap3A_332 : vector<16xi32> to vector<16xi32>
        %swap3A_334 = vector.shape_cast %and3A_330 : vector<16xi32> to vector<16xi32>
        tpu.vector_store %arg10[%swap3A_331], %swap3A_334 {strides = array<i32>} : memref<80xi32, #tpu.memory_space<vmem>>, vector<16xi32>,
        %get3A_335 = arith.index_cast %add3A_298 : i32 to index
        %get3A_336 = arith.constant 32 : index
        %get3A_337 = tpu.vector_load %arg6[%get3A_335, %get3A_336] {strides = array<i32>} : memref<125x80xi32, #tpu.memory_space<vmem>>, vector<1x16xi32>,
        %get3A_338 = vector.shape_cast %get3A_337 : vector<1x16xi32> to vector<16xi32>
        %shift_right_logical3A_339 = arith.constant 16 : i32
        %shift_right_logical3A_340 = vector.broadcast %shift_right_logical3A_339 : i32 to vector<16xi32>
        %shift_right_logical3A_341 = arith.shrui %get3A_338, %shift_right_logical3A_340 : vector<16xi32>
        %swap3A_342 = arith.constant 32 : index
        %swap3A_343 = tpu.vector_load %arg9[%swap3A_342] {strides = array<i32>} : memref<80xi32, #tpu.memory_space<vmem>>, vector<16xi32>,
        %swap3A_344 = vector.shape_cast %swap3A_343 : vector<16xi32> to vector<16xi32>
        %swap3A_345 = vector.shape_cast %shift_right_logical3A_341 : vector<16xi32> to vector<16xi32>
        tpu.vector_store %arg9[%swap3A_342], %swap3A_345 {strides = array<i32>} : memref<80xi32, #tpu.memory_space<vmem>>, vector<16xi32>,
        %and3A_346 = arith.constant 65535 : i32
        %and3A_347 = vector.broadcast %and3A_346 : i32 to vector<16xi32>
        %and3A_348 = arith.andi %get3A_338, %and3A_347 : vector<16xi32>
        %swap3A_349 = arith.constant 32 : index
        %swap3A_350 = tpu.vector_load %arg10[%swap3A_349] {strides = array<i32>} : memref<80xi32, #tpu.memory_space<vmem>>, vector<16xi32>,
        %swap3A_351 = vector.shape_cast %swap3A_350 : vector<16xi32> to vector<16xi32>
        %swap3A_352 = vector.shape_cast %and3A_348 : vector<16xi32> to vector<16xi32>
        tpu.vector_store %arg10[%swap3A_349], %swap3A_352 {strides = array<i32>} : memref<80xi32, #tpu.memory_space<vmem>>, vector<16xi32>,
        %get3A_353 = arith.index_cast %add3A_298 : i32 to index
        %get3A_354 = arith.constant 48 : index
        %get3A_355 = tpu.vector_load %arg6[%get3A_353, %get3A_354] {strides = array<i32>} : memref<125x80xi32, #tpu.memory_space<vmem>>, vector<1x16xi32>,
        %get3A_356 = vector.shape_cast %get3A_355 : vector<1x16xi32> to vector<16xi32>
        %shift_right_logical3A_357 = arith.constant 16 : i32
        %shift_right_logical3A_358 = vector.broadcast %shift_right_logical3A_357 : i32 to vector<16xi32>
        %shift_right_logical3A_359 = arith.shrui %get3A_356, %shift_right_logical3A_358 : vector<16xi32>
        %swap3A_360 = arith.constant 48 : index
        %swap3A_361 = tpu.vector_load %arg9[%swap3A_360] {strides = array<i32>} : memref<80xi32, #tpu.memory_space<vmem>>, vector<16xi32>,
        %swap3A_362 = vector.shape_cast %swap3A_361 : vector<16xi32> to vector<16xi32>
        %swap3A_363 = vector.shape_cast %shift_right_logical3A_359 : vector<16xi32> to vector<16xi32>
        tpu.vector_store %arg9[%swap3A_360], %swap3A_363 {strides = array<i32>} : memref<80xi32, #tpu.memory_space<vmem>>, vector<16xi32>,
        %and3A_364 = arith.constant 65535 : i32
        %and3A_365 = vector.broadcast %and3A_364 : i32 to vector<16xi32>
        %and3A_366 = arith.andi %get3A_356, %and3A_365 : vector<16xi32>
        %swap3A_367 = arith.constant 48 : index
        %swap3A_368 = tpu.vector_load %arg10[%swap3A_367] {strides = array<i32>} : memref<80xi32, #tpu.memory_space<vmem>>, vector<16xi32>,
        %swap3A_369 = vector.shape_cast %swap3A_368 : vector<16xi32> to vector<16xi32>
        %swap3A_370 = vector.shape_cast %and3A_366 : vector<16xi32> to vector<16xi32>
        tpu.vector_store %arg10[%swap3A_367], %swap3A_370 {strides = array<i32>} : memref<80xi32, #tpu.memory_space<vmem>>, vector<16xi32>,
        %get3A_371 = arith.index_cast %add3A_298 : i32 to index
        %get3A_372 = arith.constant 64 : index
        %get3A_373 = tpu.vector_load %arg6[%get3A_371, %get3A_372] {strides = array<i32>} : memref<125x80xi32, #tpu.memory_space<vmem>>, vector<1x16xi32>,
        %get3A_374 = vector.shape_cast %get3A_373 : vector<1x16xi32> to vector<16xi32>
        %shift_right_logical3A_375 = arith.constant 16 : i32
        %shift_right_logical3A_376 = vector.broadcast %shift_right_logical3A_375 : i32 to vector<16xi32>
        %shift_right_logical3A_377 = arith.shrui %get3A_374, %shift_right_logical3A_376 : vector<16xi32>
        %swap3A_378 = arith.constant 64 : index
        %swap3A_379 = tpu.vector_load %arg9[%swap3A_378] {strides = array<i32>} : memref<80xi32, #tpu.memory_space<vmem>>, vector<16xi32>,
        %swap3A_380 = vector.shape_cast %swap3A_379 : vector<16xi32> to vector<16xi32>
        %swap3A_381 = vector.shape_cast %shift_right_logical3A_377 : vector<16xi32> to vector<16xi32>
        tpu.vector_store %arg9[%swap3A_378], %swap3A_381 {strides = array<i32>} : memref<80xi32, #tpu.memory_space<vmem>>, vector<16xi32>,
        %and3A_382 = arith.constant 65535 : i32
        %and3A_383 = vector.broadcast %and3A_382 : i32 to vector<16xi32>
        %and3A_384 = arith.andi %get3A_374, %and3A_383 : vector<16xi32>
        %swap3A_385 = arith.constant 64 : index
        %swap3A_386 = tpu.vector_load %arg10[%swap3A_385] {strides = array<i32>} : memref<80xi32, #tpu.memory_space<vmem>>, vector<16xi32>,
        %swap3A_387 = vector.shape_cast %swap3A_386 : vector<16xi32> to vector<16xi32>
        %swap3A_388 = vector.shape_cast %and3A_384 : vector<16xi32> to vector<16xi32>
        tpu.vector_store %arg10[%swap3A_385], %swap3A_388 {strides = array<i32>} : memref<80xi32, #tpu.memory_space<vmem>>, vector<16xi32>,
        %dma_start3A_389 = arith.constant 0 : i32
        %dma_start3A_390 = arith.constant 0 : i32
        %dma_start3A_391 = tpu.memref_slice %arg2[%dma_start3A_389, %dma_start3A_390] : memref<10000x128xf32, #tpu.memory_space<hbm>> -> memref<10000x128xf32, #tpu.memory_space<hbm>>
        tpu.enqueue_indirect_dma source(%dma_start3A_391 : memref<10000x128xf32, #tpu.memory_space<hbm>>) target(%arg14 : memref<80x128xf32, #tpu.memory_space<vmem>>) offsets(%arg9 : memref<80xi32, #tpu.memory_space<vmem>>) semaphore(%arg19 : memref<!tpu.dma_semaphore, #tpu.memory_space<semaphore_mem>>)
      } else {
      }
      %dma_wait3A_287 = arith.constant 0 : i32
      %dma_wait3A_288 = arith.constant 0 : i32
      %dma_wait3A_289 = tpu.memref_slice %arg2[%dma_wait3A_287, %dma_wait3A_288] : memref<10000x128xf32, #tpu.memory_space<hbm>> -> memref<10000x128xf32, #tpu.memory_space<hbm>>
      tpu.wait_indirect_dma semaphore(%arg20 : memref<!tpu.dma_semaphore, #tpu.memory_space<semaphore_mem>>) src(%dma_wait3A_289 : memref<10000x128xf32, #tpu.memory_space<hbm>>) dst(%arg15 : memref<80x128xf32, #tpu.memory_space<vmem>>)
      %dma_start3A_290 = arith.constant 0 : i32
      %dma_start3A_291 = arith.constant 0 : i32
      %dma_start3A_292 = tpu.memref_slice %arg16[%dma_start3A_290, %dma_start3A_291] : memref<10000x128xf32, #tpu.memory_space<vmem_shared>> -> memref<10000x128xf32, #tpu.memory_space<vmem_shared>>
      tpu.enqueue_indirect_dma source(%arg15 : memref<80x128xf32, #tpu.memory_space<vmem>>) target(%dma_start3A_292 : memref<10000x128xf32, #tpu.memory_space<vmem_shared>>) offsets(%arg12 : memref<80xi32, #tpu.memory_space<vmem>>) semaphore(%arg23 : memref<!tpu.dma_semaphore, #tpu.memory_space<semaphore_mem>>) {add = true}
    }
    %scan3A_213 = arith.constant 41 : i32
    %dma_wait3A_214 = arith.constant 0 : i32
    %dma_wait3A_215 = arith.constant 0 : i32
    %dma_wait3A_216 = tpu.memref_slice %arg2[%dma_wait3A_214, %dma_wait3A_215] : memref<10000x128xf32, #tpu.memory_space<hbm>> -> memref<10000x128xf32, #tpu.memory_space<hbm>>
    tpu.wait_indirect_dma semaphore(%arg18 : memref<!tpu.dma_semaphore, #tpu.memory_space<semaphore_mem>>) src(%dma_wait3A_216 : memref<10000x128xf32, #tpu.memory_space<hbm>>) dst(%arg13 : memref<80x128xf32, #tpu.memory_space<vmem>>)
    %dma_start3A_217 = arith.constant 0 : i32
    %dma_start3A_218 = arith.constant 0 : i32
    %dma_start3A_219 = tpu.memref_slice %arg16[%dma_start3A_217, %dma_start3A_218] : memref<10000x128xf32, #tpu.memory_space<vmem_shared>> -> memref<10000x128xf32, #tpu.memory_space<vmem_shared>>
    tpu.enqueue_indirect_dma source(%arg13 : memref<80x128xf32, #tpu.memory_space<vmem>>) target(%dma_start3A_219 : memref<10000x128xf32, #tpu.memory_space<vmem_shared>>) offsets(%arg8 : memref<80xi32, #tpu.memory_space<vmem>>) semaphore(%arg21 : memref<!tpu.dma_semaphore, #tpu.memory_space<semaphore_mem>>) {add = true}
    %dma_wait3A_220 = arith.constant 0 : i32
    %dma_wait3A_221 = arith.constant 0 : i32
    %dma_wait3A_222 = tpu.memref_slice %arg2[%dma_wait3A_220, %dma_wait3A_221] : memref<10000x128xf32, #tpu.memory_space<hbm>> -> memref<10000x128xf32, #tpu.memory_space<hbm>>
    tpu.wait_indirect_dma semaphore(%arg19 : memref<!tpu.dma_semaphore, #tpu.memory_space<semaphore_mem>>) src(%dma_wait3A_222 : memref<10000x128xf32, #tpu.memory_space<hbm>>) dst(%arg14 : memref<80x128xf32, #tpu.memory_space<vmem>>)
    %dma_start3A_223 = arith.constant 0 : i32
    %dma_start3A_224 = arith.constant 0 : i32
    %dma_start3A_225 = tpu.memref_slice %arg16[%dma_start3A_223, %dma_start3A_224] : memref<10000x128xf32, #tpu.memory_space<vmem_shared>> -> memref<10000x128xf32, #tpu.memory_space<vmem_shared>>
    tpu.enqueue_indirect_dma source(%arg14 : memref<80x128xf32, #tpu.memory_space<vmem>>) target(%dma_start3A_225 : memref<10000x128xf32, #tpu.memory_space<vmem_shared>>) offsets(%arg10 : memref<80xi32, #tpu.memory_space<vmem>>) semaphore(%arg22 : memref<!tpu.dma_semaphore, #tpu.memory_space<semaphore_mem>>) {add = true}
    %dma_wait3A_226 = arith.constant 0 : i32
    %dma_wait3A_227 = arith.constant 0 : i32
    %dma_wait3A_228 = tpu.memref_slice %arg16[%dma_wait3A_226, %dma_wait3A_227] : memref<10000x128xf32, #tpu.memory_space<vmem_shared>> -> memref<10000x128xf32, #tpu.memory_space<vmem_shared>>
    tpu.wait_indirect_dma semaphore(%arg23 : memref<!tpu.dma_semaphore, #tpu.memory_space<semaphore_mem>>) src(%arg15 : memref<80x128xf32, #tpu.memory_space<vmem>>) dst(%dma_wait3A_228 : memref<10000x128xf32, #tpu.memory_space<vmem_shared>>)
    %dma_wait3A_229 = arith.constant 0 : i32
    %dma_wait3A_230 = arith.constant 0 : i32
    %dma_wait3A_231 = tpu.memref_slice %arg16[%dma_wait3A_229, %dma_wait3A_230] : memref<10000x128xf32, #tpu.memory_space<vmem_shared>> -> memref<10000x128xf32, #tpu.memory_space<vmem_shared>>
    tpu.wait_indirect_dma semaphore(%arg21 : memref<!tpu.dma_semaphore, #tpu.memory_space<semaphore_mem>>) src(%arg13 : memref<80x128xf32, #tpu.memory_space<vmem>>) dst(%dma_wait3A_231 : memref<10000x128xf32, #tpu.memory_space<vmem_shared>>)
    %dma_wait3A_232 = arith.constant 0 : i32
    %dma_wait3A_233 = arith.constant 0 : i32
    %dma_wait3A_234 = tpu.memref_slice %arg16[%dma_wait3A_232, %dma_wait3A_233] : memref<10000x128xf32, #tpu.memory_space<vmem_shared>> -> memref<10000x128xf32, #tpu.memory_space<vmem_shared>>
    tpu.wait_indirect_dma semaphore(%arg22 : memref<!tpu.dma_semaphore, #tpu.memory_space<semaphore_mem>>) src(%arg14 : memref<80x128xf32, #tpu.memory_space<vmem>>) dst(%dma_wait3A_234 : memref<10000x128xf32, #tpu.memory_space<vmem_shared>>)
    %barrier3A_235 = arith.constant 0 : index
    tpu.barrier barrier_id(%barrier3A_235)
    %lt3A_236 = arith.constant 10 : i32
    %lt3A_237 = arith.cmpi slt, %arg1, %lt3A_236 : i32
    %convert_element_type3A_238 = arith.extui %lt3A_237 : i1 to i32
    %cond3A_239 = arith.constant 0 : i32
    %cond3A_240 = arith.cmpi ne, %convert_element_type3A_238, %cond3A_239 : i32
    scf.if %cond3A_240 {
      %mul3A_241 = arith.constant 1000 : i32
      %mul3A_242 = arith.muli %arg1, %mul3A_241 : i32
      "tpu.region"() ({
        %run_scoped3A = tpu.sem_alloc : memref<!tpu.dma_semaphore, #tpu.memory_space<semaphore_mem>>
        %dma_start3A_243 = arith.constant 0 : i32
        %dma_start3A_244 = tpu.memref_slice %arg5[%arg0, %mul3A_242, %dma_start3A_243] : memref<2x10000x128xf32, #tpu.memory_space<hbm>> -> memref<1x1000x128xf32, #tpu.memory_space<hbm>>
        %dma_start3A_245 = tpu.memref_squeeze %dma_start3A_244 : memref<1x1000x128xf32, #tpu.memory_space<hbm>> -> memref<1000x128xf32, #tpu.memory_space<hbm>>
        %dma_start3A_246 = arith.constant 0 : i32
        %dma_start3A_247 = tpu.memref_slice %arg16[%mul3A_242, %dma_start3A_246] : memref<10000x128xf32, #tpu.memory_space<vmem_shared>> -> memref<1000x128xf32, #tpu.memory_space<vmem_shared>>
        tpu.enqueue_dma source(%dma_start3A_247 : memref<1000x128xf32, #tpu.memory_space<vmem_shared>>) target(%dma_start3A_245 : memref<1000x128xf32, #tpu.memory_space<hbm>>) target_semaphore(%run_scoped3A : memref<!tpu.dma_semaphore, #tpu.memory_space<semaphore_mem>>)
        %dma_wait3A_248 = arith.constant 0 : i32
        %dma_wait3A_249 = tpu.memref_slice %arg5[%arg0, %mul3A_242, %dma_wait3A_248] : memref<2x10000x128xf32, #tpu.memory_space<hbm>> -> memref<1x1000x128xf32, #tpu.memory_space<hbm>>
        %dma_wait3A_250 = tpu.memref_squeeze %dma_wait3A_249 : memref<1x1000x128xf32, #tpu.memory_space<hbm>> -> memref<1000x128xf32, #tpu.memory_space<hbm>>
        %dma_wait3A_251 = arith.constant 0 : i32
        %dma_wait3A_252 = tpu.memref_slice %arg16[%mul3A_242, %dma_wait3A_251] : memref<10000x128xf32, #tpu.memory_space<vmem_shared>> -> memref<1000x128xf32, #tpu.memory_space<vmem_shared>>
        tpu.wait_dma2 semaphore(%run_scoped3A : memref<!tpu.dma_semaphore, #tpu.memory_space<semaphore_mem>>) src(%dma_wait3A_252 : memref<1000x128xf32, #tpu.memory_space<vmem_shared>>) dst(%dma_wait3A_250 : memref<1000x128xf32, #tpu.memory_space<hbm>>)
        tpu.yield
      }) : () -> ()
    } else {
    }
    return
  }
}

#map = affine_map<(d0, d1) -> (0, 0)>
#map1 = affine_map<(d0, d1) -> (0, 0, 0)>
module attributes {stable_mosaic.version = 14 : i64} {
  func.func @_agg_body(%arg0: i32, %arg1: i32, %arg2: memref<10000x128xf32, #tpu.memory_space<hbm>>, %arg3: memref<10000x128xf32, #tpu.memory_space<hbm>>, %arg4: memref<32x125x80xi32, #tpu.memory_space<hbm>>, %arg5: memref<2x10000x128xf32, #tpu.memory_space<hbm>>, %arg6: memref<125x80xi32, #tpu.memory_space<vmem>>, %arg7: memref<80xi32, #tpu.memory_space<vmem>>, %arg8: memref<80xi32, #tpu.memory_space<vmem>>, %arg9: memref<80xi32, #tpu.memory_space<vmem>>, %arg10: memref<80xi32, #tpu.memory_space<vmem>>, %arg11: memref<80xi32, #tpu.memory_space<vmem>>, %arg12: memref<80xi32, #tpu.memory_space<vmem>>, %arg13: memref<80x128xf32, #tpu.memory_space<vmem>>, %arg14: memref<80x128xf32, #tpu.memory_space<vmem>>, %arg15: memref<80x128xf32, #tpu.memory_space<vmem>>, %arg16: memref<10000x128xf32, #tpu.memory_space<vmem_shared>>, %arg17: memref<!tpu.dma_semaphore, #tpu.memory_space<semaphore_mem>>, %arg18: memref<!tpu.dma_semaphore, #tpu.memory_space<semaphore_mem>>, %arg19: memref<!tpu.dma_semaphore, #tpu.memory_space<semaphore_mem>>, %arg20: memref<!tpu.dma_semaphore, #tpu.memory_space<semaphore_mem>>, %arg21: memref<!tpu.dma_semaphore, #tpu.memory_space<semaphore_mem>>, %arg22: memref<!tpu.dma_semaphore, #tpu.memory_space<semaphore_mem>>, %arg23: memref<!tpu.dma_semaphore, #tpu.memory_space<semaphore_mem>>) attributes {dimension_semantics = [#tpu.dimension_semantics<core_parallel>, #tpu.dimension_semantics<subcore_parallel>], iteration_bounds = array<i64: 2, 16>, scalar_prefetch = 0 : i64, scratch_operands = 18 : i64, tpu.core_type = #tpu.core_type<sc_vector_subcore>, window_params = [{transform_indices = #map}, {transform_indices = #map}, {transform_indices = #map1}, {transform_indices = #map1}]} {
    %mul3A = arith.constant 2 : i32
    %mul3A_0 = arith.muli %arg1, %mul3A : i32
    %add3A = arith.addi %mul3A_0, %arg0 : i32
    %dma_start3A = arith.constant 0 : i32
    %dma_start3A_1 = arith.constant 0 : i32
    %dma_start3A_2 = tpu.memref_slice %arg4[%add3A, %dma_start3A, %dma_start3A_1] : memref<32x125x80xi32, #tpu.memory_space<hbm>> -> memref<1x125x80xi32, #tpu.memory_space<hbm>>
    %dma_start3A_3 = tpu.memref_squeeze %dma_start3A_2 : memref<1x125x80xi32, #tpu.memory_space<hbm>> -> memref<125x80xi32, #tpu.memory_space<hbm>>
    %dma_start3A_4 = arith.constant 0 : i32
    %dma_start3A_5 = arith.constant 0 : i32
    %dma_start3A_6 = tpu.memref_slice %arg4[%add3A, %dma_start3A_4, %dma_start3A_5] : memref<32x125x80xi32, #tpu.memory_space<hbm>> -> memref<1x125x80xi32, #tpu.memory_space<hbm>>
    %dma_start3A_7 = tpu.memref_squeeze %dma_start3A_6 : memref<1x125x80xi32, #tpu.memory_space<hbm>> -> memref<125x80xi32, #tpu.memory_space<hbm>>
    tpu.enqueue_dma source(%dma_start3A_7 : memref<125x80xi32, #tpu.memory_space<hbm>>) target(%arg6 : memref<125x80xi32, #tpu.memory_space<vmem>>) target_semaphore(%arg17 : memref<!tpu.dma_semaphore, #tpu.memory_space<semaphore_mem>>)
    %lt3A = arith.constant 10 : i32
    %lt3A_8 = arith.cmpi slt, %arg1, %lt3A : i32
    %convert_element_type3A = arith.extui %lt3A_8 : i1 to i32
    %cond3A = arith.constant 0 : i32
    %cond3A_9 = arith.cmpi ne, %convert_element_type3A, %cond3A : i32
    scf.if %cond3A_9 {
      %mul3A_241 = arith.constant 1000 : i32
      %mul3A_242 = arith.muli %arg1, %mul3A_241 : i32
      %eq3A = arith.constant 0 : i32
      %eq3A_243 = arith.cmpi eq, %arg0, %eq3A : i32
      %convert_element_type3A_244 = arith.extui %eq3A_243 : i1 to i32
      %cond3A_245 = arith.constant 0 : i32
      %cond3A_246 = arith.cmpi ne, %convert_element_type3A_244, %cond3A_245 : i32
      scf.if %cond3A_246 {
        "tpu.region"() ({
          %run_scoped3A = tpu.sem_alloc : memref<!tpu.dma_semaphore, #tpu.memory_space<semaphore_mem>>
          %dma_start3A_252 = arith.constant 0 : i32
          %dma_start3A_253 = tpu.memref_slice %arg16[%mul3A_242, %dma_start3A_252] : memref<10000x128xf32, #tpu.memory_space<vmem_shared>> -> memref<1000x128xf32, #tpu.memory_space<vmem_shared>>
          %dma_start3A_254 = arith.constant 0 : i32
          %dma_start3A_255 = tpu.memref_slice %arg2[%mul3A_242, %dma_start3A_254] : memref<10000x128xf32, #tpu.memory_space<hbm>> -> memref<1000x128xf32, #tpu.memory_space<hbm>>
          tpu.enqueue_dma source(%dma_start3A_255 : memref<1000x128xf32, #tpu.memory_space<hbm>>) target(%dma_start3A_253 : memref<1000x128xf32, #tpu.memory_space<vmem_shared>>) target_semaphore(%run_scoped3A : memref<!tpu.dma_semaphore, #tpu.memory_space<semaphore_mem>>)
          %dma_wait3A_256 = arith.constant 0 : i32
          %dma_wait3A_257 = tpu.memref_slice %arg16[%mul3A_242, %dma_wait3A_256] : memref<10000x128xf32, #tpu.memory_space<vmem_shared>> -> memref<1000x128xf32, #tpu.memory_space<vmem_shared>>
          %dma_wait3A_258 = arith.constant 0 : i32
          %dma_wait3A_259 = tpu.memref_slice %arg2[%mul3A_242, %dma_wait3A_258] : memref<10000x128xf32, #tpu.memory_space<hbm>> -> memref<1000x128xf32, #tpu.memory_space<hbm>>
          tpu.wait_dma2 semaphore(%run_scoped3A : memref<!tpu.dma_semaphore, #tpu.memory_space<semaphore_mem>>) src(%dma_wait3A_259 : memref<1000x128xf32, #tpu.memory_space<hbm>>) dst(%dma_wait3A_257 : memref<1000x128xf32, #tpu.memory_space<vmem_shared>>)
          tpu.yield
        }) : () -> ()
      } else {
      }
      %eq3A_247 = arith.constant 1 : i32
      %eq3A_248 = arith.cmpi eq, %arg0, %eq3A_247 : i32
      %convert_element_type3A_249 = arith.extui %eq3A_248 : i1 to i32
      %cond3A_250 = arith.constant 0 : i32
      %cond3A_251 = arith.cmpi ne, %convert_element_type3A_249, %cond3A_250 : i32
      scf.if %cond3A_251 {
        "tpu.region"() ({
          %run_scoped3A = tpu.sem_alloc : memref<!tpu.dma_semaphore, #tpu.memory_space<semaphore_mem>>
          %dma_start3A_252 = arith.constant 0 : i32
          %dma_start3A_253 = tpu.memref_slice %arg16[%mul3A_242, %dma_start3A_252] : memref<10000x128xf32, #tpu.memory_space<vmem_shared>> -> memref<1000x128xf32, #tpu.memory_space<vmem_shared>>
          %dma_start3A_254 = arith.constant 0 : i32
          %dma_start3A_255 = tpu.memref_slice %arg3[%mul3A_242, %dma_start3A_254] : memref<10000x128xf32, #tpu.memory_space<hbm>> -> memref<1000x128xf32, #tpu.memory_space<hbm>>
          tpu.enqueue_dma source(%dma_start3A_255 : memref<1000x128xf32, #tpu.memory_space<hbm>>) target(%dma_start3A_253 : memref<1000x128xf32, #tpu.memory_space<vmem_shared>>) target_semaphore(%run_scoped3A : memref<!tpu.dma_semaphore, #tpu.memory_space<semaphore_mem>>)
          %dma_wait3A_256 = arith.constant 0 : i32
          %dma_wait3A_257 = tpu.memref_slice %arg16[%mul3A_242, %dma_wait3A_256] : memref<10000x128xf32, #tpu.memory_space<vmem_shared>> -> memref<1000x128xf32, #tpu.memory_space<vmem_shared>>
          %dma_wait3A_258 = arith.constant 0 : i32
          %dma_wait3A_259 = tpu.memref_slice %arg3[%mul3A_242, %dma_wait3A_258] : memref<10000x128xf32, #tpu.memory_space<hbm>> -> memref<1000x128xf32, #tpu.memory_space<hbm>>
          tpu.wait_dma2 semaphore(%run_scoped3A : memref<!tpu.dma_semaphore, #tpu.memory_space<semaphore_mem>>) src(%dma_wait3A_259 : memref<1000x128xf32, #tpu.memory_space<hbm>>) dst(%dma_wait3A_257 : memref<1000x128xf32, #tpu.memory_space<vmem_shared>>)
          tpu.yield
        }) : () -> ()
      } else {
      }
    } else {
    }
    %dma_wait3A = arith.constant 0 : i32
    %dma_wait3A_10 = arith.constant 0 : i32
    %dma_wait3A_11 = tpu.memref_slice %arg4[%add3A, %dma_wait3A, %dma_wait3A_10] : memref<32x125x80xi32, #tpu.memory_space<hbm>> -> memref<1x125x80xi32, #tpu.memory_space<hbm>>
    %dma_wait3A_12 = tpu.memref_squeeze %dma_wait3A_11 : memref<1x125x80xi32, #tpu.memory_space<hbm>> -> memref<125x80xi32, #tpu.memory_space<hbm>>
    %dma_wait3A_13 = arith.constant 0 : i32
    %dma_wait3A_14 = arith.constant 0 : i32
    %dma_wait3A_15 = tpu.memref_slice %arg4[%add3A, %dma_wait3A_13, %dma_wait3A_14] : memref<32x125x80xi32, #tpu.memory_space<hbm>> -> memref<1x125x80xi32, #tpu.memory_space<hbm>>
    %dma_wait3A_16 = tpu.memref_squeeze %dma_wait3A_15 : memref<1x125x80xi32, #tpu.memory_space<hbm>> -> memref<125x80xi32, #tpu.memory_space<hbm>>
    tpu.wait_dma2 semaphore(%arg17 : memref<!tpu.dma_semaphore, #tpu.memory_space<semaphore_mem>>) src(%dma_wait3A_16 : memref<125x80xi32, #tpu.memory_space<hbm>>) dst(%arg6 : memref<125x80xi32, #tpu.memory_space<vmem>>)
    %get3A = arith.constant 0 : i32
    %get3A_17 = arith.index_cast %get3A : i32 to index
    %get3A_18 = arith.constant 0 : index
    %get3A_19 = tpu.vector_load %arg6[%get3A_17, %get3A_18] {strides = array<i32>} : memref<125x80xi32, #tpu.memory_space<vmem>>, vector<1x16xi32>,
    %get3A_20 = vector.shape_cast %get3A_19 : vector<1x16xi32> to vector<16xi32>
    %shift_right_logical3A = arith.constant 16 : i32
    %shift_right_logical3A_21 = vector.broadcast %shift_right_logical3A : i32 to vector<16xi32>
    %shift_right_logical3A_22 = arith.shrui %get3A_20, %shift_right_logical3A_21 : vector<16xi32>
    %swap3A = arith.constant 0 : index
    %swap3A_23 = tpu.vector_load %arg7[%swap3A] {strides = array<i32>} : memref<80xi32, #tpu.memory_space<vmem>>, vector<16xi32>,
    %swap3A_24 = vector.shape_cast %swap3A_23 : vector<16xi32> to vector<16xi32>
    %swap3A_25 = vector.shape_cast %shift_right_logical3A_22 : vector<16xi32> to vector<16xi32>
    tpu.vector_store %arg7[%swap3A], %swap3A_25 {strides = array<i32>} : memref<80xi32, #tpu.memory_space<vmem>>, vector<16xi32>,
    %and3A = arith.constant 65535 : i32
    %and3A_26 = vector.broadcast %and3A : i32 to vector<16xi32>
    %and3A_27 = arith.andi %get3A_20, %and3A_26 : vector<16xi32>
    %swap3A_28 = arith.constant 0 : index
    %swap3A_29 = tpu.vector_load %arg8[%swap3A_28] {strides = array<i32>} : memref<80xi32, #tpu.memory_space<vmem>>, vector<16xi32>,
    %swap3A_30 = vector.shape_cast %swap3A_29 : vector<16xi32> to vector<16xi32>
    %swap3A_31 = vector.shape_cast %and3A_27 : vector<16xi32> to vector<16xi32>
    tpu.vector_store %arg8[%swap3A_28], %swap3A_31 {strides = array<i32>} : memref<80xi32, #tpu.memory_space<vmem>>, vector<16xi32>,
    %get3A_32 = arith.constant 0 : i32
    %get3A_33 = arith.index_cast %get3A_32 : i32 to index
    %get3A_34 = arith.constant 16 : index
    %get3A_35 = tpu.vector_load %arg6[%get3A_33, %get3A_34] {strides = array<i32>} : memref<125x80xi32, #tpu.memory_space<vmem>>, vector<1x16xi32>,
    %get3A_36 = vector.shape_cast %get3A_35 : vector<1x16xi32> to vector<16xi32>
    %shift_right_logical3A_37 = arith.constant 16 : i32
    %shift_right_logical3A_38 = vector.broadcast %shift_right_logical3A_37 : i32 to vector<16xi32>
    %shift_right_logical3A_39 = arith.shrui %get3A_36, %shift_right_logical3A_38 : vector<16xi32>
    %swap3A_40 = arith.constant 16 : index
    %swap3A_41 = tpu.vector_load %arg7[%swap3A_40] {strides = array<i32>} : memref<80xi32, #tpu.memory_space<vmem>>, vector<16xi32>,
    %swap3A_42 = vector.shape_cast %swap3A_41 : vector<16xi32> to vector<16xi32>
    %swap3A_43 = vector.shape_cast %shift_right_logical3A_39 : vector<16xi32> to vector<16xi32>
    tpu.vector_store %arg7[%swap3A_40], %swap3A_43 {strides = array<i32>} : memref<80xi32, #tpu.memory_space<vmem>>, vector<16xi32>,
    %and3A_44 = arith.constant 65535 : i32
    %and3A_45 = vector.broadcast %and3A_44 : i32 to vector<16xi32>
    %and3A_46 = arith.andi %get3A_36, %and3A_45 : vector<16xi32>
    %swap3A_47 = arith.constant 16 : index
    %swap3A_48 = tpu.vector_load %arg8[%swap3A_47] {strides = array<i32>} : memref<80xi32, #tpu.memory_space<vmem>>, vector<16xi32>,
    %swap3A_49 = vector.shape_cast %swap3A_48 : vector<16xi32> to vector<16xi32>
    %swap3A_50 = vector.shape_cast %and3A_46 : vector<16xi32> to vector<16xi32>
    tpu.vector_store %arg8[%swap3A_47], %swap3A_50 {strides = array<i32>} : memref<80xi32, #tpu.memory_space<vmem>>, vector<16xi32>,
    %get3A_51 = arith.constant 0 : i32
    %get3A_52 = arith.index_cast %get3A_51 : i32 to index
    %get3A_53 = arith.constant 32 : index
    %get3A_54 = tpu.vector_load %arg6[%get3A_52, %get3A_53] {strides = array<i32>} : memref<125x80xi32, #tpu.memory_space<vmem>>, vector<1x16xi32>,
    %get3A_55 = vector.shape_cast %get3A_54 : vector<1x16xi32> to vector<16xi32>
    %shift_right_logical3A_56 = arith.constant 16 : i32
    %shift_right_logical3A_57 = vector.broadcast %shift_right_logical3A_56 : i32 to vector<16xi32>
    %shift_right_logical3A_58 = arith.shrui %get3A_55, %shift_right_logical3A_57 : vector<16xi32>
    %swap3A_59 = arith.constant 32 : index
    %swap3A_60 = tpu.vector_load %arg7[%swap3A_59] {strides = array<i32>} : memref<80xi32, #tpu.memory_space<vmem>>, vector<16xi32>,
    %swap3A_61 = vector.shape_cast %swap3A_60 : vector<16xi32> to vector<16xi32>
    %swap3A_62 = vector.shape_cast %shift_right_logical3A_58 : vector<16xi32> to vector<16xi32>
    tpu.vector_store %arg7[%swap3A_59], %swap3A_62 {strides = array<i32>} : memref<80xi32, #tpu.memory_space<vmem>>, vector<16xi32>,
    %and3A_63 = arith.constant 65535 : i32
    %and3A_64 = vector.broadcast %and3A_63 : i32 to vector<16xi32>
    %and3A_65 = arith.andi %get3A_55, %and3A_64 : vector<16xi32>
    %swap3A_66 = arith.constant 32 : index
    %swap3A_67 = tpu.vector_load %arg8[%swap3A_66] {strides = array<i32>} : memref<80xi32, #tpu.memory_space<vmem>>, vector<16xi32>,
    %swap3A_68 = vector.shape_cast %swap3A_67 : vector<16xi32> to vector<16xi32>
    %swap3A_69 = vector.shape_cast %and3A_65 : vector<16xi32> to vector<16xi32>
    tpu.vector_store %arg8[%swap3A_66], %swap3A_69 {strides = array<i32>} : memref<80xi32, #tpu.memory_space<vmem>>, vector<16xi32>,
    %get3A_70 = arith.constant 0 : i32
    %get3A_71 = arith.index_cast %get3A_70 : i32 to index
    %get3A_72 = arith.constant 48 : index
    %get3A_73 = tpu.vector_load %arg6[%get3A_71, %get3A_72] {strides = array<i32>} : memref<125x80xi32, #tpu.memory_space<vmem>>, vector<1x16xi32>,
    %get3A_74 = vector.shape_cast %get3A_73 : vector<1x16xi32> to vector<16xi32>
    %shift_right_logical3A_75 = arith.constant 16 : i32
    %shift_right_logical3A_76 = vector.broadcast %shift_right_logical3A_75 : i32 to vector<16xi32>
    %shift_right_logical3A_77 = arith.shrui %get3A_74, %shift_right_logical3A_76 : vector<16xi32>
    %swap3A_78 = arith.constant 48 : index
    %swap3A_79 = tpu.vector_load %arg7[%swap3A_78] {strides = array<i32>} : memref<80xi32, #tpu.memory_space<vmem>>, vector<16xi32>,
    %swap3A_80 = vector.shape_cast %swap3A_79 : vector<16xi32> to vector<16xi32>
    %swap3A_81 = vector.shape_cast %shift_right_logical3A_77 : vector<16xi32> to vector<16xi32>
    tpu.vector_store %arg7[%swap3A_78], %swap3A_81 {strides = array<i32>} : memref<80xi32, #tpu.memory_space<vmem>>, vector<16xi32>,
    %and3A_82 = arith.constant 65535 : i32
    %and3A_83 = vector.broadcast %and3A_82 : i32 to vector<16xi32>
    %and3A_84 = arith.andi %get3A_74, %and3A_83 : vector<16xi32>
    %swap3A_85 = arith.constant 48 : index
    %swap3A_86 = tpu.vector_load %arg8[%swap3A_85] {strides = array<i32>} : memref<80xi32, #tpu.memory_space<vmem>>, vector<16xi32>,
    %swap3A_87 = vector.shape_cast %swap3A_86 : vector<16xi32> to vector<16xi32>
    %swap3A_88 = vector.shape_cast %and3A_84 : vector<16xi32> to vector<16xi32>
    tpu.vector_store %arg8[%swap3A_85], %swap3A_88 {strides = array<i32>} : memref<80xi32, #tpu.memory_space<vmem>>, vector<16xi32>,
    %get3A_89 = arith.constant 0 : i32
    %get3A_90 = arith.index_cast %get3A_89 : i32 to index
    %get3A_91 = arith.constant 64 : index
    %get3A_92 = tpu.vector_load %arg6[%get3A_90, %get3A_91] {strides = array<i32>} : memref<125x80xi32, #tpu.memory_space<vmem>>, vector<1x16xi32>,
    %get3A_93 = vector.shape_cast %get3A_92 : vector<1x16xi32> to vector<16xi32>
    %shift_right_logical3A_94 = arith.constant 16 : i32
    %shift_right_logical3A_95 = vector.broadcast %shift_right_logical3A_94 : i32 to vector<16xi32>
    %shift_right_logical3A_96 = arith.shrui %get3A_93, %shift_right_logical3A_95 : vector<16xi32>
    %swap3A_97 = arith.constant 64 : index
    %swap3A_98 = tpu.vector_load %arg7[%swap3A_97] {strides = array<i32>} : memref<80xi32, #tpu.memory_space<vmem>>, vector<16xi32>,
    %swap3A_99 = vector.shape_cast %swap3A_98 : vector<16xi32> to vector<16xi32>
    %swap3A_100 = vector.shape_cast %shift_right_logical3A_96 : vector<16xi32> to vector<16xi32>
    tpu.vector_store %arg7[%swap3A_97], %swap3A_100 {strides = array<i32>} : memref<80xi32, #tpu.memory_space<vmem>>, vector<16xi32>,
    %and3A_101 = arith.constant 65535 : i32
    %and3A_102 = vector.broadcast %and3A_101 : i32 to vector<16xi32>
    %and3A_103 = arith.andi %get3A_93, %and3A_102 : vector<16xi32>
    %swap3A_104 = arith.constant 64 : index
    %swap3A_105 = tpu.vector_load %arg8[%swap3A_104] {strides = array<i32>} : memref<80xi32, #tpu.memory_space<vmem>>, vector<16xi32>,
    %swap3A_106 = vector.shape_cast %swap3A_105 : vector<16xi32> to vector<16xi32>
    %swap3A_107 = vector.shape_cast %and3A_103 : vector<16xi32> to vector<16xi32>
    tpu.vector_store %arg8[%swap3A_104], %swap3A_107 {strides = array<i32>} : memref<80xi32, #tpu.memory_space<vmem>>, vector<16xi32>,
    %dma_start3A_108 = arith.constant 0 : i32
    %dma_start3A_109 = arith.constant 0 : i32
    %dma_start3A_110 = tpu.memref_slice %arg2[%dma_start3A_108, %dma_start3A_109] : memref<10000x128xf32, #tpu.memory_space<hbm>> -> memref<10000x128xf32, #tpu.memory_space<hbm>>
    tpu.enqueue_indirect_dma source(%dma_start3A_110 : memref<10000x128xf32, #tpu.memory_space<hbm>>) target(%arg13 : memref<80x128xf32, #tpu.memory_space<vmem>>) offsets(%arg7 : memref<80xi32, #tpu.memory_space<vmem>>) semaphore(%arg18 : memref<!tpu.dma_semaphore, #tpu.memory_space<semaphore_mem>>)
    %get3A_111 = arith.constant 1 : i32
    %get3A_112 = arith.index_cast %get3A_111 : i32 to index
    %get3A_113 = arith.constant 0 : index
    %get3A_114 = tpu.vector_load %arg6[%get3A_112, %get3A_113] {strides = array<i32>} : memref<125x80xi32, #tpu.memory_space<vmem>>, vector<1x16xi32>,
    %get3A_115 = vector.shape_cast %get3A_114 : vector<1x16xi32> to vector<16xi32>
    %shift_right_logical3A_116 = arith.constant 16 : i32
    %shift_right_logical3A_117 = vector.broadcast %shift_right_logical3A_116 : i32 to vector<16xi32>
    %shift_right_logical3A_118 = arith.shrui %get3A_115, %shift_right_logical3A_117 : vector<16xi32>
    %swap3A_119 = arith.constant 0 : index
    %swap3A_120 = tpu.vector_load %arg9[%swap3A_119] {strides = array<i32>} : memref<80xi32, #tpu.memory_space<vmem>>, vector<16xi32>,
    %swap3A_121 = vector.shape_cast %swap3A_120 : vector<16xi32> to vector<16xi32>
    %swap3A_122 = vector.shape_cast %shift_right_logical3A_118 : vector<16xi32> to vector<16xi32>
    tpu.vector_store %arg9[%swap3A_119], %swap3A_122 {strides = array<i32>} : memref<80xi32, #tpu.memory_space<vmem>>, vector<16xi32>,
    %and3A_123 = arith.constant 65535 : i32
    %and3A_124 = vector.broadcast %and3A_123 : i32 to vector<16xi32>
    %and3A_125 = arith.andi %get3A_115, %and3A_124 : vector<16xi32>
    %swap3A_126 = arith.constant 0 : index
    %swap3A_127 = tpu.vector_load %arg10[%swap3A_126] {strides = array<i32>} : memref<80xi32, #tpu.memory_space<vmem>>, vector<16xi32>,
    %swap3A_128 = vector.shape_cast %swap3A_127 : vector<16xi32> to vector<16xi32>
    %swap3A_129 = vector.shape_cast %and3A_125 : vector<16xi32> to vector<16xi32>
    tpu.vector_store %arg10[%swap3A_126], %swap3A_129 {strides = array<i32>} : memref<80xi32, #tpu.memory_space<vmem>>, vector<16xi32>,
    %get3A_130 = arith.constant 1 : i32
    %get3A_131 = arith.index_cast %get3A_130 : i32 to index
    %get3A_132 = arith.constant 16 : index
    %get3A_133 = tpu.vector_load %arg6[%get3A_131, %get3A_132] {strides = array<i32>} : memref<125x80xi32, #tpu.memory_space<vmem>>, vector<1x16xi32>,
    %get3A_134 = vector.shape_cast %get3A_133 : vector<1x16xi32> to vector<16xi32>
    %shift_right_logical3A_135 = arith.constant 16 : i32
    %shift_right_logical3A_136 = vector.broadcast %shift_right_logical3A_135 : i32 to vector<16xi32>
    %shift_right_logical3A_137 = arith.shrui %get3A_134, %shift_right_logical3A_136 : vector<16xi32>
    %swap3A_138 = arith.constant 16 : index
    %swap3A_139 = tpu.vector_load %arg9[%swap3A_138] {strides = array<i32>} : memref<80xi32, #tpu.memory_space<vmem>>, vector<16xi32>,
    %swap3A_140 = vector.shape_cast %swap3A_139 : vector<16xi32> to vector<16xi32>
    %swap3A_141 = vector.shape_cast %shift_right_logical3A_137 : vector<16xi32> to vector<16xi32>
    tpu.vector_store %arg9[%swap3A_138], %swap3A_141 {strides = array<i32>} : memref<80xi32, #tpu.memory_space<vmem>>, vector<16xi32>,
    %and3A_142 = arith.constant 65535 : i32
    %and3A_143 = vector.broadcast %and3A_142 : i32 to vector<16xi32>
    %and3A_144 = arith.andi %get3A_134, %and3A_143 : vector<16xi32>
    %swap3A_145 = arith.constant 16 : index
    %swap3A_146 = tpu.vector_load %arg10[%swap3A_145] {strides = array<i32>} : memref<80xi32, #tpu.memory_space<vmem>>, vector<16xi32>,
    %swap3A_147 = vector.shape_cast %swap3A_146 : vector<16xi32> to vector<16xi32>
    %swap3A_148 = vector.shape_cast %and3A_144 : vector<16xi32> to vector<16xi32>
    tpu.vector_store %arg10[%swap3A_145], %swap3A_148 {strides = array<i32>} : memref<80xi32, #tpu.memory_space<vmem>>, vector<16xi32>,
    %get3A_149 = arith.constant 1 : i32
    %get3A_150 = arith.index_cast %get3A_149 : i32 to index
    %get3A_151 = arith.constant 32 : index
    %get3A_152 = tpu.vector_load %arg6[%get3A_150, %get3A_151] {strides = array<i32>} : memref<125x80xi32, #tpu.memory_space<vmem>>, vector<1x16xi32>,
    %get3A_153 = vector.shape_cast %get3A_152 : vector<1x16xi32> to vector<16xi32>
    %shift_right_logical3A_154 = arith.constant 16 : i32
    %shift_right_logical3A_155 = vector.broadcast %shift_right_logical3A_154 : i32 to vector<16xi32>
    %shift_right_logical3A_156 = arith.shrui %get3A_153, %shift_right_logical3A_155 : vector<16xi32>
    %swap3A_157 = arith.constant 32 : index
    %swap3A_158 = tpu.vector_load %arg9[%swap3A_157] {strides = array<i32>} : memref<80xi32, #tpu.memory_space<vmem>>, vector<16xi32>,
    %swap3A_159 = vector.shape_cast %swap3A_158 : vector<16xi32> to vector<16xi32>
    %swap3A_160 = vector.shape_cast %shift_right_logical3A_156 : vector<16xi32> to vector<16xi32>
    tpu.vector_store %arg9[%swap3A_157], %swap3A_160 {strides = array<i32>} : memref<80xi32, #tpu.memory_space<vmem>>, vector<16xi32>,
    %and3A_161 = arith.constant 65535 : i32
    %and3A_162 = vector.broadcast %and3A_161 : i32 to vector<16xi32>
    %and3A_163 = arith.andi %get3A_153, %and3A_162 : vector<16xi32>
    %swap3A_164 = arith.constant 32 : index
    %swap3A_165 = tpu.vector_load %arg10[%swap3A_164] {strides = array<i32>} : memref<80xi32, #tpu.memory_space<vmem>>, vector<16xi32>,
    %swap3A_166 = vector.shape_cast %swap3A_165 : vector<16xi32> to vector<16xi32>
    %swap3A_167 = vector.shape_cast %and3A_163 : vector<16xi32> to vector<16xi32>
    tpu.vector_store %arg10[%swap3A_164], %swap3A_167 {strides = array<i32>} : memref<80xi32, #tpu.memory_space<vmem>>, vector<16xi32>,
    %get3A_168 = arith.constant 1 : i32
    %get3A_169 = arith.index_cast %get3A_168 : i32 to index
    %get3A_170 = arith.constant 48 : index
    %get3A_171 = tpu.vector_load %arg6[%get3A_169, %get3A_170] {strides = array<i32>} : memref<125x80xi32, #tpu.memory_space<vmem>>, vector<1x16xi32>,
    %get3A_172 = vector.shape_cast %get3A_171 : vector<1x16xi32> to vector<16xi32>
    %shift_right_logical3A_173 = arith.constant 16 : i32
    %shift_right_logical3A_174 = vector.broadcast %shift_right_logical3A_173 : i32 to vector<16xi32>
    %shift_right_logical3A_175 = arith.shrui %get3A_172, %shift_right_logical3A_174 : vector<16xi32>
    %swap3A_176 = arith.constant 48 : index
    %swap3A_177 = tpu.vector_load %arg9[%swap3A_176] {strides = array<i32>} : memref<80xi32, #tpu.memory_space<vmem>>, vector<16xi32>,
    %swap3A_178 = vector.shape_cast %swap3A_177 : vector<16xi32> to vector<16xi32>
    %swap3A_179 = vector.shape_cast %shift_right_logical3A_175 : vector<16xi32> to vector<16xi32>
    tpu.vector_store %arg9[%swap3A_176], %swap3A_179 {strides = array<i32>} : memref<80xi32, #tpu.memory_space<vmem>>, vector<16xi32>,
    %and3A_180 = arith.constant 65535 : i32
    %and3A_181 = vector.broadcast %and3A_180 : i32 to vector<16xi32>
    %and3A_182 = arith.andi %get3A_172, %and3A_181 : vector<16xi32>
    %swap3A_183 = arith.constant 48 : index
    %swap3A_184 = tpu.vector_load %arg10[%swap3A_183] {strides = array<i32>} : memref<80xi32, #tpu.memory_space<vmem>>, vector<16xi32>,
    %swap3A_185 = vector.shape_cast %swap3A_184 : vector<16xi32> to vector<16xi32>
    %swap3A_186 = vector.shape_cast %and3A_182 : vector<16xi32> to vector<16xi32>
    tpu.vector_store %arg10[%swap3A_183], %swap3A_186 {strides = array<i32>} : memref<80xi32, #tpu.memory_space<vmem>>, vector<16xi32>,
    %get3A_187 = arith.constant 1 : i32
    %get3A_188 = arith.index_cast %get3A_187 : i32 to index
    %get3A_189 = arith.constant 64 : index
    %get3A_190 = tpu.vector_load %arg6[%get3A_188, %get3A_189] {strides = array<i32>} : memref<125x80xi32, #tpu.memory_space<vmem>>, vector<1x16xi32>,
    %get3A_191 = vector.shape_cast %get3A_190 : vector<1x16xi32> to vector<16xi32>
    %shift_right_logical3A_192 = arith.constant 16 : i32
    %shift_right_logical3A_193 = vector.broadcast %shift_right_logical3A_192 : i32 to vector<16xi32>
    %shift_right_logical3A_194 = arith.shrui %get3A_191, %shift_right_logical3A_193 : vector<16xi32>
    %swap3A_195 = arith.constant 64 : index
    %swap3A_196 = tpu.vector_load %arg9[%swap3A_195] {strides = array<i32>} : memref<80xi32, #tpu.memory_space<vmem>>, vector<16xi32>,
    %swap3A_197 = vector.shape_cast %swap3A_196 : vector<16xi32> to vector<16xi32>
    %swap3A_198 = vector.shape_cast %shift_right_logical3A_194 : vector<16xi32> to vector<16xi32>
    tpu.vector_store %arg9[%swap3A_195], %swap3A_198 {strides = array<i32>} : memref<80xi32, #tpu.memory_space<vmem>>, vector<16xi32>,
    %and3A_199 = arith.constant 65535 : i32
    %and3A_200 = vector.broadcast %and3A_199 : i32 to vector<16xi32>
    %and3A_201 = arith.andi %get3A_191, %and3A_200 : vector<16xi32>
    %swap3A_202 = arith.constant 64 : index
    %swap3A_203 = tpu.vector_load %arg10[%swap3A_202] {strides = array<i32>} : memref<80xi32, #tpu.memory_space<vmem>>, vector<16xi32>,
    %swap3A_204 = vector.shape_cast %swap3A_203 : vector<16xi32> to vector<16xi32>
    %swap3A_205 = vector.shape_cast %and3A_201 : vector<16xi32> to vector<16xi32>
    tpu.vector_store %arg10[%swap3A_202], %swap3A_205 {strides = array<i32>} : memref<80xi32, #tpu.memory_space<vmem>>, vector<16xi32>,
    %dma_start3A_206 = arith.constant 0 : i32
    %dma_start3A_207 = arith.constant 0 : i32
    %dma_start3A_208 = tpu.memref_slice %arg2[%dma_start3A_206, %dma_start3A_207] : memref<10000x128xf32, #tpu.memory_space<hbm>> -> memref<10000x128xf32, #tpu.memory_space<hbm>>
    tpu.enqueue_indirect_dma source(%dma_start3A_208 : memref<10000x128xf32, #tpu.memory_space<hbm>>) target(%arg14 : memref<80x128xf32, #tpu.memory_space<vmem>>) offsets(%arg9 : memref<80xi32, #tpu.memory_space<vmem>>) semaphore(%arg19 : memref<!tpu.dma_semaphore, #tpu.memory_space<semaphore_mem>>)
    %barrier3A = arith.constant 0 : index
    tpu.barrier barrier_id(%barrier3A)
    %scan3A = arith.constant 0 : i32
    %scan3A_209 = arith.constant 0 : i32
    %scan3A_210 = arith.constant 41 : i32
    %scan3A_211 = arith.addi %scan3A_209, %scan3A_210 : i32
    %scan3A_212 = arith.constant 1 : i32
    scf.for %scan3A_241 = %scan3A_209 to %scan3A_211 step %scan3A_212  : i32 {
      %mul3A_242 = arith.constant 3 : i32
      %mul3A_243 = arith.muli %mul3A_242, %scan3A_241 : i32
      %add3A_244 = arith.constant 0 : i32
      %add3A_245 = arith.addi %mul3A_243, %add3A_244 : i32
      %add3A_246 = arith.constant 2 : i32
      %add3A_247 = arith.addi %add3A_245, %add3A_246 : i32
      %lt3A_248 = arith.constant 125 : i32
      %lt3A_249 = arith.cmpi slt, %add3A_247, %lt3A_248 : i32
      %convert_element_type3A_250 = arith.extui %lt3A_249 : i1 to i32
      %cond3A_251 = arith.constant 0 : i32
      %cond3A_252 = arith.cmpi ne, %convert_element_type3A_250, %cond3A_251 : i32
      scf.if %cond3A_252 {
        %ge3A = arith.constant 1 : i32
        %ge3A_293 = arith.cmpi sge, %add3A_245, %ge3A : i32
        %convert_element_type3A_294 = arith.extui %ge3A_293 : i1 to i32
        %cond3A_295 = arith.constant 0 : i32
        %cond3A_296 = arith.cmpi ne, %convert_element_type3A_294, %cond3A_295 : i32
        scf.if %cond3A_296 {
          %dma_wait3A_392 = arith.constant 0 : i32
          %dma_wait3A_393 = arith.constant 0 : i32
          %dma_wait3A_394 = tpu.memref_slice %arg16[%dma_wait3A_392, %dma_wait3A_393] : memref<10000x128xf32, #tpu.memory_space<vmem_shared>> -> memref<10000x128xf32, #tpu.memory_space<vmem_shared>>
          tpu.wait_indirect_dma semaphore(%arg23 : memref<!tpu.dma_semaphore, #tpu.memory_space<semaphore_mem>>) src(%arg15 : memref<80x128xf32, #tpu.memory_space<vmem>>) dst(%dma_wait3A_394 : memref<10000x128xf32, #tpu.memory_space<vmem_shared>>)
        } else {
        }
        %add3A_297 = arith.constant 2 : i32
        %add3A_298 = arith.addi %add3A_245, %add3A_297 : i32
        %get3A_299 = arith.index_cast %add3A_298 : i32 to index
        %get3A_300 = arith.constant 0 : index
        %get3A_301 = tpu.vector_load %arg6[%get3A_299, %get3A_300] {strides = array<i32>} : memref<125x80xi32, #tpu.memory_space<vmem>>, vector<1x16xi32>,
        %get3A_302 = vector.shape_cast %get3A_301 : vector<1x16xi32> to vector<16xi32>
        %shift_right_logical3A_303 = arith.constant 16 : i32
        %shift_right_logical3A_304 = vector.broadcast %shift_right_logical3A_303 : i32 to vector<16xi32>
        %shift_right_logical3A_305 = arith.shrui %get3A_302, %shift_right_logical3A_304 : vector<16xi32>
        %swap3A_306 = arith.constant 0 : index
        %swap3A_307 = tpu.vector_load %arg11[%swap3A_306] {strides = array<i32>} : memref<80xi32, #tpu.memory_space<vmem>>, vector<16xi32>,
        %swap3A_308 = vector.shape_cast %swap3A_307 : vector<16xi32> to vector<16xi32>
        %swap3A_309 = vector.shape_cast %shift_right_logical3A_305 : vector<16xi32> to vector<16xi32>
        tpu.vector_store %arg11[%swap3A_306], %swap3A_309 {strides = array<i32>} : memref<80xi32, #tpu.memory_space<vmem>>, vector<16xi32>,
        %and3A_310 = arith.constant 65535 : i32
        %and3A_311 = vector.broadcast %and3A_310 : i32 to vector<16xi32>
        %and3A_312 = arith.andi %get3A_302, %and3A_311 : vector<16xi32>
        %swap3A_313 = arith.constant 0 : index
        %swap3A_314 = tpu.vector_load %arg12[%swap3A_313] {strides = array<i32>} : memref<80xi32, #tpu.memory_space<vmem>>, vector<16xi32>,
        %swap3A_315 = vector.shape_cast %swap3A_314 : vector<16xi32> to vector<16xi32>
        %swap3A_316 = vector.shape_cast %and3A_312 : vector<16xi32> to vector<16xi32>
        tpu.vector_store %arg12[%swap3A_313], %swap3A_316 {strides = array<i32>} : memref<80xi32, #tpu.memory_space<vmem>>, vector<16xi32>,
        %get3A_317 = arith.index_cast %add3A_298 : i32 to index
        %get3A_318 = arith.constant 16 : index
        %get3A_319 = tpu.vector_load %arg6[%get3A_317, %get3A_318] {strides = array<i32>} : memref<125x80xi32, #tpu.memory_space<vmem>>, vector<1x16xi32>,
        %get3A_320 = vector.shape_cast %get3A_319 : vector<1x16xi32> to vector<16xi32>
        %shift_right_logical3A_321 = arith.constant 16 : i32
        %shift_right_logical3A_322 = vector.broadcast %shift_right_logical3A_321 : i32 to vector<16xi32>
        %shift_right_logical3A_323 = arith.shrui %get3A_320, %shift_right_logical3A_322 : vector<16xi32>
        %swap3A_324 = arith.constant 16 : index
        %swap3A_325 = tpu.vector_load %arg11[%swap3A_324] {strides = array<i32>} : memref<80xi32, #tpu.memory_space<vmem>>, vector<16xi32>,
        %swap3A_326 = vector.shape_cast %swap3A_325 : vector<16xi32> to vector<16xi32>
        %swap3A_327 = vector.shape_cast %shift_right_logical3A_323 : vector<16xi32> to vector<16xi32>
        tpu.vector_store %arg11[%swap3A_324], %swap3A_327 {strides = array<i32>} : memref<80xi32, #tpu.memory_space<vmem>>, vector<16xi32>,
        %and3A_328 = arith.constant 65535 : i32
        %and3A_329 = vector.broadcast %and3A_328 : i32 to vector<16xi32>
        %and3A_330 = arith.andi %get3A_320, %and3A_329 : vector<16xi32>
        %swap3A_331 = arith.constant 16 : index
        %swap3A_332 = tpu.vector_load %arg12[%swap3A_331] {strides = array<i32>} : memref<80xi32, #tpu.memory_space<vmem>>, vector<16xi32>,
        %swap3A_333 = vector.shape_cast %swap3A_332 : vector<16xi32> to vector<16xi32>
        %swap3A_334 = vector.shape_cast %and3A_330 : vector<16xi32> to vector<16xi32>
        tpu.vector_store %arg12[%swap3A_331], %swap3A_334 {strides = array<i32>} : memref<80xi32, #tpu.memory_space<vmem>>, vector<16xi32>,
        %get3A_335 = arith.index_cast %add3A_298 : i32 to index
        %get3A_336 = arith.constant 32 : index
        %get3A_337 = tpu.vector_load %arg6[%get3A_335, %get3A_336] {strides = array<i32>} : memref<125x80xi32, #tpu.memory_space<vmem>>, vector<1x16xi32>,
        %get3A_338 = vector.shape_cast %get3A_337 : vector<1x16xi32> to vector<16xi32>
        %shift_right_logical3A_339 = arith.constant 16 : i32
        %shift_right_logical3A_340 = vector.broadcast %shift_right_logical3A_339 : i32 to vector<16xi32>
        %shift_right_logical3A_341 = arith.shrui %get3A_338, %shift_right_logical3A_340 : vector<16xi32>
        %swap3A_342 = arith.constant 32 : index
        %swap3A_343 = tpu.vector_load %arg11[%swap3A_342] {strides = array<i32>} : memref<80xi32, #tpu.memory_space<vmem>>, vector<16xi32>,
        %swap3A_344 = vector.shape_cast %swap3A_343 : vector<16xi32> to vector<16xi32>
        %swap3A_345 = vector.shape_cast %shift_right_logical3A_341 : vector<16xi32> to vector<16xi32>
        tpu.vector_store %arg11[%swap3A_342], %swap3A_345 {strides = array<i32>} : memref<80xi32, #tpu.memory_space<vmem>>, vector<16xi32>,
        %and3A_346 = arith.constant 65535 : i32
        %and3A_347 = vector.broadcast %and3A_346 : i32 to vector<16xi32>
        %and3A_348 = arith.andi %get3A_338, %and3A_347 : vector<16xi32>
        %swap3A_349 = arith.constant 32 : index
        %swap3A_350 = tpu.vector_load %arg12[%swap3A_349] {strides = array<i32>} : memref<80xi32, #tpu.memory_space<vmem>>, vector<16xi32>,
        %swap3A_351 = vector.shape_cast %swap3A_350 : vector<16xi32> to vector<16xi32>
        %swap3A_352 = vector.shape_cast %and3A_348 : vector<16xi32> to vector<16xi32>
        tpu.vector_store %arg12[%swap3A_349], %swap3A_352 {strides = array<i32>} : memref<80xi32, #tpu.memory_space<vmem>>, vector<16xi32>,
        %get3A_353 = arith.index_cast %add3A_298 : i32 to index
        %get3A_354 = arith.constant 48 : index
        %get3A_355 = tpu.vector_load %arg6[%get3A_353, %get3A_354] {strides = array<i32>} : memref<125x80xi32, #tpu.memory_space<vmem>>, vector<1x16xi32>,
        %get3A_356 = vector.shape_cast %get3A_355 : vector<1x16xi32> to vector<16xi32>
        %shift_right_logical3A_357 = arith.constant 16 : i32
        %shift_right_logical3A_358 = vector.broadcast %shift_right_logical3A_357 : i32 to vector<16xi32>
        %shift_right_logical3A_359 = arith.shrui %get3A_356, %shift_right_logical3A_358 : vector<16xi32>
        %swap3A_360 = arith.constant 48 : index
        %swap3A_361 = tpu.vector_load %arg11[%swap3A_360] {strides = array<i32>} : memref<80xi32, #tpu.memory_space<vmem>>, vector<16xi32>,
        %swap3A_362 = vector.shape_cast %swap3A_361 : vector<16xi32> to vector<16xi32>
        %swap3A_363 = vector.shape_cast %shift_right_logical3A_359 : vector<16xi32> to vector<16xi32>
        tpu.vector_store %arg11[%swap3A_360], %swap3A_363 {strides = array<i32>} : memref<80xi32, #tpu.memory_space<vmem>>, vector<16xi32>,
        %and3A_364 = arith.constant 65535 : i32
        %and3A_365 = vector.broadcast %and3A_364 : i32 to vector<16xi32>
        %and3A_366 = arith.andi %get3A_356, %and3A_365 : vector<16xi32>
        %swap3A_367 = arith.constant 48 : index
        %swap3A_368 = tpu.vector_load %arg12[%swap3A_367] {strides = array<i32>} : memref<80xi32, #tpu.memory_space<vmem>>, vector<16xi32>,
        %swap3A_369 = vector.shape_cast %swap3A_368 : vector<16xi32> to vector<16xi32>
        %swap3A_370 = vector.shape_cast %and3A_366 : vector<16xi32> to vector<16xi32>
        tpu.vector_store %arg12[%swap3A_367], %swap3A_370 {strides = array<i32>} : memref<80xi32, #tpu.memory_space<vmem>>, vector<16xi32>,
        %get3A_371 = arith.index_cast %add3A_298 : i32 to index
        %get3A_372 = arith.constant 64 : index
        %get3A_373 = tpu.vector_load %arg6[%get3A_371, %get3A_372] {strides = array<i32>} : memref<125x80xi32, #tpu.memory_space<vmem>>, vector<1x16xi32>,
        %get3A_374 = vector.shape_cast %get3A_373 : vector<1x16xi32> to vector<16xi32>
        %shift_right_logical3A_375 = arith.constant 16 : i32
        %shift_right_logical3A_376 = vector.broadcast %shift_right_logical3A_375 : i32 to vector<16xi32>
        %shift_right_logical3A_377 = arith.shrui %get3A_374, %shift_right_logical3A_376 : vector<16xi32>
        %swap3A_378 = arith.constant 64 : index
        %swap3A_379 = tpu.vector_load %arg11[%swap3A_378] {strides = array<i32>} : memref<80xi32, #tpu.memory_space<vmem>>, vector<16xi32>,
        %swap3A_380 = vector.shape_cast %swap3A_379 : vector<16xi32> to vector<16xi32>
        %swap3A_381 = vector.shape_cast %shift_right_logical3A_377 : vector<16xi32> to vector<16xi32>
        tpu.vector_store %arg11[%swap3A_378], %swap3A_381 {strides = array<i32>} : memref<80xi32, #tpu.memory_space<vmem>>, vector<16xi32>,
        %and3A_382 = arith.constant 65535 : i32
        %and3A_383 = vector.broadcast %and3A_382 : i32 to vector<16xi32>
        %and3A_384 = arith.andi %get3A_374, %and3A_383 : vector<16xi32>
        %swap3A_385 = arith.constant 64 : index
        %swap3A_386 = tpu.vector_load %arg12[%swap3A_385] {strides = array<i32>} : memref<80xi32, #tpu.memory_space<vmem>>, vector<16xi32>,
        %swap3A_387 = vector.shape_cast %swap3A_386 : vector<16xi32> to vector<16xi32>
        %swap3A_388 = vector.shape_cast %and3A_384 : vector<16xi32> to vector<16xi32>
        tpu.vector_store %arg12[%swap3A_385], %swap3A_388 {strides = array<i32>} : memref<80xi32, #tpu.memory_space<vmem>>, vector<16xi32>,
        %dma_start3A_389 = arith.constant 0 : i32
        %dma_start3A_390 = arith.constant 0 : i32
        %dma_start3A_391 = tpu.memref_slice %arg2[%dma_start3A_389, %dma_start3A_390] : memref<10000x128xf32, #tpu.memory_space<hbm>> -> memref<10000x128xf32, #tpu.memory_space<hbm>>
        tpu.enqueue_indirect_dma source(%dma_start3A_391 : memref<10000x128xf32, #tpu.memory_space<hbm>>) target(%arg15 : memref<80x128xf32, #tpu.memory_space<vmem>>) offsets(%arg11 : memref<80xi32, #tpu.memory_space<vmem>>) semaphore(%arg20 : memref<!tpu.dma_semaphore, #tpu.memory_space<semaphore_mem>>)
      } else {
      }
      %dma_wait3A_253 = arith.constant 0 : i32
      %dma_wait3A_254 = arith.constant 0 : i32
      %dma_wait3A_255 = tpu.memref_slice %arg2[%dma_wait3A_253, %dma_wait3A_254] : memref<10000x128xf32, #tpu.memory_space<hbm>> -> memref<10000x128xf32, #tpu.memory_space<hbm>>
      tpu.wait_indirect_dma semaphore(%arg18 : memref<!tpu.dma_semaphore, #tpu.memory_space<semaphore_mem>>) src(%dma_wait3A_255 : memref<10000x128xf32, #tpu.memory_space<hbm>>) dst(%arg13 : memref<80x128xf32, #tpu.memory_space<vmem>>)
      %dma_start3A_256 = arith.constant 0 : i32
      %dma_start3A_257 = arith.constant 0 : i32
      %dma_start3A_258 = tpu.memref_slice %arg16[%dma_start3A_256, %dma_start3A_257] : memref<10000x128xf32, #tpu.memory_space<vmem_shared>> -> memref<10000x128xf32, #tpu.memory_space<vmem_shared>>
      tpu.enqueue_indirect_dma source(%arg13 : memref<80x128xf32, #tpu.memory_space<vmem>>) target(%dma_start3A_258 : memref<10000x128xf32, #tpu.memory_space<vmem_shared>>) offsets(%arg8 : memref<80xi32, #tpu.memory_space<vmem>>) semaphore(%arg21 : memref<!tpu.dma_semaphore, #tpu.memory_space<semaphore_mem>>) {add = true}
      %mul3A_259 = arith.constant 3 : i32
      %mul3A_260 = arith.muli %mul3A_259, %scan3A_241 : i32
      %add3A_261 = arith.constant 1 : i32
      %add3A_262 = arith.addi %mul3A_260, %add3A_261 : i32
      %add3A_263 = arith.constant 2 : i32
      %add3A_264 = arith.addi %add3A_262, %add3A_263 : i32
      %lt3A_265 = arith.constant 125 : i32
      %lt3A_266 = arith.cmpi slt, %add3A_264, %lt3A_265 : i32
      %convert_element_type3A_267 = arith.extui %lt3A_266 : i1 to i32
      %cond3A_268 = arith.constant 0 : i32
      %cond3A_269 = arith.cmpi ne, %convert_element_type3A_267, %cond3A_268 : i32
      scf.if %cond3A_269 {
        %ge3A = arith.constant 1 : i32
        %ge3A_293 = arith.cmpi sge, %add3A_262, %ge3A : i32
        %convert_element_type3A_294 = arith.extui %ge3A_293 : i1 to i32
        %cond3A_295 = arith.constant 0 : i32
        %cond3A_296 = arith.cmpi ne, %convert_element_type3A_294, %cond3A_295 : i32
        scf.if %cond3A_296 {
          %dma_wait3A_392 = arith.constant 0 : i32
          %dma_wait3A_393 = arith.constant 0 : i32
          %dma_wait3A_394 = tpu.memref_slice %arg16[%dma_wait3A_392, %dma_wait3A_393] : memref<10000x128xf32, #tpu.memory_space<vmem_shared>> -> memref<10000x128xf32, #tpu.memory_space<vmem_shared>>
          tpu.wait_indirect_dma semaphore(%arg21 : memref<!tpu.dma_semaphore, #tpu.memory_space<semaphore_mem>>) src(%arg13 : memref<80x128xf32, #tpu.memory_space<vmem>>) dst(%dma_wait3A_394 : memref<10000x128xf32, #tpu.memory_space<vmem_shared>>)
        } else {
        }
        %add3A_297 = arith.constant 2 : i32
        %add3A_298 = arith.addi %add3A_262, %add3A_297 : i32
        %get3A_299 = arith.index_cast %add3A_298 : i32 to index
        %get3A_300 = arith.constant 0 : index
        %get3A_301 = tpu.vector_load %arg6[%get3A_299, %get3A_300] {strides = array<i32>} : memref<125x80xi32, #tpu.memory_space<vmem>>, vector<1x16xi32>,
        %get3A_302 = vector.shape_cast %get3A_301 : vector<1x16xi32> to vector<16xi32>
        %shift_right_logical3A_303 = arith.constant 16 : i32
        %shift_right_logical3A_304 = vector.broadcast %shift_right_logical3A_303 : i32 to vector<16xi32>
        %shift_right_logical3A_305 = arith.shrui %get3A_302, %shift_right_logical3A_304 : vector<16xi32>
        %swap3A_306 = arith.constant 0 : index
        %swap3A_307 = tpu.vector_load %arg7[%swap3A_306] {strides = array<i32>} : memref<80xi32, #tpu.memory_space<vmem>>, vector<16xi32>,
        %swap3A_308 = vector.shape_cast %swap3A_307 : vector<16xi32> to vector<16xi32>
        %swap3A_309 = vector.shape_cast %shift_right_logical3A_305 : vector<16xi32> to vector<16xi32>
        tpu.vector_store %arg7[%swap3A_306], %swap3A_309 {strides = array<i32>} : memref<80xi32, #tpu.memory_space<vmem>>, vector<16xi32>,
        %and3A_310 = arith.constant 65535 : i32
        %and3A_311 = vector.broadcast %and3A_310 : i32 to vector<16xi32>
        %and3A_312 = arith.andi %get3A_302, %and3A_311 : vector<16xi32>
        %swap3A_313 = arith.constant 0 : index
        %swap3A_314 = tpu.vector_load %arg8[%swap3A_313] {strides = array<i32>} : memref<80xi32, #tpu.memory_space<vmem>>, vector<16xi32>,
        %swap3A_315 = vector.shape_cast %swap3A_314 : vector<16xi32> to vector<16xi32>
        %swap3A_316 = vector.shape_cast %and3A_312 : vector<16xi32> to vector<16xi32>
        tpu.vector_store %arg8[%swap3A_313], %swap3A_316 {strides = array<i32>} : memref<80xi32, #tpu.memory_space<vmem>>, vector<16xi32>,
        %get3A_317 = arith.index_cast %add3A_298 : i32 to index
        %get3A_318 = arith.constant 16 : index
        %get3A_319 = tpu.vector_load %arg6[%get3A_317, %get3A_318] {strides = array<i32>} : memref<125x80xi32, #tpu.memory_space<vmem>>, vector<1x16xi32>,
        %get3A_320 = vector.shape_cast %get3A_319 : vector<1x16xi32> to vector<16xi32>
        %shift_right_logical3A_321 = arith.constant 16 : i32
        %shift_right_logical3A_322 = vector.broadcast %shift_right_logical3A_321 : i32 to vector<16xi32>
        %shift_right_logical3A_323 = arith.shrui %get3A_320, %shift_right_logical3A_322 : vector<16xi32>
        %swap3A_324 = arith.constant 16 : index
        %swap3A_325 = tpu.vector_load %arg7[%swap3A_324] {strides = array<i32>} : memref<80xi32, #tpu.memory_space<vmem>>, vector<16xi32>,
        %swap3A_326 = vector.shape_cast %swap3A_325 : vector<16xi32> to vector<16xi32>
        %swap3A_327 = vector.shape_cast %shift_right_logical3A_323 : vector<16xi32> to vector<16xi32>
        tpu.vector_store %arg7[%swap3A_324], %swap3A_327 {strides = array<i32>} : memref<80xi32, #tpu.memory_space<vmem>>, vector<16xi32>,
        %and3A_328 = arith.constant 65535 : i32
        %and3A_329 = vector.broadcast %and3A_328 : i32 to vector<16xi32>
        %and3A_330 = arith.andi %get3A_320, %and3A_329 : vector<16xi32>
        %swap3A_331 = arith.constant 16 : index
        %swap3A_332 = tpu.vector_load %arg8[%swap3A_331] {strides = array<i32>} : memref<80xi32, #tpu.memory_space<vmem>>, vector<16xi32>,
        %swap3A_333 = vector.shape_cast %swap3A_332 : vector<16xi32> to vector<16xi32>
        %swap3A_334 = vector.shape_cast %and3A_330 : vector<16xi32> to vector<16xi32>
        tpu.vector_store %arg8[%swap3A_331], %swap3A_334 {strides = array<i32>} : memref<80xi32, #tpu.memory_space<vmem>>, vector<16xi32>,
        %get3A_335 = arith.index_cast %add3A_298 : i32 to index
        %get3A_336 = arith.constant 32 : index
        %get3A_337 = tpu.vector_load %arg6[%get3A_335, %get3A_336] {strides = array<i32>} : memref<125x80xi32, #tpu.memory_space<vmem>>, vector<1x16xi32>,
        %get3A_338 = vector.shape_cast %get3A_337 : vector<1x16xi32> to vector<16xi32>
        %shift_right_logical3A_339 = arith.constant 16 : i32
        %shift_right_logical3A_340 = vector.broadcast %shift_right_logical3A_339 : i32 to vector<16xi32>
        %shift_right_logical3A_341 = arith.shrui %get3A_338, %shift_right_logical3A_340 : vector<16xi32>
        %swap3A_342 = arith.constant 32 : index
        %swap3A_343 = tpu.vector_load %arg7[%swap3A_342] {strides = array<i32>} : memref<80xi32, #tpu.memory_space<vmem>>, vector<16xi32>,
        %swap3A_344 = vector.shape_cast %swap3A_343 : vector<16xi32> to vector<16xi32>
        %swap3A_345 = vector.shape_cast %shift_right_logical3A_341 : vector<16xi32> to vector<16xi32>
        tpu.vector_store %arg7[%swap3A_342], %swap3A_345 {strides = array<i32>} : memref<80xi32, #tpu.memory_space<vmem>>, vector<16xi32>,
        %and3A_346 = arith.constant 65535 : i32
        %and3A_347 = vector.broadcast %and3A_346 : i32 to vector<16xi32>
        %and3A_348 = arith.andi %get3A_338, %and3A_347 : vector<16xi32>
        %swap3A_349 = arith.constant 32 : index
        %swap3A_350 = tpu.vector_load %arg8[%swap3A_349] {strides = array<i32>} : memref<80xi32, #tpu.memory_space<vmem>>, vector<16xi32>,
        %swap3A_351 = vector.shape_cast %swap3A_350 : vector<16xi32> to vector<16xi32>
        %swap3A_352 = vector.shape_cast %and3A_348 : vector<16xi32> to vector<16xi32>
        tpu.vector_store %arg8[%swap3A_349], %swap3A_352 {strides = array<i32>} : memref<80xi32, #tpu.memory_space<vmem>>, vector<16xi32>,
        %get3A_353 = arith.index_cast %add3A_298 : i32 to index
        %get3A_354 = arith.constant 48 : index
        %get3A_355 = tpu.vector_load %arg6[%get3A_353, %get3A_354] {strides = array<i32>} : memref<125x80xi32, #tpu.memory_space<vmem>>, vector<1x16xi32>,
        %get3A_356 = vector.shape_cast %get3A_355 : vector<1x16xi32> to vector<16xi32>
        %shift_right_logical3A_357 = arith.constant 16 : i32
        %shift_right_logical3A_358 = vector.broadcast %shift_right_logical3A_357 : i32 to vector<16xi32>
        %shift_right_logical3A_359 = arith.shrui %get3A_356, %shift_right_logical3A_358 : vector<16xi32>
        %swap3A_360 = arith.constant 48 : index
        %swap3A_361 = tpu.vector_load %arg7[%swap3A_360] {strides = array<i32>} : memref<80xi32, #tpu.memory_space<vmem>>, vector<16xi32>,
        %swap3A_362 = vector.shape_cast %swap3A_361 : vector<16xi32> to vector<16xi32>
        %swap3A_363 = vector.shape_cast %shift_right_logical3A_359 : vector<16xi32> to vector<16xi32>
        tpu.vector_store %arg7[%swap3A_360], %swap3A_363 {strides = array<i32>} : memref<80xi32, #tpu.memory_space<vmem>>, vector<16xi32>,
        %and3A_364 = arith.constant 65535 : i32
        %and3A_365 = vector.broadcast %and3A_364 : i32 to vector<16xi32>
        %and3A_366 = arith.andi %get3A_356, %and3A_365 : vector<16xi32>
        %swap3A_367 = arith.constant 48 : index
        %swap3A_368 = tpu.vector_load %arg8[%swap3A_367] {strides = array<i32>} : memref<80xi32, #tpu.memory_space<vmem>>, vector<16xi32>,
        %swap3A_369 = vector.shape_cast %swap3A_368 : vector<16xi32> to vector<16xi32>
        %swap3A_370 = vector.shape_cast %and3A_366 : vector<16xi32> to vector<16xi32>
        tpu.vector_store %arg8[%swap3A_367], %swap3A_370 {strides = array<i32>} : memref<80xi32, #tpu.memory_space<vmem>>, vector<16xi32>,
        %get3A_371 = arith.index_cast %add3A_298 : i32 to index
        %get3A_372 = arith.constant 64 : index
        %get3A_373 = tpu.vector_load %arg6[%get3A_371, %get3A_372] {strides = array<i32>} : memref<125x80xi32, #tpu.memory_space<vmem>>, vector<1x16xi32>,
        %get3A_374 = vector.shape_cast %get3A_373 : vector<1x16xi32> to vector<16xi32>
        %shift_right_logical3A_375 = arith.constant 16 : i32
        %shift_right_logical3A_376 = vector.broadcast %shift_right_logical3A_375 : i32 to vector<16xi32>
        %shift_right_logical3A_377 = arith.shrui %get3A_374, %shift_right_logical3A_376 : vector<16xi32>
        %swap3A_378 = arith.constant 64 : index
        %swap3A_379 = tpu.vector_load %arg7[%swap3A_378] {strides = array<i32>} : memref<80xi32, #tpu.memory_space<vmem>>, vector<16xi32>,
        %swap3A_380 = vector.shape_cast %swap3A_379 : vector<16xi32> to vector<16xi32>
        %swap3A_381 = vector.shape_cast %shift_right_logical3A_377 : vector<16xi32> to vector<16xi32>
        tpu.vector_store %arg7[%swap3A_378], %swap3A_381 {strides = array<i32>} : memref<80xi32, #tpu.memory_space<vmem>>, vector<16xi32>,
        %and3A_382 = arith.constant 65535 : i32
        %and3A_383 = vector.broadcast %and3A_382 : i32 to vector<16xi32>
        %and3A_384 = arith.andi %get3A_374, %and3A_383 : vector<16xi32>
        %swap3A_385 = arith.constant 64 : index
        %swap3A_386 = tpu.vector_load %arg8[%swap3A_385] {strides = array<i32>} : memref<80xi32, #tpu.memory_space<vmem>>, vector<16xi32>,
        %swap3A_387 = vector.shape_cast %swap3A_386 : vector<16xi32> to vector<16xi32>
        %swap3A_388 = vector.shape_cast %and3A_384 : vector<16xi32> to vector<16xi32>
        tpu.vector_store %arg8[%swap3A_385], %swap3A_388 {strides = array<i32>} : memref<80xi32, #tpu.memory_space<vmem>>, vector<16xi32>,
        %dma_start3A_389 = arith.constant 0 : i32
        %dma_start3A_390 = arith.constant 0 : i32
        %dma_start3A_391 = tpu.memref_slice %arg2[%dma_start3A_389, %dma_start3A_390] : memref<10000x128xf32, #tpu.memory_space<hbm>> -> memref<10000x128xf32, #tpu.memory_space<hbm>>
        tpu.enqueue_indirect_dma source(%dma_start3A_391 : memref<10000x128xf32, #tpu.memory_space<hbm>>) target(%arg13 : memref<80x128xf32, #tpu.memory_space<vmem>>) offsets(%arg7 : memref<80xi32, #tpu.memory_space<vmem>>) semaphore(%arg18 : memref<!tpu.dma_semaphore, #tpu.memory_space<semaphore_mem>>)
      } else {
      }
      %dma_wait3A_270 = arith.constant 0 : i32
      %dma_wait3A_271 = arith.constant 0 : i32
      %dma_wait3A_272 = tpu.memref_slice %arg2[%dma_wait3A_270, %dma_wait3A_271] : memref<10000x128xf32, #tpu.memory_space<hbm>> -> memref<10000x128xf32, #tpu.memory_space<hbm>>
      tpu.wait_indirect_dma semaphore(%arg19 : memref<!tpu.dma_semaphore, #tpu.memory_space<semaphore_mem>>) src(%dma_wait3A_272 : memref<10000x128xf32, #tpu.memory_space<hbm>>) dst(%arg14 : memref<80x128xf32, #tpu.memory_space<vmem>>)
      %dma_start3A_273 = arith.constant 0 : i32
      %dma_start3A_274 = arith.constant 0 : i32
      %dma_start3A_275 = tpu.memref_slice %arg16[%dma_start3A_273, %dma_start3A_274] : memref<10000x128xf32, #tpu.memory_space<vmem_shared>> -> memref<10000x128xf32, #tpu.memory_space<vmem_shared>>
      tpu.enqueue_indirect_dma source(%arg14 : memref<80x128xf32, #tpu.memory_space<vmem>>) target(%dma_start3A_275 : memref<10000x128xf32, #tpu.memory_space<vmem_shared>>) offsets(%arg10 : memref<80xi32, #tpu.memory_space<vmem>>) semaphore(%arg22 : memref<!tpu.dma_semaphore, #tpu.memory_space<semaphore_mem>>) {add = true}
      %mul3A_276 = arith.constant 3 : i32
      %mul3A_277 = arith.muli %mul3A_276, %scan3A_241 : i32
      %add3A_278 = arith.constant 2 : i32
      %add3A_279 = arith.addi %mul3A_277, %add3A_278 : i32
      %add3A_280 = arith.constant 2 : i32
      %add3A_281 = arith.addi %add3A_279, %add3A_280 : i32
      %lt3A_282 = arith.constant 125 : i32
      %lt3A_283 = arith.cmpi slt, %add3A_281, %lt3A_282 : i32
      %convert_element_type3A_284 = arith.extui %lt3A_283 : i1 to i32
      %cond3A_285 = arith.constant 0 : i32
      %cond3A_286 = arith.cmpi ne, %convert_element_type3A_284, %cond3A_285 : i32
      scf.if %cond3A_286 {
        %ge3A = arith.constant 1 : i32
        %ge3A_293 = arith.cmpi sge, %add3A_279, %ge3A : i32
        %convert_element_type3A_294 = arith.extui %ge3A_293 : i1 to i32
        %cond3A_295 = arith.constant 0 : i32
        %cond3A_296 = arith.cmpi ne, %convert_element_type3A_294, %cond3A_295 : i32
        scf.if %cond3A_296 {
          %dma_wait3A_392 = arith.constant 0 : i32
          %dma_wait3A_393 = arith.constant 0 : i32
          %dma_wait3A_394 = tpu.memref_slice %arg16[%dma_wait3A_392, %dma_wait3A_393] : memref<10000x128xf32, #tpu.memory_space<vmem_shared>> -> memref<10000x128xf32, #tpu.memory_space<vmem_shared>>
          tpu.wait_indirect_dma semaphore(%arg22 : memref<!tpu.dma_semaphore, #tpu.memory_space<semaphore_mem>>) src(%arg14 : memref<80x128xf32, #tpu.memory_space<vmem>>) dst(%dma_wait3A_394 : memref<10000x128xf32, #tpu.memory_space<vmem_shared>>)
        } else {
        }
        %add3A_297 = arith.constant 2 : i32
        %add3A_298 = arith.addi %add3A_279, %add3A_297 : i32
        %get3A_299 = arith.index_cast %add3A_298 : i32 to index
        %get3A_300 = arith.constant 0 : index
        %get3A_301 = tpu.vector_load %arg6[%get3A_299, %get3A_300] {strides = array<i32>} : memref<125x80xi32, #tpu.memory_space<vmem>>, vector<1x16xi32>,
        %get3A_302 = vector.shape_cast %get3A_301 : vector<1x16xi32> to vector<16xi32>
        %shift_right_logical3A_303 = arith.constant 16 : i32
        %shift_right_logical3A_304 = vector.broadcast %shift_right_logical3A_303 : i32 to vector<16xi32>
        %shift_right_logical3A_305 = arith.shrui %get3A_302, %shift_right_logical3A_304 : vector<16xi32>
        %swap3A_306 = arith.constant 0 : index
        %swap3A_307 = tpu.vector_load %arg9[%swap3A_306] {strides = array<i32>} : memref<80xi32, #tpu.memory_space<vmem>>, vector<16xi32>,
        %swap3A_308 = vector.shape_cast %swap3A_307 : vector<16xi32> to vector<16xi32>
        %swap3A_309 = vector.shape_cast %shift_right_logical3A_305 : vector<16xi32> to vector<16xi32>
        tpu.vector_store %arg9[%swap3A_306], %swap3A_309 {strides = array<i32>} : memref<80xi32, #tpu.memory_space<vmem>>, vector<16xi32>,
        %and3A_310 = arith.constant 65535 : i32
        %and3A_311 = vector.broadcast %and3A_310 : i32 to vector<16xi32>
        %and3A_312 = arith.andi %get3A_302, %and3A_311 : vector<16xi32>
        %swap3A_313 = arith.constant 0 : index
        %swap3A_314 = tpu.vector_load %arg10[%swap3A_313] {strides = array<i32>} : memref<80xi32, #tpu.memory_space<vmem>>, vector<16xi32>,
        %swap3A_315 = vector.shape_cast %swap3A_314 : vector<16xi32> to vector<16xi32>
        %swap3A_316 = vector.shape_cast %and3A_312 : vector<16xi32> to vector<16xi32>
        tpu.vector_store %arg10[%swap3A_313], %swap3A_316 {strides = array<i32>} : memref<80xi32, #tpu.memory_space<vmem>>, vector<16xi32>,
        %get3A_317 = arith.index_cast %add3A_298 : i32 to index
        %get3A_318 = arith.constant 16 : index
        %get3A_319 = tpu.vector_load %arg6[%get3A_317, %get3A_318] {strides = array<i32>} : memref<125x80xi32, #tpu.memory_space<vmem>>, vector<1x16xi32>,
        %get3A_320 = vector.shape_cast %get3A_319 : vector<1x16xi32> to vector<16xi32>
        %shift_right_logical3A_321 = arith.constant 16 : i32
        %shift_right_logical3A_322 = vector.broadcast %shift_right_logical3A_321 : i32 to vector<16xi32>
        %shift_right_logical3A_323 = arith.shrui %get3A_320, %shift_right_logical3A_322 : vector<16xi32>
        %swap3A_324 = arith.constant 16 : index
        %swap3A_325 = tpu.vector_load %arg9[%swap3A_324] {strides = array<i32>} : memref<80xi32, #tpu.memory_space<vmem>>, vector<16xi32>,
        %swap3A_326 = vector.shape_cast %swap3A_325 : vector<16xi32> to vector<16xi32>
        %swap3A_327 = vector.shape_cast %shift_right_logical3A_323 : vector<16xi32> to vector<16xi32>
        tpu.vector_store %arg9[%swap3A_324], %swap3A_327 {strides = array<i32>} : memref<80xi32, #tpu.memory_space<vmem>>, vector<16xi32>,
        %and3A_328 = arith.constant 65535 : i32
        %and3A_329 = vector.broadcast %and3A_328 : i32 to vector<16xi32>
        %and3A_330 = arith.andi %get3A_320, %and3A_329 : vector<16xi32>
        %swap3A_331 = arith.constant 16 : index
        %swap3A_332 = tpu.vector_load %arg10[%swap3A_331] {strides = array<i32>} : memref<80xi32, #tpu.memory_space<vmem>>, vector<16xi32>,
        %swap3A_333 = vector.shape_cast %swap3A_332 : vector<16xi32> to vector<16xi32>
        %swap3A_334 = vector.shape_cast %and3A_330 : vector<16xi32> to vector<16xi32>
        tpu.vector_store %arg10[%swap3A_331], %swap3A_334 {strides = array<i32>} : memref<80xi32, #tpu.memory_space<vmem>>, vector<16xi32>,
        %get3A_335 = arith.index_cast %add3A_298 : i32 to index
        %get3A_336 = arith.constant 32 : index
        %get3A_337 = tpu.vector_load %arg6[%get3A_335, %get3A_336] {strides = array<i32>} : memref<125x80xi32, #tpu.memory_space<vmem>>, vector<1x16xi32>,
        %get3A_338 = vector.shape_cast %get3A_337 : vector<1x16xi32> to vector<16xi32>
        %shift_right_logical3A_339 = arith.constant 16 : i32
        %shift_right_logical3A_340 = vector.broadcast %shift_right_logical3A_339 : i32 to vector<16xi32>
        %shift_right_logical3A_341 = arith.shrui %get3A_338, %shift_right_logical3A_340 : vector<16xi32>
        %swap3A_342 = arith.constant 32 : index
        %swap3A_343 = tpu.vector_load %arg9[%swap3A_342] {strides = array<i32>} : memref<80xi32, #tpu.memory_space<vmem>>, vector<16xi32>,
        %swap3A_344 = vector.shape_cast %swap3A_343 : vector<16xi32> to vector<16xi32>
        %swap3A_345 = vector.shape_cast %shift_right_logical3A_341 : vector<16xi32> to vector<16xi32>
        tpu.vector_store %arg9[%swap3A_342], %swap3A_345 {strides = array<i32>} : memref<80xi32, #tpu.memory_space<vmem>>, vector<16xi32>,
        %and3A_346 = arith.constant 65535 : i32
        %and3A_347 = vector.broadcast %and3A_346 : i32 to vector<16xi32>
        %and3A_348 = arith.andi %get3A_338, %and3A_347 : vector<16xi32>
        %swap3A_349 = arith.constant 32 : index
        %swap3A_350 = tpu.vector_load %arg10[%swap3A_349] {strides = array<i32>} : memref<80xi32, #tpu.memory_space<vmem>>, vector<16xi32>,
        %swap3A_351 = vector.shape_cast %swap3A_350 : vector<16xi32> to vector<16xi32>
        %swap3A_352 = vector.shape_cast %and3A_348 : vector<16xi32> to vector<16xi32>
        tpu.vector_store %arg10[%swap3A_349], %swap3A_352 {strides = array<i32>} : memref<80xi32, #tpu.memory_space<vmem>>, vector<16xi32>,
        %get3A_353 = arith.index_cast %add3A_298 : i32 to index
        %get3A_354 = arith.constant 48 : index
        %get3A_355 = tpu.vector_load %arg6[%get3A_353, %get3A_354] {strides = array<i32>} : memref<125x80xi32, #tpu.memory_space<vmem>>, vector<1x16xi32>,
        %get3A_356 = vector.shape_cast %get3A_355 : vector<1x16xi32> to vector<16xi32>
        %shift_right_logical3A_357 = arith.constant 16 : i32
        %shift_right_logical3A_358 = vector.broadcast %shift_right_logical3A_357 : i32 to vector<16xi32>
        %shift_right_logical3A_359 = arith.shrui %get3A_356, %shift_right_logical3A_358 : vector<16xi32>
        %swap3A_360 = arith.constant 48 : index
        %swap3A_361 = tpu.vector_load %arg9[%swap3A_360] {strides = array<i32>} : memref<80xi32, #tpu.memory_space<vmem>>, vector<16xi32>,
        %swap3A_362 = vector.shape_cast %swap3A_361 : vector<16xi32> to vector<16xi32>
        %swap3A_363 = vector.shape_cast %shift_right_logical3A_359 : vector<16xi32> to vector<16xi32>
        tpu.vector_store %arg9[%swap3A_360], %swap3A_363 {strides = array<i32>} : memref<80xi32, #tpu.memory_space<vmem>>, vector<16xi32>,
        %and3A_364 = arith.constant 65535 : i32
        %and3A_365 = vector.broadcast %and3A_364 : i32 to vector<16xi32>
        %and3A_366 = arith.andi %get3A_356, %and3A_365 : vector<16xi32>
        %swap3A_367 = arith.constant 48 : index
        %swap3A_368 = tpu.vector_load %arg10[%swap3A_367] {strides = array<i32>} : memref<80xi32, #tpu.memory_space<vmem>>, vector<16xi32>,
        %swap3A_369 = vector.shape_cast %swap3A_368 : vector<16xi32> to vector<16xi32>
        %swap3A_370 = vector.shape_cast %and3A_366 : vector<16xi32> to vector<16xi32>
        tpu.vector_store %arg10[%swap3A_367], %swap3A_370 {strides = array<i32>} : memref<80xi32, #tpu.memory_space<vmem>>, vector<16xi32>,
        %get3A_371 = arith.index_cast %add3A_298 : i32 to index
        %get3A_372 = arith.constant 64 : index
        %get3A_373 = tpu.vector_load %arg6[%get3A_371, %get3A_372] {strides = array<i32>} : memref<125x80xi32, #tpu.memory_space<vmem>>, vector<1x16xi32>,
        %get3A_374 = vector.shape_cast %get3A_373 : vector<1x16xi32> to vector<16xi32>
        %shift_right_logical3A_375 = arith.constant 16 : i32
        %shift_right_logical3A_376 = vector.broadcast %shift_right_logical3A_375 : i32 to vector<16xi32>
        %shift_right_logical3A_377 = arith.shrui %get3A_374, %shift_right_logical3A_376 : vector<16xi32>
        %swap3A_378 = arith.constant 64 : index
        %swap3A_379 = tpu.vector_load %arg9[%swap3A_378] {strides = array<i32>} : memref<80xi32, #tpu.memory_space<vmem>>, vector<16xi32>,
        %swap3A_380 = vector.shape_cast %swap3A_379 : vector<16xi32> to vector<16xi32>
        %swap3A_381 = vector.shape_cast %shift_right_logical3A_377 : vector<16xi32> to vector<16xi32>
        tpu.vector_store %arg9[%swap3A_378], %swap3A_381 {strides = array<i32>} : memref<80xi32, #tpu.memory_space<vmem>>, vector<16xi32>,
        %and3A_382 = arith.constant 65535 : i32
        %and3A_383 = vector.broadcast %and3A_382 : i32 to vector<16xi32>
        %and3A_384 = arith.andi %get3A_374, %and3A_383 : vector<16xi32>
        %swap3A_385 = arith.constant 64 : index
        %swap3A_386 = tpu.vector_load %arg10[%swap3A_385] {strides = array<i32>} : memref<80xi32, #tpu.memory_space<vmem>>, vector<16xi32>,
        %swap3A_387 = vector.shape_cast %swap3A_386 : vector<16xi32> to vector<16xi32>
        %swap3A_388 = vector.shape_cast %and3A_384 : vector<16xi32> to vector<16xi32>
        tpu.vector_store %arg10[%swap3A_385], %swap3A_388 {strides = array<i32>} : memref<80xi32, #tpu.memory_space<vmem>>, vector<16xi32>,
        %dma_start3A_389 = arith.constant 0 : i32
        %dma_start3A_390 = arith.constant 0 : i32
        %dma_start3A_391 = tpu.memref_slice %arg2[%dma_start3A_389, %dma_start3A_390] : memref<10000x128xf32, #tpu.memory_space<hbm>> -> memref<10000x128xf32, #tpu.memory_space<hbm>>
        tpu.enqueue_indirect_dma source(%dma_start3A_391 : memref<10000x128xf32, #tpu.memory_space<hbm>>) target(%arg14 : memref<80x128xf32, #tpu.memory_space<vmem>>) offsets(%arg9 : memref<80xi32, #tpu.memory_space<vmem>>) semaphore(%arg19 : memref<!tpu.dma_semaphore, #tpu.memory_space<semaphore_mem>>)
      } else {
      }
      %dma_wait3A_287 = arith.constant 0 : i32
      %dma_wait3A_288 = arith.constant 0 : i32
      %dma_wait3A_289 = tpu.memref_slice %arg2[%dma_wait3A_287, %dma_wait3A_288] : memref<10000x128xf32, #tpu.memory_space<hbm>> -> memref<10000x128xf32, #tpu.memory_space<hbm>>
      tpu.wait_indirect_dma semaphore(%arg20 : memref<!tpu.dma_semaphore, #tpu.memory_space<semaphore_mem>>) src(%dma_wait3A_289 : memref<10000x128xf32, #tpu.memory_space<hbm>>) dst(%arg15 : memref<80x128xf32, #tpu.memory_space<vmem>>)
      %dma_start3A_290 = arith.constant 0 : i32
      %dma_start3A_291 = arith.constant 0 : i32
      %dma_start3A_292 = tpu.memref_slice %arg16[%dma_start3A_290, %dma_start3A_291] : memref<10000x128xf32, #tpu.memory_space<vmem_shared>> -> memref<10000x128xf32, #tpu.memory_space<vmem_shared>>
      tpu.enqueue_indirect_dma source(%arg15 : memref<80x128xf32, #tpu.memory_space<vmem>>) target(%dma_start3A_292 : memref<10000x128xf32, #tpu.memory_space<vmem_shared>>) offsets(%arg12 : memref<80xi32, #tpu.memory_space<vmem>>) semaphore(%arg23 : memref<!tpu.dma_semaphore, #tpu.memory_space<semaphore_mem>>) {add = true}
    }
    %scan3A_213 = arith.constant 41 : i32
    %dma_wait3A_214 = arith.constant 0 : i32
    %dma_wait3A_215 = arith.constant 0 : i32
    %dma_wait3A_216 = tpu.memref_slice %arg2[%dma_wait3A_214, %dma_wait3A_215] : memref<10000x128xf32, #tpu.memory_space<hbm>> -> memref<10000x128xf32, #tpu.memory_space<hbm>>
    tpu.wait_indirect_dma semaphore(%arg18 : memref<!tpu.dma_semaphore, #tpu.memory_space<semaphore_mem>>) src(%dma_wait3A_216 : memref<10000x128xf32, #tpu.memory_space<hbm>>) dst(%arg13 : memref<80x128xf32, #tpu.memory_space<vmem>>)
    %dma_start3A_217 = arith.constant 0 : i32
    %dma_start3A_218 = arith.constant 0 : i32
    %dma_start3A_219 = tpu.memref_slice %arg16[%dma_start3A_217, %dma_start3A_218] : memref<10000x128xf32, #tpu.memory_space<vmem_shared>> -> memref<10000x128xf32, #tpu.memory_space<vmem_shared>>
    tpu.enqueue_indirect_dma source(%arg13 : memref<80x128xf32, #tpu.memory_space<vmem>>) target(%dma_start3A_219 : memref<10000x128xf32, #tpu.memory_space<vmem_shared>>) offsets(%arg8 : memref<80xi32, #tpu.memory_space<vmem>>) semaphore(%arg21 : memref<!tpu.dma_semaphore, #tpu.memory_space<semaphore_mem>>) {add = true}
    %dma_wait3A_220 = arith.constant 0 : i32
    %dma_wait3A_221 = arith.constant 0 : i32
    %dma_wait3A_222 = tpu.memref_slice %arg2[%dma_wait3A_220, %dma_wait3A_221] : memref<10000x128xf32, #tpu.memory_space<hbm>> -> memref<10000x128xf32, #tpu.memory_space<hbm>>
    tpu.wait_indirect_dma semaphore(%arg19 : memref<!tpu.dma_semaphore, #tpu.memory_space<semaphore_mem>>) src(%dma_wait3A_222 : memref<10000x128xf32, #tpu.memory_space<hbm>>) dst(%arg14 : memref<80x128xf32, #tpu.memory_space<vmem>>)
    %dma_start3A_223 = arith.constant 0 : i32
    %dma_start3A_224 = arith.constant 0 : i32
    %dma_start3A_225 = tpu.memref_slice %arg16[%dma_start3A_223, %dma_start3A_224] : memref<10000x128xf32, #tpu.memory_space<vmem_shared>> -> memref<10000x128xf32, #tpu.memory_space<vmem_shared>>
    tpu.enqueue_indirect_dma source(%arg14 : memref<80x128xf32, #tpu.memory_space<vmem>>) target(%dma_start3A_225 : memref<10000x128xf32, #tpu.memory_space<vmem_shared>>) offsets(%arg10 : memref<80xi32, #tpu.memory_space<vmem>>) semaphore(%arg22 : memref<!tpu.dma_semaphore, #tpu.memory_space<semaphore_mem>>) {add = true}
    %dma_wait3A_226 = arith.constant 0 : i32
    %dma_wait3A_227 = arith.constant 0 : i32
    %dma_wait3A_228 = tpu.memref_slice %arg16[%dma_wait3A_226, %dma_wait3A_227] : memref<10000x128xf32, #tpu.memory_space<vmem_shared>> -> memref<10000x128xf32, #tpu.memory_space<vmem_shared>>
    tpu.wait_indirect_dma semaphore(%arg23 : memref<!tpu.dma_semaphore, #tpu.memory_space<semaphore_mem>>) src(%arg15 : memref<80x128xf32, #tpu.memory_space<vmem>>) dst(%dma_wait3A_228 : memref<10000x128xf32, #tpu.memory_space<vmem_shared>>)
    %dma_wait3A_229 = arith.constant 0 : i32
    %dma_wait3A_230 = arith.constant 0 : i32
    %dma_wait3A_231 = tpu.memref_slice %arg16[%dma_wait3A_229, %dma_wait3A_230] : memref<10000x128xf32, #tpu.memory_space<vmem_shared>> -> memref<10000x128xf32, #tpu.memory_space<vmem_shared>>
    tpu.wait_indirect_dma semaphore(%arg21 : memref<!tpu.dma_semaphore, #tpu.memory_space<semaphore_mem>>) src(%arg13 : memref<80x128xf32, #tpu.memory_space<vmem>>) dst(%dma_wait3A_231 : memref<10000x128xf32, #tpu.memory_space<vmem_shared>>)
    %dma_wait3A_232 = arith.constant 0 : i32
    %dma_wait3A_233 = arith.constant 0 : i32
    %dma_wait3A_234 = tpu.memref_slice %arg16[%dma_wait3A_232, %dma_wait3A_233] : memref<10000x128xf32, #tpu.memory_space<vmem_shared>> -> memref<10000x128xf32, #tpu.memory_space<vmem_shared>>
    tpu.wait_indirect_dma semaphore(%arg22 : memref<!tpu.dma_semaphore, #tpu.memory_space<semaphore_mem>>) src(%arg14 : memref<80x128xf32, #tpu.memory_space<vmem>>) dst(%dma_wait3A_234 : memref<10000x128xf32, #tpu.memory_space<vmem_shared>>)
    %barrier3A_235 = arith.constant 0 : index
    tpu.barrier barrier_id(%barrier3A_235)
    %lt3A_236 = arith.constant 10 : i32
    %lt3A_237 = arith.cmpi slt, %arg1, %lt3A_236 : i32
    %convert_element_type3A_238 = arith.extui %lt3A_237 : i1 to i32
    %cond3A_239 = arith.constant 0 : i32
    %cond3A_240 = arith.cmpi ne, %convert_element_type3A_238, %cond3A_239 : i32
    scf.if %cond3A_240 {
      %mul3A_241 = arith.constant 1000 : i32
      %mul3A_242 = arith.muli %arg1, %mul3A_241 : i32
      "tpu.region"() ({
        %run_scoped3A = tpu.sem_alloc : memref<!tpu.dma_semaphore, #tpu.memory_space<semaphore_mem>>
        %dma_start3A_243 = arith.constant 0 : i32
        %dma_start3A_244 = tpu.memref_slice %arg5[%arg0, %mul3A_242, %dma_start3A_243] : memref<2x10000x128xf32, #tpu.memory_space<hbm>> -> memref<1x1000x128xf32, #tpu.memory_space<hbm>>
        %dma_start3A_245 = tpu.memref_squeeze %dma_start3A_244 : memref<1x1000x128xf32, #tpu.memory_space<hbm>> -> memref<1000x128xf32, #tpu.memory_space<hbm>>
        %dma_start3A_246 = arith.constant 0 : i32
        %dma_start3A_247 = tpu.memref_slice %arg16[%mul3A_242, %dma_start3A_246] : memref<10000x128xf32, #tpu.memory_space<vmem_shared>> -> memref<1000x128xf32, #tpu.memory_space<vmem_shared>>
        tpu.enqueue_dma source(%dma_start3A_247 : memref<1000x128xf32, #tpu.memory_space<vmem_shared>>) target(%dma_start3A_245 : memref<1000x128xf32, #tpu.memory_space<hbm>>) target_semaphore(%run_scoped3A : memref<!tpu.dma_semaphore, #tpu.memory_space<semaphore_mem>>)
        %dma_wait3A_248 = arith.constant 0 : i32
        %dma_wait3A_249 = tpu.memref_slice %arg5[%arg0, %mul3A_242, %dma_wait3A_248] : memref<2x10000x128xf32, #tpu.memory_space<hbm>> -> memref<1x1000x128xf32, #tpu.memory_space<hbm>>
        %dma_wait3A_250 = tpu.memref_squeeze %dma_wait3A_249 : memref<1x1000x128xf32, #tpu.memory_space<hbm>> -> memref<1000x128xf32, #tpu.memory_space<hbm>>
        %dma_wait3A_251 = arith.constant 0 : i32
        %dma_wait3A_252 = tpu.memref_slice %arg16[%mul3A_242, %dma_wait3A_251] : memref<10000x128xf32, #tpu.memory_space<vmem_shared>> -> memref<1000x128xf32, #tpu.memory_space<vmem_shared>>
        tpu.wait_dma2 semaphore(%run_scoped3A : memref<!tpu.dma_semaphore, #tpu.memory_space<semaphore_mem>>) src(%dma_wait3A_252 : memref<1000x128xf32, #tpu.memory_space<vmem_shared>>) dst(%dma_wait3A_250 : memref<1000x128xf32, #tpu.memory_space<hbm>>)
        tpu.yield
      }) : () -> ()
    } else {
    }
    return
  }
}

module attributes {stable_mosaic.version = 14 : i64} {
  func.func @_mlp_body(%arg0: i32, %arg1: memref<1x2000x128xf32, #tpu.memory_space<vmem>>, %arg2: memref<1x2000x128xf32, #tpu.memory_space<vmem>>, %arg3: memref<128x128xf32, #tpu.memory_space<vmem>>, %arg4: memref<1x128xf32, #tpu.memory_space<vmem>>, %arg5: memref<128x128xf32, #tpu.memory_space<vmem>>, %arg6: memref<1x128xf32, #tpu.memory_space<vmem>>, %arg7: memref<2000x128xf32, #tpu.memory_space<vmem>>) attributes {dimension_semantics = [#tpu.dimension_semantics<arbitrary>], iteration_bounds = array<i64: 5>, scalar_prefetch = 0 : i64, scratch_operands = 0 : i64, tpu.core_type = #tpu.core_type<tc>, window_params = [{transform_indices = @transform_0, window_bounds = array<i64: 1, 2000, 128>}, {transform_indices = @transform_1, window_bounds = array<i64: 1, 2000, 128>}, {pipeline_mode = #tpu.pipeline_mode<synchronous>, transform_indices = @transform_2, window_bounds = array<i64: 128, 128>}, {pipeline_mode = #tpu.pipeline_mode<synchronous>, transform_indices = @transform_3, window_bounds = array<i64: 1, 128>}, {pipeline_mode = #tpu.pipeline_mode<synchronous>, transform_indices = @transform_4, window_bounds = array<i64: 128, 128>}, {pipeline_mode = #tpu.pipeline_mode<synchronous>, transform_indices = @transform_5, window_bounds = array<i64: 1, 128>}, {transform_indices = @transform_6, window_bounds = array<i64: 2000, 128>}]} {
    %get3A = arith.constant 0 : index
    %get3A_0 = arith.constant 0 : index
    %get3A_1 = arith.constant 0 : index
    %get3A_2 = vector.load %arg1[%get3A, %get3A_0, %get3A_1] : memref<1x2000x128xf32, #tpu.memory_space<vmem>>, vector<1x2000x128xf32>
    %get3A_3 = vector.shape_cast %get3A_2 : vector<1x2000x128xf32> to vector<2000x128xf32>
    %get3A_4 = arith.constant 0 : index
    %get3A_5 = arith.constant 0 : index
    %get3A_6 = arith.constant 0 : index
    %get3A_7 = vector.load %arg2[%get3A_4, %get3A_5, %get3A_6] : memref<1x2000x128xf32, #tpu.memory_space<vmem>>, vector<1x2000x128xf32>
    %get3A_8 = vector.shape_cast %get3A_7 : vector<1x2000x128xf32> to vector<2000x128xf32>
    %add3A = arith.addf %get3A_3, %get3A_8 : vector<2000x128xf32>
    %get3A_9 = arith.constant 0 : index
    %get3A_10 = arith.constant 0 : index
    %get3A_11 = vector.load %arg3[%get3A_9, %get3A_10] : memref<128x128xf32, #tpu.memory_space<vmem>>, vector<128x128xf32>
    %dot_general3A = arith.constant dense<0.000000e+00> : vector<2000x128xf32>
    %dot_general3A_12 = tpu.matmul %add3A, %get3A_11, %dot_general3A {dimension_numbers = #tpu.dot_dimension_numbers<[1], [0], [0], [1], [0, 0, 1, 1], [], []>, transpose_lhs_hint = false} : vector<2000x128xf32>, vector<128x128xf32>, vector<2000x128xf32> -> vector<2000x128xf32>
    %get3A_13 = arith.constant 0 : index
    %get3A_14 = arith.constant 0 : index
    %get3A_15 = vector.load %arg4[%get3A_13, %get3A_14] : memref<1x128xf32, #tpu.memory_space<vmem>>, vector<1x128xf32>
    %add3A_16 = vector.broadcast %get3A_15 : vector<1x128xf32> to vector<2000x128xf32>
    %add3A_17 = arith.addf %dot_general3A_12, %add3A_16 : vector<2000x128xf32>
    %max3A = arith.constant 0.000000e+00 : f32
    %max3A_18 = vector.broadcast %max3A : f32 to vector<2000x128xf32>
    %max3A_19 = arith.maximumf %add3A_17, %max3A_18 : vector<2000x128xf32>
    %get3A_20 = arith.constant 0 : index
    %get3A_21 = arith.constant 0 : index
    %get3A_22 = vector.load %arg5[%get3A_20, %get3A_21] : memref<128x128xf32, #tpu.memory_space<vmem>>, vector<128x128xf32>
    %dot_general3A_23 = arith.constant dense<0.000000e+00> : vector<2000x128xf32>
    %dot_general3A_24 = tpu.matmul %max3A_19, %get3A_22, %dot_general3A_23 {dimension_numbers = #tpu.dot_dimension_numbers<[1], [0], [0], [1], [0, 0, 1, 1], [], []>, transpose_lhs_hint = false} : vector<2000x128xf32>, vector<128x128xf32>, vector<2000x128xf32> -> vector<2000x128xf32>
    %get3A_25 = arith.constant 0 : index
    %get3A_26 = arith.constant 0 : index
    %get3A_27 = vector.load %arg6[%get3A_25, %get3A_26] : memref<1x128xf32, #tpu.memory_space<vmem>>, vector<1x128xf32>
    %add3A_28 = vector.broadcast %get3A_27 : vector<1x128xf32> to vector<2000x128xf32>
    %add3A_29 = arith.addf %dot_general3A_24, %add3A_28 : vector<2000x128xf32>
    %max3A_30 = arith.constant 0.000000e+00 : f32
    %max3A_31 = vector.broadcast %max3A_30 : f32 to vector<2000x128xf32>
    %max3A_32 = arith.maximumf %add3A_29, %max3A_31 : vector<2000x128xf32>
    %swap3A = arith.constant 0 : index
    %swap3A_33 = arith.constant 0 : index
    %swap3A_34 = vector.load %arg7[%swap3A, %swap3A_33] : memref<2000x128xf32, #tpu.memory_space<vmem>>, vector<2000x128xf32>
    tpu.vector_store %arg7[%swap3A, %swap3A_33], %max3A_32 {strides = array<i32>} : memref<2000x128xf32, #tpu.memory_space<vmem>>, vector<2000x128xf32>,
    return
  }
  func.func @transform_0(%arg0: i32) -> (i32, i32, i32) {
    %c0_i32 = arith.constant 0 : i32
    %c0_i32_0 = arith.constant 0 : i32
    %c0_i32_1 = arith.constant 0 : i32
    return %c0_i32, %arg0, %c0_i32_0 : i32, i32, i32
  }
  func.func @transform_1(%arg0: i32) -> (i32, i32, i32) {
    %c1_i32 = arith.constant 1 : i32
    %c0_i32 = arith.constant 0 : i32
    %c0_i32_0 = arith.constant 0 : i32
    return %c1_i32, %arg0, %c0_i32 : i32, i32, i32
  }
  func.func @transform_2(%arg0: i32) -> (i32, i32) {
    %c0_i32 = arith.constant 0 : i32
    %c0_i32_0 = arith.constant 0 : i32
    %c0_i32_1 = arith.constant 0 : i32
    return %c0_i32, %c0_i32_0 : i32, i32
  }
  func.func @transform_3(%arg0: i32) -> (i32, i32) {
    %c0_i32 = arith.constant 0 : i32
    %c0_i32_0 = arith.constant 0 : i32
    %c0_i32_1 = arith.constant 0 : i32
    return %c0_i32, %c0_i32_0 : i32, i32
  }
  func.func @transform_4(%arg0: i32) -> (i32, i32) {
    %c0_i32 = arith.constant 0 : i32
    %c0_i32_0 = arith.constant 0 : i32
    %c0_i32_1 = arith.constant 0 : i32
    return %c0_i32, %c0_i32_0 : i32, i32
  }
  func.func @transform_5(%arg0: i32) -> (i32, i32) {
    %c0_i32 = arith.constant 0 : i32
    %c0_i32_0 = arith.constant 0 : i32
    %c0_i32_1 = arith.constant 0 : i32
    return %c0_i32, %c0_i32_0 : i32, i32
  }
  func.func @transform_6(%arg0: i32) -> (i32, i32) {
    %c0_i32 = arith.constant 0 : i32
    %c0_i32_0 = arith.constant 0 : i32
    return %arg0, %c0_i32 : i32, i32
  }
}

module attributes {stable_mosaic.version = 14 : i64} {
  func.func @_mlp_pool_body(%arg0: i32, %arg1: memref<1x2000x128xf32, #tpu.memory_space<vmem>>, %arg2: memref<1x2000x128xf32, #tpu.memory_space<vmem>>, %arg3: memref<128x128xf32, #tpu.memory_space<vmem>>, %arg4: memref<1x128xf32, #tpu.memory_space<vmem>>, %arg5: memref<128x128xf32, #tpu.memory_space<vmem>>, %arg6: memref<1x128xf32, #tpu.memory_space<vmem>>, %arg7: memref<2000x1xi32, #tpu.memory_space<vmem>>, %arg8: memref<64x128xf32, #tpu.memory_space<vmem>>, %arg9: memref<64x128xf32, #tpu.memory_space<vmem>>, %arg10: memref<64x128xf32, #tpu.memory_space<vmem>>) attributes {dimension_semantics = [#tpu.dimension_semantics<arbitrary>], iteration_bounds = array<i64: 5>, scalar_prefetch = 0 : i64, scratch_operands = 2 : i64, tpu.core_type = #tpu.core_type<tc>, window_params = [{transform_indices = @transform_0, window_bounds = array<i64: 1, 2000, 128>}, {transform_indices = @transform_1, window_bounds = array<i64: 1, 2000, 128>}, {pipeline_mode = #tpu.pipeline_mode<synchronous>, transform_indices = @transform_2, window_bounds = array<i64: 128, 128>}, {pipeline_mode = #tpu.pipeline_mode<synchronous>, transform_indices = @transform_3, window_bounds = array<i64: 1, 128>}, {pipeline_mode = #tpu.pipeline_mode<synchronous>, transform_indices = @transform_4, window_bounds = array<i64: 128, 128>}, {pipeline_mode = #tpu.pipeline_mode<synchronous>, transform_indices = @transform_5, window_bounds = array<i64: 1, 128>}, {transform_indices = @transform_6, window_bounds = array<i64: 2000, 1>}, {pipeline_mode = #tpu.pipeline_mode<synchronous>, transform_indices = @transform_7, window_bounds = array<i64: 64, 128>}]} {
    %get3A = arith.constant 0 : index
    %get3A_0 = arith.constant 0 : index
    %get3A_1 = arith.constant 0 : index
    %get3A_2 = vector.load %arg1[%get3A, %get3A_0, %get3A_1] : memref<1x2000x128xf32, #tpu.memory_space<vmem>>, vector<1x2000x128xf32>
    %get3A_3 = vector.shape_cast %get3A_2 : vector<1x2000x128xf32> to vector<2000x128xf32>
    %get3A_4 = arith.constant 0 : index
    %get3A_5 = arith.constant 0 : index
    %get3A_6 = arith.constant 0 : index
    %get3A_7 = vector.load %arg2[%get3A_4, %get3A_5, %get3A_6] : memref<1x2000x128xf32, #tpu.memory_space<vmem>>, vector<1x2000x128xf32>
    %get3A_8 = vector.shape_cast %get3A_7 : vector<1x2000x128xf32> to vector<2000x128xf32>
    %add3A = arith.addf %get3A_3, %get3A_8 : vector<2000x128xf32>
    %get3A_9 = arith.constant 0 : index
    %get3A_10 = arith.constant 0 : index
    %get3A_11 = vector.load %arg3[%get3A_9, %get3A_10] : memref<128x128xf32, #tpu.memory_space<vmem>>, vector<128x128xf32>
    %dot_general3A = arith.constant dense<0.000000e+00> : vector<2000x128xf32>
    %dot_general3A_12 = tpu.matmul %add3A, %get3A_11, %dot_general3A {dimension_numbers = #tpu.dot_dimension_numbers<[1], [0], [0], [1], [0, 0, 1, 1], [], []>, transpose_lhs_hint = false} : vector<2000x128xf32>, vector<128x128xf32>, vector<2000x128xf32> -> vector<2000x128xf32>
    %get3A_13 = arith.constant 0 : index
    %get3A_14 = arith.constant 0 : index
    %get3A_15 = vector.load %arg4[%get3A_13, %get3A_14] : memref<1x128xf32, #tpu.memory_space<vmem>>, vector<1x128xf32>
    %add3A_16 = vector.broadcast %get3A_15 : vector<1x128xf32> to vector<2000x128xf32>
    %add3A_17 = arith.addf %dot_general3A_12, %add3A_16 : vector<2000x128xf32>
    %max3A = arith.constant 0.000000e+00 : f32
    %max3A_18 = vector.broadcast %max3A : f32 to vector<2000x128xf32>
    %max3A_19 = arith.maximumf %add3A_17, %max3A_18 : vector<2000x128xf32>
    %get3A_20 = arith.constant 0 : index
    %get3A_21 = arith.constant 0 : index
    %get3A_22 = vector.load %arg5[%get3A_20, %get3A_21] : memref<128x128xf32, #tpu.memory_space<vmem>>, vector<128x128xf32>
    %dot_general3A_23 = arith.constant dense<0.000000e+00> : vector<2000x128xf32>
    %dot_general3A_24 = tpu.matmul %max3A_19, %get3A_22, %dot_general3A_23 {dimension_numbers = #tpu.dot_dimension_numbers<[1], [0], [0], [1], [0, 0, 1, 1], [], []>, transpose_lhs_hint = false} : vector<2000x128xf32>, vector<128x128xf32>, vector<2000x128xf32> -> vector<2000x128xf32>
    %get3A_25 = arith.constant 0 : index
    %get3A_26 = arith.constant 0 : index
    %get3A_27 = vector.load %arg6[%get3A_25, %get3A_26] : memref<1x128xf32, #tpu.memory_space<vmem>>, vector<1x128xf32>
    %add3A_28 = vector.broadcast %get3A_27 : vector<1x128xf32> to vector<2000x128xf32>
    %add3A_29 = arith.addf %dot_general3A_24, %add3A_28 : vector<2000x128xf32>
    %max3A_30 = arith.constant 0.000000e+00 : f32
    %max3A_31 = vector.broadcast %max3A_30 : f32 to vector<2000x128xf32>
    %max3A_32 = arith.maximumf %add3A_29, %max3A_31 : vector<2000x128xf32>
    %iota3A = tpu.iota {dimensions = array<i32: 1>} : vector<2000x64xi32>
    %get3A_33 = arith.constant 0 : index
    %get3A_34 = arith.constant 0 : index
    %get3A_35 = vector.load %arg7[%get3A_33, %get3A_34] : memref<2000x1xi32, #tpu.memory_space<vmem>>, vector<2000x1xi32>
    %eq3A = vector.broadcast %get3A_35 : vector<2000x1xi32> to vector<2000x64xi32>
    %eq3A_36 = arith.cmpi eq, %eq3A, %iota3A : vector<2000x64xi32>
    %convert_element_type3A = arith.extui %eq3A_36 : vector<2000x64xi1> to vector<2000x64xi32>
    %convert_element_type3A_37 = arith.sitofp %convert_element_type3A : vector<2000x64xi32> to vector<2000x64xf32>
    %dot_general3A_38 = arith.constant dense<0.000000e+00> : vector<64x128xf32>
    %dot_general3A_39 = tpu.matmul %convert_element_type3A_37, %max3A_32, %dot_general3A_38 {dimension_numbers = #tpu.dot_dimension_numbers<[0], [0], [1], [1], [0, 1, 1, 1], [], []>, transpose_lhs_hint = false} : vector<2000x64xf32>, vector<2000x128xf32>, vector<64x128xf32> -> vector<64x128xf32>
    %broadcast_in_dim3A = arith.constant 1.000000e+00 : f32
    %broadcast_in_dim3A_40 = vector.broadcast %broadcast_in_dim3A : f32 to vector<2000x128xf32>
    %dot_general3A_41 = arith.constant dense<0.000000e+00> : vector<64x128xf32>
    %dot_general3A_42 = tpu.matmul %convert_element_type3A_37, %broadcast_in_dim3A_40, %dot_general3A_41 {dimension_numbers = #tpu.dot_dimension_numbers<[0], [0], [1], [1], [0, 1, 1, 1], [], []>, transpose_lhs_hint = false} : vector<2000x64xf32>, vector<2000x128xf32>, vector<64x128xf32> -> vector<64x128xf32>
    %eq3A_43 = arith.constant 0 : i32
    %eq3A_44 = arith.cmpi eq, %arg0, %eq3A_43 : i32
    %convert_element_type3A_45 = arith.extui %eq3A_44 : i1 to i32
    %cond3A = arith.constant 0 : i32
    %cond3A_46 = arith.cmpi ne, %convert_element_type3A_45, %cond3A : i32
    scf.if %cond3A_46 {
      %broadcast_in_dim3A_65 = arith.constant 0.000000e+00 : f32
      %broadcast_in_dim3A_66 = vector.broadcast %broadcast_in_dim3A_65 : f32 to vector<64x128xf32>
      %swap3A_67 = arith.constant 0 : index
      %swap3A_68 = arith.constant 0 : index
      %swap3A_69 = vector.load %arg9[%swap3A_67, %swap3A_68] : memref<64x128xf32, #tpu.memory_space<vmem>>, vector<64x128xf32>
      tpu.vector_store %arg9[%swap3A_67, %swap3A_68], %broadcast_in_dim3A_66 {strides = array<i32>} : memref<64x128xf32, #tpu.memory_space<vmem>>, vector<64x128xf32>,
      %broadcast_in_dim3A_70 = arith.constant 0.000000e+00 : f32
      %broadcast_in_dim3A_71 = vector.broadcast %broadcast_in_dim3A_70 : f32 to vector<64x128xf32>
      %swap3A_72 = arith.constant 0 : index
      %swap3A_73 = arith.constant 0 : index
      %swap3A_74 = vector.load %arg10[%swap3A_72, %swap3A_73] : memref<64x128xf32, #tpu.memory_space<vmem>>, vector<64x128xf32>
      tpu.vector_store %arg10[%swap3A_72, %swap3A_73], %broadcast_in_dim3A_71 {strides = array<i32>} : memref<64x128xf32, #tpu.memory_space<vmem>>, vector<64x128xf32>,
    } else {
    }
    %get3A_47 = arith.constant 0 : index
    %get3A_48 = arith.constant 0 : index
    %get3A_49 = vector.load %arg9[%get3A_47, %get3A_48] : memref<64x128xf32, #tpu.memory_space<vmem>>, vector<64x128xf32>
    %add3A_50 = arith.addf %get3A_49, %dot_general3A_39 : vector<64x128xf32>
    %swap3A = arith.constant 0 : index
    %swap3A_51 = arith.constant 0 : index
    %swap3A_52 = vector.load %arg9[%swap3A, %swap3A_51] : memref<64x128xf32, #tpu.memory_space<vmem>>, vector<64x128xf32>
    tpu.vector_store %arg9[%swap3A, %swap3A_51], %add3A_50 {strides = array<i32>} : memref<64x128xf32, #tpu.memory_space<vmem>>, vector<64x128xf32>,
    %get3A_53 = arith.constant 0 : index
    %get3A_54 = arith.constant 0 : index
    %get3A_55 = vector.load %arg10[%get3A_53, %get3A_54] : memref<64x128xf32, #tpu.memory_space<vmem>>, vector<64x128xf32>
    %add3A_56 = arith.addf %get3A_55, %dot_general3A_42 : vector<64x128xf32>
    %swap3A_57 = arith.constant 0 : index
    %swap3A_58 = arith.constant 0 : index
    %swap3A_59 = vector.load %arg10[%swap3A_57, %swap3A_58] : memref<64x128xf32, #tpu.memory_space<vmem>>, vector<64x128xf32>
    tpu.vector_store %arg10[%swap3A_57, %swap3A_58], %add3A_56 {strides = array<i32>} : memref<64x128xf32, #tpu.memory_space<vmem>>, vector<64x128xf32>,
    %eq3A_60 = arith.constant 4 : i32
    %eq3A_61 = arith.cmpi eq, %arg0, %eq3A_60 : i32
    %convert_element_type3A_62 = arith.extui %eq3A_61 : i1 to i32
    %cond3A_63 = arith.constant 0 : i32
    %cond3A_64 = arith.cmpi ne, %convert_element_type3A_62, %cond3A_63 : i32
    scf.if %cond3A_64 {
      %get3A_65 = arith.constant 0 : index
      %get3A_66 = arith.constant 0 : index
      %get3A_67 = vector.load %arg9[%get3A_65, %get3A_66] : memref<64x128xf32, #tpu.memory_space<vmem>>, vector<64x128xf32>
      %get3A_68 = arith.constant 0 : index
      %get3A_69 = arith.constant 0 : index
      %get3A_70 = vector.load %arg10[%get3A_68, %get3A_69] : memref<64x128xf32, #tpu.memory_space<vmem>>, vector<64x128xf32>
      %max3A_71 = arith.constant 1.000000e+00 : f32
      %max3A_72 = vector.broadcast %max3A_71 : f32 to vector<64x128xf32>
      %max3A_73 = arith.maximumf %get3A_70, %max3A_72 : vector<64x128xf32>
      %div3A = arith.divf %get3A_67, %max3A_73 : vector<64x128xf32>
      %swap3A_74 = arith.constant 0 : index
      %swap3A_75 = arith.constant 0 : index
      %swap3A_76 = vector.load %arg8[%swap3A_74, %swap3A_75] : memref<64x128xf32, #tpu.memory_space<vmem>>, vector<64x128xf32>
      tpu.vector_store %arg8[%swap3A_74, %swap3A_75], %div3A {strides = array<i32>} : memref<64x128xf32, #tpu.memory_space<vmem>>, vector<64x128xf32>,
    } else {
    }
    return
  }
  func.func @transform_0(%arg0: i32) -> (i32, i32, i32) {
    %c0_i32 = arith.constant 0 : i32
    %c0_i32_0 = arith.constant 0 : i32
    %c0_i32_1 = arith.constant 0 : i32
    return %c0_i32, %arg0, %c0_i32_0 : i32, i32, i32
  }
  func.func @transform_1(%arg0: i32) -> (i32, i32, i32) {
    %c1_i32 = arith.constant 1 : i32
    %c0_i32 = arith.constant 0 : i32
    %c0_i32_0 = arith.constant 0 : i32
    return %c1_i32, %arg0, %c0_i32 : i32, i32, i32
  }
  func.func @transform_2(%arg0: i32) -> (i32, i32) {
    %c0_i32 = arith.constant 0 : i32
    %c0_i32_0 = arith.constant 0 : i32
    %c0_i32_1 = arith.constant 0 : i32
    return %c0_i32, %c0_i32_0 : i32, i32
  }
  func.func @transform_3(%arg0: i32) -> (i32, i32) {
    %c0_i32 = arith.constant 0 : i32
    %c0_i32_0 = arith.constant 0 : i32
    %c0_i32_1 = arith.constant 0 : i32
    return %c0_i32, %c0_i32_0 : i32, i32
  }
  func.func @transform_4(%arg0: i32) -> (i32, i32) {
    %c0_i32 = arith.constant 0 : i32
    %c0_i32_0 = arith.constant 0 : i32
    %c0_i32_1 = arith.constant 0 : i32
    return %c0_i32, %c0_i32_0 : i32, i32
  }
  func.func @transform_5(%arg0: i32) -> (i32, i32) {
    %c0_i32 = arith.constant 0 : i32
    %c0_i32_0 = arith.constant 0 : i32
    %c0_i32_1 = arith.constant 0 : i32
    return %c0_i32, %c0_i32_0 : i32, i32
  }
  func.func @transform_6(%arg0: i32) -> (i32, i32) {
    %c0_i32 = arith.constant 0 : i32
    %c0_i32_0 = arith.constant 0 : i32
    return %arg0, %c0_i32 : i32, i32
  }
  func.func @transform_7(%arg0: i32) -> (i32, i32) {
    %c0_i32 = arith.constant 0 : i32
    %c0_i32_0 = arith.constant 0 : i32
    %c0_i32_1 = arith.constant 0 : i32
    return %c0_i32, %c0_i32_0 : i32, i32
  }
}

</mosaic_0001>

<sc_bundles>
// kernel: kernel.11.cloned.1.call-start
scs
__scs_entry_jumppad:
0x0: {  	(pc) =	sbr.rel $0x88, $3  }
0x1: {  	(tag) =	ssettag $0x0;
	lr =	simm.s32 $0x1  }
0x2: {  	[smem:$0x3F92] =	sst lr;
	_ =	strace $0xD0000000  }
0x3: {  	_ = 	snop  }
0x4: {  	_ = 	snop  }
0x5: {  	_ = 	snop  }
0x6: {  	_ = 	snop  }
0x7: {  	_ = 	snop  }
__scs_overlays_trampoline_lowered:
0x8: {  	[smem:$0x3FA1] =	sst s0  }
0x9: {  	[smem:$0x3FA2] =	sst s1  }
0xa: {  	[smem:$0x3FA3] =	sst s2  }
0xb: {  	[smem:$0x3FA4] =	sst s3  }
0xc: {  	[smem:$0x3FA5] =	sst s4  }
0xd: {  	[smem:$0x3FA6] =	sst s5  }
0xe: {  	[smem:$0x3FA7] =	sst s6  }
0xf: {  	[smem:$0x3FA8] =	sst s7  }
0x10: {  	[smem:$0x3FA9] =	sst s8  }
0x11: {  	[smem:$0x3FAA] =	sst s9;
	s0 =	simm.s32 @!p0 $0x0  }
0x12: {  	s1 =	sld [smem:$0x3F90];
	s0 =	simm.s32 @p0 $0x1  }
0x13: {  	[smem:$0x3FAB] =	sst s0;
	s0 =	simm.s32 @!p1 $0x0  }
0x14: {  	s2 =	sld [smem:$0x3F8F];
	s0 =	simm.s32 @p1 $0x1  }
0x15: {  	[smem:$0x3FAC] =	sst s0;
	s0 =	simm.s32 @!p2 $0x0  }
0x16: {  	s3 =	sld [smem:$0x3FDB];
	s0 =	simm.s32 @p2 $0x1  }
0x17: {  	s4 =	simm.s32 $0x1BF5;
	[smem:$0x3FAE] =	sst s0  }
0x18: {  	s0 =	sld [smem:$0x3F91];
	_ =	swait.ge [sflag:s4], $0x0  }
0x19: {  	s7 =	sld [smem:$0x3F92]  }
0x1a: {  	s8 =	sadd.s32 $0xFFFFE003, lr  }
0x1b: {  	s9 =	sadd.s32 $0xFFFFFEF7, lr;
	s5 =	simm.s32 $0xFFFFFFFF;
	p2 =	slt.u32 s8, $0xFFFFF086  }
0x1c: {  	p1 =	slt.u32 s9, $0xF7A;
	s5 =	simm.s32 @!p2 $0x0  }
0x1d: {  	s5 =	simm.s32 @p1 $0x1;
	p0 =	seq.s32 s7, s2  }
0x1e: {  	s7 =	smul.u32 @!p0 $0xF7A, s2;
	p2 =	seq.s32 @!p0 s5, $0x0  }
0x1f: {  	s9 =	smul.u32 $0xF7A, s1;
	s8 =	simm.s32 @!p0 $0x1BF5;
	p2 =	por !p2, p0  }
0x20: {  	[sflag:s8] =	ssyncset.s32 @!p0 $0xFFFFF086;
	s6 =	sadd.s32 @!p0 s3, s7;
	s7 =	simm.s32 @!p0 $0x108  }
0x21: {  	s3 =	sadd.s32 s3, s9;
	s6 =	sadd.s32 @!p0 $0x88, s6;
	s7 =	simm.s32 @p2 $0x1082  }
0x22: {  	[simem:s7], [sflag:s8] =	dma.local @!p0 [hbm:s6], $0xF7A  }
0x23: {  	s9 =	sor.u32 $0xD0000000, s2;
	s6 =	simm.s32 $0x108;
	_ =	swait.ge @!p0 [sflag:s8], $0x0  }
0x24: {  	s3 =	sadd.s32 $0x88, s3;
	s6 =	simm.s32 @!p1 $0x1082;
	[sflag:s4] =	ssyncset.s32 $0xFFFFF086  }
0x25: {  	[simem:s6], [sflag:s4] =	dma.local [hbm:s3], $0xF7A  }
0x26: {  	[smem:$0x3F92] =	sst s1;
	(tag) =	ssettag s2;
	_ =	strace s9  }
0x27: {  	s1 =	sld [smem:$0x3FA2]  }
0x28: {  	s2 =	sld [smem:$0x3FA3]  }
0x29: {  	s4 =	sld [smem:$0x3FA5]  }
0x2a: {  	p0 =	seq.s32 s5, $0x0;
	s5 =	sld [smem:$0x3FA6]  }
0x2b: {  	s6 =	sld [smem:$0x3FA7]  }
0x2c: {  	s7 =	sld [smem:$0x3FA8]  }
0x2d: {  	s3 =	simm.s32 $0x108;
	s8 =	sld [smem:$0x3FA9]  }
0x2e: {  	s3 =	simm.s32 @!p0 $0x1082;
	s9 =	sld [smem:$0x3FAA]  }
0x2f: {  	lr =	sadd.s32 s0, s3;
	s0 =	sld [smem:$0x3FA1]  }
0x30: {  	s3 =	sld [smem:$0x3FA4]  }
0x31: {  	[smem:$0x3FAD] =	sst s10  }
0x32: {  	s10 =	sld [smem:$0x3FAB];
	_ =	sdelay $0x3  }
0x33: {  	p0 =	seq.s32 s10, $0x1;
	s10 =	sld [smem:$0x3FAD];
	_ =	sdelay $0x3  }
0x34: {  	[smem:$0x3FAD] =	sst s10  }
0x35: {  	s10 =	sld [smem:$0x3FAC];
	_ =	sdelay $0x3  }
0x36: {  	p1 =	seq.s32 s10, $0x1;
	s10 =	sld [smem:$0x3FAD];
	_ =	sdelay $0x3  }
0x37: {  	[smem:$0x3FAD] =	sst s10  }
0x38: {  	s10 =	sld [smem:$0x3FAE]  }
0x39: {  	_ = 	snop;
	(pc) =	sbr.ind lr, $3  }
0x3a: {  	_ = 	snop  }
0x3b: {  	_ = 	snop  }
0x3c: {  	p2 =	seq.s32 s10, $0x1;
	s10 =	sld [smem:$0x3FAD]  }
0x3d: {  	_ =	shalt  }
0x3e: {  	_ =	shalt  }
0x3f: {  	_ =	shalt  }
0x40: {  	_ =	shalt  }
0x41: {  	_ =	shalt  }
0x42: {  	_ =	shalt  }
0x43: {  	_ =	shalt  }
0x44: {  	_ =	shalt  }
0x45: {  	_ =	shalt  }
0x46: {  	_ =	shalt  }
0x47: {  	_ =	shalt  }
0x48: {  	_ =	shalt  }
0x49: {  	_ =	shalt  }
0x4a: {  	_ =	shalt  }
0x4b: {  	_ =	shalt  }
0x4c: {  	_ =	shalt  }
0x4d: {  	_ =	shalt  }
0x4e: {  	_ =	shalt  }
0x4f: {  	_ =	shalt  }
0x50: {  	_ =	shalt  }
0x51: {  	_ =	shalt  }
0x52: {  	_ =	shalt  }
0x53: {  	_ =	shalt  }
0x54: {  	_ =	shalt  }
0x55: {  	_ =	shalt  }
0x56: {  	_ =	shalt  }
0x57: {  	_ =	shalt  }
0x58: {  	_ =	shalt  }
0x59: {  	_ =	shalt  }
0x5a: {  	_ =	shalt  }
0x5b: {  	_ =	shalt  }
0x5c: {  	_ =	shalt  }
0x5d: {  	_ =	shalt  }
0x5e: {  	_ =	shalt  }
0x5f: {  	_ =	shalt  }
0x60: {  	_ =	shalt  }
0x61: {  	_ =	shalt  }
0x62: {  	_ =	shalt  }
0x63: {  	_ =	shalt  }
0x64: {  	_ =	shalt  }
0x65: {  	_ =	shalt  }
0x66: {  	_ =	shalt  }
0x67: {  	_ =	shalt  }
0x68: {  	_ =	shalt  }
0x69: {  	_ =	shalt  }
0x6a: {  	_ =	shalt  }
0x6b: {  	_ =	shalt  }
0x6c: {  	_ =	shalt  }
0x6d: {  	_ =	shalt  }
0x6e: {  	_ =	shalt  }
0x6f: {  	_ =	shalt  }
0x70: {  	_ =	shalt  }
0x71: {  	_ =	shalt  }
0x72: {  	_ =	shalt  }
0x73: {  	_ =	shalt  }
0x74: {  	_ =	shalt  }
0x75: {  	_ =	shalt  }
0x76: {  	_ =	shalt  }
0x77: {  	_ =	shalt  }
0x78: {  	_ =	shalt  }
0x79: {  	_ =	shalt  }
0x7a: {  	_ =	shalt  }
0x7b: {  	_ =	shalt  }
0x7c: {  	_ =	shalt  }
0x7d: {  	_ =	shalt  }
0x7e: {  	_ =	shalt  }
0x7f: {  	_ =	shalt  }
0x80: {  	_ =	shalt  }
0x81: {  	_ =	shalt  }
0x82: {  	_ =	shalt  }
0x83: {  	_ =	shalt  }
0x84: {  	_ =	shalt  }
0x85: {  	_ =	shalt  }
0x86: {  	_ =	shalt  }
0x87: {  	_ =	shalt  }
.Lfunc_end0:
.L_simem_size_0:
called_computation.1_lowered:
.L_overlay_start_0:
0x88: {  	s2 =	sld [smem:$0x3FD9]  }
0x89: {  	s3 =	sld [smem:$0x3FFE];
	_ =	sdelay $0x1  }
0x8a: {  	s1 =	srdreg.scid  }
0x8b: {  	s0 =	sand.u32 $0x1, s1  }
0x8c: {  	s16 =	sshll.u32 s0, $0xA;
	s2 =	sadd.s32 s3, s2  }
0x8d: {  	s2 =	sadd.s32 s2, s16  }
0x8e: {  	[smem:$0x3FB9] =	sst s2  }
0x8f: {  	_ = 	snop  }
0x90: {  	(tm) =	ssettm $0x1  }
0x91: {  	s17 =	sld [smem:$0x3FFB];
	_ =	sdelay $0x3  }
0x92: {  	_ =	strace s17  }
0x93: {  	s2 =	sld [smem:$0x3FFC];
	_ =	sdelay $0x3  }
0x94: {  	_ =	strace s2  }
0x95: {  	s2 =	sld [smem:$0x3FFD];
	_ =	sdelay $0x3  }
0x96: {  	_ =	strace s2  }
0x97: {  	_ =	strace $0x8FFFFFFF  }
0x98: {  	s18 =	sld [smem:$0x3FDB];
	_ =	sdelay $0x1  }
0x99: {  	s19 =	simm.s32 $_scs_section_size  }
0x9a: {  	s4 =	simm.s32 $_size__tile_overlayer_lowered;
	s5 =	simm.s32 $_tile_overlayer_lowered  }
0x9b: {  	s22 =	simm.s32 $0x1BFF;
	s21 =	sshll.u32 s5, $0x1;
	s2 =	sadd.s32 s19, s18  }
0x9c: {  	s6 =	simm.s32 $0x0;
	s20 =	sshll.u32 s4, $0x1;
	s4 =	sadd.s32 s21, s2  }
0x9d: {  	[timem:s6], [sflag:s22] =	dma.local [hbm:s4], s20  }
0x9e: {  	_ =	swait.ge [sflag:s22], s20  }
0x9f: {  	s3 =	ssub.s32 $0x0, s20;
	[sflag:s22] =	ssyncset.done $0x0  }
0xa0: {  	[sflag:s22] =	ssyncadd.s32 s3;
	_ =	sdelay $0x1  }
0xa1: {  	s23 =	simm.s32 $0x1B8B  }
0xa2: {  	_ =	swait.ge [sflag:s23], $0x1  }
0xa3: {  	[sflag:s23] =	ssyncset.done $0x0  }
0xa4: {  	s25 =	simm.s32 $0x1B8E;
	s24 =	sld [smem:$0x3FFE];
	[sflag:s23] =	ssyncadd.s32 $0xFFFFFFFF  }
0xa5: {  	s26 =	simm.s32 $execute0_lowered;
	[smem:$0x3FD2] =	sst s25  }
0xa6: {  	s4 =	sshll.u32 s26, $0x1;
	_ =	strace $0x80000049;
	[dreg:$0x1] =	wrdreg $0xFFFFFFFF  }
0xa7: {  	s28 =	simm.s32 $_size_execute0_lowered;
	s2 =	sadd.s32 s2, s4;
	[dreg:$0x0] =	wrdreg $0x0  }
0xa8: {  	s4 =	sshll.u32 s28, $0x1;
	[dreg:$0x2] =	wrdreg s2  }
0xa9: {  	[dreg:$0x3] =	wrdreg s4  }
0xaa: {  	[dreg:$0x4] =	wrdreg $0xC0  }
0xab: {  	_ =	task [dreg:s6], $0x5FFFF  }
0xac: {  	[dreg:$0x1] =	wrdreg $0xFFFFFFFF  }
0xad: {  	[dreg:$0x0] =	wrdreg $0x60  }
0xae: {  	[dreg:$0x2] =	wrdreg s24  }
0xaf: {  	[dreg:$0x3] =	wrdreg $0xBB000  }
0xb0: {  	[dreg:$0x4] =	wrdreg $0x9  }
0xb1: {  	_ =	task.clear_ibuf [dreg:s6], $0x5FFFF;
	_ =	strace $0x90000049  }
0xb2: {  	s29 =	simm.s32 $0x9;
	_ =	strace $0x8000004B  }
0xb3: {  	_ =	swait.ge [sflag:s29], $0x1  }
0xb4: {  	[sflag:s29] =	ssyncadd.s32 $0xFFFFFFFF  }
0xb5: {  	_ =	strace $0x9000004B  }
0xb6: {  	_ =	sfence  }
0xb7: {  	s30 =	sld [smem:$0x0];
	_ =	sdelay $0x2  }
0xb8: {  	s31 =	sshll.u32 s1, $0xD;
	s1 =	sshrl.u32 s1, $0x2  }
0xb9: {  	s3 =	sand.u32 $0x4000, s31;
	s1 =	sadd.s32 s1, s30  }
0xba: {  	s0 =	sor.u32 s3, s0;
	s1 =	sshll.u32 s1, $0x11  }
0xbb: {  	s0 =	sor.u32 s1, s0  }
0xbc: {  	s0 =	sadd.s32 $0x8F2B, s0  }
0xbd: {  	[sflag:s0] =	ssyncadd.remote.s32 $0x1  }
0xbe: {  	_ =	sfence.sel $0xFFFF  }
0xbf: {  	[dreg:$0x0] =	wrdreg $0xFFFFFFFF;
	(pc) =	sbr.abs _section_cstart, $3  }
0xc0: {  	[dreg:$0x1] =	wrdreg $0xFFFFFFFF  }
0xc1: {  	_ =	task.clear_ibuf [dreg:s6], $0x2FFFF;
	_ =	strace $0x9FFFFFFF  }
0xc2: {  	(tm) =	ssettm $0x7FFFFFFF  }
0xc3: {  	_ =	shalt  }
tec
execute0_lowered:
.L_overlay_start_1:
0x0: {  	(tag) =	ssettag $0x1  }
0x1: {  	s5 =	rddreg [dreg:$0x0]  }
0x2: {  	s1 =	rddreg [dreg:$0x1];
	s2 =	srdreg.scid;
	s3 =	simm.s32 $0x0  }
0x3: {  	s13 =	simm.s32 $0x4000;
	s14 =	simm.s32 $0x4300;
	s15 =	simm.s32 $0x4100  }
0x4: {  	s16 =	simm.s32 $0x6B00;
	s17 =	simm.s32 $0x4200;
	s18 =	simm.s32 $0x9300  }
0x5: {  	s19 =	simm.s32 $0x2;
	s20 =	simm.s32 $0x4080;
	s21 =	simm.s32 $0x5  }
0x6: {  	s22 =	simm.s32 $0x3;
	s23 =	simm.s32 $0x4180;
	s28 =	simm.s32 $0x7  }
0x7: {  	s29 =	simm.s32 $0x0;
	s6 =	sand.u32 $0x1, s2;
	s2 =	stileid.u32  }
0x8: {  	[smem:$0x7FF] =	sst s3;
	s4 =	sadd.s32 $0x39E00, s5;
	s7 =	smul.u32 $0x138800, s6  }
0x9: {  	s10 =	sadd.s32 $0x12C00, s5;
	s8 =	smul.u32 $0x1F400, s2;
	_ =	strace $0x8000004A  }
0xa: {  	s9 =	sshll.u32 s6, $0xB;
	s24 =	ssub.s32 $0x2, s6;
	s11 =	smul.u32 $0x7D000, s2  }
0xb: {  	s12 =	sshll.u32 s2, $0xC;
	p0 =	seq.s32 s6, $0x1;
	s31 =	smul.u32 $0x3E80, s2  }
0xc: {  	s9 =	sadd.s32 s9, s5;
	s25 =	sshrl.u32 s24, $0x1;
	s7 =	sadd.s32 s8, s7  }
0xd: {  	s8 =	ssub.s32 s24, s25;
	s26 =	sadd.s32 s12, s9;
	s30 =	sshrl.u32 s11, $0x2  }
0xe: {  	s9 =	smov.u32 s4;
	s12 =	simm.s32 $0x50;
	s24 =	simm.s32 $0x6  }
0xf: {  	s25 =	simm.s32 $0x4;
	s7 =	sshrl.u32 s7, $0x3;
	s11 =	sadd.s32 s30, s1  }
0x10: {  	s9 =	smov.u32 @p0 s10;
	p0 =	sgt.u32 s2, $0x9;
	s7 =	sadd.s32 s7, s5  }
0x11: {  	s5 =	sadd.s32 $0x2C00, s26;
	s10 =	sshll.u32 @!p0 s2, $0x6;
	s26 =	simm.s32 $0x4280  }
0x12: {  	s6 =	sadd.s32 $0x61000, s7;
	s7 =	smax.u32 s8, $0x1;
	s8 =	sadd.s32 s9, s31  }
0x13: {  	s9 =	sor.u32 @!p0 $0x1C08, s10;
	s10 =	sshrl.u32 @!p0 s11, $0x3;
	s11 =	simm.s32 $0x1  }
.LBB2_1:
0x14: {  	[tilespmem:s3], [sflag:$0x1] =	stream.linear.gather [hbm4b:s5+s3], $0x3E80, $0x38;
	[tilespmem:$0x1F380] =	vst v63  }
0x15: {  	s30 =	simm.s32 @!p0 $0x8  }
0x16: {  	[spmem:s10], [sflag:s9] =	dma.local @!p0 [hbm:s8], $0x3E80  }
0x17: {  	_ =	swait.ge @!p0 [sflag:s30], $0x3E80  }
0x18: {  	[sflag:s30] =	ssyncset.done @!p0 $0x0  }
0x19: {  	[sflag:s30] =	ssyncadd.s32 @!p0 $0xFFFFC180  }
0x1a: {  	_ =	swait.ge [sflag:s11], $0x3E80  }
0x1b: {  	[sflag:s11] =	ssyncset.done $0x0  }
0x1c: {  	[sflag:s11] =	ssyncadd.s32 $0xFFFFC180  }
0x1d: {  	v0 =	vld [tilespmem:$0x0];
	_ =	sdelay $0x1  }
0x1e: {  	v1 =	vld [tilespmem:$0x10];
	_ =	sdelay $0x1  }
0x1f: {  	v2 =	vld [tilespmem:$0x20]  }
0x20: {  	v3 =	vshrl.u32 v0, $0x10  }
0x21: {  	v0 =	vand.u32 $0xFFFF, v0;
	[tilespmem:$0x4000] =	vst v3;
	v3 =	vld [tilespmem:$0x30]  }
0x22: {  	[tilespmem:$0x4080] =	vst v0;
	v0 =	vshrl.u32 v1, $0x10  }
0x23: {  	[tilespmem:$0x4010] =	vst v0;
	v0 =	vand.u32 $0xFFFF, v1;
	v1 =	vld [tilespmem:$0x40]  }
0x24: {  	[tilespmem:$0x4090] =	vst v0;
	v0 =	vshrl.u32 v2, $0x10  }
0x25: {  	[tilespmem:$0x4020] =	vst v0;
	v0 =	vand.u32 $0xFFFF, v2  }
0x26: {  	[tilespmem:$0x40A0] =	vst v0;
	v0 =	vshrl.u32 v3, $0x10  }
0x27: {  	[tilespmem:$0x4030] =	vst v0;
	v0 =	vand.u32 $0xFFFF, v3  }
0x28: {  	[tilespmem:$0x40B0] =	vst v0;
	v0 =	vshrl.u32 v1, $0x10  }
0x29: {  	[tilespmem:$0x4040] =	vst v0;
	v0 =	vand.u32 $0xFFFF, v1  }
0x2a: {  	[tilespmem:$0x40C0] =	vst v0  }
0x2b: {  	[tilespmem:s14], [sflag:$0x2] =	stream.indirect.gather [hbm4b:s4+s12], $0x80, s13, s12, $0xb8;
	[tilespmem:$0x1F380] =	vst v63  }
0x2c: {  	v0 =	vld [tilespmem:$0x80];
	_ =	sdelay $0x1  }
0x2d: {  	v1 =	vld [tilespmem:$0x90];
	_ =	sdelay $0x1  }
0x2e: {  	v2 =	vld [tilespmem:$0xA0]  }
0x2f: {  	v3 =	vshrl.u32 v0, $0x10  }
0x30: {  	v0 =	vand.u32 $0xFFFF, v0;
	[tilespmem:$0x4100] =	vst v3;
	v3 =	vld [tilespmem:$0xB0]  }
0x31: {  	[tilespmem:$0x4180] =	vst v0;
	v0 =	vshrl.u32 v1, $0x10  }
0x32: {  	[tilespmem:$0x4110] =	vst v0;
	v0 =	vand.u32 $0xFFFF, v1;
	v1 =	vld [tilespmem:$0xC0]  }
0x33: {  	[tilespmem:$0x4190] =	vst v0;
	v0 =	vshrl.u32 v2, $0x10  }
0x34: {  	[tilespmem:$0x4120] =	vst v0;
	v0 =	vand.u32 $0xFFFF, v2  }
0x35: {  	[tilespmem:$0x41A0] =	vst v0;
	v0 =	vshrl.u32 v3, $0x10  }
0x36: {  	[tilespmem:$0x4130] =	vst v0;
	v0 =	vand.u32 $0xFFFF, v3  }
0x37: {  	[tilespmem:$0x41B0] =	vst v0;
	v0 =	vshrl.u32 v1, $0x10  }
0x38: {  	[tilespmem:$0x4140] =	vst v0;
	v0 =	vand.u32 $0xFFFF, v1  }
0x39: {  	p1 =	por $0x1, $0x1;
	[tilespmem:$0x41C0] =	vst v0  }
0x3a: {  	[tilespmem:s16], [sflag:$0x3] =	stream.indirect.gather [hbm4b:s4+s12], $0x80, s15, s12, $0xb8;
	[tilespmem:$0x1F380] =	vst v63  }
0x3b: {  	s30 =	simm.s32 @!p1 $0x7;
	[bflag:$0x0] =	sbarrier.arrive $0xFFFF  }
0x3c: {  	_ =	swait.ge @!p1 [sflag:s30], $0x2800  }
0x3d: {  	[sflag:s30] =	ssyncset.done @!p1 $0x0  }
0x3e: {  	[sflag:s30] =	ssyncadd.s32 @!p1 $0xFFFFD800;
	s30 =	simm.s32 $0x0  }
0x3f: {  	v0 =	vld [tilespmem:s30+$0x100];
	_ =	sdelay $0x4  }
0x40: {  	v1 =	vshrl.u32 v0, $0x10  }
0x41: {  	v0 =	vand.u32 $0xFFFF, v0;
	[tilespmem:$0x4200] =	vst v1  }
0x42: {  	[tilespmem:$0x4280] =	vst v0  }
0x43: {  	v0 =	vld [tilespmem:s30+$0x110];
	_ =	sdelay $0x4  }
0x44: {  	v1 =	vshrl.u32 v0, $0x10  }
0x45: {  	v0 =	vand.u32 $0xFFFF, v0;
	[tilespmem:$0x4210] =	vst v1  }
0x46: {  	[tilespmem:$0x4290] =	vst v0  }
0x47: {  	v0 =	vld [tilespmem:s30+$0x120];
	_ =	sdelay $0x4  }
0x48: {  	v1 =	vshrl.u32 v0, $0x10  }
0x49: {  	v0 =	vand.u32 $0xFFFF, v0;
	[tilespmem:$0x4220] =	vst v1  }
0x4a: {  	[tilespmem:$0x42A0] =	vst v0  }
0x4b: {  	v0 =	vld [tilespmem:s30+$0x130];
	_ =	sdelay $0x4  }
0x4c: {  	v1 =	vshrl.u32 v0, $0x10  }
0x4d: {  	v0 =	vand.u32 $0xFFFF, v0;
	[tilespmem:$0x4230] =	vst v1  }
0x4e: {  	[tilespmem:$0x42B0] =	vst v0  }
0x4f: {  	v0 =	vld [tilespmem:s30+$0x140];
	_ =	sdelay $0x4  }
0x50: {  	v1 =	vshrl.u32 v0, $0x10  }
0x51: {  	v0 =	vand.u32 $0xFFFF, v0;
	[tilespmem:$0x4240] =	vst v1  }
0x52: {  	[tilespmem:$0x42C0] =	vst v0  }
0x53: {  	[tilespmem:s18], [sflag:$0x4] =	stream.indirect.gather [hbm4b:s4+s12], $0x80, s17, s12, $0xb8;
	[tilespmem:$0x1F380] =	vst v63  }
0x54: {  	_ =	swait.ge [sflag:s19], $0x2800  }
0x55: {  	[sflag:s19] =	ssyncset.done $0x0  }
0x56: {  	[sflag:s19] =	ssyncadd.s32 $0xFFFFD800  }
0x57: {  	[spmem:s1] =	stream.indirect.scatter.add.f32 [tilespmem:s14], [sflag:$0x5], $0x80, s20, s12, $0xb8;
	[tilespmem:$0x1F380] =	vst v63  }
0x58: {  	_ =	swait.ge [sflag:s21], $0x2800  }
0x59: {  	[sflag:s21] =	ssyncset.done $0x0  }
0x5a: {  	[sflag:s21] =	ssyncadd.s32 $0xFFFFD800  }
0x5b: {  	v0 =	vld [tilespmem:s30+$0x180];
	_ =	sdelay $0x4  }
0x5c: {  	v1 =	vshrl.u32 v0, $0x10  }
0x5d: {  	v0 =	vand.u32 $0xFFFF, v0;
	[tilespmem:$0x4000] =	vst v1  }
0x5e: {  	[tilespmem:$0x4080] =	vst v0  }
0x5f: {  	v0 =	vld [tilespmem:s30+$0x190];
	_ =	sdelay $0x4  }
0x60: {  	v1 =	vshrl.u32 v0, $0x10  }
0x61: {  	v0 =	vand.u32 $0xFFFF, v0;
	[tilespmem:$0x4010] =	vst v1  }
0x62: {  	[tilespmem:$0x4090] =	vst v0  }
0x63: {  	v0 =	vld [tilespmem:s30+$0x1A0];
	_ =	sdelay $0x4  }
0x64: {  	v1 =	vshrl.u32 v0, $0x10  }
0x65: {  	v0 =	vand.u32 $0xFFFF, v0;
	[tilespmem:$0x4020] =	vst v1  }
0x66: {  	[tilespmem:$0x40A0] =	vst v0  }
0x67: {  	v0 =	vld [tilespmem:s30+$0x1B0];
	_ =	sdelay $0x4  }
0x68: {  	v1 =	vshrl.u32 v0, $0x10  }
0x69: {  	v0 =	vand.u32 $0xFFFF, v0;
	[tilespmem:$0x4030] =	vst v1  }
0x6a: {  	[tilespmem:$0x40B0] =	vst v0  }
0x6b: {  	v0 =	vld [tilespmem:s30+$0x1C0];
	_ =	sdelay $0x4  }
0x6c: {  	v1 =	vshrl.u32 v0, $0x10  }
0x6d: {  	v0 =	vand.u32 $0xFFFF, v0;
	[tilespmem:$0x4040] =	vst v1  }
0x6e: {  	[tilespmem:$0x40C0] =	vst v0  }
0x6f: {  	[tilespmem:s14], [sflag:$0x2] =	stream.indirect.gather [hbm4b:s4+s12], $0x80, s13, s12, $0xb8;
	[tilespmem:$0x1F380] =	vst v63  }
0x70: {  	_ =	swait.ge [sflag:s22], $0x2800  }
0x71: {  	[sflag:s22] =	ssyncset.done $0x0  }
0x72: {  	[sflag:s22] =	ssyncadd.s32 $0xFFFFD800  }
0x73: {  	[spmem:s1] =	stream.indirect.scatter.add.f32 [tilespmem:s16], [sflag:$0x6], $0x80, s23, s12, $0xb8;
	[tilespmem:$0x1F380] =	vst v63  }
0x74: {  	_ =	swait.ge [sflag:s24], $0x2800  }
0x75: {  	[sflag:s24] =	ssyncset.done $0x0  }
0x76: {  	[sflag:s24] =	ssyncadd.s32 $0xFFFFD800  }
0x77: {  	v0 =	vld [tilespmem:s30+$0x200];
	_ =	sdelay $0x4  }
0x78: {  	v1 =	vshrl.u32 v0, $0x10  }
0x79: {  	v0 =	vand.u32 $0xFFFF, v0;
	[tilespmem:$0x4100] =	vst v1  }
0x7a: {  	[tilespmem:$0x4180] =	vst v0  }
0x7b: {  	v0 =	vld [tilespmem:s30+$0x210];
	_ =	sdelay $0x4  }
0x7c: {  	v1 =	vshrl.u32 v0, $0x10  }
0x7d: {  	v0 =	vand.u32 $0xFFFF, v0;
	[tilespmem:$0x4110] =	vst v1  }
0x7e: {  	[tilespmem:$0x4190] =	vst v0  }
0x7f: {  	v0 =	vld [tilespmem:s30+$0x220];
	_ =	sdelay $0x4  }
0x80: {  	v1 =	vshrl.u32 v0, $0x10  }
0x81: {  	v0 =	vand.u32 $0xFFFF, v0;
	[tilespmem:$0x4120] =	vst v1  }
0x82: {  	[tilespmem:$0x41A0] =	vst v0  }
0x83: {  	s31 =	simm.s32 $0x600;
	v0 =	vld [tilespmem:s30+$0x230]  }
.LBB2_2:
0x84: {  	_ =	sdelay $0x2  }
0x85: {  	s0 =	smov.u32 s31;
	s31 =	sadd.s32 $0x600, s31  }
0x86: {  	p1 =	sne.s32 s31, $0xF600;
	v1 =	vshrl.u32 v0, $0x10;
	v0 =	vand.u32 $0xFFFF, v0  }
0x87: {  	[tilespmem:$0x4130] =	vst v1  }
0x88: {  	[tilespmem:$0x41B0] =	vst v0  }
0x89: {  	v0 =	vld [tilespmem:s30+$0x240];
	_ =	sdelay $0x4  }
0x8a: {  	v1 =	vshrl.u32 v0, $0x10;
	v0 =	vand.u32 $0xFFFF, v0  }
0x8b: {  	[tilespmem:$0x4140] =	vst v1  }
0x8c: {  	[tilespmem:$0x41C0] =	vst v0  }
0x8d: {  	[tilespmem:s16], [sflag:$0x3] =	stream.indirect.gather [hbm4b:s4+s12], $0x80, s15, s12, $0xb8;
	[tilespmem:$0x1F380] =	vst v63  }
0x8e: {  	_ =	swait.ge [sflag:s25], $0x2800  }
0x8f: {  	p2 =	seq.s32 s0, $0x0;
	[sflag:s25] =	ssyncset.done $0x0  }
0x90: {  	s30 =	simm.s32 @!p2 $0x7;
	[sflag:s25] =	ssyncadd.s32 $0xFFFFD800  }
0x91: {  	[spmem:s1] =	stream.indirect.scatter.add.f32 [tilespmem:s18], [sflag:$0x7], $0x80, s26, s12, $0xb8;
	[tilespmem:$0x1F380] =	vst v63  }
0x92: {  	_ =	swait.ge @!p2 [sflag:s30], $0x2800  }
0x93: {  	[sflag:s30] =	ssyncset.done @!p2 $0x0  }
0x94: {  	[sflag:s30] =	ssyncadd.s32 @!p2 $0xFFFFD800;
	s30 =	sshra.s32 s0, $0x2  }
0x95: {  	v0 =	vld [tilespmem:s30+$0x100];
	_ =	sdelay $0x4  }
0x96: {  	v1 =	vshrl.u32 v0, $0x10;
	v0 =	vand.u32 $0xFFFF, v0  }
0x97: {  	[tilespmem:$0x4200] =	vst v1  }
0x98: {  	[tilespmem:$0x4280] =	vst v0  }
0x99: {  	v0 =	vld [tilespmem:s30+$0x110];
	_ =	sdelay $0x4  }
0x9a: {  	v1 =	vshrl.u32 v0, $0x10;
	v0 =	vand.u32 $0xFFFF, v0  }
0x9b: {  	[tilespmem:$0x4210] =	vst v1  }
0x9c: {  	[tilespmem:$0x4290] =	vst v0  }
0x9d: {  	v0 =	vld [tilespmem:s30+$0x120];
	_ =	sdelay $0x4  }
0x9e: {  	v1 =	vshrl.u32 v0, $0x10;
	v0 =	vand.u32 $0xFFFF, v0  }
0x9f: {  	[tilespmem:$0x4220] =	vst v1  }
0xa0: {  	[tilespmem:$0x42A0] =	vst v0  }
0xa1: {  	v0 =	vld [tilespmem:s30+$0x130];
	_ =	sdelay $0x4  }
0xa2: {  	v1 =	vshrl.u32 v0, $0x10;
	v0 =	vand.u32 $0xFFFF, v0  }
0xa3: {  	[tilespmem:$0x4230] =	vst v1  }
0xa4: {  	[tilespmem:$0x42B0] =	vst v0  }
0xa5: {  	v0 =	vld [tilespmem:s30+$0x140];
	_ =	sdelay $0x4  }
0xa6: {  	v1 =	vshrl.u32 v0, $0x10;
	v0 =	vand.u32 $0xFFFF, v0  }
0xa7: {  	[tilespmem:$0x4240] =	vst v1  }
0xa8: {  	[tilespmem:$0x42C0] =	vst v0  }
0xa9: {  	[tilespmem:s18], [sflag:$0x4] =	stream.indirect.gather [hbm4b:s4+s12], $0x80, s17, s12, $0xb8;
	[tilespmem:$0x1F380] =	vst v63  }
0xaa: {  	_ =	swait.ge [sflag:s19], $0x2800  }
0xab: {  	[sflag:s19] =	ssyncset.done $0x0  }
0xac: {  	[sflag:s19] =	ssyncadd.s32 $0xFFFFD800  }
0xad: {  	[spmem:s1] =	stream.indirect.scatter.add.f32 [tilespmem:s14], [sflag:$0x5], $0x80, s20, s12, $0xb8;
	[tilespmem:$0x1F380] =	vst v63  }
0xae: {  	_ =	swait.ge [sflag:s21], $0x2800  }
0xaf: {  	[sflag:s21] =	ssyncset.done $0x0  }
0xb0: {  	[sflag:s21] =	ssyncadd.s32 $0xFFFFD800  }
0xb1: {  	v0 =	vld [tilespmem:s30+$0x180];
	_ =	sdelay $0x4  }
0xb2: {  	v1 =	vshrl.u32 v0, $0x10;
	v0 =	vand.u32 $0xFFFF, v0  }
0xb3: {  	[tilespmem:$0x4000] =	vst v1  }
0xb4: {  	[tilespmem:$0x4080] =	vst v0  }
0xb5: {  	v0 =	vld [tilespmem:s30+$0x190];
	_ =	sdelay $0x4  }
0xb6: {  	v1 =	vshrl.u32 v0, $0x10;
	v0 =	vand.u32 $0xFFFF, v0  }
0xb7: {  	[tilespmem:$0x4010] =	vst v1  }
0xb8: {  	[tilespmem:$0x4090] =	vst v0  }
0xb9: {  	v0 =	vld [tilespmem:s30+$0x1A0];
	_ =	sdelay $0x4  }
0xba: {  	v1 =	vshrl.u32 v0, $0x10;
	v0 =	vand.u32 $0xFFFF, v0  }
0xbb: {  	[tilespmem:$0x4020] =	vst v1  }
0xbc: {  	[tilespmem:$0x40A0] =	vst v0  }
0xbd: {  	v0 =	vld [tilespmem:s30+$0x1B0];
	_ =	sdelay $0x4  }
0xbe: {  	v1 =	vshrl.u32 v0, $0x10;
	v0 =	vand.u32 $0xFFFF, v0  }
0xbf: {  	[tilespmem:$0x4030] =	vst v1  }
0xc0: {  	[tilespmem:$0x40B0] =	vst v0  }
0xc1: {  	v0 =	vld [tilespmem:s30+$0x1C0];
	_ =	sdelay $0x4  }
0xc2: {  	v1 =	vshrl.u32 v0, $0x10;
	v0 =	vand.u32 $0xFFFF, v0  }
0xc3: {  	[tilespmem:$0x4040] =	vst v1  }
0xc4: {  	[tilespmem:$0x40C0] =	vst v0  }
0xc5: {  	[tilespmem:s14], [sflag:$0x2] =	stream.indirect.gather [hbm4b:s4+s12], $0x80, s13, s12, $0xb8;
	[tilespmem:$0x1F380] =	vst v63  }
0xc6: {  	_ =	swait.ge [sflag:s22], $0x2800  }
0xc7: {  	[sflag:s22] =	ssyncset.done $0x0  }
0xc8: {  	[sflag:s22] =	ssyncadd.s32 $0xFFFFD800  }
0xc9: {  	[spmem:s1] =	stream.indirect.scatter.add.f32 [tilespmem:s16], [sflag:$0x6], $0x80, s23, s12, $0xb8;
	[tilespmem:$0x1F380] =	vst v63  }
0xca: {  	_ =	swait.ge [sflag:s24], $0x2800  }
0xcb: {  	[sflag:s24] =	ssyncset.done $0x0  }
0xcc: {  	[sflag:s24] =	ssyncadd.s32 $0xFFFFD800  }
0xcd: {  	v0 =	vld [tilespmem:s30+$0x200];
	_ =	sdelay $0x4  }
0xce: {  	v1 =	vshrl.u32 v0, $0x10;
	v0 =	vand.u32 $0xFFFF, v0  }
0xcf: {  	[tilespmem:$0x4100] =	vst v1  }
0xd0: {  	[tilespmem:$0x4180] =	vst v0  }
0xd1: {  	v0 =	vld [tilespmem:s30+$0x210];
	_ =	sdelay $0x4  }
0xd2: {  	v1 =	vshrl.u32 v0, $0x10;
	v0 =	vand.u32 $0xFFFF, v0  }
0xd3: {  	[tilespmem:$0x4110] =	vst v1  }
0xd4: {  	[tilespmem:$0x4190] =	vst v0  }
0xd5: {  	v0 =	vld [tilespmem:s30+$0x220];
	_ =	sdelay $0x3  }
.Ltmp0:
0xd6: {  	(pc) =	sbr.rel @p1 .LBB2_2-.Ltmp0, $4  }
0xd7: {  	v1 =	vshrl.u32 v0, $0x10;
	v0 =	vand.u32 $0xFFFF, v0  }
0xd8: {  	[tilespmem:$0x4120] =	vst v1  }
0xd9: {  	[tilespmem:$0x41A0] =	vst v0  }
0xda: {  	v0 =	vld [tilespmem:s30+$0x230]  }
0xdb: {  	_ =	sdelay $0x3  }
0xdc: {  	v1 =	vshrl.u32 v0, $0x10  }
0xdd: {  	v62 =	vand.u32 $0xFFFF, v0;
	[tilespmem:$0x4130] =	vst v1  }
0xde: {  	[tilespmem:$0x41B0] =	vst v62  }
0xdf: {  	v0 =	vld [tilespmem:s30+$0x240];
	_ =	sdelay $0x4  }
0xe0: {  	v63 =	vshrl.u32 v0, $0x10  }
0xe1: {  	v0 =	vand.u32 $0xFFFF, v0;
	[tilespmem:$0x4140] =	vst v63  }
0xe2: {  	[tilespmem:$0x41C0] =	vst v0  }
0xe3: {  	[tilespmem:s16], [sflag:$0x3] =	stream.indirect.gather [hbm4b:s4+s12], $0x80, s15, s12, $0xb8;
	[tilespmem:$0x1F380] =	vst v63  }
0xe4: {  	_ =	swait.ge [sflag:s25], $0x2800  }
0xe5: {  	[sflag:s25] =	ssyncset.done $0x0  }
0xe6: {  	[sflag:s25] =	ssyncadd.s32 $0xFFFFD800  }
0xe7: {  	[spmem:s1] =	stream.indirect.scatter.add.f32 [tilespmem:s18], [sflag:$0x7], $0x80, s26, s12, $0xb8;
	[tilespmem:$0x1F380] =	vst v63  }
0xe8: {  	_ =	swait.ge [sflag:s19], $0x2800  }
0xe9: {  	[sflag:s19] =	ssyncset.done $0x0  }
0xea: {  	[sflag:s19] =	ssyncadd.s32 $0xFFFFD800  }
0xeb: {  	[spmem:s1] =	stream.indirect.scatter.add.f32 [tilespmem:s14], [sflag:$0x5], $0x80, s20, s12, $0xb8;
	[tilespmem:$0x1F380] =	vst v63  }
0xec: {  	_ =	swait.ge [sflag:s22], $0x2800  }
0xed: {  	[sflag:s22] =	ssyncset.done $0x0  }
0xee: {  	[sflag:s22] =	ssyncadd.s32 $0xFFFFD800  }
0xef: {  	[spmem:s1] =	stream.indirect.scatter.add.f32 [tilespmem:s16], [sflag:$0x6], $0x80, s23, s12, $0xb8;
	[tilespmem:$0x1F380] =	vst v63  }
0xf0: {  	_ =	swait.ge [sflag:s28], $0x2800  }
0xf1: {  	[sflag:s28] =	ssyncset.done $0x0  }
0xf2: {  	[sflag:s28] =	ssyncadd.s32 $0xFFFFD800  }
0xf3: {  	_ =	swait.ge [sflag:s21], $0x2800  }
0xf4: {  	[sflag:s21] =	ssyncset.done $0x0  }
0xf5: {  	[sflag:s21] =	ssyncadd.s32 $0xFFFFD800  }
0xf6: {  	_ =	swait.ge [sflag:s24], $0x2800  }
0xf7: {  	s29 =	sadd.s32 $0x1, s29;
	[sflag:s24] =	ssyncset.done $0x0  }
0xf8: {  	p1 =	sne.s32 s29, s7;
	[sflag:s24] =	ssyncadd.s32 $0xFFFFD800  }
.Ltmp1:
0xf9: {  	s0 =	simm.s32 @!p0 $0x8;
	[bflag:$0x0] =	sbarrier.arrive $0xFFFF;
	(pc) =	sbr.rel @p1 .LBB2_1-.Ltmp1, $4  }
0xfa: {  	[hbm:s6], [sflag:s9] =	dma.local @!p0 [spmem:s10], $0x3E80  }
0xfb: {  	_ =	swait.ge @!p0 [sflag:s0], $0x3E80  }
0xfc: {  	[sflag:s0] =	ssyncset.done @!p0 $0x0  }
0xfd: {  	[sflag:s0] =	ssyncadd.s32 @!p0 $0xFFFFC180  }
0xfe: {  	_ =	sfence.sel $0x180000  }
0xff: {  	[bflag:$0x0] =	sbarrier.arrive $0xFFFF  }
0x100: {  	_ =	strace $0x9000004A  }
0x101: {  	[bflag:$0x2] =	sbarrier.arrive $0xFFFF  }
0x102: {  	p0 =	sne.s32 s2, $0x0;
	s0 =	rddreg [dreg:$0x2]  }
0x103: {  	s0 =	sadd.s32 @!p0 $0x100000, s0  }
0x104: {  	[sflag:s0] =	ssyncadd.tile.s32 @!p0 $0x1;
	_ =	shalt  }
.Lfunc_end2:
_tile_overlayer_lowered:
.L_overlay_start_2:
0x105: {  	(tag) =	ssettag $0x2  }
0x106: {  	s0 =	rddreg [dreg:$0x0];
	s2 =	stileid.u32  }
0x107: {  	s1 =	rddreg [dreg:$0x1];
	p0 =	sne.s32 s2, $0x0  }
0x108: {  	s3 =	rddreg [dreg:$0x2];
	[bflag:$0x3] =	sbarrier.arrive $0xFFFF;
	s2 =	simm.s32 @!p0 $0x1C08  }
0x109: {  	[timem:s3], [sflag:s2] =	dma.local @!p0 [hbm:s0], s1  }
0x10a: {  	s0 =	simm.s32 @!p0 $0x8  }
0x10b: {  	_ =	swait.ge @!p0 [sflag:s0], s1  }
0x10c: {  	s1 =	ssub.s32 @!p0 $0x0, s1;
	[sflag:s0] =	ssyncset.done @!p0 $0x0  }
0x10d: {  	[sflag:s0] =	ssyncadd.s32 @!p0 s1  }
0x10e: {  	[bflag:$0x3] =	sbarrier.arrive $0xFFFF  }
0x10f: {  	_ =	shalt  }

// kernel: kernel.14.cloned.1.call-start
scs
__scs_entry_jumppad:
0x0: {  	(pc) =	sbr.rel $0x88, $3  }
0x1: {  	(tag) =	ssettag $0x0;
	lr =	simm.s32 $0x1  }
0x2: {  	[smem:$0x3F92] =	sst lr;
	_ =	strace $0xD0000000  }
0x3: {  	_ = 	snop  }
0x4: {  	_ = 	snop  }
0x5: {  	_ = 	snop  }
0x6: {  	_ = 	snop  }
0x7: {  	_ = 	snop  }
__scs_overlays_trampoline_lowered:
0x8: {  	[smem:$0x3FA1] =	sst s0  }
0x9: {  	[smem:$0x3FA2] =	sst s1  }
0xa: {  	[smem:$0x3FA3] =	sst s2  }
0xb: {  	[smem:$0x3FA4] =	sst s3  }
0xc: {  	[smem:$0x3FA5] =	sst s4  }
0xd: {  	[smem:$0x3FA6] =	sst s5  }
0xe: {  	[smem:$0x3FA7] =	sst s6  }
0xf: {  	[smem:$0x3FA8] =	sst s7  }
0x10: {  	[smem:$0x3FA9] =	sst s8  }
0x11: {  	[smem:$0x3FAA] =	sst s9;
	s0 =	simm.s32 @!p0 $0x0  }
0x12: {  	s1 =	sld [smem:$0x3F90];
	s0 =	simm.s32 @p0 $0x1  }
0x13: {  	[smem:$0x3FAB] =	sst s0;
	s0 =	simm.s32 @!p1 $0x0  }
0x14: {  	s2 =	sld [smem:$0x3F8F];
	s0 =	simm.s32 @p1 $0x1  }
0x15: {  	[smem:$0x3FAC] =	sst s0;
	s0 =	simm.s32 @!p2 $0x0  }
0x16: {  	s3 =	sld [smem:$0x3FDB];
	s0 =	simm.s32 @p2 $0x1  }
0x17: {  	s4 =	simm.s32 $0x1BF5;
	[smem:$0x3FAE] =	sst s0  }
0x18: {  	s0 =	sld [smem:$0x3F91];
	_ =	swait.ge [sflag:s4], $0x0  }
0x19: {  	s7 =	sld [smem:$0x3F92]  }
0x1a: {  	s8 =	sadd.s32 $0xFFFFE003, lr  }
0x1b: {  	s9 =	sadd.s32 $0xFFFFFEF7, lr;
	s5 =	simm.s32 $0xFFFFFFFF;
	p2 =	slt.u32 s8, $0xFFFFF086  }
0x1c: {  	p1 =	slt.u32 s9, $0xF7A;
	s5 =	simm.s32 @!p2 $0x0  }
0x1d: {  	s5 =	simm.s32 @p1 $0x1;
	p0 =	seq.s32 s7, s2  }
0x1e: {  	s7 =	smul.u32 @!p0 $0xF7A, s2;
	p2 =	seq.s32 @!p0 s5, $0x0  }
0x1f: {  	s9 =	smul.u32 $0xF7A, s1;
	s8 =	simm.s32 @!p0 $0x1BF5;
	p2 =	por !p2, p0  }
0x20: {  	[sflag:s8] =	ssyncset.s32 @!p0 $0xFFFFF086;
	s6 =	sadd.s32 @!p0 s3, s7;
	s7 =	simm.s32 @!p0 $0x108  }
0x21: {  	s3 =	sadd.s32 s3, s9;
	s6 =	sadd.s32 @!p0 $0x88, s6;
	s7 =	simm.s32 @p2 $0x1082  }
0x22: {  	[simem:s7], [sflag:s8] =	dma.local @!p0 [hbm:s6], $0xF7A  }
0x23: {  	s9 =	sor.u32 $0xD0000000, s2;
	s6 =	simm.s32 $0x108;
	_ =	swait.ge @!p0 [sflag:s8], $0x0  }
0x24: {  	s3 =	sadd.s32 $0x88, s3;
	s6 =	simm.s32 @!p1 $0x1082;
	[sflag:s4] =	ssyncset.s32 $0xFFFFF086  }
0x25: {  	[simem:s6], [sflag:s4] =	dma.local [hbm:s3], $0xF7A  }
0x26: {  	[smem:$0x3F92] =	sst s1;
	(tag) =	ssettag s2;
	_ =	strace s9  }
0x27: {  	s1 =	sld [smem:$0x3FA2]  }
0x28: {  	s2 =	sld [smem:$0x3FA3]  }
0x29: {  	s4 =	sld [smem:$0x3FA5]  }
0x2a: {  	p0 =	seq.s32 s5, $0x0;
	s5 =	sld [smem:$0x3FA6]  }
0x2b: {  	s6 =	sld [smem:$0x3FA7]  }
0x2c: {  	s7 =	sld [smem:$0x3FA8]  }
0x2d: {  	s3 =	simm.s32 $0x108;
	s8 =	sld [smem:$0x3FA9]  }
0x2e: {  	s3 =	simm.s32 @!p0 $0x1082;
	s9 =	sld [smem:$0x3FAA]  }
0x2f: {  	lr =	sadd.s32 s0, s3;
	s0 =	sld [smem:$0x3FA1]  }
0x30: {  	s3 =	sld [smem:$0x3FA4]  }
0x31: {  	[smem:$0x3FAD] =	sst s10  }
0x32: {  	s10 =	sld [smem:$0x3FAB];
	_ =	sdelay $0x3  }
0x33: {  	p0 =	seq.s32 s10, $0x1;
	s10 =	sld [smem:$0x3FAD];
	_ =	sdelay $0x3  }
0x34: {  	[smem:$0x3FAD] =	sst s10  }
0x35: {  	s10 =	sld [smem:$0x3FAC];
	_ =	sdelay $0x3  }
0x36: {  	p1 =	seq.s32 s10, $0x1;
	s10 =	sld [smem:$0x3FAD];
	_ =	sdelay $0x3  }
0x37: {  	[smem:$0x3FAD] =	sst s10  }
0x38: {  	s10 =	sld [smem:$0x3FAE]  }
0x39: {  	_ = 	snop;
	(pc) =	sbr.ind lr, $3  }
0x3a: {  	_ = 	snop  }
0x3b: {  	_ = 	snop  }
0x3c: {  	p2 =	seq.s32 s10, $0x1;
	s10 =	sld [smem:$0x3FAD]  }
0x3d: {  	_ =	shalt  }
0x3e: {  	_ =	shalt  }
0x3f: {  	_ =	shalt  }
0x40: {  	_ =	shalt  }
0x41: {  	_ =	shalt  }
0x42: {  	_ =	shalt  }
0x43: {  	_ =	shalt  }
0x44: {  	_ =	shalt  }
0x45: {  	_ =	shalt  }
0x46: {  	_ =	shalt  }
0x47: {  	_ =	shalt  }
0x48: {  	_ =	shalt  }
0x49: {  	_ =	shalt  }
0x4a: {  	_ =	shalt  }
0x4b: {  	_ =	shalt  }
0x4c: {  	_ =	shalt  }
0x4d: {  	_ =	shalt  }
0x4e: {  	_ =	shalt  }
0x4f: {  	_ =	shalt  }
0x50: {  	_ =	shalt  }
0x51: {  	_ =	shalt  }
0x52: {  	_ =	shalt  }
0x53: {  	_ =	shalt  }
0x54: {  	_ =	shalt  }
0x55: {  	_ =	shalt  }
0x56: {  	_ =	shalt  }
0x57: {  	_ =	shalt  }
0x58: {  	_ =	shalt  }
0x59: {  	_ =	shalt  }
0x5a: {  	_ =	shalt  }
0x5b: {  	_ =	shalt  }
0x5c: {  	_ =	shalt  }
0x5d: {  	_ =	shalt  }
0x5e: {  	_ =	shalt  }
0x5f: {  	_ =	shalt  }
0x60: {  	_ =	shalt  }
0x61: {  	_ =	shalt  }
0x62: {  	_ =	shalt  }
0x63: {  	_ =	shalt  }
0x64: {  	_ =	shalt  }
0x65: {  	_ =	shalt  }
0x66: {  	_ =	shalt  }
0x67: {  	_ =	shalt  }
0x68: {  	_ =	shalt  }
0x69: {  	_ =	shalt  }
0x6a: {  	_ =	shalt  }
0x6b: {  	_ =	shalt  }
0x6c: {  	_ =	shalt  }
0x6d: {  	_ =	shalt  }
0x6e: {  	_ =	shalt  }
0x6f: {  	_ =	shalt  }
0x70: {  	_ =	shalt  }
0x71: {  	_ =	shalt  }
0x72: {  	_ =	shalt  }
0x73: {  	_ =	shalt  }
0x74: {  	_ =	shalt  }
0x75: {  	_ =	shalt  }
0x76: {  	_ =	shalt  }
0x77: {  	_ =	shalt  }
0x78: {  	_ =	shalt  }
0x79: {  	_ =	shalt  }
0x7a: {  	_ =	shalt  }
0x7b: {  	_ =	shalt  }
0x7c: {  	_ =	shalt  }
0x7d: {  	_ =	shalt  }
0x7e: {  	_ =	shalt  }
0x7f: {  	_ =	shalt  }
0x80: {  	_ =	shalt  }
0x81: {  	_ =	shalt  }
0x82: {  	_ =	shalt  }
0x83: {  	_ =	shalt  }
0x84: {  	_ =	shalt  }
0x85: {  	_ =	shalt  }
0x86: {  	_ =	shalt  }
0x87: {  	_ =	shalt  }
.Lfunc_end0:
.L_simem_size_0:
called_computation.2_lowered:
.L_overlay_start_0:
0x88: {  	s2 =	sld [smem:$0x3FD9]  }
0x89: {  	s3 =	sld [smem:$0x3FFE];
	_ =	sdelay $0x1  }
0x8a: {  	s1 =	srdreg.scid  }
0x8b: {  	s0 =	sand.u32 $0x1, s1  }
0x8c: {  	s16 =	sshll.u32 s0, $0xA;
	s2 =	sadd.s32 s3, s2  }
0x8d: {  	s2 =	sadd.s32 s2, s16  }
0x8e: {  	[smem:$0x3FB9] =	sst s2  }
0x8f: {  	_ = 	snop  }
0x90: {  	(tm) =	ssettm $0x1  }
0x91: {  	s17 =	sld [smem:$0x3FFB];
	_ =	sdelay $0x3  }
0x92: {  	_ =	strace s17  }
0x93: {  	s2 =	sld [smem:$0x3FFC];
	_ =	sdelay $0x3  }
0x94: {  	_ =	strace s2  }
0x95: {  	s2 =	sld [smem:$0x3FFD];
	_ =	sdelay $0x3  }
0x96: {  	_ =	strace s2  }
0x97: {  	_ =	strace $0x8FFFFFFF  }
0x98: {  	s18 =	sld [smem:$0x3FDB];
	_ =	sdelay $0x1  }
0x99: {  	s19 =	simm.s32 $_scs_section_size  }
0x9a: {  	s4 =	simm.s32 $_size__tile_overlayer_lowered;
	s5 =	simm.s32 $_tile_overlayer_lowered  }
0x9b: {  	s22 =	simm.s32 $0x1BFF;
	s21 =	sshll.u32 s5, $0x1;
	s2 =	sadd.s32 s19, s18  }
0x9c: {  	s6 =	simm.s32 $0x0;
	s20 =	sshll.u32 s4, $0x1;
	s4 =	sadd.s32 s21, s2  }
0x9d: {  	[timem:s6], [sflag:s22] =	dma.local [hbm:s4], s20  }
0x9e: {  	_ =	swait.ge [sflag:s22], s20  }
0x9f: {  	s3 =	ssub.s32 $0x0, s20;
	[sflag:s22] =	ssyncset.done $0x0  }
0xa0: {  	[sflag:s22] =	ssyncadd.s32 s3;
	_ =	sdelay $0x1  }
0xa1: {  	s23 =	simm.s32 $0x1B8B  }
0xa2: {  	_ =	swait.ge [sflag:s23], $0x1  }
0xa3: {  	[sflag:s23] =	ssyncset.done $0x0  }
0xa4: {  	s25 =	simm.s32 $0x1B8E;
	s24 =	sld [smem:$0x3FFE];
	[sflag:s23] =	ssyncadd.s32 $0xFFFFFFFF  }
0xa5: {  	s26 =	simm.s32 $execute0_lowered;
	[smem:$0x3FD2] =	sst s25  }
0xa6: {  	s4 =	sshll.u32 s26, $0x1;
	_ =	strace $0x8000004C;
	[dreg:$0x1] =	wrdreg $0xFFFFFFFF  }
0xa7: {  	s28 =	simm.s32 $_size_execute0_lowered;
	s2 =	sadd.s32 s2, s4;
	[dreg:$0x0] =	wrdreg $0x0  }
0xa8: {  	s4 =	sshll.u32 s28, $0x1;
	[dreg:$0x2] =	wrdreg s2  }
0xa9: {  	[dreg:$0x3] =	wrdreg s4  }
0xaa: {  	[dreg:$0x4] =	wrdreg $0xC0  }
0xab: {  	_ =	task [dreg:s6], $0x5FFFF  }
0xac: {  	[dreg:$0x1] =	wrdreg $0xFFFFFFFF  }
0xad: {  	[dreg:$0x0] =	wrdreg $0x60  }
0xae: {  	[dreg:$0x2] =	wrdreg s24  }
0xaf: {  	[dreg:$0x3] =	wrdreg $0xBB000  }
0xb0: {  	[dreg:$0x4] =	wrdreg $0x9  }
0xb1: {  	_ =	task.clear_ibuf [dreg:s6], $0x5FFFF;
	_ =	strace $0x9000004C  }
0xb2: {  	s29 =	simm.s32 $0x9;
	_ =	strace $0x8000004E  }
0xb3: {  	_ =	swait.ge [sflag:s29], $0x1  }
0xb4: {  	[sflag:s29] =	ssyncadd.s32 $0xFFFFFFFF  }
0xb5: {  	_ =	strace $0x9000004E  }
0xb6: {  	_ =	sfence  }
0xb7: {  	s30 =	sld [smem:$0x0];
	_ =	sdelay $0x2  }
0xb8: {  	s31 =	sshll.u32 s1, $0xD;
	s1 =	sshrl.u32 s1, $0x2  }
0xb9: {  	s3 =	sand.u32 $0x4000, s31;
	s1 =	sadd.s32 s1, s30  }
0xba: {  	s0 =	sor.u32 s3, s0;
	s1 =	sshll.u32 s1, $0x11  }
0xbb: {  	s0 =	sor.u32 s1, s0  }
0xbc: {  	s0 =	sadd.s32 $0x8F2B, s0  }
0xbd: {  	[sflag:s0] =	ssyncadd.remote.s32 $0x1  }
0xbe: {  	_ =	sfence.sel $0xFFFF  }
0xbf: {  	[dreg:$0x0] =	wrdreg $0xFFFFFFFF;
	(pc) =	sbr.abs _section_cstart, $3  }
0xc0: {  	[dreg:$0x1] =	wrdreg $0xFFFFFFFF  }
0xc1: {  	_ =	task.clear_ibuf [dreg:s6], $0x2FFFF;
	_ =	strace $0x9FFFFFFF  }
0xc2: {  	(tm) =	ssettm $0x7FFFFFFF  }
0xc3: {  	_ =	shalt  }
tec
execute0_lowered:
.L_overlay_start_1:
0x0: {  	(tag) =	ssettag $0x1  }
0x1: {  	s5 =	rddreg [dreg:$0x0]  }
0x2: {  	s1 =	rddreg [dreg:$0x1];
	s2 =	srdreg.scid;
	s3 =	simm.s32 $0x0  }
0x3: {  	s13 =	simm.s32 $0x4000;
	s14 =	simm.s32 $0x4300;
	s15 =	simm.s32 $0x4100  }
0x4: {  	s16 =	simm.s32 $0x6B00;
	s17 =	simm.s32 $0x4200;
	s18 =	simm.s32 $0x9300  }
0x5: {  	s19 =	simm.s32 $0x2;
	s20 =	simm.s32 $0x4080;
	s21 =	simm.s32 $0x5  }
0x6: {  	s22 =	simm.s32 $0x3;
	s23 =	simm.s32 $0x4180;
	s28 =	simm.s32 $0x7  }
0x7: {  	s29 =	simm.s32 $0x0;
	s6 =	sand.u32 $0x1, s2;
	s2 =	stileid.u32  }
0x8: {  	[smem:$0x7FF] =	sst s3;
	s4 =	sadd.s32 $0x39E00, s5;
	s7 =	smul.u32 $0x138800, s6  }
0x9: {  	s10 =	sadd.s32 $0x12C00, s5;
	s8 =	smul.u32 $0x1F400, s2;
	_ =	strace $0x8000004D  }
0xa: {  	s9 =	sshll.u32 s6, $0xB;
	s24 =	ssub.s32 $0x2, s6;
	s11 =	smul.u32 $0x7D000, s2  }
0xb: {  	s12 =	sshll.u32 s2, $0xC;
	p0 =	seq.s32 s6, $0x1;
	s31 =	smul.u32 $0x3E80, s2  }
0xc: {  	s9 =	sadd.s32 s9, s5;
	s25 =	sshrl.u32 s24, $0x1;
	s7 =	sadd.s32 s8, s7  }
0xd: {  	s8 =	ssub.s32 s24, s25;
	s26 =	sadd.s32 s12, s9;
	s30 =	sshrl.u32 s11, $0x2  }
0xe: {  	s9 =	smov.u32 s4;
	s12 =	simm.s32 $0x50;
	s24 =	simm.s32 $0x6  }
0xf: {  	s25 =	simm.s32 $0x4;
	s7 =	sshrl.u32 s7, $0x3;
	s11 =	sadd.s32 s30, s1  }
0x10: {  	s9 =	smov.u32 @p0 s10;
	p0 =	sgt.u32 s2, $0x9;
	s7 =	sadd.s32 s7, s5  }
0x11: {  	s5 =	sadd.s32 $0x2C00, s26;
	s10 =	sshll.u32 @!p0 s2, $0x6;
	s26 =	simm.s32 $0x4280  }
0x12: {  	s6 =	sadd.s32 $0x61000, s7;
	s7 =	smax.u32 s8, $0x1;
	s8 =	sadd.s32 s9, s31  }
0x13: {  	s9 =	sor.u32 @!p0 $0x1C08, s10;
	s10 =	sshrl.u32 @!p0 s11, $0x3;
	s11 =	simm.s32 $0x1  }
.LBB2_1:
0x14: {  	[tilespmem:s3], [sflag:$0x1] =	stream.linear.gather [hbm4b:s5+s3], $0x3E80, $0x38;
	[tilespmem:$0x1F380] =	vst v63  }
0x15: {  	s30 =	simm.s32 @!p0 $0x8  }
0x16: {  	[spmem:s10], [sflag:s9] =	dma.local @!p0 [hbm:s8], $0x3E80  }
0x17: {  	_ =	swait.ge @!p0 [sflag:s30], $0x3E80  }
0x18: {  	[sflag:s30] =	ssyncset.done @!p0 $0x0  }
0x19: {  	[sflag:s30] =	ssyncadd.s32 @!p0 $0xFFFFC180  }
0x1a: {  	_ =	swait.ge [sflag:s11], $0x3E80  }
0x1b: {  	[sflag:s11] =	ssyncset.done $0x0  }
0x1c: {  	[sflag:s11] =	ssyncadd.s32 $0xFFFFC180  }
0x1d: {  	v0 =	vld [tilespmem:$0x0];
	_ =	sdelay $0x1  }
0x1e: {  	v1 =	vld [tilespmem:$0x10];
	_ =	sdelay $0x1  }
0x1f: {  	v2 =	vld [tilespmem:$0x20]  }
0x20: {  	v3 =	vshrl.u32 v0, $0x10  }
0x21: {  	v0 =	vand.u32 $0xFFFF, v0;
	[tilespmem:$0x4000] =	vst v3;
	v3 =	vld [tilespmem:$0x30]  }
0x22: {  	[tilespmem:$0x4080] =	vst v0;
	v0 =	vshrl.u32 v1, $0x10  }
0x23: {  	[tilespmem:$0x4010] =	vst v0;
	v0 =	vand.u32 $0xFFFF, v1;
	v1 =	vld [tilespmem:$0x40]  }
0x24: {  	[tilespmem:$0x4090] =	vst v0;
	v0 =	vshrl.u32 v2, $0x10  }
0x25: {  	[tilespmem:$0x4020] =	vst v0;
	v0 =	vand.u32 $0xFFFF, v2  }
0x26: {  	[tilespmem:$0x40A0] =	vst v0;
	v0 =	vshrl.u32 v3, $0x10  }
0x27: {  	[tilespmem:$0x4030] =	vst v0;
	v0 =	vand.u32 $0xFFFF, v3  }
0x28: {  	[tilespmem:$0x40B0] =	vst v0;
	v0 =	vshrl.u32 v1, $0x10  }
0x29: {  	[tilespmem:$0x4040] =	vst v0;
	v0 =	vand.u32 $0xFFFF, v1  }
0x2a: {  	[tilespmem:$0x40C0] =	vst v0  }
0x2b: {  	[tilespmem:s14], [sflag:$0x2] =	stream.indirect.gather [hbm4b:s4+s12], $0x80, s13, s12, $0xb8;
	[tilespmem:$0x1F380] =	vst v63  }
0x2c: {  	v0 =	vld [tilespmem:$0x80];
	_ =	sdelay $0x1  }
0x2d: {  	v1 =	vld [tilespmem:$0x90];
	_ =	sdelay $0x1  }
0x2e: {  	v2 =	vld [tilespmem:$0xA0]  }
0x2f: {  	v3 =	vshrl.u32 v0, $0x10  }
0x30: {  	v0 =	vand.u32 $0xFFFF, v0;
	[tilespmem:$0x4100] =	vst v3;
	v3 =	vld [tilespmem:$0xB0]  }
0x31: {  	[tilespmem:$0x4180] =	vst v0;
	v0 =	vshrl.u32 v1, $0x10  }
0x32: {  	[tilespmem:$0x4110] =	vst v0;
	v0 =	vand.u32 $0xFFFF, v1;
	v1 =	vld [tilespmem:$0xC0]  }
0x33: {  	[tilespmem:$0x4190] =	vst v0;
	v0 =	vshrl.u32 v2, $0x10  }
0x34: {  	[tilespmem:$0x4120] =	vst v0;
	v0 =	vand.u32 $0xFFFF, v2  }
0x35: {  	[tilespmem:$0x41A0] =	vst v0;
	v0 =	vshrl.u32 v3, $0x10  }
0x36: {  	[tilespmem:$0x4130] =	vst v0;
	v0 =	vand.u32 $0xFFFF, v3  }
0x37: {  	[tilespmem:$0x41B0] =	vst v0;
	v0 =	vshrl.u32 v1, $0x10  }
0x38: {  	[tilespmem:$0x4140] =	vst v0;
	v0 =	vand.u32 $0xFFFF, v1  }
0x39: {  	p1 =	por $0x1, $0x1;
	[tilespmem:$0x41C0] =	vst v0  }
0x3a: {  	[tilespmem:s16], [sflag:$0x3] =	stream.indirect.gather [hbm4b:s4+s12], $0x80, s15, s12, $0xb8;
	[tilespmem:$0x1F380] =	vst v63  }
0x3b: {  	s30 =	simm.s32 @!p1 $0x7;
	[bflag:$0x0] =	sbarrier.arrive $0xFFFF  }
0x3c: {  	_ =	swait.ge @!p1 [sflag:s30], $0x2800  }
0x3d: {  	[sflag:s30] =	ssyncset.done @!p1 $0x0  }
0x3e: {  	[sflag:s30] =	ssyncadd.s32 @!p1 $0xFFFFD800;
	s30 =	simm.s32 $0x0  }
0x3f: {  	v0 =	vld [tilespmem:s30+$0x100];
	_ =	sdelay $0x4  }
0x40: {  	v1 =	vshrl.u32 v0, $0x10  }
0x41: {  	v0 =	vand.u32 $0xFFFF, v0;
	[tilespmem:$0x4200] =	vst v1  }
0x42: {  	[tilespmem:$0x4280] =	vst v0  }
0x43: {  	v0 =	vld [tilespmem:s30+$0x110];
	_ =	sdelay $0x4  }
0x44: {  	v1 =	vshrl.u32 v0, $0x10  }
0x45: {  	v0 =	vand.u32 $0xFFFF, v0;
	[tilespmem:$0x4210] =	vst v1  }
0x46: {  	[tilespmem:$0x4290] =	vst v0  }
0x47: {  	v0 =	vld [tilespmem:s30+$0x120];
	_ =	sdelay $0x4  }
0x48: {  	v1 =	vshrl.u32 v0, $0x10  }
0x49: {  	v0 =	vand.u32 $0xFFFF, v0;
	[tilespmem:$0x4220] =	vst v1  }
0x4a: {  	[tilespmem:$0x42A0] =	vst v0  }
0x4b: {  	v0 =	vld [tilespmem:s30+$0x130];
	_ =	sdelay $0x4  }
0x4c: {  	v1 =	vshrl.u32 v0, $0x10  }
0x4d: {  	v0 =	vand.u32 $0xFFFF, v0;
	[tilespmem:$0x4230] =	vst v1  }
0x4e: {  	[tilespmem:$0x42B0] =	vst v0  }
0x4f: {  	v0 =	vld [tilespmem:s30+$0x140];
	_ =	sdelay $0x4  }
0x50: {  	v1 =	vshrl.u32 v0, $0x10  }
0x51: {  	v0 =	vand.u32 $0xFFFF, v0;
	[tilespmem:$0x4240] =	vst v1  }
0x52: {  	[tilespmem:$0x42C0] =	vst v0  }
0x53: {  	[tilespmem:s18], [sflag:$0x4] =	stream.indirect.gather [hbm4b:s4+s12], $0x80, s17, s12, $0xb8;
	[tilespmem:$0x1F380] =	vst v63  }
0x54: {  	_ =	swait.ge [sflag:s19], $0x2800  }
0x55: {  	[sflag:s19] =	ssyncset.done $0x0  }
0x56: {  	[sflag:s19] =	ssyncadd.s32 $0xFFFFD800  }
0x57: {  	[spmem:s1] =	stream.indirect.scatter.add.f32 [tilespmem:s14], [sflag:$0x5], $0x80, s20, s12, $0xb8;
	[tilespmem:$0x1F380] =	vst v63  }
0x58: {  	_ =	swait.ge [sflag:s21], $0x2800  }
0x59: {  	[sflag:s21] =	ssyncset.done $0x0  }
0x5a: {  	[sflag:s21] =	ssyncadd.s32 $0xFFFFD800  }
0x5b: {  	v0 =	vld [tilespmem:s30+$0x180];
	_ =	sdelay $0x4  }
0x5c: {  	v1 =	vshrl.u32 v0, $0x10  }
0x5d: {  	v0 =	vand.u32 $0xFFFF, v0;
	[tilespmem:$0x4000] =	vst v1  }
0x5e: {  	[tilespmem:$0x4080] =	vst v0  }
0x5f: {  	v0 =	vld [tilespmem:s30+$0x190];
	_ =	sdelay $0x4  }
0x60: {  	v1 =	vshrl.u32 v0, $0x10  }
0x61: {  	v0 =	vand.u32 $0xFFFF, v0;
	[tilespmem:$0x4010] =	vst v1  }
0x62: {  	[tilespmem:$0x4090] =	vst v0  }
0x63: {  	v0 =	vld [tilespmem:s30+$0x1A0];
	_ =	sdelay $0x4  }
0x64: {  	v1 =	vshrl.u32 v0, $0x10  }
0x65: {  	v0 =	vand.u32 $0xFFFF, v0;
	[tilespmem:$0x4020] =	vst v1  }
0x66: {  	[tilespmem:$0x40A0] =	vst v0  }
0x67: {  	v0 =	vld [tilespmem:s30+$0x1B0];
	_ =	sdelay $0x4  }
0x68: {  	v1 =	vshrl.u32 v0, $0x10  }
0x69: {  	v0 =	vand.u32 $0xFFFF, v0;
	[tilespmem:$0x4030] =	vst v1  }
0x6a: {  	[tilespmem:$0x40B0] =	vst v0  }
0x6b: {  	v0 =	vld [tilespmem:s30+$0x1C0];
	_ =	sdelay $0x4  }
0x6c: {  	v1 =	vshrl.u32 v0, $0x10  }
0x6d: {  	v0 =	vand.u32 $0xFFFF, v0;
	[tilespmem:$0x4040] =	vst v1  }
0x6e: {  	[tilespmem:$0x40C0] =	vst v0  }
0x6f: {  	[tilespmem:s14], [sflag:$0x2] =	stream.indirect.gather [hbm4b:s4+s12], $0x80, s13, s12, $0xb8;
	[tilespmem:$0x1F380] =	vst v63  }
0x70: {  	_ =	swait.ge [sflag:s22], $0x2800  }
0x71: {  	[sflag:s22] =	ssyncset.done $0x0  }
0x72: {  	[sflag:s22] =	ssyncadd.s32 $0xFFFFD800  }
0x73: {  	[spmem:s1] =	stream.indirect.scatter.add.f32 [tilespmem:s16], [sflag:$0x6], $0x80, s23, s12, $0xb8;
	[tilespmem:$0x1F380] =	vst v63  }
0x74: {  	_ =	swait.ge [sflag:s24], $0x2800  }
0x75: {  	[sflag:s24] =	ssyncset.done $0x0  }
0x76: {  	[sflag:s24] =	ssyncadd.s32 $0xFFFFD800  }
0x77: {  	v0 =	vld [tilespmem:s30+$0x200];
	_ =	sdelay $0x4  }
0x78: {  	v1 =	vshrl.u32 v0, $0x10  }
0x79: {  	v0 =	vand.u32 $0xFFFF, v0;
	[tilespmem:$0x4100] =	vst v1  }
0x7a: {  	[tilespmem:$0x4180] =	vst v0  }
0x7b: {  	v0 =	vld [tilespmem:s30+$0x210];
	_ =	sdelay $0x4  }
0x7c: {  	v1 =	vshrl.u32 v0, $0x10  }
0x7d: {  	v0 =	vand.u32 $0xFFFF, v0;
	[tilespmem:$0x4110] =	vst v1  }
0x7e: {  	[tilespmem:$0x4190] =	vst v0  }
0x7f: {  	v0 =	vld [tilespmem:s30+$0x220];
	_ =	sdelay $0x4  }
0x80: {  	v1 =	vshrl.u32 v0, $0x10  }
0x81: {  	v0 =	vand.u32 $0xFFFF, v0;
	[tilespmem:$0x4120] =	vst v1  }
0x82: {  	[tilespmem:$0x41A0] =	vst v0  }
0x83: {  	s31 =	simm.s32 $0x600;
	v0 =	vld [tilespmem:s30+$0x230]  }
.LBB2_2:
0x84: {  	_ =	sdelay $0x2  }
0x85: {  	s0 =	smov.u32 s31;
	s31 =	sadd.s32 $0x600, s31  }
0x86: {  	p1 =	sne.s32 s31, $0xF600;
	v1 =	vshrl.u32 v0, $0x10;
	v0 =	vand.u32 $0xFFFF, v0  }
0x87: {  	[tilespmem:$0x4130] =	vst v1  }
0x88: {  	[tilespmem:$0x41B0] =	vst v0  }
0x89: {  	v0 =	vld [tilespmem:s30+$0x240];
	_ =	sdelay $0x4  }
0x8a: {  	v1 =	vshrl.u32 v0, $0x10;
	v0 =	vand.u32 $0xFFFF, v0  }
0x8b: {  	[tilespmem:$0x4140] =	vst v1  }
0x8c: {  	[tilespmem:$0x41C0] =	vst v0  }
0x8d: {  	[tilespmem:s16], [sflag:$0x3] =	stream.indirect.gather [hbm4b:s4+s12], $0x80, s15, s12, $0xb8;
	[tilespmem:$0x1F380] =	vst v63  }
0x8e: {  	_ =	swait.ge [sflag:s25], $0x2800  }
0x8f: {  	p2 =	seq.s32 s0, $0x0;
	[sflag:s25] =	ssyncset.done $0x0  }
0x90: {  	s30 =	simm.s32 @!p2 $0x7;
	[sflag:s25] =	ssyncadd.s32 $0xFFFFD800  }
0x91: {  	[spmem:s1] =	stream.indirect.scatter.add.f32 [tilespmem:s18], [sflag:$0x7], $0x80, s26, s12, $0xb8;
	[tilespmem:$0x1F380] =	vst v63  }
0x92: {  	_ =	swait.ge @!p2 [sflag:s30], $0x2800  }
0x93: {  	[sflag:s30] =	ssyncset.done @!p2 $0x0  }
0x94: {  	[sflag:s30] =	ssyncadd.s32 @!p2 $0xFFFFD800;
	s30 =	sshra.s32 s0, $0x2  }
0x95: {  	v0 =	vld [tilespmem:s30+$0x100];
	_ =	sdelay $0x4  }
0x96: {  	v1 =	vshrl.u32 v0, $0x10;
	v0 =	vand.u32 $0xFFFF, v0  }
0x97: {  	[tilespmem:$0x4200] =	vst v1  }
0x98: {  	[tilespmem:$0x4280] =	vst v0  }
0x99: {  	v0 =	vld [tilespmem:s30+$0x110];
	_ =	sdelay $0x4  }
0x9a: {  	v1 =	vshrl.u32 v0, $0x10;
	v0 =	vand.u32 $0xFFFF, v0  }
0x9b: {  	[tilespmem:$0x4210] =	vst v1  }
0x9c: {  	[tilespmem:$0x4290] =	vst v0  }
0x9d: {  	v0 =	vld [tilespmem:s30+$0x120];
	_ =	sdelay $0x4  }
0x9e: {  	v1 =	vshrl.u32 v0, $0x10;
	v0 =	vand.u32 $0xFFFF, v0  }
0x9f: {  	[tilespmem:$0x4220] =	vst v1  }
0xa0: {  	[tilespmem:$0x42A0] =	vst v0  }
0xa1: {  	v0 =	vld [tilespmem:s30+$0x130];
	_ =	sdelay $0x4  }
0xa2: {  	v1 =	vshrl.u32 v0, $0x10;
	v0 =	vand.u32 $0xFFFF, v0  }
0xa3: {  	[tilespmem:$0x4230] =	vst v1  }
0xa4: {  	[tilespmem:$0x42B0] =	vst v0  }
0xa5: {  	v0 =	vld [tilespmem:s30+$0x140];
	_ =	sdelay $0x4  }
0xa6: {  	v1 =	vshrl.u32 v0, $0x10;
	v0 =	vand.u32 $0xFFFF, v0  }
0xa7: {  	[tilespmem:$0x4240] =	vst v1  }
0xa8: {  	[tilespmem:$0x42C0] =	vst v0  }
0xa9: {  	[tilespmem:s18], [sflag:$0x4] =	stream.indirect.gather [hbm4b:s4+s12], $0x80, s17, s12, $0xb8;
	[tilespmem:$0x1F380] =	vst v63  }
0xaa: {  	_ =	swait.ge [sflag:s19], $0x2800  }
0xab: {  	[sflag:s19] =	ssyncset.done $0x0  }
0xac: {  	[sflag:s19] =	ssyncadd.s32 $0xFFFFD800  }
0xad: {  	[spmem:s1] =	stream.indirect.scatter.add.f32 [tilespmem:s14], [sflag:$0x5], $0x80, s20, s12, $0xb8;
	[tilespmem:$0x1F380] =	vst v63  }
0xae: {  	_ =	swait.ge [sflag:s21], $0x2800  }
0xaf: {  	[sflag:s21] =	ssyncset.done $0x0  }
0xb0: {  	[sflag:s21] =	ssyncadd.s32 $0xFFFFD800  }
0xb1: {  	v0 =	vld [tilespmem:s30+$0x180];
	_ =	sdelay $0x4  }
0xb2: {  	v1 =	vshrl.u32 v0, $0x10;
	v0 =	vand.u32 $0xFFFF, v0  }
0xb3: {  	[tilespmem:$0x4000] =	vst v1  }
0xb4: {  	[tilespmem:$0x4080] =	vst v0  }
0xb5: {  	v0 =	vld [tilespmem:s30+$0x190];
	_ =	sdelay $0x4  }
0xb6: {  	v1 =	vshrl.u32 v0, $0x10;
	v0 =	vand.u32 $0xFFFF, v0  }
0xb7: {  	[tilespmem:$0x4010] =	vst v1  }
0xb8: {  	[tilespmem:$0x4090] =	vst v0  }
0xb9: {  	v0 =	vld [tilespmem:s30+$0x1A0];
	_ =	sdelay $0x4  }
0xba: {  	v1 =	vshrl.u32 v0, $0x10;
	v0 =	vand.u32 $0xFFFF, v0  }
0xbb: {  	[tilespmem:$0x4020] =	vst v1  }
0xbc: {  	[tilespmem:$0x40A0] =	vst v0  }
0xbd: {  	v0 =	vld [tilespmem:s30+$0x1B0];
	_ =	sdelay $0x4  }
0xbe: {  	v1 =	vshrl.u32 v0, $0x10;
	v0 =	vand.u32 $0xFFFF, v0  }
0xbf: {  	[tilespmem:$0x4030] =	vst v1  }
0xc0: {  	[tilespmem:$0x40B0] =	vst v0  }
0xc1: {  	v0 =	vld [tilespmem:s30+$0x1C0];
	_ =	sdelay $0x4  }
0xc2: {  	v1 =	vshrl.u32 v0, $0x10;
	v0 =	vand.u32 $0xFFFF, v0  }
0xc3: {  	[tilespmem:$0x4040] =	vst v1  }
0xc4: {  	[tilespmem:$0x40C0] =	vst v0  }
0xc5: {  	[tilespmem:s14], [sflag:$0x2] =	stream.indirect.gather [hbm4b:s4+s12], $0x80, s13, s12, $0xb8;
	[tilespmem:$0x1F380] =	vst v63  }
0xc6: {  	_ =	swait.ge [sflag:s22], $0x2800  }
0xc7: {  	[sflag:s22] =	ssyncset.done $0x0  }
0xc8: {  	[sflag:s22] =	ssyncadd.s32 $0xFFFFD800  }
0xc9: {  	[spmem:s1] =	stream.indirect.scatter.add.f32 [tilespmem:s16], [sflag:$0x6], $0x80, s23, s12, $0xb8;
	[tilespmem:$0x1F380] =	vst v63  }
0xca: {  	_ =	swait.ge [sflag:s24], $0x2800  }
0xcb: {  	[sflag:s24] =	ssyncset.done $0x0  }
0xcc: {  	[sflag:s24] =	ssyncadd.s32 $0xFFFFD800  }
0xcd: {  	v0 =	vld [tilespmem:s30+$0x200];
	_ =	sdelay $0x4  }
0xce: {  	v1 =	vshrl.u32 v0, $0x10;
	v0 =	vand.u32 $0xFFFF, v0  }
0xcf: {  	[tilespmem:$0x4100] =	vst v1  }
0xd0: {  	[tilespmem:$0x4180] =	vst v0  }
0xd1: {  	v0 =	vld [tilespmem:s30+$0x210];
	_ =	sdelay $0x4  }
0xd2: {  	v1 =	vshrl.u32 v0, $0x10;
	v0 =	vand.u32 $0xFFFF, v0  }
0xd3: {  	[tilespmem:$0x4110] =	vst v1  }
0xd4: {  	[tilespmem:$0x4190] =	vst v0  }
0xd5: {  	v0 =	vld [tilespmem:s30+$0x220];
	_ =	sdelay $0x3  }
.Ltmp0:
0xd6: {  	(pc) =	sbr.rel @p1 .LBB2_2-.Ltmp0, $4  }
0xd7: {  	v1 =	vshrl.u32 v0, $0x10;
	v0 =	vand.u32 $0xFFFF, v0  }
0xd8: {  	[tilespmem:$0x4120] =	vst v1  }
0xd9: {  	[tilespmem:$0x41A0] =	vst v0  }
0xda: {  	v0 =	vld [tilespmem:s30+$0x230]  }
0xdb: {  	_ =	sdelay $0x3  }
0xdc: {  	v1 =	vshrl.u32 v0, $0x10  }
0xdd: {  	v62 =	vand.u32 $0xFFFF, v0;
	[tilespmem:$0x4130] =	vst v1  }
0xde: {  	[tilespmem:$0x41B0] =	vst v62  }
0xdf: {  	v0 =	vld [tilespmem:s30+$0x240];
	_ =	sdelay $0x4  }
0xe0: {  	v63 =	vshrl.u32 v0, $0x10  }
0xe1: {  	v0 =	vand.u32 $0xFFFF, v0;
	[tilespmem:$0x4140] =	vst v63  }
0xe2: {  	[tilespmem:$0x41C0] =	vst v0  }
0xe3: {  	[tilespmem:s16], [sflag:$0x3] =	stream.indirect.gather [hbm4b:s4+s12], $0x80, s15, s12, $0xb8;
	[tilespmem:$0x1F380] =	vst v63  }
0xe4: {  	_ =	swait.ge [sflag:s25], $0x2800  }
0xe5: {  	[sflag:s25] =	ssyncset.done $0x0  }
0xe6: {  	[sflag:s25] =	ssyncadd.s32 $0xFFFFD800  }
0xe7: {  	[spmem:s1] =	stream.indirect.scatter.add.f32 [tilespmem:s18], [sflag:$0x7], $0x80, s26, s12, $0xb8;
	[tilespmem:$0x1F380] =	vst v63  }
0xe8: {  	_ =	swait.ge [sflag:s19], $0x2800  }
0xe9: {  	[sflag:s19] =	ssyncset.done $0x0  }
0xea: {  	[sflag:s19] =	ssyncadd.s32 $0xFFFFD800  }
0xeb: {  	[spmem:s1] =	stream.indirect.scatter.add.f32 [tilespmem:s14], [sflag:$0x5], $0x80, s20, s12, $0xb8;
	[tilespmem:$0x1F380] =	vst v63  }
0xec: {  	_ =	swait.ge [sflag:s22], $0x2800  }
0xed: {  	[sflag:s22] =	ssyncset.done $0x0  }
0xee: {  	[sflag:s22] =	ssyncadd.s32 $0xFFFFD800  }
0xef: {  	[spmem:s1] =	stream.indirect.scatter.add.f32 [tilespmem:s16], [sflag:$0x6], $0x80, s23, s12, $0xb8;
	[tilespmem:$0x1F380] =	vst v63  }
0xf0: {  	_ =	swait.ge [sflag:s28], $0x2800  }
0xf1: {  	[sflag:s28] =	ssyncset.done $0x0  }
0xf2: {  	[sflag:s28] =	ssyncadd.s32 $0xFFFFD800  }
0xf3: {  	_ =	swait.ge [sflag:s21], $0x2800  }
0xf4: {  	[sflag:s21] =	ssyncset.done $0x0  }
0xf5: {  	[sflag:s21] =	ssyncadd.s32 $0xFFFFD800  }
0xf6: {  	_ =	swait.ge [sflag:s24], $0x2800  }
0xf7: {  	s29 =	sadd.s32 $0x1, s29;
	[sflag:s24] =	ssyncset.done $0x0  }
0xf8: {  	p1 =	sne.s32 s29, s7;
	[sflag:s24] =	ssyncadd.s32 $0xFFFFD800  }
.Ltmp1:
0xf9: {  	s0 =	simm.s32 @!p0 $0x8;
	[bflag:$0x0] =	sbarrier.arrive $0xFFFF;
	(pc) =	sbr.rel @p1 .LBB2_1-.Ltmp1, $4  }
0xfa: {  	[hbm:s6], [sflag:s9] =	dma.local @!p0 [spmem:s10], $0x3E80  }
0xfb: {  	_ =	swait.ge @!p0 [sflag:s0], $0x3E80  }
0xfc: {  	[sflag:s0] =	ssyncset.done @!p0 $0x0  }
0xfd: {  	[sflag:s0] =	ssyncadd.s32 @!p0 $0xFFFFC180  }
0xfe: {  	_ =	sfence.sel $0x180000  }
0xff: {  	[bflag:$0x0] =	sbarrier.arrive $0xFFFF  }
0x100: {  	_ =	strace $0x9000004D  }
0x101: {  	[bflag:$0x2] =	sbarrier.arrive $0xFFFF  }
0x102: {  	p0 =	sne.s32 s2, $0x0;
	s0 =	rddreg [dreg:$0x2]  }
0x103: {  	s0 =	sadd.s32 @!p0 $0x100000, s0  }
0x104: {  	[sflag:s0] =	ssyncadd.tile.s32 @!p0 $0x1;
	_ =	shalt  }
.Lfunc_end2:
_tile_overlayer_lowered:
.L_overlay_start_2:
0x105: {  	(tag) =	ssettag $0x2  }
0x106: {  	s0 =	rddreg [dreg:$0x0];
	s2 =	stileid.u32  }
0x107: {  	s1 =	rddreg [dreg:$0x1];
	p0 =	sne.s32 s2, $0x0  }
0x108: {  	s3 =	rddreg [dreg:$0x2];
	[bflag:$0x3] =	sbarrier.arrive $0xFFFF;
	s2 =	simm.s32 @!p0 $0x1C08  }
0x109: {  	[timem:s3], [sflag:s2] =	dma.local @!p0 [hbm:s0], s1  }
0x10a: {  	s0 =	simm.s32 @!p0 $0x8  }
0x10b: {  	_ =	swait.ge @!p0 [sflag:s0], s1  }
0x10c: {  	s1 =	ssub.s32 @!p0 $0x0, s1;
	[sflag:s0] =	ssyncset.done @!p0 $0x0  }
0x10d: {  	[sflag:s0] =	ssyncadd.s32 @!p0 s1  }
0x10e: {  	[bflag:$0x3] =	sbarrier.arrive $0xFFFF  }
0x10f: {  	_ =	shalt  }

// kernel: kernel.8.cloned.1.call-start
scs
__scs_entry_jumppad:
0x0: {  	(pc) =	sbr.rel $0x88, $3  }
0x1: {  	(tag) =	ssettag $0x0;
	lr =	simm.s32 $0x1  }
0x2: {  	[smem:$0x3F92] =	sst lr;
	_ =	strace $0xD0000000  }
0x3: {  	_ = 	snop  }
0x4: {  	_ = 	snop  }
0x5: {  	_ = 	snop  }
0x6: {  	_ = 	snop  }
0x7: {  	_ = 	snop  }
__scs_overlays_trampoline_lowered:
0x8: {  	[smem:$0x3FA1] =	sst s0  }
0x9: {  	[smem:$0x3FA2] =	sst s1  }
0xa: {  	[smem:$0x3FA3] =	sst s2  }
0xb: {  	[smem:$0x3FA4] =	sst s3  }
0xc: {  	[smem:$0x3FA5] =	sst s4  }
0xd: {  	[smem:$0x3FA6] =	sst s5  }
0xe: {  	[smem:$0x3FA7] =	sst s6  }
0xf: {  	[smem:$0x3FA8] =	sst s7  }
0x10: {  	[smem:$0x3FA9] =	sst s8  }
0x11: {  	[smem:$0x3FAA] =	sst s9;
	s0 =	simm.s32 @!p0 $0x0  }
0x12: {  	s1 =	sld [smem:$0x3F90];
	s0 =	simm.s32 @p0 $0x1  }
0x13: {  	[smem:$0x3FAB] =	sst s0;
	s0 =	simm.s32 @!p1 $0x0  }
0x14: {  	s2 =	sld [smem:$0x3F8F];
	s0 =	simm.s32 @p1 $0x1  }
0x15: {  	[smem:$0x3FAC] =	sst s0;
	s0 =	simm.s32 @!p2 $0x0  }
0x16: {  	s3 =	sld [smem:$0x3FDB];
	s0 =	simm.s32 @p2 $0x1  }
0x17: {  	s4 =	simm.s32 $0x1BF5;
	[smem:$0x3FAE] =	sst s0  }
0x18: {  	s0 =	sld [smem:$0x3F91];
	_ =	swait.ge [sflag:s4], $0x0  }
0x19: {  	s7 =	sld [smem:$0x3F92]  }
0x1a: {  	s8 =	sadd.s32 $0xFFFFE003, lr  }
0x1b: {  	s9 =	sadd.s32 $0xFFFFFEF7, lr;
	s5 =	simm.s32 $0xFFFFFFFF;
	p2 =	slt.u32 s8, $0xFFFFF086  }
0x1c: {  	p1 =	slt.u32 s9, $0xF7A;
	s5 =	simm.s32 @!p2 $0x0  }
0x1d: {  	s5 =	simm.s32 @p1 $0x1;
	p0 =	seq.s32 s7, s2  }
0x1e: {  	s7 =	smul.u32 @!p0 $0xF7A, s2;
	p2 =	seq.s32 @!p0 s5, $0x0  }
0x1f: {  	s9 =	smul.u32 $0xF7A, s1;
	s8 =	simm.s32 @!p0 $0x1BF5;
	p2 =	por !p2, p0  }
0x20: {  	[sflag:s8] =	ssyncset.s32 @!p0 $0xFFFFF086;
	s6 =	sadd.s32 @!p0 s3, s7;
	s7 =	simm.s32 @!p0 $0x108  }
0x21: {  	s3 =	sadd.s32 s3, s9;
	s6 =	sadd.s32 @!p0 $0x88, s6;
	s7 =	simm.s32 @p2 $0x1082  }
0x22: {  	[simem:s7], [sflag:s8] =	dma.local @!p0 [hbm:s6], $0xF7A  }
0x23: {  	s9 =	sor.u32 $0xD0000000, s2;
	s6 =	simm.s32 $0x108;
	_ =	swait.ge @!p0 [sflag:s8], $0x0  }
0x24: {  	s3 =	sadd.s32 $0x88, s3;
	s6 =	simm.s32 @!p1 $0x1082;
	[sflag:s4] =	ssyncset.s32 $0xFFFFF086  }
0x25: {  	[simem:s6], [sflag:s4] =	dma.local [hbm:s3], $0xF7A  }
0x26: {  	[smem:$0x3F92] =	sst s1;
	(tag) =	ssettag s2;
	_ =	strace s9  }
0x27: {  	s1 =	sld [smem:$0x3FA2]  }
0x28: {  	s2 =	sld [smem:$0x3FA3]  }
0x29: {  	s4 =	sld [smem:$0x3FA5]  }
0x2a: {  	p0 =	seq.s32 s5, $0x0;
	s5 =	sld [smem:$0x3FA6]  }
0x2b: {  	s6 =	sld [smem:$0x3FA7]  }
0x2c: {  	s7 =	sld [smem:$0x3FA8]  }
0x2d: {  	s3 =	simm.s32 $0x108;
	s8 =	sld [smem:$0x3FA9]  }
0x2e: {  	s3 =	simm.s32 @!p0 $0x1082;
	s9 =	sld [smem:$0x3FAA]  }
0x2f: {  	lr =	sadd.s32 s0, s3;
	s0 =	sld [smem:$0x3FA1]  }
0x30: {  	s3 =	sld [smem:$0x3FA4]  }
0x31: {  	[smem:$0x3FAD] =	sst s10  }
0x32: {  	s10 =	sld [smem:$0x3FAB];
	_ =	sdelay $0x3  }
0x33: {  	p0 =	seq.s32 s10, $0x1;
	s10 =	sld [smem:$0x3FAD];
	_ =	sdelay $0x3  }
0x34: {  	[smem:$0x3FAD] =	sst s10  }
0x35: {  	s10 =	sld [smem:$0x3FAC];
	_ =	sdelay $0x3  }
0x36: {  	p1 =	seq.s32 s10, $0x1;
	s10 =	sld [smem:$0x3FAD];
	_ =	sdelay $0x3  }
0x37: {  	[smem:$0x3FAD] =	sst s10  }
0x38: {  	s10 =	sld [smem:$0x3FAE]  }
0x39: {  	_ = 	snop;
	(pc) =	sbr.ind lr, $3  }
0x3a: {  	_ = 	snop  }
0x3b: {  	_ = 	snop  }
0x3c: {  	p2 =	seq.s32 s10, $0x1;
	s10 =	sld [smem:$0x3FAD]  }
0x3d: {  	_ =	shalt  }
0x3e: {  	_ =	shalt  }
0x3f: {  	_ =	shalt  }
0x40: {  	_ =	shalt  }
0x41: {  	_ =	shalt  }
0x42: {  	_ =	shalt  }
0x43: {  	_ =	shalt  }
0x44: {  	_ =	shalt  }
0x45: {  	_ =	shalt  }
0x46: {  	_ =	shalt  }
0x47: {  	_ =	shalt  }
0x48: {  	_ =	shalt  }
0x49: {  	_ =	shalt  }
0x4a: {  	_ =	shalt  }
0x4b: {  	_ =	shalt  }
0x4c: {  	_ =	shalt  }
0x4d: {  	_ =	shalt  }
0x4e: {  	_ =	shalt  }
0x4f: {  	_ =	shalt  }
0x50: {  	_ =	shalt  }
0x51: {  	_ =	shalt  }
0x52: {  	_ =	shalt  }
0x53: {  	_ =	shalt  }
0x54: {  	_ =	shalt  }
0x55: {  	_ =	shalt  }
0x56: {  	_ =	shalt  }
0x57: {  	_ =	shalt  }
0x58: {  	_ =	shalt  }
0x59: {  	_ =	shalt  }
0x5a: {  	_ =	shalt  }
0x5b: {  	_ =	shalt  }
0x5c: {  	_ =	shalt  }
0x5d: {  	_ =	shalt  }
0x5e: {  	_ =	shalt  }
0x5f: {  	_ =	shalt  }
0x60: {  	_ =	shalt  }
0x61: {  	_ =	shalt  }
0x62: {  	_ =	shalt  }
0x63: {  	_ =	shalt  }
0x64: {  	_ =	shalt  }
0x65: {  	_ =	shalt  }
0x66: {  	_ =	shalt  }
0x67: {  	_ =	shalt  }
0x68: {  	_ =	shalt  }
0x69: {  	_ =	shalt  }
0x6a: {  	_ =	shalt  }
0x6b: {  	_ =	shalt  }
0x6c: {  	_ =	shalt  }
0x6d: {  	_ =	shalt  }
0x6e: {  	_ =	shalt  }
0x6f: {  	_ =	shalt  }
0x70: {  	_ =	shalt  }
0x71: {  	_ =	shalt  }
0x72: {  	_ =	shalt  }
0x73: {  	_ =	shalt  }
0x74: {  	_ =	shalt  }
0x75: {  	_ =	shalt  }
0x76: {  	_ =	shalt  }
0x77: {  	_ =	shalt  }
0x78: {  	_ =	shalt  }
0x79: {  	_ =	shalt  }
0x7a: {  	_ =	shalt  }
0x7b: {  	_ =	shalt  }
0x7c: {  	_ =	shalt  }
0x7d: {  	_ =	shalt  }
0x7e: {  	_ =	shalt  }
0x7f: {  	_ =	shalt  }
0x80: {  	_ =	shalt  }
0x81: {  	_ =	shalt  }
0x82: {  	_ =	shalt  }
0x83: {  	_ =	shalt  }
0x84: {  	_ =	shalt  }
0x85: {  	_ =	shalt  }
0x86: {  	_ =	shalt  }
0x87: {  	_ =	shalt  }
.Lfunc_end0:
.L_simem_size_0:
called_computation_lowered:
.L_overlay_start_0:
0x88: {  	s2 =	sld [smem:$0x3FD9]  }
0x89: {  	s3 =	sld [smem:$0x3FFE];
	_ =	sdelay $0x1  }
0x8a: {  	s1 =	srdreg.scid  }
0x8b: {  	s0 =	sand.u32 $0x1, s1  }
0x8c: {  	s17 =	sshll.u32 s0, $0xA;
	s2 =	sadd.s32 s3, s2  }
0x8d: {  	s2 =	sadd.s32 s2, s17  }
0x8e: {  	[smem:$0x3FB9] =	sst s2  }
0x8f: {  	_ = 	snop  }
0x90: {  	s2 =	sld [smem:$0x3FC9];
	(tm) =	ssettm $0x1  }
0x91: {  	s18 =	sld [smem:$0x3FFB];
	_ =	sdelay $0x3  }
0x92: {  	_ =	strace s18  }
0x93: {  	s3 =	sld [smem:$0x3FFC];
	_ =	sdelay $0x3  }
0x94: {  	_ =	strace s3  }
0x95: {  	s3 =	sld [smem:$0x3FFD];
	_ =	sdelay $0x3  }
0x96: {  	_ =	strace s3  }
0x97: {  	_ =	strace $0x8FFFFFFF  }
0x98: {  	s19 =	sld [smem:$0x3FDB];
	_ =	sdelay $0x1  }
0x99: {  	s4 =	simm.s32 $_scs_section_size  }
0x9a: {  	s5 =	simm.s32 $_size__tile_overlayer_lowered;
	s6 =	simm.s32 $_tile_overlayer_lowered  }
0x9b: {  	s22 =	simm.s32 $0x1BFF;
	s21 =	sshll.u32 s6, $0x1;
	s3 =	sadd.s32 s4, s19  }
0x9c: {  	s7 =	simm.s32 $0x0;
	s20 =	sshll.u32 s5, $0x1;
	s5 =	sadd.s32 s21, s3  }
0x9d: {  	[timem:s7], [sflag:s22] =	dma.local [hbm:s5], s20  }
0x9e: {  	_ =	swait.ge [sflag:s22], s20  }
0x9f: {  	s4 =	ssub.s32 $0x0, s20;
	[sflag:s22] =	ssyncset.done $0x0  }
0xa0: {  	[sflag:s22] =	ssyncadd.s32 s4;
	_ =	sdelay $0x1  }
0xa1: {  	s23 =	simm.s32 $0x1B8B  }
0xa2: {  	_ =	swait.ge [sflag:s23], $0x1  }
0xa3: {  	[sflag:s23] =	ssyncset.done $0x0  }
0xa4: {  	s25 =	simm.s32 $0x1B8E;
	s24 =	sld [smem:$0x3FFE];
	[sflag:s23] =	ssyncadd.s32 $0xFFFFFFFF  }
0xa5: {  	s26 =	simm.s32 $execute0_lowered;
	[smem:$0x3FD2] =	sst s25  }
0xa6: {  	s5 =	sshll.u32 s26, $0x1;
	_ =	strace $0x80000046;
	[dreg:$0x1] =	wrdreg $0xFFFFFFFF  }
0xa7: {  	s28 =	simm.s32 $_size_execute0_lowered;
	s3 =	sadd.s32 s3, s5;
	[dreg:$0x0] =	wrdreg $0x0  }
0xa8: {  	s5 =	sshll.u32 s28, $0x1;
	[dreg:$0x2] =	wrdreg s3  }
0xa9: {  	[dreg:$0x3] =	wrdreg s5  }
0xaa: {  	[dreg:$0x4] =	wrdreg $0xC0  }
0xab: {  	_ =	task [dreg:s7], $0x5FFFF  }
0xac: {  	[dreg:$0x1] =	wrdreg $0xFFFFFFFF  }
0xad: {  	[dreg:$0x0] =	wrdreg $0x60  }
0xae: {  	[dreg:$0x2] =	wrdreg s2  }
0xaf: {  	[dreg:$0x3] =	wrdreg s24  }
0xb0: {  	[dreg:$0x4] =	wrdreg $0xBB000  }
0xb1: {  	[dreg:$0x5] =	wrdreg $0x9  }
0xb2: {  	_ =	task.clear_ibuf [dreg:s7], $0x6FFFF;
	_ =	strace $0x90000046  }
0xb3: {  	s29 =	simm.s32 $0x9;
	_ =	strace $0x80000048  }
0xb4: {  	_ =	swait.ge [sflag:s29], $0x1  }
0xb5: {  	[sflag:s29] =	ssyncadd.s32 $0xFFFFFFFF  }
0xb6: {  	_ =	strace $0x90000048  }
0xb7: {  	_ =	sfence  }
0xb8: {  	s30 =	sld [smem:$0x0];
	_ =	sdelay $0x2  }
0xb9: {  	s31 =	sshll.u32 s1, $0xD;
	s1 =	sshrl.u32 s1, $0x2  }
0xba: {  	s3 =	sand.u32 $0x4000, s31;
	s1 =	sadd.s32 s1, s30  }
0xbb: {  	s0 =	sor.u32 s3, s0;
	s1 =	sshll.u32 s1, $0x11  }
0xbc: {  	s0 =	sor.u32 s1, s0  }
0xbd: {  	s0 =	sadd.s32 $0x8F2B, s0  }
0xbe: {  	[sflag:s0] =	ssyncadd.remote.s32 $0x1  }
0xbf: {  	_ =	sfence.sel $0xFFFF  }
0xc0: {  	[dreg:$0x0] =	wrdreg $0xFFFFFFFF;
	(pc) =	sbr.abs _section_cstart, $3  }
0xc1: {  	[dreg:$0x1] =	wrdreg $0xFFFFFFFF  }
0xc2: {  	_ =	task.clear_ibuf [dreg:s7], $0x2FFFF;
	_ =	strace $0x9FFFFFFF  }
0xc3: {  	(tm) =	ssettm $0x7FFFFFFF  }
tec
execute0_lowered:
.L_overlay_start_1:
0x0: {  	(tag) =	ssettag $0x1  }
0x1: {  	s1 =	rddreg [dreg:$0x0]  }
0x2: {  	s5 =	rddreg [dreg:$0x1]  }
0x3: {  	s2 =	rddreg [dreg:$0x2];
	s3 =	srdreg.scid  }
0x4: {  	s4 =	simm.s32 $0x0;
	s13 =	simm.s32 $0x4000;
	s14 =	simm.s32 $0x4300  }
0x5: {  	s15 =	simm.s32 $0x4100;
	s16 =	simm.s32 $0x6B00;
	s17 =	simm.s32 $0x4200  }
0x6: {  	s18 =	simm.s32 $0x9300;
	s19 =	simm.s32 $0x2;
	s20 =	simm.s32 $0x4080  }
0x7: {  	s21 =	simm.s32 $0x5;
	s22 =	simm.s32 $0x3;
	s23 =	simm.s32 $0x4180  }
0x8: {  	s28 =	simm.s32 $0x7;
	s6 =	sand.u32 $0x1, s3;
	s3 =	stileid.u32  }
0x9: {  	s29 =	simm.s32 $0x0;
	[smem:$0x7FF] =	sst s4;
	s7 =	smul.u32 $0x138800, s6  }
0xa: {  	s10 =	sadd.s32 $0x12C00, s5;
	s8 =	smul.u32 $0x1F400, s3;
	_ =	strace $0x80000047  }
0xb: {  	s9 =	sshll.u32 s6, $0xB;
	s24 =	ssub.s32 $0x2, s6;
	s11 =	smul.u32 $0x7D000, s3  }
0xc: {  	s12 =	sshll.u32 s3, $0xC;
	p0 =	seq.s32 s6, $0x1;
	s31 =	smul.u32 $0x3E80, s3  }
0xd: {  	s9 =	sadd.s32 s9, s5;
	s25 =	sshrl.u32 s24, $0x1;
	s7 =	sadd.s32 s8, s7  }
0xe: {  	s8 =	ssub.s32 s24, s25;
	s26 =	sadd.s32 s12, s9;
	s30 =	sshrl.u32 s11, $0x2  }
0xf: {  	s9 =	smov.u32 s1;
	s12 =	simm.s32 $0x50;
	s24 =	simm.s32 $0x6  }
0x10: {  	s25 =	simm.s32 $0x4;
	s7 =	sshrl.u32 s7, $0x3;
	s11 =	sadd.s32 s30, s2  }
0x11: {  	s9 =	smov.u32 @p0 s10;
	p0 =	sgt.u32 s3, $0x9;
	s7 =	sadd.s32 s7, s5  }
0x12: {  	s5 =	sadd.s32 $0x2C00, s26;
	s10 =	sshll.u32 @!p0 s3, $0x6;
	s26 =	simm.s32 $0x4280  }
0x13: {  	s6 =	sadd.s32 $0x39E00, s7;
	s7 =	smax.u32 s8, $0x1;
	s8 =	sadd.s32 s9, s31  }
0x14: {  	s9 =	sor.u32 @!p0 $0x1C08, s10;
	s10 =	sshrl.u32 @!p0 s11, $0x3;
	s11 =	simm.s32 $0x1  }
.LBB2_1:
0x15: {  	[tilespmem:s4], [sflag:$0x1] =	stream.linear.gather [hbm4b:s5+s4], $0x3E80, $0x38;
	[tilespmem:$0x1F380] =	vst v63  }
0x16: {  	s30 =	simm.s32 @!p0 $0x8  }
0x17: {  	[spmem:s10], [sflag:s9] =	dma.local @!p0 [hbm:s8], $0x3E80  }
0x18: {  	_ =	swait.ge @!p0 [sflag:s30], $0x3E80  }
0x19: {  	[sflag:s30] =	ssyncset.done @!p0 $0x0  }
0x1a: {  	[sflag:s30] =	ssyncadd.s32 @!p0 $0xFFFFC180  }
0x1b: {  	_ =	swait.ge [sflag:s11], $0x3E80  }
0x1c: {  	[sflag:s11] =	ssyncset.done $0x0  }
0x1d: {  	[sflag:s11] =	ssyncadd.s32 $0xFFFFC180  }
0x1e: {  	v0 =	vld [tilespmem:$0x0];
	_ =	sdelay $0x1  }
0x1f: {  	v1 =	vld [tilespmem:$0x10];
	_ =	sdelay $0x1  }
0x20: {  	v2 =	vld [tilespmem:$0x20]  }
0x21: {  	v3 =	vshrl.u32 v0, $0x10  }
0x22: {  	v0 =	vand.u32 $0xFFFF, v0;
	[tilespmem:$0x4000] =	vst v3;
	v3 =	vld [tilespmem:$0x30]  }
0x23: {  	[tilespmem:$0x4080] =	vst v0;
	v0 =	vshrl.u32 v1, $0x10  }
0x24: {  	[tilespmem:$0x4010] =	vst v0;
	v0 =	vand.u32 $0xFFFF, v1;
	v1 =	vld [tilespmem:$0x40]  }
0x25: {  	[tilespmem:$0x4090] =	vst v0;
	v0 =	vshrl.u32 v2, $0x10  }
0x26: {  	[tilespmem:$0x4020] =	vst v0;
	v0 =	vand.u32 $0xFFFF, v2  }
0x27: {  	[tilespmem:$0x40A0] =	vst v0;
	v0 =	vshrl.u32 v3, $0x10  }
0x28: {  	[tilespmem:$0x4030] =	vst v0;
	v0 =	vand.u32 $0xFFFF, v3  }
0x29: {  	[tilespmem:$0x40B0] =	vst v0;
	v0 =	vshrl.u32 v1, $0x10  }
0x2a: {  	[tilespmem:$0x4040] =	vst v0;
	v0 =	vand.u32 $0xFFFF, v1  }
0x2b: {  	[tilespmem:$0x40C0] =	vst v0  }
0x2c: {  	[tilespmem:s14], [sflag:$0x2] =	stream.indirect.gather [hbm4b:s1+s12], $0x80, s13, s12, $0xb8;
	[tilespmem:$0x1F380] =	vst v63  }
0x2d: {  	v0 =	vld [tilespmem:$0x80];
	_ =	sdelay $0x1  }
0x2e: {  	v1 =	vld [tilespmem:$0x90];
	_ =	sdelay $0x1  }
0x2f: {  	v2 =	vld [tilespmem:$0xA0]  }
0x30: {  	v3 =	vshrl.u32 v0, $0x10  }
0x31: {  	v0 =	vand.u32 $0xFFFF, v0;
	[tilespmem:$0x4100] =	vst v3;
	v3 =	vld [tilespmem:$0xB0]  }
0x32: {  	[tilespmem:$0x4180] =	vst v0;
	v0 =	vshrl.u32 v1, $0x10  }
0x33: {  	[tilespmem:$0x4110] =	vst v0;
	v0 =	vand.u32 $0xFFFF, v1;
	v1 =	vld [tilespmem:$0xC0]  }
0x34: {  	[tilespmem:$0x4190] =	vst v0;
	v0 =	vshrl.u32 v2, $0x10  }
0x35: {  	[tilespmem:$0x4120] =	vst v0;
	v0 =	vand.u32 $0xFFFF, v2  }
0x36: {  	[tilespmem:$0x41A0] =	vst v0;
	v0 =	vshrl.u32 v3, $0x10  }
0x37: {  	[tilespmem:$0x4130] =	vst v0;
	v0 =	vand.u32 $0xFFFF, v3  }
0x38: {  	[tilespmem:$0x41B0] =	vst v0;
	v0 =	vshrl.u32 v1, $0x10  }
0x39: {  	[tilespmem:$0x4140] =	vst v0;
	v0 =	vand.u32 $0xFFFF, v1  }
0x3a: {  	p1 =	por $0x1, $0x1;
	[tilespmem:$0x41C0] =	vst v0  }
0x3b: {  	[tilespmem:s16], [sflag:$0x3] =	stream.indirect.gather [hbm4b:s1+s12], $0x80, s15, s12, $0xb8;
	[tilespmem:$0x1F380] =	vst v63  }
0x3c: {  	s30 =	simm.s32 @!p1 $0x7;
	[bflag:$0x0] =	sbarrier.arrive $0xFFFF  }
0x3d: {  	_ =	swait.ge @!p1 [sflag:s30], $0x2800  }
0x3e: {  	[sflag:s30] =	ssyncset.done @!p1 $0x0  }
0x3f: {  	[sflag:s30] =	ssyncadd.s32 @!p1 $0xFFFFD800;
	s30 =	simm.s32 $0x0  }
0x40: {  	v0 =	vld [tilespmem:s30+$0x100];
	_ =	sdelay $0x4  }
0x41: {  	v1 =	vshrl.u32 v0, $0x10  }
0x42: {  	v0 =	vand.u32 $0xFFFF, v0;
	[tilespmem:$0x4200] =	vst v1  }
0x43: {  	[tilespmem:$0x4280] =	vst v0  }
0x44: {  	v0 =	vld [tilespmem:s30+$0x110];
	_ =	sdelay $0x4  }
0x45: {  	v1 =	vshrl.u32 v0, $0x10  }
0x46: {  	v0 =	vand.u32 $0xFFFF, v0;
	[tilespmem:$0x4210] =	vst v1  }
0x47: {  	[tilespmem:$0x4290] =	vst v0  }
0x48: {  	v0 =	vld [tilespmem:s30+$0x120];
	_ =	sdelay $0x4  }
0x49: {  	v1 =	vshrl.u32 v0, $0x10  }
0x4a: {  	v0 =	vand.u32 $0xFFFF, v0;
	[tilespmem:$0x4220] =	vst v1  }
0x4b: {  	[tilespmem:$0x42A0] =	vst v0  }
0x4c: {  	v0 =	vld [tilespmem:s30+$0x130];
	_ =	sdelay $0x4  }
0x4d: {  	v1 =	vshrl.u32 v0, $0x10  }
0x4e: {  	v0 =	vand.u32 $0xFFFF, v0;
	[tilespmem:$0x4230] =	vst v1  }
0x4f: {  	[tilespmem:$0x42B0] =	vst v0  }
0x50: {  	v0 =	vld [tilespmem:s30+$0x140];
	_ =	sdelay $0x4  }
0x51: {  	v1 =	vshrl.u32 v0, $0x10  }
0x52: {  	v0 =	vand.u32 $0xFFFF, v0;
	[tilespmem:$0x4240] =	vst v1  }
0x53: {  	[tilespmem:$0x42C0] =	vst v0  }
0x54: {  	[tilespmem:s18], [sflag:$0x4] =	stream.indirect.gather [hbm4b:s1+s12], $0x80, s17, s12, $0xb8;
	[tilespmem:$0x1F380] =	vst v63  }
0x55: {  	_ =	swait.ge [sflag:s19], $0x2800  }
0x56: {  	[sflag:s19] =	ssyncset.done $0x0  }
0x57: {  	[sflag:s19] =	ssyncadd.s32 $0xFFFFD800  }
0x58: {  	[spmem:s2] =	stream.indirect.scatter.add.f32 [tilespmem:s14], [sflag:$0x5], $0x80, s20, s12, $0xb8;
	[tilespmem:$0x1F380] =	vst v63  }
0x59: {  	_ =	swait.ge [sflag:s21], $0x2800  }
0x5a: {  	[sflag:s21] =	ssyncset.done $0x0  }
0x5b: {  	[sflag:s21] =	ssyncadd.s32 $0xFFFFD800  }
0x5c: {  	v0 =	vld [tilespmem:s30+$0x180];
	_ =	sdelay $0x4  }
0x5d: {  	v1 =	vshrl.u32 v0, $0x10  }
0x5e: {  	v0 =	vand.u32 $0xFFFF, v0;
	[tilespmem:$0x4000] =	vst v1  }
0x5f: {  	[tilespmem:$0x4080] =	vst v0  }
0x60: {  	v0 =	vld [tilespmem:s30+$0x190];
	_ =	sdelay $0x4  }
0x61: {  	v1 =	vshrl.u32 v0, $0x10  }
0x62: {  	v0 =	vand.u32 $0xFFFF, v0;
	[tilespmem:$0x4010] =	vst v1  }
0x63: {  	[tilespmem:$0x4090] =	vst v0  }
0x64: {  	v0 =	vld [tilespmem:s30+$0x1A0];
	_ =	sdelay $0x4  }
0x65: {  	v1 =	vshrl.u32 v0, $0x10  }
0x66: {  	v0 =	vand.u32 $0xFFFF, v0;
	[tilespmem:$0x4020] =	vst v1  }
0x67: {  	[tilespmem:$0x40A0] =	vst v0  }
0x68: {  	v0 =	vld [tilespmem:s30+$0x1B0];
	_ =	sdelay $0x4  }
0x69: {  	v1 =	vshrl.u32 v0, $0x10  }
0x6a: {  	v0 =	vand.u32 $0xFFFF, v0;
	[tilespmem:$0x4030] =	vst v1  }
0x6b: {  	[tilespmem:$0x40B0] =	vst v0  }
0x6c: {  	v0 =	vld [tilespmem:s30+$0x1C0];
	_ =	sdelay $0x4  }
0x6d: {  	v1 =	vshrl.u32 v0, $0x10  }
0x6e: {  	v0 =	vand.u32 $0xFFFF, v0;
	[tilespmem:$0x4040] =	vst v1  }
0x6f: {  	[tilespmem:$0x40C0] =	vst v0  }
0x70: {  	[tilespmem:s14], [sflag:$0x2] =	stream.indirect.gather [hbm4b:s1+s12], $0x80, s13, s12, $0xb8;
	[tilespmem:$0x1F380] =	vst v63  }
0x71: {  	_ =	swait.ge [sflag:s22], $0x2800  }
0x72: {  	[sflag:s22] =	ssyncset.done $0x0  }
0x73: {  	[sflag:s22] =	ssyncadd.s32 $0xFFFFD800  }
0x74: {  	[spmem:s2] =	stream.indirect.scatter.add.f32 [tilespmem:s16], [sflag:$0x6], $0x80, s23, s12, $0xb8;
	[tilespmem:$0x1F380] =	vst v63  }
0x75: {  	_ =	swait.ge [sflag:s24], $0x2800  }
0x76: {  	[sflag:s24] =	ssyncset.done $0x0  }
0x77: {  	[sflag:s24] =	ssyncadd.s32 $0xFFFFD800  }
0x78: {  	v0 =	vld [tilespmem:s30+$0x200];
	_ =	sdelay $0x4  }
0x79: {  	v1 =	vshrl.u32 v0, $0x10  }
0x7a: {  	v0 =	vand.u32 $0xFFFF, v0;
	[tilespmem:$0x4100] =	vst v1  }
0x7b: {  	[tilespmem:$0x4180] =	vst v0  }
0x7c: {  	v0 =	vld [tilespmem:s30+$0x210];
	_ =	sdelay $0x4  }
0x7d: {  	v1 =	vshrl.u32 v0, $0x10  }
0x7e: {  	v0 =	vand.u32 $0xFFFF, v0;
	[tilespmem:$0x4110] =	vst v1  }
0x7f: {  	[tilespmem:$0x4190] =	vst v0  }
0x80: {  	v0 =	vld [tilespmem:s30+$0x220];
	_ =	sdelay $0x4  }
0x81: {  	v1 =	vshrl.u32 v0, $0x10  }
0x82: {  	v0 =	vand.u32 $0xFFFF, v0;
	[tilespmem:$0x4120] =	vst v1  }
0x83: {  	[tilespmem:$0x41A0] =	vst v0  }
0x84: {  	s31 =	simm.s32 $0x600;
	v0 =	vld [tilespmem:s30+$0x230]  }
.LBB2_2:
0x85: {  	_ =	sdelay $0x2  }
0x86: {  	s0 =	smov.u32 s31;
	s31 =	sadd.s32 $0x600, s31  }
0x87: {  	p1 =	sne.s32 s31, $0xF600;
	v1 =	vshrl.u32 v0, $0x10;
	v0 =	vand.u32 $0xFFFF, v0  }
0x88: {  	[tilespmem:$0x4130] =	vst v1  }
0x89: {  	[tilespmem:$0x41B0] =	vst v0  }
0x8a: {  	v0 =	vld [tilespmem:s30+$0x240];
	_ =	sdelay $0x4  }
0x8b: {  	v1 =	vshrl.u32 v0, $0x10;
	v0 =	vand.u32 $0xFFFF, v0  }
0x8c: {  	[tilespmem:$0x4140] =	vst v1  }
0x8d: {  	[tilespmem:$0x41C0] =	vst v0  }
0x8e: {  	[tilespmem:s16], [sflag:$0x3] =	stream.indirect.gather [hbm4b:s1+s12], $0x80, s15, s12, $0xb8;
	[tilespmem:$0x1F380] =	vst v63  }
0x8f: {  	_ =	swait.ge [sflag:s25], $0x2800  }
0x90: {  	p2 =	seq.s32 s0, $0x0;
	[sflag:s25] =	ssyncset.done $0x0  }
0x91: {  	s30 =	simm.s32 @!p2 $0x7;
	[sflag:s25] =	ssyncadd.s32 $0xFFFFD800  }
0x92: {  	[spmem:s2] =	stream.indirect.scatter.add.f32 [tilespmem:s18], [sflag:$0x7], $0x80, s26, s12, $0xb8;
	[tilespmem:$0x1F380] =	vst v63  }
0x93: {  	_ =	swait.ge @!p2 [sflag:s30], $0x2800  }
0x94: {  	[sflag:s30] =	ssyncset.done @!p2 $0x0  }
0x95: {  	[sflag:s30] =	ssyncadd.s32 @!p2 $0xFFFFD800;
	s30 =	sshra.s32 s0, $0x2  }
0x96: {  	v0 =	vld [tilespmem:s30+$0x100];
	_ =	sdelay $0x4  }
0x97: {  	v1 =	vshrl.u32 v0, $0x10;
	v0 =	vand.u32 $0xFFFF, v0  }
0x98: {  	[tilespmem:$0x4200] =	vst v1  }
0x99: {  	[tilespmem:$0x4280] =	vst v0  }
0x9a: {  	v0 =	vld [tilespmem:s30+$0x110];
	_ =	sdelay $0x4  }
0x9b: {  	v1 =	vshrl.u32 v0, $0x10;
	v0 =	vand.u32 $0xFFFF, v0  }
0x9c: {  	[tilespmem:$0x4210] =	vst v1  }
0x9d: {  	[tilespmem:$0x4290] =	vst v0  }
0x9e: {  	v0 =	vld [tilespmem:s30+$0x120];
	_ =	sdelay $0x4  }
0x9f: {  	v1 =	vshrl.u32 v0, $0x10;
	v0 =	vand.u32 $0xFFFF, v0  }
0xa0: {  	[tilespmem:$0x4220] =	vst v1  }
0xa1: {  	[tilespmem:$0x42A0] =	vst v0  }
0xa2: {  	v0 =	vld [tilespmem:s30+$0x130];
	_ =	sdelay $0x4  }
0xa3: {  	v1 =	vshrl.u32 v0, $0x10;
	v0 =	vand.u32 $0xFFFF, v0  }
0xa4: {  	[tilespmem:$0x4230] =	vst v1  }
0xa5: {  	[tilespmem:$0x42B0] =	vst v0  }
0xa6: {  	v0 =	vld [tilespmem:s30+$0x140];
	_ =	sdelay $0x4  }
0xa7: {  	v1 =	vshrl.u32 v0, $0x10;
	v0 =	vand.u32 $0xFFFF, v0  }
0xa8: {  	[tilespmem:$0x4240] =	vst v1  }
0xa9: {  	[tilespmem:$0x42C0] =	vst v0  }
0xaa: {  	[tilespmem:s18], [sflag:$0x4] =	stream.indirect.gather [hbm4b:s1+s12], $0x80, s17, s12, $0xb8;
	[tilespmem:$0x1F380] =	vst v63  }
0xab: {  	_ =	swait.ge [sflag:s19], $0x2800  }
0xac: {  	[sflag:s19] =	ssyncset.done $0x0  }
0xad: {  	[sflag:s19] =	ssyncadd.s32 $0xFFFFD800  }
0xae: {  	[spmem:s2] =	stream.indirect.scatter.add.f32 [tilespmem:s14], [sflag:$0x5], $0x80, s20, s12, $0xb8;
	[tilespmem:$0x1F380] =	vst v63  }
0xaf: {  	_ =	swait.ge [sflag:s21], $0x2800  }
0xb0: {  	[sflag:s21] =	ssyncset.done $0x0  }
0xb1: {  	[sflag:s21] =	ssyncadd.s32 $0xFFFFD800  }
0xb2: {  	v0 =	vld [tilespmem:s30+$0x180];
	_ =	sdelay $0x4  }
0xb3: {  	v1 =	vshrl.u32 v0, $0x10;
	v0 =	vand.u32 $0xFFFF, v0  }
0xb4: {  	[tilespmem:$0x4000] =	vst v1  }
0xb5: {  	[tilespmem:$0x4080] =	vst v0  }
0xb6: {  	v0 =	vld [tilespmem:s30+$0x190];
	_ =	sdelay $0x4  }
0xb7: {  	v1 =	vshrl.u32 v0, $0x10;
	v0 =	vand.u32 $0xFFFF, v0  }
0xb8: {  	[tilespmem:$0x4010] =	vst v1  }
0xb9: {  	[tilespmem:$0x4090] =	vst v0  }
0xba: {  	v0 =	vld [tilespmem:s30+$0x1A0];
	_ =	sdelay $0x4  }
0xbb: {  	v1 =	vshrl.u32 v0, $0x10;
	v0 =	vand.u32 $0xFFFF, v0  }
0xbc: {  	[tilespmem:$0x4020] =	vst v1  }
0xbd: {  	[tilespmem:$0x40A0] =	vst v0  }
0xbe: {  	v0 =	vld [tilespmem:s30+$0x1B0];
	_ =	sdelay $0x4  }
0xbf: {  	v1 =	vshrl.u32 v0, $0x10;
	v0 =	vand.u32 $0xFFFF, v0  }
0xc0: {  	[tilespmem:$0x4030] =	vst v1  }
0xc1: {  	[tilespmem:$0x40B0] =	vst v0  }
0xc2: {  	v0 =	vld [tilespmem:s30+$0x1C0];
	_ =	sdelay $0x4  }
0xc3: {  	v1 =	vshrl.u32 v0, $0x10;
	v0 =	vand.u32 $0xFFFF, v0  }
0xc4: {  	[tilespmem:$0x4040] =	vst v1  }
0xc5: {  	[tilespmem:$0x40C0] =	vst v0  }
0xc6: {  	[tilespmem:s14], [sflag:$0x2] =	stream.indirect.gather [hbm4b:s1+s12], $0x80, s13, s12, $0xb8;
	[tilespmem:$0x1F380] =	vst v63  }
0xc7: {  	_ =	swait.ge [sflag:s22], $0x2800  }
0xc8: {  	[sflag:s22] =	ssyncset.done $0x0  }
0xc9: {  	[sflag:s22] =	ssyncadd.s32 $0xFFFFD800  }
0xca: {  	[spmem:s2] =	stream.indirect.scatter.add.f32 [tilespmem:s16], [sflag:$0x6], $0x80, s23, s12, $0xb8;
	[tilespmem:$0x1F380] =	vst v63  }
0xcb: {  	_ =	swait.ge [sflag:s24], $0x2800  }
0xcc: {  	[sflag:s24] =	ssyncset.done $0x0  }
0xcd: {  	[sflag:s24] =	ssyncadd.s32 $0xFFFFD800  }
0xce: {  	v0 =	vld [tilespmem:s30+$0x200];
	_ =	sdelay $0x4  }
0xcf: {  	v1 =	vshrl.u32 v0, $0x10;
	v0 =	vand.u32 $0xFFFF, v0  }
0xd0: {  	[tilespmem:$0x4100] =	vst v1  }
0xd1: {  	[tilespmem:$0x4180] =	vst v0  }
0xd2: {  	v0 =	vld [tilespmem:s30+$0x210];
	_ =	sdelay $0x4  }
0xd3: {  	v1 =	vshrl.u32 v0, $0x10;
	v0 =	vand.u32 $0xFFFF, v0  }
0xd4: {  	[tilespmem:$0x4110] =	vst v1  }
0xd5: {  	[tilespmem:$0x4190] =	vst v0  }
0xd6: {  	v0 =	vld [tilespmem:s30+$0x220];
	_ =	sdelay $0x3  }
.Ltmp0:
0xd7: {  	(pc) =	sbr.rel @p1 .LBB2_2-.Ltmp0, $4  }
0xd8: {  	v1 =	vshrl.u32 v0, $0x10;
	v0 =	vand.u32 $0xFFFF, v0  }
0xd9: {  	[tilespmem:$0x4120] =	vst v1  }
0xda: {  	[tilespmem:$0x41A0] =	vst v0  }
0xdb: {  	v0 =	vld [tilespmem:s30+$0x230]  }
0xdc: {  	_ =	sdelay $0x3  }
0xdd: {  	v1 =	vshrl.u32 v0, $0x10  }
0xde: {  	v62 =	vand.u32 $0xFFFF, v0;
	[tilespmem:$0x4130] =	vst v1  }
0xdf: {  	[tilespmem:$0x41B0] =	vst v62  }
0xe0: {  	v0 =	vld [tilespmem:s30+$0x240];
	_ =	sdelay $0x4  }
0xe1: {  	v63 =	vshrl.u32 v0, $0x10  }
0xe2: {  	v0 =	vand.u32 $0xFFFF, v0;
	[tilespmem:$0x4140] =	vst v63  }
0xe3: {  	[tilespmem:$0x41C0] =	vst v0  }
0xe4: {  	[tilespmem:s16], [sflag:$0x3] =	stream.indirect.gather [hbm4b:s1+s12], $0x80, s15, s12, $0xb8;
	[tilespmem:$0x1F380] =	vst v63  }
0xe5: {  	_ =	swait.ge [sflag:s25], $0x2800  }
0xe6: {  	[sflag:s25] =	ssyncset.done $0x0  }
0xe7: {  	[sflag:s25] =	ssyncadd.s32 $0xFFFFD800  }
0xe8: {  	[spmem:s2] =	stream.indirect.scatter.add.f32 [tilespmem:s18], [sflag:$0x7], $0x80, s26, s12, $0xb8;
	[tilespmem:$0x1F380] =	vst v63  }
0xe9: {  	_ =	swait.ge [sflag:s19], $0x2800  }
0xea: {  	[sflag:s19] =	ssyncset.done $0x0  }
0xeb: {  	[sflag:s19] =	ssyncadd.s32 $0xFFFFD800  }
0xec: {  	[spmem:s2] =	stream.indirect.scatter.add.f32 [tilespmem:s14], [sflag:$0x5], $0x80, s20, s12, $0xb8;
	[tilespmem:$0x1F380] =	vst v63  }
0xed: {  	_ =	swait.ge [sflag:s22], $0x2800  }
0xee: {  	[sflag:s22] =	ssyncset.done $0x0  }
0xef: {  	[sflag:s22] =	ssyncadd.s32 $0xFFFFD800  }
0xf0: {  	[spmem:s2] =	stream.indirect.scatter.add.f32 [tilespmem:s16], [sflag:$0x6], $0x80, s23, s12, $0xb8;
	[tilespmem:$0x1F380] =	vst v63  }
0xf1: {  	_ =	swait.ge [sflag:s28], $0x2800  }
0xf2: {  	[sflag:s28] =	ssyncset.done $0x0  }
0xf3: {  	[sflag:s28] =	ssyncadd.s32 $0xFFFFD800  }
0xf4: {  	_ =	swait.ge [sflag:s21], $0x2800  }
0xf5: {  	[sflag:s21] =	ssyncset.done $0x0  }
0xf6: {  	[sflag:s21] =	ssyncadd.s32 $0xFFFFD800  }
0xf7: {  	_ =	swait.ge [sflag:s24], $0x2800  }
0xf8: {  	s29 =	sadd.s32 $0x1, s29;
	[sflag:s24] =	ssyncset.done $0x0  }
0xf9: {  	p1 =	sne.s32 s29, s7;
	[sflag:s24] =	ssyncadd.s32 $0xFFFFD800  }
.Ltmp1:
0xfa: {  	s0 =	simm.s32 @!p0 $0x8;
	[bflag:$0x0] =	sbarrier.arrive $0xFFFF;
	(pc) =	sbr.rel @p1 .LBB2_1-.Ltmp1, $4  }
0xfb: {  	[hbm:s6], [sflag:s9] =	dma.local @!p0 [spmem:s10], $0x3E80  }
0xfc: {  	_ =	swait.ge @!p0 [sflag:s0], $0x3E80  }
0xfd: {  	[sflag:s0] =	ssyncset.done @!p0 $0x0  }
0xfe: {  	[sflag:s0] =	ssyncadd.s32 @!p0 $0xFFFFC180  }
0xff: {  	_ =	sfence.sel $0x180000  }
0x100: {  	[bflag:$0x0] =	sbarrier.arrive $0xFFFF  }
0x101: {  	_ =	strace $0x90000047  }
0x102: {  	[bflag:$0x2] =	sbarrier.arrive $0xFFFF  }
0x103: {  	p0 =	sne.s32 s3, $0x0;
	s0 =	rddreg [dreg:$0x3]  }
0x104: {  	s0 =	sadd.s32 @!p0 $0x100000, s0  }
0x105: {  	[sflag:s0] =	ssyncadd.tile.s32 @!p0 $0x1;
	_ =	shalt  }
.Lfunc_end2:
_tile_overlayer_lowered:
.L_overlay_start_2:
0x106: {  	(tag) =	ssettag $0x2  }
0x107: {  	s0 =	rddreg [dreg:$0x0];
	s2 =	stileid.u32  }
0x108: {  	s1 =	rddreg [dreg:$0x1];
	p0 =	sne.s32 s2, $0x0  }
0x109: {  	s3 =	rddreg [dreg:$0x2];
	[bflag:$0x3] =	sbarrier.arrive $0xFFFF;
	s2 =	simm.s32 @!p0 $0x1C08  }
0x10a: {  	[timem:s3], [sflag:s2] =	dma.local @!p0 [hbm:s0], s1  }
0x10b: {  	s0 =	simm.s32 @!p0 $0x8  }
0x10c: {  	_ =	swait.ge @!p0 [sflag:s0], s1  }
0x10d: {  	s1 =	ssub.s32 @!p0 $0x0, s1;
	[sflag:s0] =	ssyncset.done @!p0 $0x0  }
0x10e: {  	[sflag:s0] =	ssyncadd.s32 @!p0 s1  }
0x10f: {  	[bflag:$0x3] =	sbarrier.arrive $0xFFFF  }
0x110: {  	_ =	shalt  }

</sc_bundles>
